<compile_context>
chip_gen: v7x
topology: tpu7x:2x2x1
jax: 0.10.2.dev20260603
libtpu: 0.0.44.dev20260713+nightly
codegen_flags: <defaults>
</compile_context>

<pallas_src>
import functools

import jax
import jax.numpy as jnp
from jax import lax
from jax.experimental import pallas as pl
from jax.experimental.pallas import tpu as pltpu
from jax.experimental.pallas import tpu_sc as plsc

N = 10000
E = 160000
D_IN = 128
D_H = 256
NUM_MASK = 3000
NUM_NOISE = 300
NUM_TOKEN = 2700

NC = 2
NS = 16
L = 16

_F32 = jnp.float32

_RT = 624


def _tile_rows(s, fn):
    @pl.when(s < NS - 1)
    def _():
        fn(s * _RT, _RT)
    @pl.when(s == NS - 1)
    def _():
        fn((NS - 1) * _RT, N - (NS - 1) * _RT)



def _sc_degrees(ei_flat, zeros):
    B = 80
    EPT = E // NS
    NCH = EPT // B
    mesh = plsc.VectorSubcoreMesh(core_axis_name="c", subcore_axis_name="s")

    @functools.partial(
        pl.kernel, mesh=mesh,
        out_type=jax.ShapeDtypeStruct((2 * N, D_IN), _F32),
        scratch_types=[
            pltpu.VMEM((EPT,), jnp.int32),
            pltpu.VMEM((B,), jnp.int32),
            pltpu.VMEM((B, D_IN), _F32),
            pltpu.VMEM_SHARED((N, D_IN), _F32),
        ],
    )
    def k(ei_h, z_h, out, eibuf, idxv, onesv, acc):
        c = lax.axis_index("c")
        s = lax.axis_index("s")
        pltpu.sync_copy(ei_h.at[pl.ds(c * E + s * EPT, EPT)], eibuf)
        def fill_ones(r, _):
            for j in range(D_IN // L):
                onesv[r, pl.ds(j * L, L)] = jnp.ones((L,), _F32)
            return ()
        lax.fori_loop(0, B, fill_ones, ())
        _tile_rows(s, lambda rb, nr: pltpu.sync_copy(
            z_h.at[pl.ds(rb, nr)], acc.at[pl.ds(rb, nr)]))
        plsc.subcore_barrier()

        def body(i, _):
            for j in range(B // L):
                idxv[pl.ds(j * L, L)] = eibuf[pl.ds(i * B + j * L, L)]
            pltpu.sync_copy(onesv, acc.at[idxv], add=True)
            return ()
        lax.fori_loop(0, NCH, body, ())
        plsc.subcore_barrier()

        _tile_rows(s, lambda rb, nr: pltpu.sync_copy(
            acc.at[pl.ds(rb, nr)], out.at[pl.ds(c * N + rb, nr)]))

    return k(ei_flat, zeros)


def _sc_mp2(t2n, src, dst, zeros):
    B = 80
    EPT = E // NS
    NCH = EPT // B
    mesh = plsc.VectorSubcoreMesh(core_axis_name="c", subcore_axis_name="s")

    @functools.partial(
        pl.kernel, mesh=mesh,
        out_type=jax.ShapeDtypeStruct((2 * N, D_IN), _F32),
        scratch_types=[
            pltpu.VMEM((EPT,), jnp.int32),
            pltpu.VMEM((EPT,), jnp.int32),
            pltpu.VMEM((B,), jnp.int32),
            pltpu.VMEM((B, D_IN), _F32),
            pltpu.VMEM((B, D_IN), _F32),
            pltpu.VMEM_SHARED((N, D_IN), _F32),
            pltpu.SemaphoreType.DMA,
        ],
    )
    def k(t_h, src_h, dst_h, z_h, out, srcbuf, dstbuf, didx, rows0, rows1,
          acc, sem):
        c = lax.axis_index("c")
        s = lax.axis_index("s")
        base = s * EPT
        pltpu.sync_copy(src_h.at[pl.ds(base, EPT)], srcbuf)
        pltpu.sync_copy(dst_h.at[pl.ds(base, EPT)], dstbuf)
        rowoff = c * N

        def addoff(kk, _):
            sl = pl.ds(kk * L, L)
            srcbuf[sl] = srcbuf[sl] + rowoff
            return ()
        lax.fori_loop(0, EPT // L, addoff, ())
        _tile_rows(s, lambda rb, nr: pltpu.sync_copy(
            z_h.at[pl.ds(rb, nr)], acc.at[pl.ds(rb, nr)]))
        plsc.subcore_barrier()

        def start_gather(i, rbuf):
            pltpu.async_copy(t_h.at[srcbuf.at[pl.ds(i * B, B)]], rbuf, sem)

        def wait_gather(rbuf):
            pltpu.make_async_copy(t_h.at[pl.ds(0, B)], rbuf, sem).wait()

        def scatter(i, rbuf):
            for j in range(B // L):
                didx[pl.ds(j * L, L)] = dstbuf[pl.ds(i * B + j * L, L)]
            pltpu.sync_copy(rbuf, acc.at[didx], add=True)

        start_gather(0, rows0)

        def pair(j, _):
            i = 2 * j
            wait_gather(rows0)
            start_gather(i + 1, rows1)
            scatter(i, rows0)
            wait_gather(rows1)
            start_gather(i + 2, rows0)
            scatter(i + 1, rows1)
            return ()
        lax.fori_loop(0, (NCH - 1) // 2, pair, ())
        wait_gather(rows0)
        scatter(NCH - 1, rows0)
        plsc.subcore_barrier()

        _tile_rows(s, lambda rb, nr: pltpu.sync_copy(
            acc.at[pl.ds(rb, nr)], out.at[pl.ds(c * N + rb, nr)]))

    return k(t2n, src, dst, zeros)


def _sc_mp1(t, src, dst, zeros):
    B = 40
    EPC = E // NC
    EPT = EPC // NS
    NCH = EPT // B
    mesh = plsc.VectorSubcoreMesh(core_axis_name="c", subcore_axis_name="s")

    @functools.partial(
        pl.kernel, mesh=mesh,
        out_type=jax.ShapeDtypeStruct((2 * N, D_IN), _F32),
        scratch_types=[
            pltpu.VMEM((EPT,), jnp.int32),
            pltpu.VMEM((B,), jnp.int32),
            pltpu.VMEM((B, D_IN), _F32),
            pltpu.VMEM((B, D_IN), _F32),
            pltpu.VMEM_SHARED((N, D_IN), _F32),
            pltpu.SemaphoreType.DMA,
        ],
    )
    def k(t_h, src_h, dst_h, z_h, out, srcbuf, didx, rows0, rows1, acc, sem):
        c = lax.axis_index("c")
        s = lax.axis_index("s")
        base = c * EPC + s * EPT
        pltpu.sync_copy(src_h.at[pl.ds(base, EPT)], srcbuf)
        _tile_rows(s, lambda rb, nr: pltpu.sync_copy(
            z_h.at[pl.ds(rb, nr)], acc.at[pl.ds(rb, nr)]))
        plsc.subcore_barrier()

        def start_gather(i, rbuf):
            pltpu.async_copy(t_h.at[srcbuf.at[pl.ds(i * B, B)]], rbuf, sem)

        def wait_gather(rbuf):
            pltpu.make_async_copy(t_h.at[pl.ds(0, B)], rbuf, sem).wait()

        def scatter(i, rbuf):
            pltpu.sync_copy(dst_h.at[pl.ds(base + i * B, B)], didx)
            pltpu.sync_copy(rbuf, acc.at[didx], add=True)

        start_gather(0, rows0)

        def pair(j, _):
            i = 2 * j
            wait_gather(rows0)
            start_gather(i + 1, rows1)
            scatter(i, rows0)
            wait_gather(rows1)
            start_gather(i + 2, rows0)
            scatter(i + 1, rows1)
            return ()
        lax.fori_loop(0, (NCH - 1) // 2, pair, ())
        wait_gather(rows0)
        scatter(NCH - 1, rows0)
        plsc.subcore_barrier()

        _tile_rows(s, lambda rb, nr: pltpu.sync_copy(
            acc.at[pl.ds(rb, nr)], out.at[pl.ds(c * N + rb, nr)]))

    return k(t, src, dst, zeros)


def _sc_edge_half(tab, src, dst):
    B = 40
    EPC = E // NC
    EPT = EPC // NS
    NCH = EPT // B
    mesh = plsc.VectorSubcoreMesh(core_axis_name="c", subcore_axis_name="s")

    @functools.partial(
        pl.kernel, mesh=mesh,
        out_type=jax.ShapeDtypeStruct((E, D_IN), _F32),
        scratch_types=[
            pltpu.VMEM((EPT,), jnp.int32),
            pltpu.VMEM((EPT,), jnp.int32),
            pltpu.VMEM((B, D_IN), _F32),
            pltpu.VMEM((B, D_IN), _F32),
            pltpu.VMEM((B, D_IN), _F32),
            pltpu.VMEM((B, D_IN), _F32),
            pltpu.SemaphoreType.DMA,
            pltpu.SemaphoreType.DMA,
        ],
    )
    def k(t_h, src_h, dst_h, out, srcbuf, dstbuf, a0, b0, a1, b1,
          sem0, sem1):
        c = lax.axis_index("c")
        s = lax.axis_index("s")
        base = c * EPC + s * EPT
        pltpu.sync_copy(src_h.at[pl.ds(base, EPT)], srcbuf)
        pltpu.sync_copy(dst_h.at[pl.ds(base, EPT)], dstbuf)

        bufs = ((a0, b0, sem0), (a1, b1, sem1))

        def start(i, ph):
            pa, pb, sem = bufs[ph]
            pltpu.async_copy(t_h.at[srcbuf.at[pl.ds(i * B, B)]], pa, sem)
            pltpu.async_copy(t_h.at[dstbuf.at[pl.ds(i * B, B)]], pb, sem)

        def wait(ph):
            pa, pb, sem = bufs[ph]
            pltpu.make_async_copy(t_h.at[pl.ds(0, B)], pa, sem).wait()
            pltpu.make_async_copy(t_h.at[pl.ds(0, B)], pb, sem).wait()

        def compute(i, ph):
            pa, pb, _ = bufs[ph]

            def rowbody(r, _):
                for j in range(D_IN // L):
                    sl = pl.ds(j * L, L)
                    pa[r, sl] = jnp.abs(pa[r, sl] - pb[r, sl])
                return ()
            lax.fori_loop(0, B, rowbody, ())
            pltpu.sync_copy(pa, out.at[pl.ds(base + i * B, B)])

        start(0, 0)

        def pair(jj, _):
            i = 2 * jj
            wait(0)
            start(i + 1, 1)
            compute(i, 0)
            wait(1)
            start(i + 2, 0)
            compute(i + 1, 1)
            return ()
        lax.fori_loop(0, (NCH - 1) // 2, pair, ())
        wait(0)
        compute(NCH - 1, 0)

    return k(tab, src, dst)



_BN = 1000
_BE = 1000


def _rsqrt_deg(d):
    return lax.rsqrt(jnp.maximum(d, 1.0))


def _tc1_body(x_ref, w_ref, dout_ref, kt_ref, o_ref):
    cs = _rsqrt_deg(dout_ref[...])
    t = jnp.dot(x_ref[...], w_ref[...], preferred_element_type=_F32)
    t = t * (kt_ref[...] * cs)
    o_ref[0] = t[:, :D_IN]
    o_ref[1] = t[:, D_IN:]


def _tc1(x_used, w1, deg_out, kt):
    return pl.pallas_call(
        _tc1_body,
        grid=(N // _BN,),
        in_specs=[
            pl.BlockSpec((_BN, D_IN), lambda i: (i, 0)),
            pl.BlockSpec((D_IN, D_H), lambda i: (0, 0)),
            pl.BlockSpec((_BN, 1), lambda i: (i, 0)),
            pl.BlockSpec((_BN, 1), lambda i: (i, 0)),
        ],
        out_specs=pl.BlockSpec((2, _BN, D_IN), lambda i: (0, i, 0)),
        out_shape=jax.ShapeDtypeStruct((2, N, D_IN), _F32),
    )(x_used, w1, deg_out, kt)


def _tc2_body(a0_ref, a1_ref, din_ref, dout_ref, b_ref, al_ref, w_ref,
              o_ref):
    cd = _rsqrt_deg(din_ref[...])
    cs = _rsqrt_deg(dout_ref[...])
    h = jnp.concatenate([a0_ref[...], a1_ref[...]], axis=1) * cd + b_ref[...]
    a = al_ref[0, 0]
    h = jnp.where(h > 0, h, a * h)
    t = jnp.dot(h, w_ref[...], preferred_element_type=_F32) * cs
    o_ref[0] = t[:, :D_IN]
    o_ref[1] = t[:, D_IN:]


def _tc2(a2n, deg_in, deg_out, b, alpha, w):
    nb = N // _BN
    return pl.pallas_call(
        _tc2_body,
        grid=(nb,),
        in_specs=[
            pl.BlockSpec((_BN, D_IN), lambda i: (i, 0)),
            pl.BlockSpec((_BN, D_IN), lambda i: (i + N // _BN, 0)),
            pl.BlockSpec((_BN, 1), lambda i: (i, 0)),
            pl.BlockSpec((_BN, 1), lambda i: (i, 0)),
            pl.BlockSpec((1, D_H), lambda i: (0, 0)),
            pl.BlockSpec((1, 1), lambda i: (0, 0)),
            pl.BlockSpec((D_H, D_H), lambda i: (0, 0)),
        ],
        out_specs=pl.BlockSpec((2, _BN, D_IN), lambda i: (0, i, 0)),
        out_shape=jax.ShapeDtypeStruct((2, N, D_IN), _F32),
    )(a2n, a2n, deg_in, deg_out, b, alpha, w)


def _tc3_body(a0_ref, a1_ref, din_ref, dout_ref, b_ref, al_ref, we_ref,
              wd_ref, mk_ref, o_ref):
    cd = _rsqrt_deg(din_ref[...])
    cs = _rsqrt_deg(dout_ref[...])
    h = jnp.concatenate([a0_ref[...], a1_ref[...]], axis=1) * cd + b_ref[...]
    a = al_ref[0, 0]
    h = jnp.where(h > 0, h, a * h)
    rep = jnp.dot(h, we_ref[...], preferred_element_type=_F32) * mk_ref[...]
    o_ref[...] = jnp.dot(rep, wd_ref[...], preferred_element_type=_F32) * cs


def _tc3(a2n, deg_in, deg_out, b, alpha, w_e2d, w_dec, maskkeep):
    return pl.pallas_call(
        _tc3_body,
        grid=(N // _BN,),
        in_specs=[
            pl.BlockSpec((_BN, D_IN), lambda i: (i, 0)),
            pl.BlockSpec((_BN, D_IN), lambda i: (i + N // _BN, 0)),
            pl.BlockSpec((_BN, 1), lambda i: (i, 0)),
            pl.BlockSpec((_BN, 1), lambda i: (i, 0)),
            pl.BlockSpec((1, D_H), lambda i: (0, 0)),
            pl.BlockSpec((1, 1), lambda i: (0, 0)),
            pl.BlockSpec((D_H, D_H), lambda i: (0, 0)),
            pl.BlockSpec((D_H, D_IN), lambda i: (0, 0)),
            pl.BlockSpec((_BN, 1), lambda i: (i, 0)),
        ],
        out_specs=pl.BlockSpec((_BN, D_IN), lambda i: (i, 0)),
        out_shape=jax.ShapeDtypeStruct((N, D_IN), _F32),
    )(a2n, a2n, deg_in, deg_out, b, alpha, w_e2d, w_dec, maskkeep)


def _tc4a_body(p0_ref, p1_ref, din_ref, b_ref, recon_ref):
    cd = _rsqrt_deg(din_ref[...])
    recon_ref[...] = (p0_ref[...] + p1_ref[...]) * cd + b_ref[...]


def _tc4a(p2n, deg_in, b_dec):
    return pl.pallas_call(
        _tc4a_body,
        grid=(N // _BN,),
        in_specs=[
            pl.BlockSpec((_BN, D_IN), lambda i: (i, 0)),
            pl.BlockSpec((_BN, D_IN), lambda i: (i + N // _BN, 0)),
            pl.BlockSpec((_BN, 1), lambda i: (i, 0)),
            pl.BlockSpec((1, D_IN), lambda i: (0, 0)),
        ],
        out_specs=pl.BlockSpec((_BN, D_IN), lambda i: (i, 0)),
        out_shape=jax.ShapeDtypeStruct((N, D_IN), _F32),
    )(p2n, p2n, deg_in, b_dec)


def _tc4b_body(r_ref, x_ref, ms_ref, acc_ref):
    i = pl.program_id(0)
    r = r_ref[...]
    xb = x_ref[...]
    nr = jnp.sqrt(jnp.sum(r * r, axis=1, keepdims=True)) + 1e-8
    nx = jnp.sqrt(jnp.sum(xb * xb, axis=1, keepdims=True)) + 1e-8
    dots = jnp.sum(r * xb, axis=1, keepdims=True)
    term = (1.0 - dots / (nr * nx)) ** 2
    val = jnp.sum(term * ms_ref[...])
    @pl.when(i == 0)
    def _():
        acc_ref[...] = jnp.zeros((1, 1), _F32)
    acc_ref[...] = acc_ref[...] + val


def _tc4b(recon, x, masksel):
    return pl.pallas_call(
        _tc4b_body,
        grid=(N // _BN,),
        in_specs=[
            pl.BlockSpec((_BN, D_IN), lambda i: (i, 0)),
            pl.BlockSpec((_BN, D_IN), lambda i: (i, 0)),
            pl.BlockSpec((_BN, 1), lambda i: (i, 0)),
        ],
        out_specs=pl.BlockSpec((1, 1), lambda i: (0, 0)),
        out_shape=jax.ShapeDtypeStruct((1, 1), _F32),
    )(recon, x, masksel)


def _tc5_body(u_ref, v_ref, acc_ref):
    i = pl.program_id(0)
    u = u_ref[...]
    v = v_ref[...]
    mu = jnp.max(u, axis=1, keepdims=True)
    mv = jnp.max(v, axis=1, keepdims=True)
    eu = jnp.exp(u - mu)
    su = jnp.sum(eu, axis=1, keepdims=True)
    sv = jnp.sum(jnp.exp(v - mv), axis=1, keepdims=True)
    t = jnp.sum(eu * (u - v), axis=1, keepdims=True)
    row = t / su - mu - jnp.log(su) + mv + jnp.log(sv)
    val = jnp.sum(row)
    @pl.when(i == 0)
    def _():
        acc_ref[...] = jnp.zeros((1, 1), _F32)
    acc_ref[...] = acc_ref[...] + val


def _tc5(dxi, dxr):
    return pl.pallas_call(
        _tc5_body,
        grid=(E // _BE,),
        in_specs=[
            pl.BlockSpec((_BE, D_IN), lambda i: (i, 0)),
            pl.BlockSpec((_BE, D_IN), lambda i: (i, 0)),
        ],
        out_specs=pl.BlockSpec((1, 1), lambda i: (0, 0)),
        out_shape=jax.ShapeDtypeStruct((1, 1), _F32),
    )(dxi, dxr)



def kernel(x, edge_index, A, W1, b1, a1, W2, b2, a2, W_e2d, W_dec, b_dec):
    del A
    src = edge_index[0]
    dst = edge_index[1]

    mk = jax.random.key(42)
    k1, k2, k3 = jax.random.split(mk, 3)
    perm = jax.random.permutation(k1, N)
    mask_nodes = perm[:NUM_MASK]
    perm_mask = jax.random.permutation(k2, NUM_MASK)
    token_nodes = mask_nodes[perm_mask[:NUM_TOKEN]]
    noise_nodes = mask_nodes[perm_mask[-NUM_NOISE:]]
    noise_chosen = jax.random.permutation(k3, N)[:NUM_NOISE]

    ones_n = jnp.ones((N, 1), _F32)
    kt = ones_n.at[token_nodes].set(0.0)
    maskkeep = ones_n.at[mask_nodes].set(0.0)
    masksel = 1.0 - maskkeep
    x_used = x.at[noise_nodes].set(x[noise_chosen])

    zeros_rows = jnp.zeros((N, D_IN), _F32)

    deg2 = _sc_degrees(edge_index.reshape(2 * E), zeros_rows)
    deg_out = deg2[:N, :1]
    deg_in = deg2[N:, :1]

    dxi = _sc_edge_half(x, src, dst)

    a1_s = a1.reshape(1, 1)
    a2_s = a2.reshape(1, 1)
    b1_r = b1.reshape(1, D_H)
    b2_r = b2.reshape(1, D_H)
    bd_r = b_dec.reshape(1, D_IN)

    t2n = _tc1(x_used, W1, deg_out, kt).reshape(2 * N, D_IN)
    g2n = _sc_mp2(t2n, src, dst, zeros_rows)
    u2n = _tc2(g2n, deg_in, deg_out, b1_r, a1_s, W2).reshape(2 * N, D_IN)
    h2n = _sc_mp2(u2n, src, dst, zeros_rows)
    t3 = _tc3(h2n, deg_in, deg_out, b2_r, a2_s, W_e2d, W_dec, maskkeep)
    p2n = _sc_mp1(t3, src, dst, zeros_rows)
    recon = _tc4a(p2n, deg_in, bd_r)
    dxr = _sc_edge_half(recon, src, dst)
    loss_acc = _tc4b(recon, x, masksel)
    loss = loss_acc[0, 0] / NUM_MASK
    kl_acc = _tc5(dxi, dxr)
    loss_s = kl_acc[0, 0] / E

    return (loss, loss_s, recon)

# --- scband reference (transcript-rebuilt; emitter-appended) ---
"""Pipeline reference for scband-pre-model-34668976013863 (READ-ONLY COPY).

The authoritative reference and input builder live on the scoring server;
editing this copy changes nothing except your own understanding.
"""

import jax, jax.numpy as jnp
import numpy as np

N = 10000
E = 160000
D_IN = 128
D_H = 256
TAU = 1.0
EPS = 0.5
NUM_MASK = int(0.3 * N)
NUM_NOISE = int(0.1 * NUM_MASK)
NUM_TOKEN = int((1.0 - 0.1) * NUM_MASK)
ALPHA = 2.0


def setup_inputs(seed: int = 0) -> dict:
    key = jax.random.key(seed)
    ks = jax.random.split(key, 10)
    x = jax.random.normal(ks[0], (N, D_IN), dtype=jnp.float32)
    edge_index = jax.random.randint(ks[1], (2, E), 0, N, dtype=jnp.int32)
    A = jnp.ones((E,), dtype=jnp.float32)
    W1 = jax.random.normal(ks[2], (D_IN, D_H), dtype=jnp.float32) / np.sqrt(D_IN)
    b1 = jnp.zeros((D_H,), jnp.float32)
    a1 = jnp.full((1,), 0.25, jnp.float32)
    W2 = jax.random.normal(ks[3], (D_H, D_H), dtype=jnp.float32) / np.sqrt(D_H)
    b2 = jnp.zeros((D_H,), jnp.float32)
    a2 = jnp.full((1,), 0.25, jnp.float32)
    W_e2d = jax.random.normal(ks[4], (D_H, D_H), dtype=jnp.float32) / np.sqrt(D_H)
    W_dec = jax.random.normal(ks[5], (D_H, D_IN), dtype=jnp.float32) / np.sqrt(D_H)
    b_dec = jnp.zeros((D_IN,), jnp.float32)
    return {"x": x, "edge_index": edge_index, "A": A, "W1": W1, "b1": b1, "a1": a1,
            "W2": W2, "b2": b2, "a2": a2, "W_e2d": W_e2d, "W_dec": W_dec, "b_dec": b_dec}


def _prelu(h, a):
    return jnp.where(h > 0, h, a * h)


def _gcn(h, src, dst, W, b):
    # DGL GraphConv, norm='both': D^-1/2 A D^-1/2 X W + b
    h = h @ W
    deg_out = jnp.clip(jnp.zeros((N,), h.dtype).at[src].add(1.0), 1.0, None)
    deg_in = jnp.clip(jnp.zeros((N,), h.dtype).at[dst].add(1.0), 1.0, None)
    m = h[src] * (deg_out[src] ** -0.5)[:, None]
    agg = jnp.zeros_like(h).at[dst].add(m)
    return agg * (deg_in ** -0.5)[:, None] + b


def reference(x, edge_index, A, W1, b1, a1, W2, b2, a2, W_e2d, W_dec, b_dec):
    src = edge_index[0]
    dst = edge_index[1]
    # encoding_mask_noise with a fixed key (deterministic stand-in for torch.randperm)
    mk = jax.random.key(42)
    k1, k2, k3 = jax.random.split(mk, 3)
    perm = jax.random.permutation(k1, N)
    mask_nodes = perm[:NUM_MASK]
    perm_mask = jax.random.permutation(k2, NUM_MASK)
    token_nodes = mask_nodes[perm_mask[:NUM_TOKEN]]
    noise_nodes = mask_nodes[perm_mask[-NUM_NOISE:]]
    noise_chosen = jax.random.permutation(k3, N)[:NUM_NOISE]
    use_x = x.at[token_nodes].set(0.0)
    use_x = use_x.at[noise_nodes].set(x[noise_chosen])
    # GCN encoder (2 layers, prelu, encoding=True -> activation on every layer)
    h = _prelu(_gcn(use_x, src, dst, W1, b1), a1)
    enc_rep = _prelu(_gcn(h, src, dst, W2, b2), a2)
    # non-parametric tokenizer (GIN-style propagation), detached; unused in visible losses
    t = x
    for _ in range(2):
        t = (1.0 + EPS) * t + jnp.zeros_like(t).at[dst].add(t[src])
    g_tokens = jax.lax.stop_gradient(t)
    # encoder_to_decoder (no bias), re-mask, single-layer GCN decoder (no activation)
    rep = enc_rep @ W_e2d
    rep = rep.at[mask_nodes].set(0.0)
    recon = _gcn(rep, src, dst, W_dec, b_dec)
    # sce loss with alpha=2 on masked nodes
    x_init = x[mask_nodes]
    recon_new = recon[mask_nodes]
    xn = recon_new / (jnp.linalg.norm(recon_new, axis=-1, keepdims=True) + 1e-8)
    yn = x_init / (jnp.linalg.norm(x_init, axis=-1, keepdims=True) + 1e-8)
    loss = jnp.mean((1.0 - jnp.sum(xn * yn, axis=-1)) ** ALPHA)
    # edge_distribution_high + KLDivLoss(batchmean, log_target=True)
    dif_init = jax.nn.log_softmax(jnp.abs(x[src] - x[dst]) / TAU, axis=-1)
    dif_recon = jax.nn.log_softmax(jnp.abs(recon[src] - recon[dst]) / TAU, axis=-1)
    loss_s = jnp.sum(jnp.exp(dif_init) * (dif_init - dif_recon)) / E
    return (loss, loss_s, recon)

if __name__ == "__main__":
    import jax
    _d = setup_inputs()
    print(jax.jit(kernel)(*tuple(_d.values())))

</pallas_src>

<mosaic_0001>
#map = affine_map<(d0, d1) -> (0)>
#map1 = affine_map<(d0, d1) -> (0, 0)>
module attributes {stable_mosaic.version = 14 : i64} {
  func.func @k(%arg0: i32, %arg1: i32, %arg2: memref<320000xi32, #tpu.memory_space<hbm>>, %arg3: memref<10000x128xf32, #tpu.memory_space<hbm>>, %arg4: memref<20000x128xf32, #tpu.memory_space<hbm>>, %arg5: memref<10000xi32, #tpu.memory_space<vmem>>, %arg6: memref<80xi32, #tpu.memory_space<vmem>>, %arg7: memref<80x128xf32, #tpu.memory_space<vmem>>, %arg8: memref<10000x128xf32, #tpu.memory_space<vmem_shared>>) attributes {dimension_semantics = [#tpu.dimension_semantics<core_parallel>, #tpu.dimension_semantics<subcore_parallel>], iteration_bounds = array<i64: 2, 16>, scalar_prefetch = 0 : i64, scratch_operands = 4 : i64, tpu.core_type = #tpu.core_type<sc_vector_subcore>, window_params = [{transform_indices = #map}, {transform_indices = #map1}, {transform_indices = #map1}]} {
    %mul3A = arith.constant 160000 : i32
    %mul3A_0 = arith.muli %arg0, %mul3A : i32
    %mul3A_1 = arith.constant 10000 : i32
    %mul3A_2 = arith.muli %arg1, %mul3A_1 : i32
    %add3A = arith.addi %mul3A_0, %mul3A_2 : i32
    "tpu.region"() ({
      %run_scoped3A = tpu.sem_alloc : memref<!tpu.dma_semaphore, #tpu.memory_space<semaphore_mem>>
      %dma_start3A = tpu.memref_slice %arg2[%add3A] : memref<320000xi32, #tpu.memory_space<hbm>> -> memref<10000xi32, #tpu.memory_space<hbm>>
      %dma_start3A_29 = tpu.memref_slice %arg2[%add3A] : memref<320000xi32, #tpu.memory_space<hbm>> -> memref<10000xi32, #tpu.memory_space<hbm>>
      tpu.enqueue_dma source(%dma_start3A_29 : memref<10000xi32, #tpu.memory_space<hbm>>) target(%arg5 : memref<10000xi32, #tpu.memory_space<vmem>>) target_semaphore(%run_scoped3A : memref<!tpu.dma_semaphore, #tpu.memory_space<semaphore_mem>>)
      %dma_wait3A = tpu.memref_slice %arg2[%add3A] : memref<320000xi32, #tpu.memory_space<hbm>> -> memref<10000xi32, #tpu.memory_space<hbm>>
      %dma_wait3A_30 = tpu.memref_slice %arg2[%add3A] : memref<320000xi32, #tpu.memory_space<hbm>> -> memref<10000xi32, #tpu.memory_space<hbm>>
      tpu.wait_dma2 semaphore(%run_scoped3A : memref<!tpu.dma_semaphore, #tpu.memory_space<semaphore_mem>>) src(%dma_wait3A_30 : memref<10000xi32, #tpu.memory_space<hbm>>) dst(%arg5 : memref<10000xi32, #tpu.memory_space<vmem>>)
      tpu.yield
    }) : () -> ()
    %scan3A = arith.constant 0 : i32
    %scan3A_3 = arith.constant 80 : i32
    %scan3A_4 = arith.addi %scan3A, %scan3A_3 : i32
    %scan3A_5 = arith.constant 1 : i32
    scf.for %scan3A_29 = %scan3A to %scan3A_4 step %scan3A_5  : i32 {
      %broadcast_in_dim3A = arith.constant 1.000000e+00 : f32
      %broadcast_in_dim3A_30 = vector.broadcast %broadcast_in_dim3A : f32 to vector<16xf32>
      %swap3A = arith.index_cast %scan3A_29 : i32 to index
      %swap3A_31 = arith.constant 0 : index
      %swap3A_32 = tpu.vector_load %arg7[%swap3A, %swap3A_31] {strides = array<i32>} : memref<80x128xf32, #tpu.memory_space<vmem>>, vector<1x16xf32>,
      %swap3A_33 = vector.shape_cast %swap3A_32 : vector<1x16xf32> to vector<16xf32>
      %swap3A_34 = vector.shape_cast %broadcast_in_dim3A_30 : vector<16xf32> to vector<1x16xf32>
      tpu.vector_store %arg7[%swap3A, %swap3A_31], %swap3A_34 {strides = array<i32>} : memref<80x128xf32, #tpu.memory_space<vmem>>, vector<1x16xf32>,
      %broadcast_in_dim3A_35 = arith.constant 1.000000e+00 : f32
      %broadcast_in_dim3A_36 = vector.broadcast %broadcast_in_dim3A_35 : f32 to vector<16xf32>
      %swap3A_37 = arith.index_cast %scan3A_29 : i32 to index
      %swap3A_38 = arith.constant 16 : index
      %swap3A_39 = tpu.vector_load %arg7[%swap3A_37, %swap3A_38] {strides = array<i32>} : memref<80x128xf32, #tpu.memory_space<vmem>>, vector<1x16xf32>,
      %swap3A_40 = vector.shape_cast %swap3A_39 : vector<1x16xf32> to vector<16xf32>
      %swap3A_41 = vector.shape_cast %broadcast_in_dim3A_36 : vector<16xf32> to vector<1x16xf32>
      tpu.vector_store %arg7[%swap3A_37, %swap3A_38], %swap3A_41 {strides = array<i32>} : memref<80x128xf32, #tpu.memory_space<vmem>>, vector<1x16xf32>,
      %broadcast_in_dim3A_42 = arith.constant 1.000000e+00 : f32
      %broadcast_in_dim3A_43 = vector.broadcast %broadcast_in_dim3A_42 : f32 to vector<16xf32>
      %swap3A_44 = arith.index_cast %scan3A_29 : i32 to index
      %swap3A_45 = arith.constant 32 : index
      %swap3A_46 = tpu.vector_load %arg7[%swap3A_44, %swap3A_45] {strides = array<i32>} : memref<80x128xf32, #tpu.memory_space<vmem>>, vector<1x16xf32>,
      %swap3A_47 = vector.shape_cast %swap3A_46 : vector<1x16xf32> to vector<16xf32>
      %swap3A_48 = vector.shape_cast %broadcast_in_dim3A_43 : vector<16xf32> to vector<1x16xf32>
      tpu.vector_store %arg7[%swap3A_44, %swap3A_45], %swap3A_48 {strides = array<i32>} : memref<80x128xf32, #tpu.memory_space<vmem>>, vector<1x16xf32>,
      %broadcast_in_dim3A_49 = arith.constant 1.000000e+00 : f32
      %broadcast_in_dim3A_50 = vector.broadcast %broadcast_in_dim3A_49 : f32 to vector<16xf32>
      %swap3A_51 = arith.index_cast %scan3A_29 : i32 to index
      %swap3A_52 = arith.constant 48 : index
      %swap3A_53 = tpu.vector_load %arg7[%swap3A_51, %swap3A_52] {strides = array<i32>} : memref<80x128xf32, #tpu.memory_space<vmem>>, vector<1x16xf32>,
      %swap3A_54 = vector.shape_cast %swap3A_53 : vector<1x16xf32> to vector<16xf32>
      %swap3A_55 = vector.shape_cast %broadcast_in_dim3A_50 : vector<16xf32> to vector<1x16xf32>
      tpu.vector_store %arg7[%swap3A_51, %swap3A_52], %swap3A_55 {strides = array<i32>} : memref<80x128xf32, #tpu.memory_space<vmem>>, vector<1x16xf32>,
      %broadcast_in_dim3A_56 = arith.constant 1.000000e+00 : f32
      %broadcast_in_dim3A_57 = vector.broadcast %broadcast_in_dim3A_56 : f32 to vector<16xf32>
      %swap3A_58 = arith.index_cast %scan3A_29 : i32 to index
      %swap3A_59 = arith.constant 64 : index
      %swap3A_60 = tpu.vector_load %arg7[%swap3A_58, %swap3A_59] {strides = array<i32>} : memref<80x128xf32, #tpu.memory_space<vmem>>, vector<1x16xf32>,
      %swap3A_61 = vector.shape_cast %swap3A_60 : vector<1x16xf32> to vector<16xf32>
      %swap3A_62 = vector.shape_cast %broadcast_in_dim3A_57 : vector<16xf32> to vector<1x16xf32>
      tpu.vector_store %arg7[%swap3A_58, %swap3A_59], %swap3A_62 {strides = array<i32>} : memref<80x128xf32, #tpu.memory_space<vmem>>, vector<1x16xf32>,
      %broadcast_in_dim3A_63 = arith.constant 1.000000e+00 : f32
      %broadcast_in_dim3A_64 = vector.broadcast %broadcast_in_dim3A_63 : f32 to vector<16xf32>
      %swap3A_65 = arith.index_cast %scan3A_29 : i32 to index
      %swap3A_66 = arith.constant 80 : index
      %swap3A_67 = tpu.vector_load %arg7[%swap3A_65, %swap3A_66] {strides = array<i32>} : memref<80x128xf32, #tpu.memory_space<vmem>>, vector<1x16xf32>,
      %swap3A_68 = vector.shape_cast %swap3A_67 : vector<1x16xf32> to vector<16xf32>
      %swap3A_69 = vector.shape_cast %broadcast_in_dim3A_64 : vector<16xf32> to vector<1x16xf32>
      tpu.vector_store %arg7[%swap3A_65, %swap3A_66], %swap3A_69 {strides = array<i32>} : memref<80x128xf32, #tpu.memory_space<vmem>>, vector<1x16xf32>,
      %broadcast_in_dim3A_70 = arith.constant 1.000000e+00 : f32
      %broadcast_in_dim3A_71 = vector.broadcast %broadcast_in_dim3A_70 : f32 to vector<16xf32>
      %swap3A_72 = arith.index_cast %scan3A_29 : i32 to index
      %swap3A_73 = arith.constant 96 : index
      %swap3A_74 = tpu.vector_load %arg7[%swap3A_72, %swap3A_73] {strides = array<i32>} : memref<80x128xf32, #tpu.memory_space<vmem>>, vector<1x16xf32>,
      %swap3A_75 = vector.shape_cast %swap3A_74 : vector<1x16xf32> to vector<16xf32>
      %swap3A_76 = vector.shape_cast %broadcast_in_dim3A_71 : vector<16xf32> to vector<1x16xf32>
      tpu.vector_store %arg7[%swap3A_72, %swap3A_73], %swap3A_76 {strides = array<i32>} : memref<80x128xf32, #tpu.memory_space<vmem>>, vector<1x16xf32>,
      %broadcast_in_dim3A_77 = arith.constant 1.000000e+00 : f32
      %broadcast_in_dim3A_78 = vector.broadcast %broadcast_in_dim3A_77 : f32 to vector<16xf32>
      %swap3A_79 = arith.index_cast %scan3A_29 : i32 to index
      %swap3A_80 = arith.constant 112 : index
      %swap3A_81 = tpu.vector_load %arg7[%swap3A_79, %swap3A_80] {strides = array<i32>} : memref<80x128xf32, #tpu.memory_space<vmem>>, vector<1x16xf32>,
      %swap3A_82 = vector.shape_cast %swap3A_81 : vector<1x16xf32> to vector<16xf32>
      %swap3A_83 = vector.shape_cast %broadcast_in_dim3A_78 : vector<16xf32> to vector<1x16xf32>
      tpu.vector_store %arg7[%swap3A_79, %swap3A_80], %swap3A_83 {strides = array<i32>} : memref<80x128xf32, #tpu.memory_space<vmem>>, vector<1x16xf32>,
    }
    %scan3A_6 = arith.constant 80 : i32
    %lt3A = arith.constant 15 : i32
    %lt3A_7 = arith.cmpi slt, %arg1, %lt3A : i32
    %convert_element_type3A = arith.extui %lt3A_7 : i1 to i32
    %cond3A = arith.constant 0 : i32
    %cond3A_8 = arith.cmpi ne, %convert_element_type3A, %cond3A : i32
    scf.if %cond3A_8 {
      %mul3A_29 = arith.constant 624 : i32
      %mul3A_30 = arith.muli %arg1, %mul3A_29 : i32
      "tpu.region"() ({
        %run_scoped3A = tpu.sem_alloc : memref<!tpu.dma_semaphore, #tpu.memory_space<semaphore_mem>>
        %dma_start3A = arith.constant 0 : i32
        %dma_start3A_31 = tpu.memref_slice %arg8[%mul3A_30, %dma_start3A] : memref<10000x128xf32, #tpu.memory_space<vmem_shared>> -> memref<624x128xf32, #tpu.memory_space<vmem_shared>>
        %dma_start3A_32 = arith.constant 0 : i32
        %dma_start3A_33 = tpu.memref_slice %arg3[%mul3A_30, %dma_start3A_32] : memref<10000x128xf32, #tpu.memory_space<hbm>> -> memref<624x128xf32, #tpu.memory_space<hbm>>
        tpu.enqueue_dma source(%dma_start3A_33 : memref<624x128xf32, #tpu.memory_space<hbm>>) target(%dma_start3A_31 : memref<624x128xf32, #tpu.memory_space<vmem_shared>>) target_semaphore(%run_scoped3A : memref<!tpu.dma_semaphore, #tpu.memory_space<semaphore_mem>>)
        %dma_wait3A = arith.constant 0 : i32
        %dma_wait3A_34 = tpu.memref_slice %arg8[%mul3A_30, %dma_wait3A] : memref<10000x128xf32, #tpu.memory_space<vmem_shared>> -> memref<624x128xf32, #tpu.memory_space<vmem_shared>>
        %dma_wait3A_35 = arith.constant 0 : i32
        %dma_wait3A_36 = tpu.memref_slice %arg3[%mul3A_30, %dma_wait3A_35] : memref<10000x128xf32, #tpu.memory_space<hbm>> -> memref<624x128xf32, #tpu.memory_space<hbm>>
        tpu.wait_dma2 semaphore(%run_scoped3A : memref<!tpu.dma_semaphore, #tpu.memory_space<semaphore_mem>>) src(%dma_wait3A_36 : memref<624x128xf32, #tpu.memory_space<hbm>>) dst(%dma_wait3A_34 : memref<624x128xf32, #tpu.memory_space<vmem_shared>>)
        tpu.yield
      }) : () -> ()
    } else {
    }
    %eq3A = arith.constant 15 : i32
    %eq3A_9 = arith.cmpi eq, %arg1, %eq3A : i32
    %convert_element_type3A_10 = arith.extui %eq3A_9 : i1 to i32
    %cond3A_11 = arith.constant 0 : i32
    %cond3A_12 = arith.cmpi ne, %convert_element_type3A_10, %cond3A_11 : i32
    scf.if %cond3A_12 {
      "tpu.region"() ({
        %run_scoped3A = tpu.sem_alloc : memref<!tpu.dma_semaphore, #tpu.memory_space<semaphore_mem>>
        %dma_start3A = arith.constant 9360 : i32
        %dma_start3A_29 = arith.constant 0 : i32
        %dma_start3A_30 = tpu.memref_slice %arg8[%dma_start3A, %dma_start3A_29] : memref<10000x128xf32, #tpu.memory_space<vmem_shared>> -> memref<640x128xf32, #tpu.memory_space<vmem_shared>>
        %dma_start3A_31 = arith.constant 9360 : i32
        %dma_start3A_32 = arith.constant 0 : i32
        %dma_start3A_33 = tpu.memref_slice %arg3[%dma_start3A_31, %dma_start3A_32] : memref<10000x128xf32, #tpu.memory_space<hbm>> -> memref<640x128xf32, #tpu.memory_space<hbm>>
        tpu.enqueue_dma source(%dma_start3A_33 : memref<640x128xf32, #tpu.memory_space<hbm>>) target(%dma_start3A_30 : memref<640x128xf32, #tpu.memory_space<vmem_shared>>) target_semaphore(%run_scoped3A : memref<!tpu.dma_semaphore, #tpu.memory_space<semaphore_mem>>)
        %dma_wait3A = arith.constant 9360 : i32
        %dma_wait3A_34 = arith.constant 0 : i32
        %dma_wait3A_35 = tpu.memref_slice %arg8[%dma_wait3A, %dma_wait3A_34] : memref<10000x128xf32, #tpu.memory_space<vmem_shared>> -> memref<640x128xf32, #tpu.memory_space<vmem_shared>>
        %dma_wait3A_36 = arith.constant 9360 : i32
        %dma_wait3A_37 = arith.constant 0 : i32
        %dma_wait3A_38 = tpu.memref_slice %arg3[%dma_wait3A_36, %dma_wait3A_37] : memref<10000x128xf32, #tpu.memory_space<hbm>> -> memref<640x128xf32, #tpu.memory_space<hbm>>
        tpu.wait_dma2 semaphore(%run_scoped3A : memref<!tpu.dma_semaphore, #tpu.memory_space<semaphore_mem>>) src(%dma_wait3A_38 : memref<640x128xf32, #tpu.memory_space<hbm>>) dst(%dma_wait3A_35 : memref<640x128xf32, #tpu.memory_space<vmem_shared>>)
        tpu.yield
      }) : () -> ()
    } else {
    }
    %barrier3A = arith.constant 0 : index
    tpu.barrier barrier_id(%barrier3A)
    %scan3A_13 = arith.constant 0 : i32
    %scan3A_14 = arith.constant 125 : i32
    %scan3A_15 = arith.addi %scan3A_13, %scan3A_14 : i32
    %scan3A_16 = arith.constant 1 : i32
    scf.for %scan3A_29 = %scan3A_13 to %scan3A_15 step %scan3A_16  : i32 {
      %mul3A_30 = arith.constant 80 : i32
      %mul3A_31 = arith.muli %scan3A_29, %mul3A_30 : i32
      %add3A_32 = arith.constant 0 : i32
      %add3A_33 = arith.addi %mul3A_31, %add3A_32 : i32
      %get3A = arith.index_cast %add3A_33 : i32 to index
      %get3A_34 = tpu.vector_load %arg5[%get3A] {strides = array<i32>} : memref<10000xi32, #tpu.memory_space<vmem>>, vector<16xi32>,
      %get3A_35 = vector.shape_cast %get3A_34 : vector<16xi32> to vector<16xi32>
      %swap3A = arith.constant 0 : index
      %swap3A_36 = tpu.vector_load %arg6[%swap3A] {strides = array<i32>} : memref<80xi32, #tpu.memory_space<vmem>>, vector<16xi32>,
      %swap3A_37 = vector.shape_cast %swap3A_36 : vector<16xi32> to vector<16xi32>
      %swap3A_38 = vector.shape_cast %get3A_35 : vector<16xi32> to vector<16xi32>
      tpu.vector_store %arg6[%swap3A], %swap3A_38 {strides = array<i32>} : memref<80xi32, #tpu.memory_space<vmem>>, vector<16xi32>,
      %mul3A_39 = arith.constant 80 : i32
      %mul3A_40 = arith.muli %scan3A_29, %mul3A_39 : i32
      %add3A_41 = arith.constant 16 : i32
      %add3A_42 = arith.addi %mul3A_40, %add3A_41 : i32
      %get3A_43 = arith.index_cast %add3A_42 : i32 to index
      %get3A_44 = tpu.vector_load %arg5[%get3A_43] {strides = array<i32>} : memref<10000xi32, #tpu.memory_space<vmem>>, vector<16xi32>,
      %get3A_45 = vector.shape_cast %get3A_44 : vector<16xi32> to vector<16xi32>
      %swap3A_46 = arith.constant 16 : index
      %swap3A_47 = tpu.vector_load %arg6[%swap3A_46] {strides = array<i32>} : memref<80xi32, #tpu.memory_space<vmem>>, vector<16xi32>,
      %swap3A_48 = vector.shape_cast %swap3A_47 : vector<16xi32> to vector<16xi32>
      %swap3A_49 = vector.shape_cast %get3A_45 : vector<16xi32> to vector<16xi32>
      tpu.vector_store %arg6[%swap3A_46], %swap3A_49 {strides = array<i32>} : memref<80xi32, #tpu.memory_space<vmem>>, vector<16xi32>,
      %mul3A_50 = arith.constant 80 : i32
      %mul3A_51 = arith.muli %scan3A_29, %mul3A_50 : i32
      %add3A_52 = arith.constant 32 : i32
      %add3A_53 = arith.addi %mul3A_51, %add3A_52 : i32
      %get3A_54 = arith.index_cast %add3A_53 : i32 to index
      %get3A_55 = tpu.vector_load %arg5[%get3A_54] {strides = array<i32>} : memref<10000xi32, #tpu.memory_space<vmem>>, vector<16xi32>,
      %get3A_56 = vector.shape_cast %get3A_55 : vector<16xi32> to vector<16xi32>
      %swap3A_57 = arith.constant 32 : index
      %swap3A_58 = tpu.vector_load %arg6[%swap3A_57] {strides = array<i32>} : memref<80xi32, #tpu.memory_space<vmem>>, vector<16xi32>,
      %swap3A_59 = vector.shape_cast %swap3A_58 : vector<16xi32> to vector<16xi32>
      %swap3A_60 = vector.shape_cast %get3A_56 : vector<16xi32> to vector<16xi32>
      tpu.vector_store %arg6[%swap3A_57], %swap3A_60 {strides = array<i32>} : memref<80xi32, #tpu.memory_space<vmem>>, vector<16xi32>,
      %mul3A_61 = arith.constant 80 : i32
      %mul3A_62 = arith.muli %scan3A_29, %mul3A_61 : i32
      %add3A_63 = arith.constant 48 : i32
      %add3A_64 = arith.addi %mul3A_62, %add3A_63 : i32
      %get3A_65 = arith.index_cast %add3A_64 : i32 to index
      %get3A_66 = tpu.vector_load %arg5[%get3A_65] {strides = array<i32>} : memref<10000xi32, #tpu.memory_space<vmem>>, vector<16xi32>,
      %get3A_67 = vector.shape_cast %get3A_66 : vector<16xi32> to vector<16xi32>
      %swap3A_68 = arith.constant 48 : index
      %swap3A_69 = tpu.vector_load %arg6[%swap3A_68] {strides = array<i32>} : memref<80xi32, #tpu.memory_space<vmem>>, vector<16xi32>,
      %swap3A_70 = vector.shape_cast %swap3A_69 : vector<16xi32> to vector<16xi32>
      %swap3A_71 = vector.shape_cast %get3A_67 : vector<16xi32> to vector<16xi32>
      tpu.vector_store %arg6[%swap3A_68], %swap3A_71 {strides = array<i32>} : memref<80xi32, #tpu.memory_space<vmem>>, vector<16xi32>,
      %mul3A_72 = arith.constant 80 : i32
      %mul3A_73 = arith.muli %scan3A_29, %mul3A_72 : i32
      %add3A_74 = arith.constant 64 : i32
      %add3A_75 = arith.addi %mul3A_73, %add3A_74 : i32
      %get3A_76 = arith.index_cast %add3A_75 : i32 to index
      %get3A_77 = tpu.vector_load %arg5[%get3A_76] {strides = array<i32>} : memref<10000xi32, #tpu.memory_space<vmem>>, vector<16xi32>,
      %get3A_78 = vector.shape_cast %get3A_77 : vector<16xi32> to vector<16xi32>
      %swap3A_79 = arith.constant 64 : index
      %swap3A_80 = tpu.vector_load %arg6[%swap3A_79] {strides = array<i32>} : memref<80xi32, #tpu.memory_space<vmem>>, vector<16xi32>,
      %swap3A_81 = vector.shape_cast %swap3A_80 : vector<16xi32> to vector<16xi32>
      %swap3A_82 = vector.shape_cast %get3A_78 : vector<16xi32> to vector<16xi32>
      tpu.vector_store %arg6[%swap3A_79], %swap3A_82 {strides = array<i32>} : memref<80xi32, #tpu.memory_space<vmem>>, vector<16xi32>,
      "tpu.region"() ({
        %run_scoped3A = tpu.sem_alloc : memref<!tpu.dma_semaphore, #tpu.memory_space<semaphore_mem>>
        %dma_start3A = arith.constant 0 : i32
        %dma_start3A_83 = arith.constant 0 : i32
        %dma_start3A_84 = tpu.memref_slice %arg8[%dma_start3A, %dma_start3A_83] : memref<10000x128xf32, #tpu.memory_space<vmem_shared>> -> memref<10000x128xf32, #tpu.memory_space<vmem_shared>>
        tpu.enqueue_indirect_dma source(%arg7 : memref<80x128xf32, #tpu.memory_space<vmem>>) target(%dma_start3A_84 : memref<10000x128xf32, #tpu.memory_space<vmem_shared>>) offsets(%arg6 : memref<80xi32, #tpu.memory_space<vmem>>) semaphore(%run_scoped3A : memref<!tpu.dma_semaphore, #tpu.memory_space<semaphore_mem>>) {add = true}
        %dma_wait3A = arith.constant 0 : i32
        %dma_wait3A_85 = arith.constant 0 : i32
        %dma_wait3A_86 = tpu.memref_slice %arg8[%dma_wait3A, %dma_wait3A_85] : memref<10000x128xf32, #tpu.memory_space<vmem_shared>> -> memref<10000x128xf32, #tpu.memory_space<vmem_shared>>
        tpu.wait_indirect_dma semaphore(%run_scoped3A : memref<!tpu.dma_semaphore, #tpu.memory_space<semaphore_mem>>) src(%arg7 : memref<80x128xf32, #tpu.memory_space<vmem>>) dst(%dma_wait3A_86 : memref<10000x128xf32, #tpu.memory_space<vmem_shared>>)
        tpu.yield
      }) : () -> ()
    }
    %scan3A_17 = arith.constant 125 : i32
    %barrier3A_18 = arith.constant 0 : index
    tpu.barrier barrier_id(%barrier3A_18)
    %lt3A_19 = arith.constant 15 : i32
    %lt3A_20 = arith.cmpi slt, %arg1, %lt3A_19 : i32
    %convert_element_type3A_21 = arith.extui %lt3A_20 : i1 to i32
    %cond3A_22 = arith.constant 0 : i32
    %cond3A_23 = arith.cmpi ne, %convert_element_type3A_21, %cond3A_22 : i32
    scf.if %cond3A_23 {
      %mul3A_29 = arith.constant 624 : i32
      %mul3A_30 = arith.muli %arg1, %mul3A_29 : i32
      %mul3A_31 = arith.constant 10000 : i32
      %mul3A_32 = arith.muli %arg0, %mul3A_31 : i32
      %add3A_33 = arith.addi %mul3A_32, %mul3A_30 : i32
      "tpu.region"() ({
        %run_scoped3A = tpu.sem_alloc : memref<!tpu.dma_semaphore, #tpu.memory_space<semaphore_mem>>
        %dma_start3A = arith.constant 0 : i32
        %dma_start3A_34 = tpu.memref_slice %arg4[%add3A_33, %dma_start3A] : memref<20000x128xf32, #tpu.memory_space<hbm>> -> memref<624x128xf32, #tpu.memory_space<hbm>>
        %dma_start3A_35 = arith.constant 0 : i32
        %dma_start3A_36 = tpu.memref_slice %arg8[%mul3A_30, %dma_start3A_35] : memref<10000x128xf32, #tpu.memory_space<vmem_shared>> -> memref<624x128xf32, #tpu.memory_space<vmem_shared>>
        tpu.enqueue_dma source(%dma_start3A_36 : memref<624x128xf32, #tpu.memory_space<vmem_shared>>) target(%dma_start3A_34 : memref<624x128xf32, #tpu.memory_space<hbm>>) target_semaphore(%run_scoped3A : memref<!tpu.dma_semaphore, #tpu.memory_space<semaphore_mem>>)
        %dma_wait3A = arith.constant 0 : i32
        %dma_wait3A_37 = tpu.memref_slice %arg4[%add3A_33, %dma_wait3A] : memref<20000x128xf32, #tpu.memory_space<hbm>> -> memref<624x128xf32, #tpu.memory_space<hbm>>
        %dma_wait3A_38 = arith.constant 0 : i32
        %dma_wait3A_39 = tpu.memref_slice %arg8[%mul3A_30, %dma_wait3A_38] : memref<10000x128xf32, #tpu.memory_space<vmem_shared>> -> memref<624x128xf32, #tpu.memory_space<vmem_shared>>
        tpu.wait_dma2 semaphore(%run_scoped3A : memref<!tpu.dma_semaphore, #tpu.memory_space<semaphore_mem>>) src(%dma_wait3A_39 : memref<624x128xf32, #tpu.memory_space<vmem_shared>>) dst(%dma_wait3A_37 : memref<624x128xf32, #tpu.memory_space<hbm>>)
        tpu.yield
      }) : () -> ()
    } else {
    }
    %eq3A_24 = arith.constant 15 : i32
    %eq3A_25 = arith.cmpi eq, %arg1, %eq3A_24 : i32
    %convert_element_type3A_26 = arith.extui %eq3A_25 : i1 to i32
    %cond3A_27 = arith.constant 0 : i32
    %cond3A_28 = arith.cmpi ne, %convert_element_type3A_26, %cond3A_27 : i32
    scf.if %cond3A_28 {
      %mul3A_29 = arith.constant 10000 : i32
      %mul3A_30 = arith.muli %arg0, %mul3A_29 : i32
      %add3A_31 = arith.constant 9360 : i32
      %add3A_32 = arith.addi %mul3A_30, %add3A_31 : i32
      "tpu.region"() ({
        %run_scoped3A = tpu.sem_alloc : memref<!tpu.dma_semaphore, #tpu.memory_space<semaphore_mem>>
        %dma_start3A = arith.constant 0 : i32
        %dma_start3A_33 = tpu.memref_slice %arg4[%add3A_32, %dma_start3A] : memref<20000x128xf32, #tpu.memory_space<hbm>> -> memref<640x128xf32, #tpu.memory_space<hbm>>
        %dma_start3A_34 = arith.constant 9360 : i32
        %dma_start3A_35 = arith.constant 0 : i32
        %dma_start3A_36 = tpu.memref_slice %arg8[%dma_start3A_34, %dma_start3A_35] : memref<10000x128xf32, #tpu.memory_space<vmem_shared>> -> memref<640x128xf32, #tpu.memory_space<vmem_shared>>
        tpu.enqueue_dma source(%dma_start3A_36 : memref<640x128xf32, #tpu.memory_space<vmem_shared>>) target(%dma_start3A_33 : memref<640x128xf32, #tpu.memory_space<hbm>>) target_semaphore(%run_scoped3A : memref<!tpu.dma_semaphore, #tpu.memory_space<semaphore_mem>>)
        %dma_wait3A = arith.constant 0 : i32
        %dma_wait3A_37 = tpu.memref_slice %arg4[%add3A_32, %dma_wait3A] : memref<20000x128xf32, #tpu.memory_space<hbm>> -> memref<640x128xf32, #tpu.memory_space<hbm>>
        %dma_wait3A_38 = arith.constant 9360 : i32
        %dma_wait3A_39 = arith.constant 0 : i32
        %dma_wait3A_40 = tpu.memref_slice %arg8[%dma_wait3A_38, %dma_wait3A_39] : memref<10000x128xf32, #tpu.memory_space<vmem_shared>> -> memref<640x128xf32, #tpu.memory_space<vmem_shared>>
        tpu.wait_dma2 semaphore(%run_scoped3A : memref<!tpu.dma_semaphore, #tpu.memory_space<semaphore_mem>>) src(%dma_wait3A_40 : memref<640x128xf32, #tpu.memory_space<vmem_shared>>) dst(%dma_wait3A_37 : memref<640x128xf32, #tpu.memory_space<hbm>>)
        tpu.yield
      }) : () -> ()
    } else {
    }
    return
  }
}

#map = affine_map<(d0, d1) -> (0, 0)>
#map1 = affine_map<(d0, d1) -> (0)>
module attributes {stable_mosaic.version = 14 : i64} {
  func.func @k(%arg0: i32, %arg1: i32, %arg2: memref<20000x128xf32, #tpu.memory_space<hbm>>, %arg3: memref<160000xi32, #tpu.memory_space<hbm>>, %arg4: memref<160000xi32, #tpu.memory_space<hbm>>, %arg5: memref<10000x128xf32, #tpu.memory_space<hbm>>, %arg6: memref<20000x128xf32, #tpu.memory_space<hbm>>, %arg7: memref<10000xi32, #tpu.memory_space<vmem>>, %arg8: memref<10000xi32, #tpu.memory_space<vmem>>, %arg9: memref<80xi32, #tpu.memory_space<vmem>>, %arg10: memref<80x128xf32, #tpu.memory_space<vmem>>, %arg11: memref<80x128xf32, #tpu.memory_space<vmem>>, %arg12: memref<10000x128xf32, #tpu.memory_space<vmem_shared>>, %arg13: memref<!tpu.dma_semaphore, #tpu.memory_space<semaphore_mem>>) attributes {dimension_semantics = [#tpu.dimension_semantics<core_parallel>, #tpu.dimension_semantics<subcore_parallel>], iteration_bounds = array<i64: 2, 16>, scalar_prefetch = 0 : i64, scratch_operands = 7 : i64, tpu.core_type = #tpu.core_type<sc_vector_subcore>, window_params = [{transform_indices = #map}, {transform_indices = #map1}, {transform_indices = #map1}, {transform_indices = #map}, {transform_indices = #map}]} {
    %mul3A = arith.constant 10000 : i32
    %mul3A_0 = arith.muli %arg1, %mul3A : i32
    "tpu.region"() ({
      %run_scoped3A = tpu.sem_alloc : memref<!tpu.dma_semaphore, #tpu.memory_space<semaphore_mem>>
      %dma_start3A_71 = tpu.memref_slice %arg3[%mul3A_0] : memref<160000xi32, #tpu.memory_space<hbm>> -> memref<10000xi32, #tpu.memory_space<hbm>>
      %dma_start3A_72 = tpu.memref_slice %arg3[%mul3A_0] : memref<160000xi32, #tpu.memory_space<hbm>> -> memref<10000xi32, #tpu.memory_space<hbm>>
      tpu.enqueue_dma source(%dma_start3A_72 : memref<10000xi32, #tpu.memory_space<hbm>>) target(%arg7 : memref<10000xi32, #tpu.memory_space<vmem>>) target_semaphore(%run_scoped3A : memref<!tpu.dma_semaphore, #tpu.memory_space<semaphore_mem>>)
      %dma_wait3A_73 = tpu.memref_slice %arg3[%mul3A_0] : memref<160000xi32, #tpu.memory_space<hbm>> -> memref<10000xi32, #tpu.memory_space<hbm>>
      %dma_wait3A_74 = tpu.memref_slice %arg3[%mul3A_0] : memref<160000xi32, #tpu.memory_space<hbm>> -> memref<10000xi32, #tpu.memory_space<hbm>>
      tpu.wait_dma2 semaphore(%run_scoped3A : memref<!tpu.dma_semaphore, #tpu.memory_space<semaphore_mem>>) src(%dma_wait3A_74 : memref<10000xi32, #tpu.memory_space<hbm>>) dst(%arg7 : memref<10000xi32, #tpu.memory_space<vmem>>)
      tpu.yield
    }) : () -> ()
    "tpu.region"() ({
      %run_scoped3A = tpu.sem_alloc : memref<!tpu.dma_semaphore, #tpu.memory_space<semaphore_mem>>
      %dma_start3A_71 = tpu.memref_slice %arg4[%mul3A_0] : memref<160000xi32, #tpu.memory_space<hbm>> -> memref<10000xi32, #tpu.memory_space<hbm>>
      %dma_start3A_72 = tpu.memref_slice %arg4[%mul3A_0] : memref<160000xi32, #tpu.memory_space<hbm>> -> memref<10000xi32, #tpu.memory_space<hbm>>
      tpu.enqueue_dma source(%dma_start3A_72 : memref<10000xi32, #tpu.memory_space<hbm>>) target(%arg8 : memref<10000xi32, #tpu.memory_space<vmem>>) target_semaphore(%run_scoped3A : memref<!tpu.dma_semaphore, #tpu.memory_space<semaphore_mem>>)
      %dma_wait3A_73 = tpu.memref_slice %arg4[%mul3A_0] : memref<160000xi32, #tpu.memory_space<hbm>> -> memref<10000xi32, #tpu.memory_space<hbm>>
      %dma_wait3A_74 = tpu.memref_slice %arg4[%mul3A_0] : memref<160000xi32, #tpu.memory_space<hbm>> -> memref<10000xi32, #tpu.memory_space<hbm>>
      tpu.wait_dma2 semaphore(%run_scoped3A : memref<!tpu.dma_semaphore, #tpu.memory_space<semaphore_mem>>) src(%dma_wait3A_74 : memref<10000xi32, #tpu.memory_space<hbm>>) dst(%arg8 : memref<10000xi32, #tpu.memory_space<vmem>>)
      tpu.yield
    }) : () -> ()
    %mul3A_1 = arith.constant 10000 : i32
    %mul3A_2 = arith.muli %arg0, %mul3A_1 : i32
    %scan3A = arith.constant 0 : i32
    %scan3A_3 = arith.constant 625 : i32
    %scan3A_4 = arith.addi %scan3A, %scan3A_3 : i32
    %scan3A_5 = arith.constant 1 : i32
    scf.for %scan3A_71 = %scan3A to %scan3A_4 step %scan3A_5  : i32 {
      %mul3A_72 = arith.constant 16 : i32
      %mul3A_73 = arith.muli %scan3A_71, %mul3A_72 : i32
      %get3A_74 = arith.index_cast %mul3A_73 : i32 to index
      %get3A_75 = tpu.vector_load %arg7[%get3A_74] {strides = array<i32>} : memref<10000xi32, #tpu.memory_space<vmem>>, vector<16xi32>,
      %get3A_76 = vector.shape_cast %get3A_75 : vector<16xi32> to vector<16xi32>
      %add3A = vector.broadcast %mul3A_2 : i32 to vector<16xi32>
      %add3A_77 = arith.addi %get3A_76, %add3A : vector<16xi32>
      %swap3A_78 = arith.index_cast %mul3A_73 : i32 to index
      %swap3A_79 = tpu.vector_load %arg7[%swap3A_78] {strides = array<i32>} : memref<10000xi32, #tpu.memory_space<vmem>>, vector<16xi32>,
      %swap3A_80 = vector.shape_cast %swap3A_79 : vector<16xi32> to vector<16xi32>
      %swap3A_81 = vector.shape_cast %add3A_77 : vector<16xi32> to vector<16xi32>
      tpu.vector_store %arg7[%swap3A_78], %swap3A_81 {strides = array<i32>} : memref<10000xi32, #tpu.memory_space<vmem>>, vector<16xi32>,
    }
    %scan3A_6 = arith.constant 625 : i32
    %lt3A = arith.constant 15 : i32
    %lt3A_7 = arith.cmpi slt, %arg1, %lt3A : i32
    %convert_element_type3A = arith.extui %lt3A_7 : i1 to i32
    %cond3A = arith.constant 0 : i32
    %cond3A_8 = arith.cmpi ne, %convert_element_type3A, %cond3A : i32
    scf.if %cond3A_8 {
      %mul3A_71 = arith.constant 624 : i32
      %mul3A_72 = arith.muli %arg1, %mul3A_71 : i32
      "tpu.region"() ({
        %run_scoped3A = tpu.sem_alloc : memref<!tpu.dma_semaphore, #tpu.memory_space<semaphore_mem>>
        %dma_start3A_73 = arith.constant 0 : i32
        %dma_start3A_74 = tpu.memref_slice %arg12[%mul3A_72, %dma_start3A_73] : memref<10000x128xf32, #tpu.memory_space<vmem_shared>> -> memref<624x128xf32, #tpu.memory_space<vmem_shared>>
        %dma_start3A_75 = arith.constant 0 : i32
        %dma_start3A_76 = tpu.memref_slice %arg5[%mul3A_72, %dma_start3A_75] : memref<10000x128xf32, #tpu.memory_space<hbm>> -> memref<624x128xf32, #tpu.memory_space<hbm>>
        tpu.enqueue_dma source(%dma_start3A_76 : memref<624x128xf32, #tpu.memory_space<hbm>>) target(%dma_start3A_74 : memref<624x128xf32, #tpu.memory_space<vmem_shared>>) target_semaphore(%run_scoped3A : memref<!tpu.dma_semaphore, #tpu.memory_space<semaphore_mem>>)
        %dma_wait3A_77 = arith.constant 0 : i32
        %dma_wait3A_78 = tpu.memref_slice %arg12[%mul3A_72, %dma_wait3A_77] : memref<10000x128xf32, #tpu.memory_space<vmem_shared>> -> memref<624x128xf32, #tpu.memory_space<vmem_shared>>
        %dma_wait3A_79 = arith.constant 0 : i32
        %dma_wait3A_80 = tpu.memref_slice %arg5[%mul3A_72, %dma_wait3A_79] : memref<10000x128xf32, #tpu.memory_space<hbm>> -> memref<624x128xf32, #tpu.memory_space<hbm>>
        tpu.wait_dma2 semaphore(%run_scoped3A : memref<!tpu.dma_semaphore, #tpu.memory_space<semaphore_mem>>) src(%dma_wait3A_80 : memref<624x128xf32, #tpu.memory_space<hbm>>) dst(%dma_wait3A_78 : memref<624x128xf32, #tpu.memory_space<vmem_shared>>)
        tpu.yield
      }) : () -> ()
    } else {
    }
    %eq3A = arith.constant 15 : i32
    %eq3A_9 = arith.cmpi eq, %arg1, %eq3A : i32
    %convert_element_type3A_10 = arith.extui %eq3A_9 : i1 to i32
    %cond3A_11 = arith.constant 0 : i32
    %cond3A_12 = arith.cmpi ne, %convert_element_type3A_10, %cond3A_11 : i32
    scf.if %cond3A_12 {
      "tpu.region"() ({
        %run_scoped3A = tpu.sem_alloc : memref<!tpu.dma_semaphore, #tpu.memory_space<semaphore_mem>>
        %dma_start3A_71 = arith.constant 9360 : i32
        %dma_start3A_72 = arith.constant 0 : i32
        %dma_start3A_73 = tpu.memref_slice %arg12[%dma_start3A_71, %dma_start3A_72] : memref<10000x128xf32, #tpu.memory_space<vmem_shared>> -> memref<640x128xf32, #tpu.memory_space<vmem_shared>>
        %dma_start3A_74 = arith.constant 9360 : i32
        %dma_start3A_75 = arith.constant 0 : i32
        %dma_start3A_76 = tpu.memref_slice %arg5[%dma_start3A_74, %dma_start3A_75] : memref<10000x128xf32, #tpu.memory_space<hbm>> -> memref<640x128xf32, #tpu.memory_space<hbm>>
        tpu.enqueue_dma source(%dma_start3A_76 : memref<640x128xf32, #tpu.memory_space<hbm>>) target(%dma_start3A_73 : memref<640x128xf32, #tpu.memory_space<vmem_shared>>) target_semaphore(%run_scoped3A : memref<!tpu.dma_semaphore, #tpu.memory_space<semaphore_mem>>)
        %dma_wait3A_77 = arith.constant 9360 : i32
        %dma_wait3A_78 = arith.constant 0 : i32
        %dma_wait3A_79 = tpu.memref_slice %arg12[%dma_wait3A_77, %dma_wait3A_78] : memref<10000x128xf32, #tpu.memory_space<vmem_shared>> -> memref<640x128xf32, #tpu.memory_space<vmem_shared>>
        %dma_wait3A_80 = arith.constant 9360 : i32
        %dma_wait3A_81 = arith.constant 0 : i32
        %dma_wait3A_82 = tpu.memref_slice %arg5[%dma_wait3A_80, %dma_wait3A_81] : memref<10000x128xf32, #tpu.memory_space<hbm>> -> memref<640x128xf32, #tpu.memory_space<hbm>>
        tpu.wait_dma2 semaphore(%run_scoped3A : memref<!tpu.dma_semaphore, #tpu.memory_space<semaphore_mem>>) src(%dma_wait3A_82 : memref<640x128xf32, #tpu.memory_space<hbm>>) dst(%dma_wait3A_79 : memref<640x128xf32, #tpu.memory_space<vmem_shared>>)
        tpu.yield
      }) : () -> ()
    } else {
    }
    %barrier3A = arith.constant 0 : index
    tpu.barrier barrier_id(%barrier3A)
    %dma_start3A = arith.constant 0 : i32
    %dma_start3A_13 = tpu.memref_slice %arg7[%dma_start3A] : memref<10000xi32, #tpu.memory_space<vmem>> -> memref<80xi32, #tpu.memory_space<vmem>>
    %dma_start3A_14 = arith.constant 0 : i32
    %dma_start3A_15 = arith.constant 0 : i32
    %dma_start3A_16 = tpu.memref_slice %arg2[%dma_start3A_14, %dma_start3A_15] : memref<20000x128xf32, #tpu.memory_space<hbm>> -> memref<20000x128xf32, #tpu.memory_space<hbm>>
    tpu.enqueue_indirect_dma source(%dma_start3A_16 : memref<20000x128xf32, #tpu.memory_space<hbm>>) target(%arg10 : memref<80x128xf32, #tpu.memory_space<vmem>>) offsets(%dma_start3A_13 : memref<80xi32, #tpu.memory_space<vmem>>) semaphore(%arg13 : memref<!tpu.dma_semaphore, #tpu.memory_space<semaphore_mem>>)
    %scan3A_17 = arith.constant 0 : i32
    %scan3A_18 = arith.constant 62 : i32
    %scan3A_19 = arith.addi %scan3A_17, %scan3A_18 : i32
    %scan3A_20 = arith.constant 1 : i32
    scf.for %scan3A_71 = %scan3A_17 to %scan3A_19 step %scan3A_20  : i32 {
      %mul3A_72 = arith.constant 2 : i32
      %mul3A_73 = arith.muli %mul3A_72, %scan3A_71 : i32
      %dma_wait3A_74 = arith.constant 0 : i32
      %dma_wait3A_75 = arith.constant 0 : i32
      %dma_wait3A_76 = tpu.memref_slice %arg2[%dma_wait3A_74, %dma_wait3A_75] : memref<20000x128xf32, #tpu.memory_space<hbm>> -> memref<80x128xf32, #tpu.memory_space<hbm>>
      %dma_wait3A_77 = arith.constant 0 : i32
      %dma_wait3A_78 = arith.constant 0 : i32
      %dma_wait3A_79 = tpu.memref_slice %arg2[%dma_wait3A_77, %dma_wait3A_78] : memref<20000x128xf32, #tpu.memory_space<hbm>> -> memref<80x128xf32, #tpu.memory_space<hbm>>
      tpu.wait_dma2 semaphore(%arg13 : memref<!tpu.dma_semaphore, #tpu.memory_space<semaphore_mem>>) src(%dma_wait3A_79 : memref<80x128xf32, #tpu.memory_space<hbm>>) dst(%arg10 : memref<80x128xf32, #tpu.memory_space<vmem>>)
      %add3A = arith.constant 1 : i32
      %add3A_80 = arith.addi %mul3A_73, %add3A : i32
      %mul3A_81 = arith.constant 80 : i32
      %mul3A_82 = arith.muli %add3A_80, %mul3A_81 : i32
      %dma_start3A_83 = tpu.memref_slice %arg7[%mul3A_82] : memref<10000xi32, #tpu.memory_space<vmem>> -> memref<80xi32, #tpu.memory_space<vmem>>
      %dma_start3A_84 = arith.constant 0 : i32
      %dma_start3A_85 = arith.constant 0 : i32
      %dma_start3A_86 = tpu.memref_slice %arg2[%dma_start3A_84, %dma_start3A_85] : memref<20000x128xf32, #tpu.memory_space<hbm>> -> memref<20000x128xf32, #tpu.memory_space<hbm>>
      tpu.enqueue_indirect_dma source(%dma_start3A_86 : memref<20000x128xf32, #tpu.memory_space<hbm>>) target(%arg11 : memref<80x128xf32, #tpu.memory_space<vmem>>) offsets(%dma_start3A_83 : memref<80xi32, #tpu.memory_space<vmem>>) semaphore(%arg13 : memref<!tpu.dma_semaphore, #tpu.memory_space<semaphore_mem>>)
      %mul3A_87 = arith.constant 80 : i32
      %mul3A_88 = arith.muli %mul3A_73, %mul3A_87 : i32
      %add3A_89 = arith.constant 0 : i32
      %add3A_90 = arith.addi %mul3A_88, %add3A_89 : i32
      %get3A_91 = arith.index_cast %add3A_90 : i32 to index
      %get3A_92 = tpu.vector_load %arg8[%get3A_91] {strides = array<i32>} : memref<10000xi32, #tpu.memory_space<vmem>>, vector<16xi32>,
      %get3A_93 = vector.shape_cast %get3A_92 : vector<16xi32> to vector<16xi32>
      %swap3A_94 = arith.constant 0 : index
      %swap3A_95 = tpu.vector_load %arg9[%swap3A_94] {strides = array<i32>} : memref<80xi32, #tpu.memory_space<vmem>>, vector<16xi32>,
      %swap3A_96 = vector.shape_cast %swap3A_95 : vector<16xi32> to vector<16xi32>
      %swap3A_97 = vector.shape_cast %get3A_93 : vector<16xi32> to vector<16xi32>
      tpu.vector_store %arg9[%swap3A_94], %swap3A_97 {strides = array<i32>} : memref<80xi32, #tpu.memory_space<vmem>>, vector<16xi32>,
      %mul3A_98 = arith.constant 80 : i32
      %mul3A_99 = arith.muli %mul3A_73, %mul3A_98 : i32
      %add3A_100 = arith.constant 16 : i32
      %add3A_101 = arith.addi %mul3A_99, %add3A_100 : i32
      %get3A_102 = arith.index_cast %add3A_101 : i32 to index
      %get3A_103 = tpu.vector_load %arg8[%get3A_102] {strides = array<i32>} : memref<10000xi32, #tpu.memory_space<vmem>>, vector<16xi32>,
      %get3A_104 = vector.shape_cast %get3A_103 : vector<16xi32> to vector<16xi32>
      %swap3A_105 = arith.constant 16 : index
      %swap3A_106 = tpu.vector_load %arg9[%swap3A_105] {strides = array<i32>} : memref<80xi32, #tpu.memory_space<vmem>>, vector<16xi32>,
      %swap3A_107 = vector.shape_cast %swap3A_106 : vector<16xi32> to vector<16xi32>
      %swap3A_108 = vector.shape_cast %get3A_104 : vector<16xi32> to vector<16xi32>
      tpu.vector_store %arg9[%swap3A_105], %swap3A_108 {strides = array<i32>} : memref<80xi32, #tpu.memory_space<vmem>>, vector<16xi32>,
      %mul3A_109 = arith.constant 80 : i32
      %mul3A_110 = arith.muli %mul3A_73, %mul3A_109 : i32
      %add3A_111 = arith.constant 32 : i32
      %add3A_112 = arith.addi %mul3A_110, %add3A_111 : i32
      %get3A_113 = arith.index_cast %add3A_112 : i32 to index
      %get3A_114 = tpu.vector_load %arg8[%get3A_113] {strides = array<i32>} : memref<10000xi32, #tpu.memory_space<vmem>>, vector<16xi32>,
      %get3A_115 = vector.shape_cast %get3A_114 : vector<16xi32> to vector<16xi32>
      %swap3A_116 = arith.constant 32 : index
      %swap3A_117 = tpu.vector_load %arg9[%swap3A_116] {strides = array<i32>} : memref<80xi32, #tpu.memory_space<vmem>>, vector<16xi32>,
      %swap3A_118 = vector.shape_cast %swap3A_117 : vector<16xi32> to vector<16xi32>
      %swap3A_119 = vector.shape_cast %get3A_115 : vector<16xi32> to vector<16xi32>
      tpu.vector_store %arg9[%swap3A_116], %swap3A_119 {strides = array<i32>} : memref<80xi32, #tpu.memory_space<vmem>>, vector<16xi32>,
      %mul3A_120 = arith.constant 80 : i32
      %mul3A_121 = arith.muli %mul3A_73, %mul3A_120 : i32
      %add3A_122 = arith.constant 48 : i32
      %add3A_123 = arith.addi %mul3A_121, %add3A_122 : i32
      %get3A_124 = arith.index_cast %add3A_123 : i32 to index
      %get3A_125 = tpu.vector_load %arg8[%get3A_124] {strides = array<i32>} : memref<10000xi32, #tpu.memory_space<vmem>>, vector<16xi32>,
      %get3A_126 = vector.shape_cast %get3A_125 : vector<16xi32> to vector<16xi32>
      %swap3A_127 = arith.constant 48 : index
      %swap3A_128 = tpu.vector_load %arg9[%swap3A_127] {strides = array<i32>} : memref<80xi32, #tpu.memory_space<vmem>>, vector<16xi32>,
      %swap3A_129 = vector.shape_cast %swap3A_128 : vector<16xi32> to vector<16xi32>
      %swap3A_130 = vector.shape_cast %get3A_126 : vector<16xi32> to vector<16xi32>
      tpu.vector_store %arg9[%swap3A_127], %swap3A_130 {strides = array<i32>} : memref<80xi32, #tpu.memory_space<vmem>>, vector<16xi32>,
      %mul3A_131 = arith.constant 80 : i32
      %mul3A_132 = arith.muli %mul3A_73, %mul3A_131 : i32
      %add3A_133 = arith.constant 64 : i32
      %add3A_134 = arith.addi %mul3A_132, %add3A_133 : i32
      %get3A_135 = arith.index_cast %add3A_134 : i32 to index
      %get3A_136 = tpu.vector_load %arg8[%get3A_135] {strides = array<i32>} : memref<10000xi32, #tpu.memory_space<vmem>>, vector<16xi32>,
      %get3A_137 = vector.shape_cast %get3A_136 : vector<16xi32> to vector<16xi32>
      %swap3A_138 = arith.constant 64 : index
      %swap3A_139 = tpu.vector_load %arg9[%swap3A_138] {strides = array<i32>} : memref<80xi32, #tpu.memory_space<vmem>>, vector<16xi32>,
      %swap3A_140 = vector.shape_cast %swap3A_139 : vector<16xi32> to vector<16xi32>
      %swap3A_141 = vector.shape_cast %get3A_137 : vector<16xi32> to vector<16xi32>
      tpu.vector_store %arg9[%swap3A_138], %swap3A_141 {strides = array<i32>} : memref<80xi32, #tpu.memory_space<vmem>>, vector<16xi32>,
      "tpu.region"() ({
        %run_scoped3A = tpu.sem_alloc : memref<!tpu.dma_semaphore, #tpu.memory_space<semaphore_mem>>
        %dma_start3A_213 = arith.constant 0 : i32
        %dma_start3A_214 = arith.constant 0 : i32
        %dma_start3A_215 = tpu.memref_slice %arg12[%dma_start3A_213, %dma_start3A_214] : memref<10000x128xf32, #tpu.memory_space<vmem_shared>> -> memref<10000x128xf32, #tpu.memory_space<vmem_shared>>
        tpu.enqueue_indirect_dma source(%arg10 : memref<80x128xf32, #tpu.memory_space<vmem>>) target(%dma_start3A_215 : memref<10000x128xf32, #tpu.memory_space<vmem_shared>>) offsets(%arg9 : memref<80xi32, #tpu.memory_space<vmem>>) semaphore(%run_scoped3A : memref<!tpu.dma_semaphore, #tpu.memory_space<semaphore_mem>>) {add = true}
        %dma_wait3A_216 = arith.constant 0 : i32
        %dma_wait3A_217 = arith.constant 0 : i32
        %dma_wait3A_218 = tpu.memref_slice %arg12[%dma_wait3A_216, %dma_wait3A_217] : memref<10000x128xf32, #tpu.memory_space<vmem_shared>> -> memref<10000x128xf32, #tpu.memory_space<vmem_shared>>
        tpu.wait_indirect_dma semaphore(%run_scoped3A : memref<!tpu.dma_semaphore, #tpu.memory_space<semaphore_mem>>) src(%arg10 : memref<80x128xf32, #tpu.memory_space<vmem>>) dst(%dma_wait3A_218 : memref<10000x128xf32, #tpu.memory_space<vmem_shared>>)
        tpu.yield
      }) : () -> ()
      %dma_wait3A_142 = arith.constant 0 : i32
      %dma_wait3A_143 = arith.constant 0 : i32
      %dma_wait3A_144 = tpu.memref_slice %arg2[%dma_wait3A_142, %dma_wait3A_143] : memref<20000x128xf32, #tpu.memory_space<hbm>> -> memref<80x128xf32, #tpu.memory_space<hbm>>
      %dma_wait3A_145 = arith.constant 0 : i32
      %dma_wait3A_146 = arith.constant 0 : i32
      %dma_wait3A_147 = tpu.memref_slice %arg2[%dma_wait3A_145, %dma_wait3A_146] : memref<20000x128xf32, #tpu.memory_space<hbm>> -> memref<80x128xf32, #tpu.memory_space<hbm>>
      tpu.wait_dma2 semaphore(%arg13 : memref<!tpu.dma_semaphore, #tpu.memory_space<semaphore_mem>>) src(%dma_wait3A_147 : memref<80x128xf32, #tpu.memory_space<hbm>>) dst(%arg11 : memref<80x128xf32, #tpu.memory_space<vmem>>)
      %add3A_148 = arith.constant 2 : i32
      %add3A_149 = arith.addi %mul3A_73, %add3A_148 : i32
      %mul3A_150 = arith.constant 80 : i32
      %mul3A_151 = arith.muli %add3A_149, %mul3A_150 : i32
      %dma_start3A_152 = tpu.memref_slice %arg7[%mul3A_151] : memref<10000xi32, #tpu.memory_space<vmem>> -> memref<80xi32, #tpu.memory_space<vmem>>
      %dma_start3A_153 = arith.constant 0 : i32
      %dma_start3A_154 = arith.constant 0 : i32
      %dma_start3A_155 = tpu.memref_slice %arg2[%dma_start3A_153, %dma_start3A_154] : memref<20000x128xf32, #tpu.memory_space<hbm>> -> memref<20000x128xf32, #tpu.memory_space<hbm>>
      tpu.enqueue_indirect_dma source(%dma_start3A_155 : memref<20000x128xf32, #tpu.memory_space<hbm>>) target(%arg10 : memref<80x128xf32, #tpu.memory_space<vmem>>) offsets(%dma_start3A_152 : memref<80xi32, #tpu.memory_space<vmem>>) semaphore(%arg13 : memref<!tpu.dma_semaphore, #tpu.memory_space<semaphore_mem>>)
      %add3A_156 = arith.constant 1 : i32
      %add3A_157 = arith.addi %mul3A_73, %add3A_156 : i32
      %mul3A_158 = arith.constant 80 : i32
      %mul3A_159 = arith.muli %add3A_157, %mul3A_158 : i32
      %add3A_160 = arith.constant 0 : i32
      %add3A_161 = arith.addi %mul3A_159, %add3A_160 : i32
      %get3A_162 = arith.index_cast %add3A_161 : i32 to index
      %get3A_163 = tpu.vector_load %arg8[%get3A_162] {strides = array<i32>} : memref<10000xi32, #tpu.memory_space<vmem>>, vector<16xi32>,
      %get3A_164 = vector.shape_cast %get3A_163 : vector<16xi32> to vector<16xi32>
      %swap3A_165 = arith.constant 0 : index
      %swap3A_166 = tpu.vector_load %arg9[%swap3A_165] {strides = array<i32>} : memref<80xi32, #tpu.memory_space<vmem>>, vector<16xi32>,
      %swap3A_167 = vector.shape_cast %swap3A_166 : vector<16xi32> to vector<16xi32>
      %swap3A_168 = vector.shape_cast %get3A_164 : vector<16xi32> to vector<16xi32>
      tpu.vector_store %arg9[%swap3A_165], %swap3A_168 {strides = array<i32>} : memref<80xi32, #tpu.memory_space<vmem>>, vector<16xi32>,
      %mul3A_169 = arith.constant 80 : i32
      %mul3A_170 = arith.muli %add3A_157, %mul3A_169 : i32
      %add3A_171 = arith.constant 16 : i32
      %add3A_172 = arith.addi %mul3A_170, %add3A_171 : i32
      %get3A_173 = arith.index_cast %add3A_172 : i32 to index
      %get3A_174 = tpu.vector_load %arg8[%get3A_173] {strides = array<i32>} : memref<10000xi32, #tpu.memory_space<vmem>>, vector<16xi32>,
      %get3A_175 = vector.shape_cast %get3A_174 : vector<16xi32> to vector<16xi32>
      %swap3A_176 = arith.constant 16 : index
      %swap3A_177 = tpu.vector_load %arg9[%swap3A_176] {strides = array<i32>} : memref<80xi32, #tpu.memory_space<vmem>>, vector<16xi32>,
      %swap3A_178 = vector.shape_cast %swap3A_177 : vector<16xi32> to vector<16xi32>
      %swap3A_179 = vector.shape_cast %get3A_175 : vector<16xi32> to vector<16xi32>
      tpu.vector_store %arg9[%swap3A_176], %swap3A_179 {strides = array<i32>} : memref<80xi32, #tpu.memory_space<vmem>>, vector<16xi32>,
      %mul3A_180 = arith.constant 80 : i32
      %mul3A_181 = arith.muli %add3A_157, %mul3A_180 : i32
      %add3A_182 = arith.constant 32 : i32
      %add3A_183 = arith.addi %mul3A_181, %add3A_182 : i32
      %get3A_184 = arith.index_cast %add3A_183 : i32 to index
      %get3A_185 = tpu.vector_load %arg8[%get3A_184] {strides = array<i32>} : memref<10000xi32, #tpu.memory_space<vmem>>, vector<16xi32>,
      %get3A_186 = vector.shape_cast %get3A_185 : vector<16xi32> to vector<16xi32>
      %swap3A_187 = arith.constant 32 : index
      %swap3A_188 = tpu.vector_load %arg9[%swap3A_187] {strides = array<i32>} : memref<80xi32, #tpu.memory_space<vmem>>, vector<16xi32>,
      %swap3A_189 = vector.shape_cast %swap3A_188 : vector<16xi32> to vector<16xi32>
      %swap3A_190 = vector.shape_cast %get3A_186 : vector<16xi32> to vector<16xi32>
      tpu.vector_store %arg9[%swap3A_187], %swap3A_190 {strides = array<i32>} : memref<80xi32, #tpu.memory_space<vmem>>, vector<16xi32>,
      %mul3A_191 = arith.constant 80 : i32
      %mul3A_192 = arith.muli %add3A_157, %mul3A_191 : i32
      %add3A_193 = arith.constant 48 : i32
      %add3A_194 = arith.addi %mul3A_192, %add3A_193 : i32
      %get3A_195 = arith.index_cast %add3A_194 : i32 to index
      %get3A_196 = tpu.vector_load %arg8[%get3A_195] {strides = array<i32>} : memref<10000xi32, #tpu.memory_space<vmem>>, vector<16xi32>,
      %get3A_197 = vector.shape_cast %get3A_196 : vector<16xi32> to vector<16xi32>
      %swap3A_198 = arith.constant 48 : index
      %swap3A_199 = tpu.vector_load %arg9[%swap3A_198] {strides = array<i32>} : memref<80xi32, #tpu.memory_space<vmem>>, vector<16xi32>,
      %swap3A_200 = vector.shape_cast %swap3A_199 : vector<16xi32> to vector<16xi32>
      %swap3A_201 = vector.shape_cast %get3A_197 : vector<16xi32> to vector<16xi32>
      tpu.vector_store %arg9[%swap3A_198], %swap3A_201 {strides = array<i32>} : memref<80xi32, #tpu.memory_space<vmem>>, vector<16xi32>,
      %mul3A_202 = arith.constant 80 : i32
      %mul3A_203 = arith.muli %add3A_157, %mul3A_202 : i32
      %add3A_204 = arith.constant 64 : i32
      %add3A_205 = arith.addi %mul3A_203, %add3A_204 : i32
      %get3A_206 = arith.index_cast %add3A_205 : i32 to index
      %get3A_207 = tpu.vector_load %arg8[%get3A_206] {strides = array<i32>} : memref<10000xi32, #tpu.memory_space<vmem>>, vector<16xi32>,
      %get3A_208 = vector.shape_cast %get3A_207 : vector<16xi32> to vector<16xi32>
      %swap3A_209 = arith.constant 64 : index
      %swap3A_210 = tpu.vector_load %arg9[%swap3A_209] {strides = array<i32>} : memref<80xi32, #tpu.memory_space<vmem>>, vector<16xi32>,
      %swap3A_211 = vector.shape_cast %swap3A_210 : vector<16xi32> to vector<16xi32>
      %swap3A_212 = vector.shape_cast %get3A_208 : vector<16xi32> to vector<16xi32>
      tpu.vector_store %arg9[%swap3A_209], %swap3A_212 {strides = array<i32>} : memref<80xi32, #tpu.memory_space<vmem>>, vector<16xi32>,
      "tpu.region"() ({
        %run_scoped3A = tpu.sem_alloc : memref<!tpu.dma_semaphore, #tpu.memory_space<semaphore_mem>>
        %dma_start3A_213 = arith.constant 0 : i32
        %dma_start3A_214 = arith.constant 0 : i32
        %dma_start3A_215 = tpu.memref_slice %arg12[%dma_start3A_213, %dma_start3A_214] : memref<10000x128xf32, #tpu.memory_space<vmem_shared>> -> memref<10000x128xf32, #tpu.memory_space<vmem_shared>>
        tpu.enqueue_indirect_dma source(%arg11 : memref<80x128xf32, #tpu.memory_space<vmem>>) target(%dma_start3A_215 : memref<10000x128xf32, #tpu.memory_space<vmem_shared>>) offsets(%arg9 : memref<80xi32, #tpu.memory_space<vmem>>) semaphore(%run_scoped3A : memref<!tpu.dma_semaphore, #tpu.memory_space<semaphore_mem>>) {add = true}
        %dma_wait3A_216 = arith.constant 0 : i32
        %dma_wait3A_217 = arith.constant 0 : i32
        %dma_wait3A_218 = tpu.memref_slice %arg12[%dma_wait3A_216, %dma_wait3A_217] : memref<10000x128xf32, #tpu.memory_space<vmem_shared>> -> memref<10000x128xf32, #tpu.memory_space<vmem_shared>>
        tpu.wait_indirect_dma semaphore(%run_scoped3A : memref<!tpu.dma_semaphore, #tpu.memory_space<semaphore_mem>>) src(%arg11 : memref<80x128xf32, #tpu.memory_space<vmem>>) dst(%dma_wait3A_218 : memref<10000x128xf32, #tpu.memory_space<vmem_shared>>)
        tpu.yield
      }) : () -> ()
    }
    %scan3A_21 = arith.constant 62 : i32
    %dma_wait3A = arith.constant 0 : i32
    %dma_wait3A_22 = arith.constant 0 : i32
    %dma_wait3A_23 = tpu.memref_slice %arg2[%dma_wait3A, %dma_wait3A_22] : memref<20000x128xf32, #tpu.memory_space<hbm>> -> memref<80x128xf32, #tpu.memory_space<hbm>>
    %dma_wait3A_24 = arith.constant 0 : i32
    %dma_wait3A_25 = arith.constant 0 : i32
    %dma_wait3A_26 = tpu.memref_slice %arg2[%dma_wait3A_24, %dma_wait3A_25] : memref<20000x128xf32, #tpu.memory_space<hbm>> -> memref<80x128xf32, #tpu.memory_space<hbm>>
    tpu.wait_dma2 semaphore(%arg13 : memref<!tpu.dma_semaphore, #tpu.memory_space<semaphore_mem>>) src(%dma_wait3A_26 : memref<80x128xf32, #tpu.memory_space<hbm>>) dst(%arg10 : memref<80x128xf32, #tpu.memory_space<vmem>>)
    %get3A = arith.constant 9920 : index
    %get3A_27 = tpu.vector_load %arg8[%get3A] {strides = array<i32>} : memref<10000xi32, #tpu.memory_space<vmem>>, vector<16xi32>,
    %get3A_28 = vector.shape_cast %get3A_27 : vector<16xi32> to vector<16xi32>
    %swap3A = arith.constant 0 : index
    %swap3A_29 = tpu.vector_load %arg9[%swap3A] {strides = array<i32>} : memref<80xi32, #tpu.memory_space<vmem>>, vector<16xi32>,
    %swap3A_30 = vector.shape_cast %swap3A_29 : vector<16xi32> to vector<16xi32>
    %swap3A_31 = vector.shape_cast %get3A_28 : vector<16xi32> to vector<16xi32>
    tpu.vector_store %arg9[%swap3A], %swap3A_31 {strides = array<i32>} : memref<80xi32, #tpu.memory_space<vmem>>, vector<16xi32>,
    %get3A_32 = arith.constant 9936 : index
    %get3A_33 = tpu.vector_load %arg8[%get3A_32] {strides = array<i32>} : memref<10000xi32, #tpu.memory_space<vmem>>, vector<16xi32>,
    %get3A_34 = vector.shape_cast %get3A_33 : vector<16xi32> to vector<16xi32>
    %swap3A_35 = arith.constant 16 : index
    %swap3A_36 = tpu.vector_load %arg9[%swap3A_35] {strides = array<i32>} : memref<80xi32, #tpu.memory_space<vmem>>, vector<16xi32>,
    %swap3A_37 = vector.shape_cast %swap3A_36 : vector<16xi32> to vector<16xi32>
    %swap3A_38 = vector.shape_cast %get3A_34 : vector<16xi32> to vector<16xi32>
    tpu.vector_store %arg9[%swap3A_35], %swap3A_38 {strides = array<i32>} : memref<80xi32, #tpu.memory_space<vmem>>, vector<16xi32>,
    %get3A_39 = arith.constant 9952 : index
    %get3A_40 = tpu.vector_load %arg8[%get3A_39] {strides = array<i32>} : memref<10000xi32, #tpu.memory_space<vmem>>, vector<16xi32>,
    %get3A_41 = vector.shape_cast %get3A_40 : vector<16xi32> to vector<16xi32>
    %swap3A_42 = arith.constant 32 : index
    %swap3A_43 = tpu.vector_load %arg9[%swap3A_42] {strides = array<i32>} : memref<80xi32, #tpu.memory_space<vmem>>, vector<16xi32>,
    %swap3A_44 = vector.shape_cast %swap3A_43 : vector<16xi32> to vector<16xi32>
    %swap3A_45 = vector.shape_cast %get3A_41 : vector<16xi32> to vector<16xi32>
    tpu.vector_store %arg9[%swap3A_42], %swap3A_45 {strides = array<i32>} : memref<80xi32, #tpu.memory_space<vmem>>, vector<16xi32>,
    %get3A_46 = arith.constant 9968 : index
    %get3A_47 = tpu.vector_load %arg8[%get3A_46] {strides = array<i32>} : memref<10000xi32, #tpu.memory_space<vmem>>, vector<16xi32>,
    %get3A_48 = vector.shape_cast %get3A_47 : vector<16xi32> to vector<16xi32>
    %swap3A_49 = arith.constant 48 : index
    %swap3A_50 = tpu.vector_load %arg9[%swap3A_49] {strides = array<i32>} : memref<80xi32, #tpu.memory_space<vmem>>, vector<16xi32>,
    %swap3A_51 = vector.shape_cast %swap3A_50 : vector<16xi32> to vector<16xi32>
    %swap3A_52 = vector.shape_cast %get3A_48 : vector<16xi32> to vector<16xi32>
    tpu.vector_store %arg9[%swap3A_49], %swap3A_52 {strides = array<i32>} : memref<80xi32, #tpu.memory_space<vmem>>, vector<16xi32>,
    %get3A_53 = arith.constant 9984 : index
    %get3A_54 = tpu.vector_load %arg8[%get3A_53] {strides = array<i32>} : memref<10000xi32, #tpu.memory_space<vmem>>, vector<16xi32>,
    %get3A_55 = vector.shape_cast %get3A_54 : vector<16xi32> to vector<16xi32>
    %swap3A_56 = arith.constant 64 : index
    %swap3A_57 = tpu.vector_load %arg9[%swap3A_56] {strides = array<i32>} : memref<80xi32, #tpu.memory_space<vmem>>, vector<16xi32>,
    %swap3A_58 = vector.shape_cast %swap3A_57 : vector<16xi32> to vector<16xi32>
    %swap3A_59 = vector.shape_cast %get3A_55 : vector<16xi32> to vector<16xi32>
    tpu.vector_store %arg9[%swap3A_56], %swap3A_59 {strides = array<i32>} : memref<80xi32, #tpu.memory_space<vmem>>, vector<16xi32>,
    "tpu.region"() ({
      %run_scoped3A = tpu.sem_alloc : memref<!tpu.dma_semaphore, #tpu.memory_space<semaphore_mem>>
      %dma_start3A_71 = arith.constant 0 : i32
      %dma_start3A_72 = arith.constant 0 : i32
      %dma_start3A_73 = tpu.memref_slice %arg12[%dma_start3A_71, %dma_start3A_72] : memref<10000x128xf32, #tpu.memory_space<vmem_shared>> -> memref<10000x128xf32, #tpu.memory_space<vmem_shared>>
      tpu.enqueue_indirect_dma source(%arg10 : memref<80x128xf32, #tpu.memory_space<vmem>>) target(%dma_start3A_73 : memref<10000x128xf32, #tpu.memory_space<vmem_shared>>) offsets(%arg9 : memref<80xi32, #tpu.memory_space<vmem>>) semaphore(%run_scoped3A : memref<!tpu.dma_semaphore, #tpu.memory_space<semaphore_mem>>) {add = true}
      %dma_wait3A_74 = arith.constant 0 : i32
      %dma_wait3A_75 = arith.constant 0 : i32
      %dma_wait3A_76 = tpu.memref_slice %arg12[%dma_wait3A_74, %dma_wait3A_75] : memref<10000x128xf32, #tpu.memory_space<vmem_shared>> -> memref<10000x128xf32, #tpu.memory_space<vmem_shared>>
      tpu.wait_indirect_dma semaphore(%run_scoped3A : memref<!tpu.dma_semaphore, #tpu.memory_space<semaphore_mem>>) src(%arg10 : memref<80x128xf32, #tpu.memory_space<vmem>>) dst(%dma_wait3A_76 : memref<10000x128xf32, #tpu.memory_space<vmem_shared>>)
      tpu.yield
    }) : () -> ()
    %barrier3A_60 = arith.constant 0 : index
    tpu.barrier barrier_id(%barrier3A_60)
    %lt3A_61 = arith.constant 15 : i32
    %lt3A_62 = arith.cmpi slt, %arg1, %lt3A_61 : i32
    %convert_element_type3A_63 = arith.extui %lt3A_62 : i1 to i32
    %cond3A_64 = arith.constant 0 : i32
    %cond3A_65 = arith.cmpi ne, %convert_element_type3A_63, %cond3A_64 : i32
    scf.if %cond3A_65 {
      %mul3A_71 = arith.constant 624 : i32
      %mul3A_72 = arith.muli %arg1, %mul3A_71 : i32
      %mul3A_73 = arith.constant 10000 : i32
      %mul3A_74 = arith.muli %arg0, %mul3A_73 : i32
      %add3A = arith.addi %mul3A_74, %mul3A_72 : i32
      "tpu.region"() ({
        %run_scoped3A = tpu.sem_alloc : memref<!tpu.dma_semaphore, #tpu.memory_space<semaphore_mem>>
        %dma_start3A_75 = arith.constant 0 : i32
        %dma_start3A_76 = tpu.memref_slice %arg6[%add3A, %dma_start3A_75] : memref<20000x128xf32, #tpu.memory_space<hbm>> -> memref<624x128xf32, #tpu.memory_space<hbm>>
        %dma_start3A_77 = arith.constant 0 : i32
        %dma_start3A_78 = tpu.memref_slice %arg12[%mul3A_72, %dma_start3A_77] : memref<10000x128xf32, #tpu.memory_space<vmem_shared>> -> memref<624x128xf32, #tpu.memory_space<vmem_shared>>
        tpu.enqueue_dma source(%dma_start3A_78 : memref<624x128xf32, #tpu.memory_space<vmem_shared>>) target(%dma_start3A_76 : memref<624x128xf32, #tpu.memory_space<hbm>>) target_semaphore(%run_scoped3A : memref<!tpu.dma_semaphore, #tpu.memory_space<semaphore_mem>>)
        %dma_wait3A_79 = arith.constant 0 : i32
        %dma_wait3A_80 = tpu.memref_slice %arg6[%add3A, %dma_wait3A_79] : memref<20000x128xf32, #tpu.memory_space<hbm>> -> memref<624x128xf32, #tpu.memory_space<hbm>>
        %dma_wait3A_81 = arith.constant 0 : i32
        %dma_wait3A_82 = tpu.memref_slice %arg12[%mul3A_72, %dma_wait3A_81] : memref<10000x128xf32, #tpu.memory_space<vmem_shared>> -> memref<624x128xf32, #tpu.memory_space<vmem_shared>>
        tpu.wait_dma2 semaphore(%run_scoped3A : memref<!tpu.dma_semaphore, #tpu.memory_space<semaphore_mem>>) src(%dma_wait3A_82 : memref<624x128xf32, #tpu.memory_space<vmem_shared>>) dst(%dma_wait3A_80 : memref<624x128xf32, #tpu.memory_space<hbm>>)
        tpu.yield
      }) : () -> ()
    } else {
    }
    %eq3A_66 = arith.constant 15 : i32
    %eq3A_67 = arith.cmpi eq, %arg1, %eq3A_66 : i32
    %convert_element_type3A_68 = arith.extui %eq3A_67 : i1 to i32
    %cond3A_69 = arith.constant 0 : i32
    %cond3A_70 = arith.cmpi ne, %convert_element_type3A_68, %cond3A_69 : i32
    scf.if %cond3A_70 {
      %mul3A_71 = arith.constant 10000 : i32
      %mul3A_72 = arith.muli %arg0, %mul3A_71 : i32
      %add3A = arith.constant 9360 : i32
      %add3A_73 = arith.addi %mul3A_72, %add3A : i32
      "tpu.region"() ({
        %run_scoped3A = tpu.sem_alloc : memref<!tpu.dma_semaphore, #tpu.memory_space<semaphore_mem>>
        %dma_start3A_74 = arith.constant 0 : i32
        %dma_start3A_75 = tpu.memref_slice %arg6[%add3A_73, %dma_start3A_74] : memref<20000x128xf32, #tpu.memory_space<hbm>> -> memref<640x128xf32, #tpu.memory_space<hbm>>
        %dma_start3A_76 = arith.constant 9360 : i32
        %dma_start3A_77 = arith.constant 0 : i32
        %dma_start3A_78 = tpu.memref_slice %arg12[%dma_start3A_76, %dma_start3A_77] : memref<10000x128xf32, #tpu.memory_space<vmem_shared>> -> memref<640x128xf32, #tpu.memory_space<vmem_shared>>
        tpu.enqueue_dma source(%dma_start3A_78 : memref<640x128xf32, #tpu.memory_space<vmem_shared>>) target(%dma_start3A_75 : memref<640x128xf32, #tpu.memory_space<hbm>>) target_semaphore(%run_scoped3A : memref<!tpu.dma_semaphore, #tpu.memory_space<semaphore_mem>>)
        %dma_wait3A_79 = arith.constant 0 : i32
        %dma_wait3A_80 = tpu.memref_slice %arg6[%add3A_73, %dma_wait3A_79] : memref<20000x128xf32, #tpu.memory_space<hbm>> -> memref<640x128xf32, #tpu.memory_space<hbm>>
        %dma_wait3A_81 = arith.constant 9360 : i32
        %dma_wait3A_82 = arith.constant 0 : i32
        %dma_wait3A_83 = tpu.memref_slice %arg12[%dma_wait3A_81, %dma_wait3A_82] : memref<10000x128xf32, #tpu.memory_space<vmem_shared>> -> memref<640x128xf32, #tpu.memory_space<vmem_shared>>
        tpu.wait_dma2 semaphore(%run_scoped3A : memref<!tpu.dma_semaphore, #tpu.memory_space<semaphore_mem>>) src(%dma_wait3A_83 : memref<640x128xf32, #tpu.memory_space<vmem_shared>>) dst(%dma_wait3A_80 : memref<640x128xf32, #tpu.memory_space<hbm>>)
        tpu.yield
      }) : () -> ()
    } else {
    }
    return
  }
}

#map = affine_map<(d0, d1) -> (0, 0)>
#map1 = affine_map<(d0, d1) -> (0)>
module attributes {stable_mosaic.version = 14 : i64} {
  func.func @k(%arg0: i32, %arg1: i32, %arg2: memref<20000x128xf32, #tpu.memory_space<hbm>>, %arg3: memref<160000xi32, #tpu.memory_space<hbm>>, %arg4: memref<160000xi32, #tpu.memory_space<hbm>>, %arg5: memref<10000x128xf32, #tpu.memory_space<hbm>>, %arg6: memref<20000x128xf32, #tpu.memory_space<hbm>>, %arg7: memref<10000xi32, #tpu.memory_space<vmem>>, %arg8: memref<10000xi32, #tpu.memory_space<vmem>>, %arg9: memref<80xi32, #tpu.memory_space<vmem>>, %arg10: memref<80x128xf32, #tpu.memory_space<vmem>>, %arg11: memref<80x128xf32, #tpu.memory_space<vmem>>, %arg12: memref<10000x128xf32, #tpu.memory_space<vmem_shared>>, %arg13: memref<!tpu.dma_semaphore, #tpu.memory_space<semaphore_mem>>) attributes {dimension_semantics = [#tpu.dimension_semantics<core_parallel>, #tpu.dimension_semantics<subcore_parallel>], iteration_bounds = array<i64: 2, 16>, scalar_prefetch = 0 : i64, scratch_operands = 7 : i64, tpu.core_type = #tpu.core_type<sc_vector_subcore>, window_params = [{transform_indices = #map}, {transform_indices = #map1}, {transform_indices = #map1}, {transform_indices = #map}, {transform_indices = #map}]} {
    %mul3A = arith.constant 10000 : i32
    %mul3A_0 = arith.muli %arg1, %mul3A : i32
    "tpu.region"() ({
      %run_scoped3A = tpu.sem_alloc : memref<!tpu.dma_semaphore, #tpu.memory_space<semaphore_mem>>
      %dma_start3A_71 = tpu.memref_slice %arg3[%mul3A_0] : memref<160000xi32, #tpu.memory_space<hbm>> -> memref<10000xi32, #tpu.memory_space<hbm>>
      %dma_start3A_72 = tpu.memref_slice %arg3[%mul3A_0] : memref<160000xi32, #tpu.memory_space<hbm>> -> memref<10000xi32, #tpu.memory_space<hbm>>
      tpu.enqueue_dma source(%dma_start3A_72 : memref<10000xi32, #tpu.memory_space<hbm>>) target(%arg7 : memref<10000xi32, #tpu.memory_space<vmem>>) target_semaphore(%run_scoped3A : memref<!tpu.dma_semaphore, #tpu.memory_space<semaphore_mem>>)
      %dma_wait3A_73 = tpu.memref_slice %arg3[%mul3A_0] : memref<160000xi32, #tpu.memory_space<hbm>> -> memref<10000xi32, #tpu.memory_space<hbm>>
      %dma_wait3A_74 = tpu.memref_slice %arg3[%mul3A_0] : memref<160000xi32, #tpu.memory_space<hbm>> -> memref<10000xi32, #tpu.memory_space<hbm>>
      tpu.wait_dma2 semaphore(%run_scoped3A : memref<!tpu.dma_semaphore, #tpu.memory_space<semaphore_mem>>) src(%dma_wait3A_74 : memref<10000xi32, #tpu.memory_space<hbm>>) dst(%arg7 : memref<10000xi32, #tpu.memory_space<vmem>>)
      tpu.yield
    }) : () -> ()
    "tpu.region"() ({
      %run_scoped3A = tpu.sem_alloc : memref<!tpu.dma_semaphore, #tpu.memory_space<semaphore_mem>>
      %dma_start3A_71 = tpu.memref_slice %arg4[%mul3A_0] : memref<160000xi32, #tpu.memory_space<hbm>> -> memref<10000xi32, #tpu.memory_space<hbm>>
      %dma_start3A_72 = tpu.memref_slice %arg4[%mul3A_0] : memref<160000xi32, #tpu.memory_space<hbm>> -> memref<10000xi32, #tpu.memory_space<hbm>>
      tpu.enqueue_dma source(%dma_start3A_72 : memref<10000xi32, #tpu.memory_space<hbm>>) target(%arg8 : memref<10000xi32, #tpu.memory_space<vmem>>) target_semaphore(%run_scoped3A : memref<!tpu.dma_semaphore, #tpu.memory_space<semaphore_mem>>)
      %dma_wait3A_73 = tpu.memref_slice %arg4[%mul3A_0] : memref<160000xi32, #tpu.memory_space<hbm>> -> memref<10000xi32, #tpu.memory_space<hbm>>
      %dma_wait3A_74 = tpu.memref_slice %arg4[%mul3A_0] : memref<160000xi32, #tpu.memory_space<hbm>> -> memref<10000xi32, #tpu.memory_space<hbm>>
      tpu.wait_dma2 semaphore(%run_scoped3A : memref<!tpu.dma_semaphore, #tpu.memory_space<semaphore_mem>>) src(%dma_wait3A_74 : memref<10000xi32, #tpu.memory_space<hbm>>) dst(%arg8 : memref<10000xi32, #tpu.memory_space<vmem>>)
      tpu.yield
    }) : () -> ()
    %mul3A_1 = arith.constant 10000 : i32
    %mul3A_2 = arith.muli %arg0, %mul3A_1 : i32
    %scan3A = arith.constant 0 : i32
    %scan3A_3 = arith.constant 625 : i32
    %scan3A_4 = arith.addi %scan3A, %scan3A_3 : i32
    %scan3A_5 = arith.constant 1 : i32
    scf.for %scan3A_71 = %scan3A to %scan3A_4 step %scan3A_5  : i32 {
      %mul3A_72 = arith.constant 16 : i32
      %mul3A_73 = arith.muli %scan3A_71, %mul3A_72 : i32
      %get3A_74 = arith.index_cast %mul3A_73 : i32 to index
      %get3A_75 = tpu.vector_load %arg7[%get3A_74] {strides = array<i32>} : memref<10000xi32, #tpu.memory_space<vmem>>, vector<16xi32>,
      %get3A_76 = vector.shape_cast %get3A_75 : vector<16xi32> to vector<16xi32>
      %add3A = vector.broadcast %mul3A_2 : i32 to vector<16xi32>
      %add3A_77 = arith.addi %get3A_76, %add3A : vector<16xi32>
      %swap3A_78 = arith.index_cast %mul3A_73 : i32 to index
      %swap3A_79 = tpu.vector_load %arg7[%swap3A_78] {strides = array<i32>} : memref<10000xi32, #tpu.memory_space<vmem>>, vector<16xi32>,
      %swap3A_80 = vector.shape_cast %swap3A_79 : vector<16xi32> to vector<16xi32>
      %swap3A_81 = vector.shape_cast %add3A_77 : vector<16xi32> to vector<16xi32>
      tpu.vector_store %arg7[%swap3A_78], %swap3A_81 {strides = array<i32>} : memref<10000xi32, #tpu.memory_space<vmem>>, vector<16xi32>,
    }
    %scan3A_6 = arith.constant 625 : i32
    %lt3A = arith.constant 15 : i32
    %lt3A_7 = arith.cmpi slt, %arg1, %lt3A : i32
    %convert_element_type3A = arith.extui %lt3A_7 : i1 to i32
    %cond3A = arith.constant 0 : i32
    %cond3A_8 = arith.cmpi ne, %convert_element_type3A, %cond3A : i32
    scf.if %cond3A_8 {
      %mul3A_71 = arith.constant 624 : i32
      %mul3A_72 = arith.muli %arg1, %mul3A_71 : i32
      "tpu.region"() ({
        %run_scoped3A = tpu.sem_alloc : memref<!tpu.dma_semaphore, #tpu.memory_space<semaphore_mem>>
        %dma_start3A_73 = arith.constant 0 : i32
        %dma_start3A_74 = tpu.memref_slice %arg12[%mul3A_72, %dma_start3A_73] : memref<10000x128xf32, #tpu.memory_space<vmem_shared>> -> memref<624x128xf32, #tpu.memory_space<vmem_shared>>
        %dma_start3A_75 = arith.constant 0 : i32
        %dma_start3A_76 = tpu.memref_slice %arg5[%mul3A_72, %dma_start3A_75] : memref<10000x128xf32, #tpu.memory_space<hbm>> -> memref<624x128xf32, #tpu.memory_space<hbm>>
        tpu.enqueue_dma source(%dma_start3A_76 : memref<624x128xf32, #tpu.memory_space<hbm>>) target(%dma_start3A_74 : memref<624x128xf32, #tpu.memory_space<vmem_shared>>) target_semaphore(%run_scoped3A : memref<!tpu.dma_semaphore, #tpu.memory_space<semaphore_mem>>)
        %dma_wait3A_77 = arith.constant 0 : i32
        %dma_wait3A_78 = tpu.memref_slice %arg12[%mul3A_72, %dma_wait3A_77] : memref<10000x128xf32, #tpu.memory_space<vmem_shared>> -> memref<624x128xf32, #tpu.memory_space<vmem_shared>>
        %dma_wait3A_79 = arith.constant 0 : i32
        %dma_wait3A_80 = tpu.memref_slice %arg5[%mul3A_72, %dma_wait3A_79] : memref<10000x128xf32, #tpu.memory_space<hbm>> -> memref<624x128xf32, #tpu.memory_space<hbm>>
        tpu.wait_dma2 semaphore(%run_scoped3A : memref<!tpu.dma_semaphore, #tpu.memory_space<semaphore_mem>>) src(%dma_wait3A_80 : memref<624x128xf32, #tpu.memory_space<hbm>>) dst(%dma_wait3A_78 : memref<624x128xf32, #tpu.memory_space<vmem_shared>>)
        tpu.yield
      }) : () -> ()
    } else {
    }
    %eq3A = arith.constant 15 : i32
    %eq3A_9 = arith.cmpi eq, %arg1, %eq3A : i32
    %convert_element_type3A_10 = arith.extui %eq3A_9 : i1 to i32
    %cond3A_11 = arith.constant 0 : i32
    %cond3A_12 = arith.cmpi ne, %convert_element_type3A_10, %cond3A_11 : i32
    scf.if %cond3A_12 {
      "tpu.region"() ({
        %run_scoped3A = tpu.sem_alloc : memref<!tpu.dma_semaphore, #tpu.memory_space<semaphore_mem>>
        %dma_start3A_71 = arith.constant 9360 : i32
        %dma_start3A_72 = arith.constant 0 : i32
        %dma_start3A_73 = tpu.memref_slice %arg12[%dma_start3A_71, %dma_start3A_72] : memref<10000x128xf32, #tpu.memory_space<vmem_shared>> -> memref<640x128xf32, #tpu.memory_space<vmem_shared>>
        %dma_start3A_74 = arith.constant 9360 : i32
        %dma_start3A_75 = arith.constant 0 : i32
        %dma_start3A_76 = tpu.memref_slice %arg5[%dma_start3A_74, %dma_start3A_75] : memref<10000x128xf32, #tpu.memory_space<hbm>> -> memref<640x128xf32, #tpu.memory_space<hbm>>
        tpu.enqueue_dma source(%dma_start3A_76 : memref<640x128xf32, #tpu.memory_space<hbm>>) target(%dma_start3A_73 : memref<640x128xf32, #tpu.memory_space<vmem_shared>>) target_semaphore(%run_scoped3A : memref<!tpu.dma_semaphore, #tpu.memory_space<semaphore_mem>>)
        %dma_wait3A_77 = arith.constant 9360 : i32
        %dma_wait3A_78 = arith.constant 0 : i32
        %dma_wait3A_79 = tpu.memref_slice %arg12[%dma_wait3A_77, %dma_wait3A_78] : memref<10000x128xf32, #tpu.memory_space<vmem_shared>> -> memref<640x128xf32, #tpu.memory_space<vmem_shared>>
        %dma_wait3A_80 = arith.constant 9360 : i32
        %dma_wait3A_81 = arith.constant 0 : i32
        %dma_wait3A_82 = tpu.memref_slice %arg5[%dma_wait3A_80, %dma_wait3A_81] : memref<10000x128xf32, #tpu.memory_space<hbm>> -> memref<640x128xf32, #tpu.memory_space<hbm>>
        tpu.wait_dma2 semaphore(%run_scoped3A : memref<!tpu.dma_semaphore, #tpu.memory_space<semaphore_mem>>) src(%dma_wait3A_82 : memref<640x128xf32, #tpu.memory_space<hbm>>) dst(%dma_wait3A_79 : memref<640x128xf32, #tpu.memory_space<vmem_shared>>)
        tpu.yield
      }) : () -> ()
    } else {
    }
    %barrier3A = arith.constant 0 : index
    tpu.barrier barrier_id(%barrier3A)
    %dma_start3A = arith.constant 0 : i32
    %dma_start3A_13 = tpu.memref_slice %arg7[%dma_start3A] : memref<10000xi32, #tpu.memory_space<vmem>> -> memref<80xi32, #tpu.memory_space<vmem>>
    %dma_start3A_14 = arith.constant 0 : i32
    %dma_start3A_15 = arith.constant 0 : i32
    %dma_start3A_16 = tpu.memref_slice %arg2[%dma_start3A_14, %dma_start3A_15] : memref<20000x128xf32, #tpu.memory_space<hbm>> -> memref<20000x128xf32, #tpu.memory_space<hbm>>
    tpu.enqueue_indirect_dma source(%dma_start3A_16 : memref<20000x128xf32, #tpu.memory_space<hbm>>) target(%arg10 : memref<80x128xf32, #tpu.memory_space<vmem>>) offsets(%dma_start3A_13 : memref<80xi32, #tpu.memory_space<vmem>>) semaphore(%arg13 : memref<!tpu.dma_semaphore, #tpu.memory_space<semaphore_mem>>)
    %scan3A_17 = arith.constant 0 : i32
    %scan3A_18 = arith.constant 62 : i32
    %scan3A_19 = arith.addi %scan3A_17, %scan3A_18 : i32
    %scan3A_20 = arith.constant 1 : i32
    scf.for %scan3A_71 = %scan3A_17 to %scan3A_19 step %scan3A_20  : i32 {
      %mul3A_72 = arith.constant 2 : i32
      %mul3A_73 = arith.muli %mul3A_72, %scan3A_71 : i32
      %dma_wait3A_74 = arith.constant 0 : i32
      %dma_wait3A_75 = arith.constant 0 : i32
      %dma_wait3A_76 = tpu.memref_slice %arg2[%dma_wait3A_74, %dma_wait3A_75] : memref<20000x128xf32, #tpu.memory_space<hbm>> -> memref<80x128xf32, #tpu.memory_space<hbm>>
      %dma_wait3A_77 = arith.constant 0 : i32
      %dma_wait3A_78 = arith.constant 0 : i32
      %dma_wait3A_79 = tpu.memref_slice %arg2[%dma_wait3A_77, %dma_wait3A_78] : memref<20000x128xf32, #tpu.memory_space<hbm>> -> memref<80x128xf32, #tpu.memory_space<hbm>>
      tpu.wait_dma2 semaphore(%arg13 : memref<!tpu.dma_semaphore, #tpu.memory_space<semaphore_mem>>) src(%dma_wait3A_79 : memref<80x128xf32, #tpu.memory_space<hbm>>) dst(%arg10 : memref<80x128xf32, #tpu.memory_space<vmem>>)
      %add3A = arith.constant 1 : i32
      %add3A_80 = arith.addi %mul3A_73, %add3A : i32
      %mul3A_81 = arith.constant 80 : i32
      %mul3A_82 = arith.muli %add3A_80, %mul3A_81 : i32
      %dma_start3A_83 = tpu.memref_slice %arg7[%mul3A_82] : memref<10000xi32, #tpu.memory_space<vmem>> -> memref<80xi32, #tpu.memory_space<vmem>>
      %dma_start3A_84 = arith.constant 0 : i32
      %dma_start3A_85 = arith.constant 0 : i32
      %dma_start3A_86 = tpu.memref_slice %arg2[%dma_start3A_84, %dma_start3A_85] : memref<20000x128xf32, #tpu.memory_space<hbm>> -> memref<20000x128xf32, #tpu.memory_space<hbm>>
      tpu.enqueue_indirect_dma source(%dma_start3A_86 : memref<20000x128xf32, #tpu.memory_space<hbm>>) target(%arg11 : memref<80x128xf32, #tpu.memory_space<vmem>>) offsets(%dma_start3A_83 : memref<80xi32, #tpu.memory_space<vmem>>) semaphore(%arg13 : memref<!tpu.dma_semaphore, #tpu.memory_space<semaphore_mem>>)
      %mul3A_87 = arith.constant 80 : i32
      %mul3A_88 = arith.muli %mul3A_73, %mul3A_87 : i32
      %add3A_89 = arith.constant 0 : i32
      %add3A_90 = arith.addi %mul3A_88, %add3A_89 : i32
      %get3A_91 = arith.index_cast %add3A_90 : i32 to index
      %get3A_92 = tpu.vector_load %arg8[%get3A_91] {strides = array<i32>} : memref<10000xi32, #tpu.memory_space<vmem>>, vector<16xi32>,
      %get3A_93 = vector.shape_cast %get3A_92 : vector<16xi32> to vector<16xi32>
      %swap3A_94 = arith.constant 0 : index
      %swap3A_95 = tpu.vector_load %arg9[%swap3A_94] {strides = array<i32>} : memref<80xi32, #tpu.memory_space<vmem>>, vector<16xi32>,
      %swap3A_96 = vector.shape_cast %swap3A_95 : vector<16xi32> to vector<16xi32>
      %swap3A_97 = vector.shape_cast %get3A_93 : vector<16xi32> to vector<16xi32>
      tpu.vector_store %arg9[%swap3A_94], %swap3A_97 {strides = array<i32>} : memref<80xi32, #tpu.memory_space<vmem>>, vector<16xi32>,
      %mul3A_98 = arith.constant 80 : i32
      %mul3A_99 = arith.muli %mul3A_73, %mul3A_98 : i32
      %add3A_100 = arith.constant 16 : i32
      %add3A_101 = arith.addi %mul3A_99, %add3A_100 : i32
      %get3A_102 = arith.index_cast %add3A_101 : i32 to index
      %get3A_103 = tpu.vector_load %arg8[%get3A_102] {strides = array<i32>} : memref<10000xi32, #tpu.memory_space<vmem>>, vector<16xi32>,
      %get3A_104 = vector.shape_cast %get3A_103 : vector<16xi32> to vector<16xi32>
      %swap3A_105 = arith.constant 16 : index
      %swap3A_106 = tpu.vector_load %arg9[%swap3A_105] {strides = array<i32>} : memref<80xi32, #tpu.memory_space<vmem>>, vector<16xi32>,
      %swap3A_107 = vector.shape_cast %swap3A_106 : vector<16xi32> to vector<16xi32>
      %swap3A_108 = vector.shape_cast %get3A_104 : vector<16xi32> to vector<16xi32>
      tpu.vector_store %arg9[%swap3A_105], %swap3A_108 {strides = array<i32>} : memref<80xi32, #tpu.memory_space<vmem>>, vector<16xi32>,
      %mul3A_109 = arith.constant 80 : i32
      %mul3A_110 = arith.muli %mul3A_73, %mul3A_109 : i32
      %add3A_111 = arith.constant 32 : i32
      %add3A_112 = arith.addi %mul3A_110, %add3A_111 : i32
      %get3A_113 = arith.index_cast %add3A_112 : i32 to index
      %get3A_114 = tpu.vector_load %arg8[%get3A_113] {strides = array<i32>} : memref<10000xi32, #tpu.memory_space<vmem>>, vector<16xi32>,
      %get3A_115 = vector.shape_cast %get3A_114 : vector<16xi32> to vector<16xi32>
      %swap3A_116 = arith.constant 32 : index
      %swap3A_117 = tpu.vector_load %arg9[%swap3A_116] {strides = array<i32>} : memref<80xi32, #tpu.memory_space<vmem>>, vector<16xi32>,
      %swap3A_118 = vector.shape_cast %swap3A_117 : vector<16xi32> to vector<16xi32>
      %swap3A_119 = vector.shape_cast %get3A_115 : vector<16xi32> to vector<16xi32>
      tpu.vector_store %arg9[%swap3A_116], %swap3A_119 {strides = array<i32>} : memref<80xi32, #tpu.memory_space<vmem>>, vector<16xi32>,
      %mul3A_120 = arith.constant 80 : i32
      %mul3A_121 = arith.muli %mul3A_73, %mul3A_120 : i32
      %add3A_122 = arith.constant 48 : i32
      %add3A_123 = arith.addi %mul3A_121, %add3A_122 : i32
      %get3A_124 = arith.index_cast %add3A_123 : i32 to index
      %get3A_125 = tpu.vector_load %arg8[%get3A_124] {strides = array<i32>} : memref<10000xi32, #tpu.memory_space<vmem>>, vector<16xi32>,
      %get3A_126 = vector.shape_cast %get3A_125 : vector<16xi32> to vector<16xi32>
      %swap3A_127 = arith.constant 48 : index
      %swap3A_128 = tpu.vector_load %arg9[%swap3A_127] {strides = array<i32>} : memref<80xi32, #tpu.memory_space<vmem>>, vector<16xi32>,
      %swap3A_129 = vector.shape_cast %swap3A_128 : vector<16xi32> to vector<16xi32>
      %swap3A_130 = vector.shape_cast %get3A_126 : vector<16xi32> to vector<16xi32>
      tpu.vector_store %arg9[%swap3A_127], %swap3A_130 {strides = array<i32>} : memref<80xi32, #tpu.memory_space<vmem>>, vector<16xi32>,
      %mul3A_131 = arith.constant 80 : i32
      %mul3A_132 = arith.muli %mul3A_73, %mul3A_131 : i32
      %add3A_133 = arith.constant 64 : i32
      %add3A_134 = arith.addi %mul3A_132, %add3A_133 : i32
      %get3A_135 = arith.index_cast %add3A_134 : i32 to index
      %get3A_136 = tpu.vector_load %arg8[%get3A_135] {strides = array<i32>} : memref<10000xi32, #tpu.memory_space<vmem>>, vector<16xi32>,
      %get3A_137 = vector.shape_cast %get3A_136 : vector<16xi32> to vector<16xi32>
      %swap3A_138 = arith.constant 64 : index
      %swap3A_139 = tpu.vector_load %arg9[%swap3A_138] {strides = array<i32>} : memref<80xi32, #tpu.memory_space<vmem>>, vector<16xi32>,
      %swap3A_140 = vector.shape_cast %swap3A_139 : vector<16xi32> to vector<16xi32>
      %swap3A_141 = vector.shape_cast %get3A_137 : vector<16xi32> to vector<16xi32>
      tpu.vector_store %arg9[%swap3A_138], %swap3A_141 {strides = array<i32>} : memref<80xi32, #tpu.memory_space<vmem>>, vector<16xi32>,
      "tpu.region"() ({
        %run_scoped3A = tpu.sem_alloc : memref<!tpu.dma_semaphore, #tpu.memory_space<semaphore_mem>>
        %dma_start3A_213 = arith.constant 0 : i32
        %dma_start3A_214 = arith.constant 0 : i32
        %dma_start3A_215 = tpu.memref_slice %arg12[%dma_start3A_213, %dma_start3A_214] : memref<10000x128xf32, #tpu.memory_space<vmem_shared>> -> memref<10000x128xf32, #tpu.memory_space<vmem_shared>>
        tpu.enqueue_indirect_dma source(%arg10 : memref<80x128xf32, #tpu.memory_space<vmem>>) target(%dma_start3A_215 : memref<10000x128xf32, #tpu.memory_space<vmem_shared>>) offsets(%arg9 : memref<80xi32, #tpu.memory_space<vmem>>) semaphore(%run_scoped3A : memref<!tpu.dma_semaphore, #tpu.memory_space<semaphore_mem>>) {add = true}
        %dma_wait3A_216 = arith.constant 0 : i32
        %dma_wait3A_217 = arith.constant 0 : i32
        %dma_wait3A_218 = tpu.memref_slice %arg12[%dma_wait3A_216, %dma_wait3A_217] : memref<10000x128xf32, #tpu.memory_space<vmem_shared>> -> memref<10000x128xf32, #tpu.memory_space<vmem_shared>>
        tpu.wait_indirect_dma semaphore(%run_scoped3A : memref<!tpu.dma_semaphore, #tpu.memory_space<semaphore_mem>>) src(%arg10 : memref<80x128xf32, #tpu.memory_space<vmem>>) dst(%dma_wait3A_218 : memref<10000x128xf32, #tpu.memory_space<vmem_shared>>)
        tpu.yield
      }) : () -> ()
      %dma_wait3A_142 = arith.constant 0 : i32
      %dma_wait3A_143 = arith.constant 0 : i32
      %dma_wait3A_144 = tpu.memref_slice %arg2[%dma_wait3A_142, %dma_wait3A_143] : memref<20000x128xf32, #tpu.memory_space<hbm>> -> memref<80x128xf32, #tpu.memory_space<hbm>>
      %dma_wait3A_145 = arith.constant 0 : i32
      %dma_wait3A_146 = arith.constant 0 : i32
      %dma_wait3A_147 = tpu.memref_slice %arg2[%dma_wait3A_145, %dma_wait3A_146] : memref<20000x128xf32, #tpu.memory_space<hbm>> -> memref<80x128xf32, #tpu.memory_space<hbm>>
      tpu.wait_dma2 semaphore(%arg13 : memref<!tpu.dma_semaphore, #tpu.memory_space<semaphore_mem>>) src(%dma_wait3A_147 : memref<80x128xf32, #tpu.memory_space<hbm>>) dst(%arg11 : memref<80x128xf32, #tpu.memory_space<vmem>>)
      %add3A_148 = arith.constant 2 : i32
      %add3A_149 = arith.addi %mul3A_73, %add3A_148 : i32
      %mul3A_150 = arith.constant 80 : i32
      %mul3A_151 = arith.muli %add3A_149, %mul3A_150 : i32
      %dma_start3A_152 = tpu.memref_slice %arg7[%mul3A_151] : memref<10000xi32, #tpu.memory_space<vmem>> -> memref<80xi32, #tpu.memory_space<vmem>>
      %dma_start3A_153 = arith.constant 0 : i32
      %dma_start3A_154 = arith.constant 0 : i32
      %dma_start3A_155 = tpu.memref_slice %arg2[%dma_start3A_153, %dma_start3A_154] : memref<20000x128xf32, #tpu.memory_space<hbm>> -> memref<20000x128xf32, #tpu.memory_space<hbm>>
      tpu.enqueue_indirect_dma source(%dma_start3A_155 : memref<20000x128xf32, #tpu.memory_space<hbm>>) target(%arg10 : memref<80x128xf32, #tpu.memory_space<vmem>>) offsets(%dma_start3A_152 : memref<80xi32, #tpu.memory_space<vmem>>) semaphore(%arg13 : memref<!tpu.dma_semaphore, #tpu.memory_space<semaphore_mem>>)
      %add3A_156 = arith.constant 1 : i32
      %add3A_157 = arith.addi %mul3A_73, %add3A_156 : i32
      %mul3A_158 = arith.constant 80 : i32
      %mul3A_159 = arith.muli %add3A_157, %mul3A_158 : i32
      %add3A_160 = arith.constant 0 : i32
      %add3A_161 = arith.addi %mul3A_159, %add3A_160 : i32
      %get3A_162 = arith.index_cast %add3A_161 : i32 to index
      %get3A_163 = tpu.vector_load %arg8[%get3A_162] {strides = array<i32>} : memref<10000xi32, #tpu.memory_space<vmem>>, vector<16xi32>,
      %get3A_164 = vector.shape_cast %get3A_163 : vector<16xi32> to vector<16xi32>
      %swap3A_165 = arith.constant 0 : index
      %swap3A_166 = tpu.vector_load %arg9[%swap3A_165] {strides = array<i32>} : memref<80xi32, #tpu.memory_space<vmem>>, vector<16xi32>,
      %swap3A_167 = vector.shape_cast %swap3A_166 : vector<16xi32> to vector<16xi32>
      %swap3A_168 = vector.shape_cast %get3A_164 : vector<16xi32> to vector<16xi32>
      tpu.vector_store %arg9[%swap3A_165], %swap3A_168 {strides = array<i32>} : memref<80xi32, #tpu.memory_space<vmem>>, vector<16xi32>,
      %mul3A_169 = arith.constant 80 : i32
      %mul3A_170 = arith.muli %add3A_157, %mul3A_169 : i32
      %add3A_171 = arith.constant 16 : i32
      %add3A_172 = arith.addi %mul3A_170, %add3A_171 : i32
      %get3A_173 = arith.index_cast %add3A_172 : i32 to index
      %get3A_174 = tpu.vector_load %arg8[%get3A_173] {strides = array<i32>} : memref<10000xi32, #tpu.memory_space<vmem>>, vector<16xi32>,
      %get3A_175 = vector.shape_cast %get3A_174 : vector<16xi32> to vector<16xi32>
      %swap3A_176 = arith.constant 16 : index
      %swap3A_177 = tpu.vector_load %arg9[%swap3A_176] {strides = array<i32>} : memref<80xi32, #tpu.memory_space<vmem>>, vector<16xi32>,
      %swap3A_178 = vector.shape_cast %swap3A_177 : vector<16xi32> to vector<16xi32>
      %swap3A_179 = vector.shape_cast %get3A_175 : vector<16xi32> to vector<16xi32>
      tpu.vector_store %arg9[%swap3A_176], %swap3A_179 {strides = array<i32>} : memref<80xi32, #tpu.memory_space<vmem>>, vector<16xi32>,
      %mul3A_180 = arith.constant 80 : i32
      %mul3A_181 = arith.muli %add3A_157, %mul3A_180 : i32
      %add3A_182 = arith.constant 32 : i32
      %add3A_183 = arith.addi %mul3A_181, %add3A_182 : i32
      %get3A_184 = arith.index_cast %add3A_183 : i32 to index
      %get3A_185 = tpu.vector_load %arg8[%get3A_184] {strides = array<i32>} : memref<10000xi32, #tpu.memory_space<vmem>>, vector<16xi32>,
      %get3A_186 = vector.shape_cast %get3A_185 : vector<16xi32> to vector<16xi32>
      %swap3A_187 = arith.constant 32 : index
      %swap3A_188 = tpu.vector_load %arg9[%swap3A_187] {strides = array<i32>} : memref<80xi32, #tpu.memory_space<vmem>>, vector<16xi32>,
      %swap3A_189 = vector.shape_cast %swap3A_188 : vector<16xi32> to vector<16xi32>
      %swap3A_190 = vector.shape_cast %get3A_186 : vector<16xi32> to vector<16xi32>
      tpu.vector_store %arg9[%swap3A_187], %swap3A_190 {strides = array<i32>} : memref<80xi32, #tpu.memory_space<vmem>>, vector<16xi32>,
      %mul3A_191 = arith.constant 80 : i32
      %mul3A_192 = arith.muli %add3A_157, %mul3A_191 : i32
      %add3A_193 = arith.constant 48 : i32
      %add3A_194 = arith.addi %mul3A_192, %add3A_193 : i32
      %get3A_195 = arith.index_cast %add3A_194 : i32 to index
      %get3A_196 = tpu.vector_load %arg8[%get3A_195] {strides = array<i32>} : memref<10000xi32, #tpu.memory_space<vmem>>, vector<16xi32>,
      %get3A_197 = vector.shape_cast %get3A_196 : vector<16xi32> to vector<16xi32>
      %swap3A_198 = arith.constant 48 : index
      %swap3A_199 = tpu.vector_load %arg9[%swap3A_198] {strides = array<i32>} : memref<80xi32, #tpu.memory_space<vmem>>, vector<16xi32>,
      %swap3A_200 = vector.shape_cast %swap3A_199 : vector<16xi32> to vector<16xi32>
      %swap3A_201 = vector.shape_cast %get3A_197 : vector<16xi32> to vector<16xi32>
      tpu.vector_store %arg9[%swap3A_198], %swap3A_201 {strides = array<i32>} : memref<80xi32, #tpu.memory_space<vmem>>, vector<16xi32>,
      %mul3A_202 = arith.constant 80 : i32
      %mul3A_203 = arith.muli %add3A_157, %mul3A_202 : i32
      %add3A_204 = arith.constant 64 : i32
      %add3A_205 = arith.addi %mul3A_203, %add3A_204 : i32
      %get3A_206 = arith.index_cast %add3A_205 : i32 to index
      %get3A_207 = tpu.vector_load %arg8[%get3A_206] {strides = array<i32>} : memref<10000xi32, #tpu.memory_space<vmem>>, vector<16xi32>,
      %get3A_208 = vector.shape_cast %get3A_207 : vector<16xi32> to vector<16xi32>
      %swap3A_209 = arith.constant 64 : index
      %swap3A_210 = tpu.vector_load %arg9[%swap3A_209] {strides = array<i32>} : memref<80xi32, #tpu.memory_space<vmem>>, vector<16xi32>,
      %swap3A_211 = vector.shape_cast %swap3A_210 : vector<16xi32> to vector<16xi32>
      %swap3A_212 = vector.shape_cast %get3A_208 : vector<16xi32> to vector<16xi32>
      tpu.vector_store %arg9[%swap3A_209], %swap3A_212 {strides = array<i32>} : memref<80xi32, #tpu.memory_space<vmem>>, vector<16xi32>,
      "tpu.region"() ({
        %run_scoped3A = tpu.sem_alloc : memref<!tpu.dma_semaphore, #tpu.memory_space<semaphore_mem>>
        %dma_start3A_213 = arith.constant 0 : i32
        %dma_start3A_214 = arith.constant 0 : i32
        %dma_start3A_215 = tpu.memref_slice %arg12[%dma_start3A_213, %dma_start3A_214] : memref<10000x128xf32, #tpu.memory_space<vmem_shared>> -> memref<10000x128xf32, #tpu.memory_space<vmem_shared>>
        tpu.enqueue_indirect_dma source(%arg11 : memref<80x128xf32, #tpu.memory_space<vmem>>) target(%dma_start3A_215 : memref<10000x128xf32, #tpu.memory_space<vmem_shared>>) offsets(%arg9 : memref<80xi32, #tpu.memory_space<vmem>>) semaphore(%run_scoped3A : memref<!tpu.dma_semaphore, #tpu.memory_space<semaphore_mem>>) {add = true}
        %dma_wait3A_216 = arith.constant 0 : i32
        %dma_wait3A_217 = arith.constant 0 : i32
        %dma_wait3A_218 = tpu.memref_slice %arg12[%dma_wait3A_216, %dma_wait3A_217] : memref<10000x128xf32, #tpu.memory_space<vmem_shared>> -> memref<10000x128xf32, #tpu.memory_space<vmem_shared>>
        tpu.wait_indirect_dma semaphore(%run_scoped3A : memref<!tpu.dma_semaphore, #tpu.memory_space<semaphore_mem>>) src(%arg11 : memref<80x128xf32, #tpu.memory_space<vmem>>) dst(%dma_wait3A_218 : memref<10000x128xf32, #tpu.memory_space<vmem_shared>>)
        tpu.yield
      }) : () -> ()
    }
    %scan3A_21 = arith.constant 62 : i32
    %dma_wait3A = arith.constant 0 : i32
    %dma_wait3A_22 = arith.constant 0 : i32
    %dma_wait3A_23 = tpu.memref_slice %arg2[%dma_wait3A, %dma_wait3A_22] : memref<20000x128xf32, #tpu.memory_space<hbm>> -> memref<80x128xf32, #tpu.memory_space<hbm>>
    %dma_wait3A_24 = arith.constant 0 : i32
    %dma_wait3A_25 = arith.constant 0 : i32
    %dma_wait3A_26 = tpu.memref_slice %arg2[%dma_wait3A_24, %dma_wait3A_25] : memref<20000x128xf32, #tpu.memory_space<hbm>> -> memref<80x128xf32, #tpu.memory_space<hbm>>
    tpu.wait_dma2 semaphore(%arg13 : memref<!tpu.dma_semaphore, #tpu.memory_space<semaphore_mem>>) src(%dma_wait3A_26 : memref<80x128xf32, #tpu.memory_space<hbm>>) dst(%arg10 : memref<80x128xf32, #tpu.memory_space<vmem>>)
    %get3A = arith.constant 9920 : index
    %get3A_27 = tpu.vector_load %arg8[%get3A] {strides = array<i32>} : memref<10000xi32, #tpu.memory_space<vmem>>, vector<16xi32>,
    %get3A_28 = vector.shape_cast %get3A_27 : vector<16xi32> to vector<16xi32>
    %swap3A = arith.constant 0 : index
    %swap3A_29 = tpu.vector_load %arg9[%swap3A] {strides = array<i32>} : memref<80xi32, #tpu.memory_space<vmem>>, vector<16xi32>,
    %swap3A_30 = vector.shape_cast %swap3A_29 : vector<16xi32> to vector<16xi32>
    %swap3A_31 = vector.shape_cast %get3A_28 : vector<16xi32> to vector<16xi32>
    tpu.vector_store %arg9[%swap3A], %swap3A_31 {strides = array<i32>} : memref<80xi32, #tpu.memory_space<vmem>>, vector<16xi32>,
    %get3A_32 = arith.constant 9936 : index
    %get3A_33 = tpu.vector_load %arg8[%get3A_32] {strides = array<i32>} : memref<10000xi32, #tpu.memory_space<vmem>>, vector<16xi32>,
    %get3A_34 = vector.shape_cast %get3A_33 : vector<16xi32> to vector<16xi32>
    %swap3A_35 = arith.constant 16 : index
    %swap3A_36 = tpu.vector_load %arg9[%swap3A_35] {strides = array<i32>} : memref<80xi32, #tpu.memory_space<vmem>>, vector<16xi32>,
    %swap3A_37 = vector.shape_cast %swap3A_36 : vector<16xi32> to vector<16xi32>
    %swap3A_38 = vector.shape_cast %get3A_34 : vector<16xi32> to vector<16xi32>
    tpu.vector_store %arg9[%swap3A_35], %swap3A_38 {strides = array<i32>} : memref<80xi32, #tpu.memory_space<vmem>>, vector<16xi32>,
    %get3A_39 = arith.constant 9952 : index
    %get3A_40 = tpu.vector_load %arg8[%get3A_39] {strides = array<i32>} : memref<10000xi32, #tpu.memory_space<vmem>>, vector<16xi32>,
    %get3A_41 = vector.shape_cast %get3A_40 : vector<16xi32> to vector<16xi32>
    %swap3A_42 = arith.constant 32 : index
    %swap3A_43 = tpu.vector_load %arg9[%swap3A_42] {strides = array<i32>} : memref<80xi32, #tpu.memory_space<vmem>>, vector<16xi32>,
    %swap3A_44 = vector.shape_cast %swap3A_43 : vector<16xi32> to vector<16xi32>
    %swap3A_45 = vector.shape_cast %get3A_41 : vector<16xi32> to vector<16xi32>
    tpu.vector_store %arg9[%swap3A_42], %swap3A_45 {strides = array<i32>} : memref<80xi32, #tpu.memory_space<vmem>>, vector<16xi32>,
    %get3A_46 = arith.constant 9968 : index
    %get3A_47 = tpu.vector_load %arg8[%get3A_46] {strides = array<i32>} : memref<10000xi32, #tpu.memory_space<vmem>>, vector<16xi32>,
    %get3A_48 = vector.shape_cast %get3A_47 : vector<16xi32> to vector<16xi32>
    %swap3A_49 = arith.constant 48 : index
    %swap3A_50 = tpu.vector_load %arg9[%swap3A_49] {strides = array<i32>} : memref<80xi32, #tpu.memory_space<vmem>>, vector<16xi32>,
    %swap3A_51 = vector.shape_cast %swap3A_50 : vector<16xi32> to vector<16xi32>
    %swap3A_52 = vector.shape_cast %get3A_48 : vector<16xi32> to vector<16xi32>
    tpu.vector_store %arg9[%swap3A_49], %swap3A_52 {strides = array<i32>} : memref<80xi32, #tpu.memory_space<vmem>>, vector<16xi32>,
    %get3A_53 = arith.constant 9984 : index
    %get3A_54 = tpu.vector_load %arg8[%get3A_53] {strides = array<i32>} : memref<10000xi32, #tpu.memory_space<vmem>>, vector<16xi32>,
    %get3A_55 = vector.shape_cast %get3A_54 : vector<16xi32> to vector<16xi32>
    %swap3A_56 = arith.constant 64 : index
    %swap3A_57 = tpu.vector_load %arg9[%swap3A_56] {strides = array<i32>} : memref<80xi32, #tpu.memory_space<vmem>>, vector<16xi32>,
    %swap3A_58 = vector.shape_cast %swap3A_57 : vector<16xi32> to vector<16xi32>
    %swap3A_59 = vector.shape_cast %get3A_55 : vector<16xi32> to vector<16xi32>
    tpu.vector_store %arg9[%swap3A_56], %swap3A_59 {strides = array<i32>} : memref<80xi32, #tpu.memory_space<vmem>>, vector<16xi32>,
    "tpu.region"() ({
      %run_scoped3A = tpu.sem_alloc : memref<!tpu.dma_semaphore, #tpu.memory_space<semaphore_mem>>
      %dma_start3A_71 = arith.constant 0 : i32
      %dma_start3A_72 = arith.constant 0 : i32
      %dma_start3A_73 = tpu.memref_slice %arg12[%dma_start3A_71, %dma_start3A_72] : memref<10000x128xf32, #tpu.memory_space<vmem_shared>> -> memref<10000x128xf32, #tpu.memory_space<vmem_shared>>
      tpu.enqueue_indirect_dma source(%arg10 : memref<80x128xf32, #tpu.memory_space<vmem>>) target(%dma_start3A_73 : memref<10000x128xf32, #tpu.memory_space<vmem_shared>>) offsets(%arg9 : memref<80xi32, #tpu.memory_space<vmem>>) semaphore(%run_scoped3A : memref<!tpu.dma_semaphore, #tpu.memory_space<semaphore_mem>>) {add = true}
      %dma_wait3A_74 = arith.constant 0 : i32
      %dma_wait3A_75 = arith.constant 0 : i32
      %dma_wait3A_76 = tpu.memref_slice %arg12[%dma_wait3A_74, %dma_wait3A_75] : memref<10000x128xf32, #tpu.memory_space<vmem_shared>> -> memref<10000x128xf32, #tpu.memory_space<vmem_shared>>
      tpu.wait_indirect_dma semaphore(%run_scoped3A : memref<!tpu.dma_semaphore, #tpu.memory_space<semaphore_mem>>) src(%arg10 : memref<80x128xf32, #tpu.memory_space<vmem>>) dst(%dma_wait3A_76 : memref<10000x128xf32, #tpu.memory_space<vmem_shared>>)
      tpu.yield
    }) : () -> ()
    %barrier3A_60 = arith.constant 0 : index
    tpu.barrier barrier_id(%barrier3A_60)
    %lt3A_61 = arith.constant 15 : i32
    %lt3A_62 = arith.cmpi slt, %arg1, %lt3A_61 : i32
    %convert_element_type3A_63 = arith.extui %lt3A_62 : i1 to i32
    %cond3A_64 = arith.constant 0 : i32
    %cond3A_65 = arith.cmpi ne, %convert_element_type3A_63, %cond3A_64 : i32
    scf.if %cond3A_65 {
      %mul3A_71 = arith.constant 624 : i32
      %mul3A_72 = arith.muli %arg1, %mul3A_71 : i32
      %mul3A_73 = arith.constant 10000 : i32
      %mul3A_74 = arith.muli %arg0, %mul3A_73 : i32
      %add3A = arith.addi %mul3A_74, %mul3A_72 : i32
      "tpu.region"() ({
        %run_scoped3A = tpu.sem_alloc : memref<!tpu.dma_semaphore, #tpu.memory_space<semaphore_mem>>
        %dma_start3A_75 = arith.constant 0 : i32
        %dma_start3A_76 = tpu.memref_slice %arg6[%add3A, %dma_start3A_75] : memref<20000x128xf32, #tpu.memory_space<hbm>> -> memref<624x128xf32, #tpu.memory_space<hbm>>
        %dma_start3A_77 = arith.constant 0 : i32
        %dma_start3A_78 = tpu.memref_slice %arg12[%mul3A_72, %dma_start3A_77] : memref<10000x128xf32, #tpu.memory_space<vmem_shared>> -> memref<624x128xf32, #tpu.memory_space<vmem_shared>>
        tpu.enqueue_dma source(%dma_start3A_78 : memref<624x128xf32, #tpu.memory_space<vmem_shared>>) target(%dma_start3A_76 : memref<624x128xf32, #tpu.memory_space<hbm>>) target_semaphore(%run_scoped3A : memref<!tpu.dma_semaphore, #tpu.memory_space<semaphore_mem>>)
        %dma_wait3A_79 = arith.constant 0 : i32
        %dma_wait3A_80 = tpu.memref_slice %arg6[%add3A, %dma_wait3A_79] : memref<20000x128xf32, #tpu.memory_space<hbm>> -> memref<624x128xf32, #tpu.memory_space<hbm>>
        %dma_wait3A_81 = arith.constant 0 : i32
        %dma_wait3A_82 = tpu.memref_slice %arg12[%mul3A_72, %dma_wait3A_81] : memref<10000x128xf32, #tpu.memory_space<vmem_shared>> -> memref<624x128xf32, #tpu.memory_space<vmem_shared>>
        tpu.wait_dma2 semaphore(%run_scoped3A : memref<!tpu.dma_semaphore, #tpu.memory_space<semaphore_mem>>) src(%dma_wait3A_82 : memref<624x128xf32, #tpu.memory_space<vmem_shared>>) dst(%dma_wait3A_80 : memref<624x128xf32, #tpu.memory_space<hbm>>)
        tpu.yield
      }) : () -> ()
    } else {
    }
    %eq3A_66 = arith.constant 15 : i32
    %eq3A_67 = arith.cmpi eq, %arg1, %eq3A_66 : i32
    %convert_element_type3A_68 = arith.extui %eq3A_67 : i1 to i32
    %cond3A_69 = arith.constant 0 : i32
    %cond3A_70 = arith.cmpi ne, %convert_element_type3A_68, %cond3A_69 : i32
    scf.if %cond3A_70 {
      %mul3A_71 = arith.constant 10000 : i32
      %mul3A_72 = arith.muli %arg0, %mul3A_71 : i32
      %add3A = arith.constant 9360 : i32
      %add3A_73 = arith.addi %mul3A_72, %add3A : i32
      "tpu.region"() ({
        %run_scoped3A = tpu.sem_alloc : memref<!tpu.dma_semaphore, #tpu.memory_space<semaphore_mem>>
        %dma_start3A_74 = arith.constant 0 : i32
        %dma_start3A_75 = tpu.memref_slice %arg6[%add3A_73, %dma_start3A_74] : memref<20000x128xf32, #tpu.memory_space<hbm>> -> memref<640x128xf32, #tpu.memory_space<hbm>>
        %dma_start3A_76 = arith.constant 9360 : i32
        %dma_start3A_77 = arith.constant 0 : i32
        %dma_start3A_78 = tpu.memref_slice %arg12[%dma_start3A_76, %dma_start3A_77] : memref<10000x128xf32, #tpu.memory_space<vmem_shared>> -> memref<640x128xf32, #tpu.memory_space<vmem_shared>>
        tpu.enqueue_dma source(%dma_start3A_78 : memref<640x128xf32, #tpu.memory_space<vmem_shared>>) target(%dma_start3A_75 : memref<640x128xf32, #tpu.memory_space<hbm>>) target_semaphore(%run_scoped3A : memref<!tpu.dma_semaphore, #tpu.memory_space<semaphore_mem>>)
        %dma_wait3A_79 = arith.constant 0 : i32
        %dma_wait3A_80 = tpu.memref_slice %arg6[%add3A_73, %dma_wait3A_79] : memref<20000x128xf32, #tpu.memory_space<hbm>> -> memref<640x128xf32, #tpu.memory_space<hbm>>
        %dma_wait3A_81 = arith.constant 9360 : i32
        %dma_wait3A_82 = arith.constant 0 : i32
        %dma_wait3A_83 = tpu.memref_slice %arg12[%dma_wait3A_81, %dma_wait3A_82] : memref<10000x128xf32, #tpu.memory_space<vmem_shared>> -> memref<640x128xf32, #tpu.memory_space<vmem_shared>>
        tpu.wait_dma2 semaphore(%run_scoped3A : memref<!tpu.dma_semaphore, #tpu.memory_space<semaphore_mem>>) src(%dma_wait3A_83 : memref<640x128xf32, #tpu.memory_space<vmem_shared>>) dst(%dma_wait3A_80 : memref<640x128xf32, #tpu.memory_space<hbm>>)
        tpu.yield
      }) : () -> ()
    } else {
    }
    return
  }
}

#map = affine_map<(d0, d1) -> (0, 0)>
#map1 = affine_map<(d0, d1) -> (0)>
module attributes {stable_mosaic.version = 14 : i64} {
  func.func @k(%arg0: i32, %arg1: i32, %arg2: memref<10000x128xf32, #tpu.memory_space<hbm>>, %arg3: memref<160000xi32, #tpu.memory_space<hbm>>, %arg4: memref<160000xi32, #tpu.memory_space<hbm>>, %arg5: memref<10000x128xf32, #tpu.memory_space<hbm>>, %arg6: memref<20000x128xf32, #tpu.memory_space<hbm>>, %arg7: memref<5000xi32, #tpu.memory_space<vmem>>, %arg8: memref<40xi32, #tpu.memory_space<vmem>>, %arg9: memref<40x128xf32, #tpu.memory_space<vmem>>, %arg10: memref<40x128xf32, #tpu.memory_space<vmem>>, %arg11: memref<10000x128xf32, #tpu.memory_space<vmem_shared>>, %arg12: memref<!tpu.dma_semaphore, #tpu.memory_space<semaphore_mem>>) attributes {dimension_semantics = [#tpu.dimension_semantics<core_parallel>, #tpu.dimension_semantics<subcore_parallel>], iteration_bounds = array<i64: 2, 16>, scalar_prefetch = 0 : i64, scratch_operands = 6 : i64, tpu.core_type = #tpu.core_type<sc_vector_subcore>, window_params = [{transform_indices = #map}, {transform_indices = #map1}, {transform_indices = #map1}, {transform_indices = #map}, {transform_indices = #map}]} {
    %mul3A = arith.constant 80000 : i32
    %mul3A_0 = arith.muli %arg0, %mul3A : i32
    %mul3A_1 = arith.constant 5000 : i32
    %mul3A_2 = arith.muli %arg1, %mul3A_1 : i32
    %add3A = arith.addi %mul3A_0, %mul3A_2 : i32
    "tpu.region"() ({
      %run_scoped3A = tpu.sem_alloc : memref<!tpu.dma_semaphore, #tpu.memory_space<semaphore_mem>>
      %dma_start3A_35 = tpu.memref_slice %arg3[%add3A] : memref<160000xi32, #tpu.memory_space<hbm>> -> memref<5000xi32, #tpu.memory_space<hbm>>
      %dma_start3A_36 = tpu.memref_slice %arg3[%add3A] : memref<160000xi32, #tpu.memory_space<hbm>> -> memref<5000xi32, #tpu.memory_space<hbm>>
      tpu.enqueue_dma source(%dma_start3A_36 : memref<5000xi32, #tpu.memory_space<hbm>>) target(%arg7 : memref<5000xi32, #tpu.memory_space<vmem>>) target_semaphore(%run_scoped3A : memref<!tpu.dma_semaphore, #tpu.memory_space<semaphore_mem>>)
      %dma_wait3A_37 = tpu.memref_slice %arg3[%add3A] : memref<160000xi32, #tpu.memory_space<hbm>> -> memref<5000xi32, #tpu.memory_space<hbm>>
      %dma_wait3A_38 = tpu.memref_slice %arg3[%add3A] : memref<160000xi32, #tpu.memory_space<hbm>> -> memref<5000xi32, #tpu.memory_space<hbm>>
      tpu.wait_dma2 semaphore(%run_scoped3A : memref<!tpu.dma_semaphore, #tpu.memory_space<semaphore_mem>>) src(%dma_wait3A_38 : memref<5000xi32, #tpu.memory_space<hbm>>) dst(%arg7 : memref<5000xi32, #tpu.memory_space<vmem>>)
      tpu.yield
    }) : () -> ()
    %lt3A = arith.constant 15 : i32
    %lt3A_3 = arith.cmpi slt, %arg1, %lt3A : i32
    %convert_element_type3A = arith.extui %lt3A_3 : i1 to i32
    %cond3A = arith.constant 0 : i32
    %cond3A_4 = arith.cmpi ne, %convert_element_type3A, %cond3A : i32
    scf.if %cond3A_4 {
      %mul3A_35 = arith.constant 624 : i32
      %mul3A_36 = arith.muli %arg1, %mul3A_35 : i32
      "tpu.region"() ({
        %run_scoped3A = tpu.sem_alloc : memref<!tpu.dma_semaphore, #tpu.memory_space<semaphore_mem>>
        %dma_start3A_37 = arith.constant 0 : i32
        %dma_start3A_38 = tpu.memref_slice %arg11[%mul3A_36, %dma_start3A_37] : memref<10000x128xf32, #tpu.memory_space<vmem_shared>> -> memref<624x128xf32, #tpu.memory_space<vmem_shared>>
        %dma_start3A_39 = arith.constant 0 : i32
        %dma_start3A_40 = tpu.memref_slice %arg5[%mul3A_36, %dma_start3A_39] : memref<10000x128xf32, #tpu.memory_space<hbm>> -> memref<624x128xf32, #tpu.memory_space<hbm>>
        tpu.enqueue_dma source(%dma_start3A_40 : memref<624x128xf32, #tpu.memory_space<hbm>>) target(%dma_start3A_38 : memref<624x128xf32, #tpu.memory_space<vmem_shared>>) target_semaphore(%run_scoped3A : memref<!tpu.dma_semaphore, #tpu.memory_space<semaphore_mem>>)
        %dma_wait3A_41 = arith.constant 0 : i32
        %dma_wait3A_42 = tpu.memref_slice %arg11[%mul3A_36, %dma_wait3A_41] : memref<10000x128xf32, #tpu.memory_space<vmem_shared>> -> memref<624x128xf32, #tpu.memory_space<vmem_shared>>
        %dma_wait3A_43 = arith.constant 0 : i32
        %dma_wait3A_44 = tpu.memref_slice %arg5[%mul3A_36, %dma_wait3A_43] : memref<10000x128xf32, #tpu.memory_space<hbm>> -> memref<624x128xf32, #tpu.memory_space<hbm>>
        tpu.wait_dma2 semaphore(%run_scoped3A : memref<!tpu.dma_semaphore, #tpu.memory_space<semaphore_mem>>) src(%dma_wait3A_44 : memref<624x128xf32, #tpu.memory_space<hbm>>) dst(%dma_wait3A_42 : memref<624x128xf32, #tpu.memory_space<vmem_shared>>)
        tpu.yield
      }) : () -> ()
    } else {
    }
    %eq3A = arith.constant 15 : i32
    %eq3A_5 = arith.cmpi eq, %arg1, %eq3A : i32
    %convert_element_type3A_6 = arith.extui %eq3A_5 : i1 to i32
    %cond3A_7 = arith.constant 0 : i32
    %cond3A_8 = arith.cmpi ne, %convert_element_type3A_6, %cond3A_7 : i32
    scf.if %cond3A_8 {
      "tpu.region"() ({
        %run_scoped3A = tpu.sem_alloc : memref<!tpu.dma_semaphore, #tpu.memory_space<semaphore_mem>>
        %dma_start3A_35 = arith.constant 9360 : i32
        %dma_start3A_36 = arith.constant 0 : i32
        %dma_start3A_37 = tpu.memref_slice %arg11[%dma_start3A_35, %dma_start3A_36] : memref<10000x128xf32, #tpu.memory_space<vmem_shared>> -> memref<640x128xf32, #tpu.memory_space<vmem_shared>>
        %dma_start3A_38 = arith.constant 9360 : i32
        %dma_start3A_39 = arith.constant 0 : i32
        %dma_start3A_40 = tpu.memref_slice %arg5[%dma_start3A_38, %dma_start3A_39] : memref<10000x128xf32, #tpu.memory_space<hbm>> -> memref<640x128xf32, #tpu.memory_space<hbm>>
        tpu.enqueue_dma source(%dma_start3A_40 : memref<640x128xf32, #tpu.memory_space<hbm>>) target(%dma_start3A_37 : memref<640x128xf32, #tpu.memory_space<vmem_shared>>) target_semaphore(%run_scoped3A : memref<!tpu.dma_semaphore, #tpu.memory_space<semaphore_mem>>)
        %dma_wait3A_41 = arith.constant 9360 : i32
        %dma_wait3A_42 = arith.constant 0 : i32
        %dma_wait3A_43 = tpu.memref_slice %arg11[%dma_wait3A_41, %dma_wait3A_42] : memref<10000x128xf32, #tpu.memory_space<vmem_shared>> -> memref<640x128xf32, #tpu.memory_space<vmem_shared>>
        %dma_wait3A_44 = arith.constant 9360 : i32
        %dma_wait3A_45 = arith.constant 0 : i32
        %dma_wait3A_46 = tpu.memref_slice %arg5[%dma_wait3A_44, %dma_wait3A_45] : memref<10000x128xf32, #tpu.memory_space<hbm>> -> memref<640x128xf32, #tpu.memory_space<hbm>>
        tpu.wait_dma2 semaphore(%run_scoped3A : memref<!tpu.dma_semaphore, #tpu.memory_space<semaphore_mem>>) src(%dma_wait3A_46 : memref<640x128xf32, #tpu.memory_space<hbm>>) dst(%dma_wait3A_43 : memref<640x128xf32, #tpu.memory_space<vmem_shared>>)
        tpu.yield
      }) : () -> ()
    } else {
    }
    %barrier3A = arith.constant 0 : index
    tpu.barrier barrier_id(%barrier3A)
    %dma_start3A = arith.constant 0 : i32
    %dma_start3A_9 = tpu.memref_slice %arg7[%dma_start3A] : memref<5000xi32, #tpu.memory_space<vmem>> -> memref<40xi32, #tpu.memory_space<vmem>>
    %dma_start3A_10 = arith.constant 0 : i32
    %dma_start3A_11 = arith.constant 0 : i32
    %dma_start3A_12 = tpu.memref_slice %arg2[%dma_start3A_10, %dma_start3A_11] : memref<10000x128xf32, #tpu.memory_space<hbm>> -> memref<10000x128xf32, #tpu.memory_space<hbm>>
    tpu.enqueue_indirect_dma source(%dma_start3A_12 : memref<10000x128xf32, #tpu.memory_space<hbm>>) target(%arg9 : memref<40x128xf32, #tpu.memory_space<vmem>>) offsets(%dma_start3A_9 : memref<40xi32, #tpu.memory_space<vmem>>) semaphore(%arg12 : memref<!tpu.dma_semaphore, #tpu.memory_space<semaphore_mem>>)
    %scan3A = arith.constant 0 : i32
    %scan3A_13 = arith.constant 62 : i32
    %scan3A_14 = arith.addi %scan3A, %scan3A_13 : i32
    %scan3A_15 = arith.constant 1 : i32
    scf.for %scan3A_35 = %scan3A to %scan3A_14 step %scan3A_15  : i32 {
      %mul3A_36 = arith.constant 2 : i32
      %mul3A_37 = arith.muli %mul3A_36, %scan3A_35 : i32
      %dma_wait3A_38 = arith.constant 0 : i32
      %dma_wait3A_39 = arith.constant 0 : i32
      %dma_wait3A_40 = tpu.memref_slice %arg2[%dma_wait3A_38, %dma_wait3A_39] : memref<10000x128xf32, #tpu.memory_space<hbm>> -> memref<40x128xf32, #tpu.memory_space<hbm>>
      %dma_wait3A_41 = arith.constant 0 : i32
      %dma_wait3A_42 = arith.constant 0 : i32
      %dma_wait3A_43 = tpu.memref_slice %arg2[%dma_wait3A_41, %dma_wait3A_42] : memref<10000x128xf32, #tpu.memory_space<hbm>> -> memref<40x128xf32, #tpu.memory_space<hbm>>
      tpu.wait_dma2 semaphore(%arg12 : memref<!tpu.dma_semaphore, #tpu.memory_space<semaphore_mem>>) src(%dma_wait3A_43 : memref<40x128xf32, #tpu.memory_space<hbm>>) dst(%arg9 : memref<40x128xf32, #tpu.memory_space<vmem>>)
      %add3A_44 = arith.constant 1 : i32
      %add3A_45 = arith.addi %mul3A_37, %add3A_44 : i32
      %mul3A_46 = arith.constant 40 : i32
      %mul3A_47 = arith.muli %add3A_45, %mul3A_46 : i32
      %dma_start3A_48 = tpu.memref_slice %arg7[%mul3A_47] : memref<5000xi32, #tpu.memory_space<vmem>> -> memref<40xi32, #tpu.memory_space<vmem>>
      %dma_start3A_49 = arith.constant 0 : i32
      %dma_start3A_50 = arith.constant 0 : i32
      %dma_start3A_51 = tpu.memref_slice %arg2[%dma_start3A_49, %dma_start3A_50] : memref<10000x128xf32, #tpu.memory_space<hbm>> -> memref<10000x128xf32, #tpu.memory_space<hbm>>
      tpu.enqueue_indirect_dma source(%dma_start3A_51 : memref<10000x128xf32, #tpu.memory_space<hbm>>) target(%arg10 : memref<40x128xf32, #tpu.memory_space<vmem>>) offsets(%dma_start3A_48 : memref<40xi32, #tpu.memory_space<vmem>>) semaphore(%arg12 : memref<!tpu.dma_semaphore, #tpu.memory_space<semaphore_mem>>)
      %mul3A_52 = arith.constant 40 : i32
      %mul3A_53 = arith.muli %mul3A_37, %mul3A_52 : i32
      %add3A_54 = arith.addi %add3A, %mul3A_53 : i32
      "tpu.region"() ({
        %run_scoped3A = tpu.sem_alloc : memref<!tpu.dma_semaphore, #tpu.memory_space<semaphore_mem>>
        %dma_start3A_74 = tpu.memref_slice %arg4[%add3A_54] : memref<160000xi32, #tpu.memory_space<hbm>> -> memref<40xi32, #tpu.memory_space<hbm>>
        %dma_start3A_75 = tpu.memref_slice %arg4[%add3A_54] : memref<160000xi32, #tpu.memory_space<hbm>> -> memref<40xi32, #tpu.memory_space<hbm>>
        tpu.enqueue_dma source(%dma_start3A_75 : memref<40xi32, #tpu.memory_space<hbm>>) target(%arg8 : memref<40xi32, #tpu.memory_space<vmem>>) target_semaphore(%run_scoped3A : memref<!tpu.dma_semaphore, #tpu.memory_space<semaphore_mem>>)
        %dma_wait3A_76 = tpu.memref_slice %arg4[%add3A_54] : memref<160000xi32, #tpu.memory_space<hbm>> -> memref<40xi32, #tpu.memory_space<hbm>>
        %dma_wait3A_77 = tpu.memref_slice %arg4[%add3A_54] : memref<160000xi32, #tpu.memory_space<hbm>> -> memref<40xi32, #tpu.memory_space<hbm>>
        tpu.wait_dma2 semaphore(%run_scoped3A : memref<!tpu.dma_semaphore, #tpu.memory_space<semaphore_mem>>) src(%dma_wait3A_77 : memref<40xi32, #tpu.memory_space<hbm>>) dst(%arg8 : memref<40xi32, #tpu.memory_space<vmem>>)
        tpu.yield
      }) : () -> ()
      "tpu.region"() ({
        %run_scoped3A = tpu.sem_alloc : memref<!tpu.dma_semaphore, #tpu.memory_space<semaphore_mem>>
        %dma_start3A_74 = arith.constant 0 : i32
        %dma_start3A_75 = arith.constant 0 : i32
        %dma_start3A_76 = tpu.memref_slice %arg11[%dma_start3A_74, %dma_start3A_75] : memref<10000x128xf32, #tpu.memory_space<vmem_shared>> -> memref<10000x128xf32, #tpu.memory_space<vmem_shared>>
        tpu.enqueue_indirect_dma source(%arg9 : memref<40x128xf32, #tpu.memory_space<vmem>>) target(%dma_start3A_76 : memref<10000x128xf32, #tpu.memory_space<vmem_shared>>) offsets(%arg8 : memref<40xi32, #tpu.memory_space<vmem>>) semaphore(%run_scoped3A : memref<!tpu.dma_semaphore, #tpu.memory_space<semaphore_mem>>) {add = true}
        %dma_wait3A_77 = arith.constant 0 : i32
        %dma_wait3A_78 = arith.constant 0 : i32
        %dma_wait3A_79 = tpu.memref_slice %arg11[%dma_wait3A_77, %dma_wait3A_78] : memref<10000x128xf32, #tpu.memory_space<vmem_shared>> -> memref<10000x128xf32, #tpu.memory_space<vmem_shared>>
        tpu.wait_indirect_dma semaphore(%run_scoped3A : memref<!tpu.dma_semaphore, #tpu.memory_space<semaphore_mem>>) src(%arg9 : memref<40x128xf32, #tpu.memory_space<vmem>>) dst(%dma_wait3A_79 : memref<10000x128xf32, #tpu.memory_space<vmem_shared>>)
        tpu.yield
      }) : () -> ()
      %dma_wait3A_55 = arith.constant 0 : i32
      %dma_wait3A_56 = arith.constant 0 : i32
      %dma_wait3A_57 = tpu.memref_slice %arg2[%dma_wait3A_55, %dma_wait3A_56] : memref<10000x128xf32, #tpu.memory_space<hbm>> -> memref<40x128xf32, #tpu.memory_space<hbm>>
      %dma_wait3A_58 = arith.constant 0 : i32
      %dma_wait3A_59 = arith.constant 0 : i32
      %dma_wait3A_60 = tpu.memref_slice %arg2[%dma_wait3A_58, %dma_wait3A_59] : memref<10000x128xf32, #tpu.memory_space<hbm>> -> memref<40x128xf32, #tpu.memory_space<hbm>>
      tpu.wait_dma2 semaphore(%arg12 : memref<!tpu.dma_semaphore, #tpu.memory_space<semaphore_mem>>) src(%dma_wait3A_60 : memref<40x128xf32, #tpu.memory_space<hbm>>) dst(%arg10 : memref<40x128xf32, #tpu.memory_space<vmem>>)
      %add3A_61 = arith.constant 2 : i32
      %add3A_62 = arith.addi %mul3A_37, %add3A_61 : i32
      %mul3A_63 = arith.constant 40 : i32
      %mul3A_64 = arith.muli %add3A_62, %mul3A_63 : i32
      %dma_start3A_65 = tpu.memref_slice %arg7[%mul3A_64] : memref<5000xi32, #tpu.memory_space<vmem>> -> memref<40xi32, #tpu.memory_space<vmem>>
      %dma_start3A_66 = arith.constant 0 : i32
      %dma_start3A_67 = arith.constant 0 : i32
      %dma_start3A_68 = tpu.memref_slice %arg2[%dma_start3A_66, %dma_start3A_67] : memref<10000x128xf32, #tpu.memory_space<hbm>> -> memref<10000x128xf32, #tpu.memory_space<hbm>>
      tpu.enqueue_indirect_dma source(%dma_start3A_68 : memref<10000x128xf32, #tpu.memory_space<hbm>>) target(%arg9 : memref<40x128xf32, #tpu.memory_space<vmem>>) offsets(%dma_start3A_65 : memref<40xi32, #tpu.memory_space<vmem>>) semaphore(%arg12 : memref<!tpu.dma_semaphore, #tpu.memory_space<semaphore_mem>>)
      %add3A_69 = arith.constant 1 : i32
      %add3A_70 = arith.addi %mul3A_37, %add3A_69 : i32
      %mul3A_71 = arith.constant 40 : i32
      %mul3A_72 = arith.muli %add3A_70, %mul3A_71 : i32
      %add3A_73 = arith.addi %add3A, %mul3A_72 : i32
      "tpu.region"() ({
        %run_scoped3A = tpu.sem_alloc : memref<!tpu.dma_semaphore, #tpu.memory_space<semaphore_mem>>
        %dma_start3A_74 = tpu.memref_slice %arg4[%add3A_73] : memref<160000xi32, #tpu.memory_space<hbm>> -> memref<40xi32, #tpu.memory_space<hbm>>
        %dma_start3A_75 = tpu.memref_slice %arg4[%add3A_73] : memref<160000xi32, #tpu.memory_space<hbm>> -> memref<40xi32, #tpu.memory_space<hbm>>
        tpu.enqueue_dma source(%dma_start3A_75 : memref<40xi32, #tpu.memory_space<hbm>>) target(%arg8 : memref<40xi32, #tpu.memory_space<vmem>>) target_semaphore(%run_scoped3A : memref<!tpu.dma_semaphore, #tpu.memory_space<semaphore_mem>>)
        %dma_wait3A_76 = tpu.memref_slice %arg4[%add3A_73] : memref<160000xi32, #tpu.memory_space<hbm>> -> memref<40xi32, #tpu.memory_space<hbm>>
        %dma_wait3A_77 = tpu.memref_slice %arg4[%add3A_73] : memref<160000xi32, #tpu.memory_space<hbm>> -> memref<40xi32, #tpu.memory_space<hbm>>
        tpu.wait_dma2 semaphore(%run_scoped3A : memref<!tpu.dma_semaphore, #tpu.memory_space<semaphore_mem>>) src(%dma_wait3A_77 : memref<40xi32, #tpu.memory_space<hbm>>) dst(%arg8 : memref<40xi32, #tpu.memory_space<vmem>>)
        tpu.yield
      }) : () -> ()
      "tpu.region"() ({
        %run_scoped3A = tpu.sem_alloc : memref<!tpu.dma_semaphore, #tpu.memory_space<semaphore_mem>>
        %dma_start3A_74 = arith.constant 0 : i32
        %dma_start3A_75 = arith.constant 0 : i32
        %dma_start3A_76 = tpu.memref_slice %arg11[%dma_start3A_74, %dma_start3A_75] : memref<10000x128xf32, #tpu.memory_space<vmem_shared>> -> memref<10000x128xf32, #tpu.memory_space<vmem_shared>>
        tpu.enqueue_indirect_dma source(%arg10 : memref<40x128xf32, #tpu.memory_space<vmem>>) target(%dma_start3A_76 : memref<10000x128xf32, #tpu.memory_space<vmem_shared>>) offsets(%arg8 : memref<40xi32, #tpu.memory_space<vmem>>) semaphore(%run_scoped3A : memref<!tpu.dma_semaphore, #tpu.memory_space<semaphore_mem>>) {add = true}
        %dma_wait3A_77 = arith.constant 0 : i32
        %dma_wait3A_78 = arith.constant 0 : i32
        %dma_wait3A_79 = tpu.memref_slice %arg11[%dma_wait3A_77, %dma_wait3A_78] : memref<10000x128xf32, #tpu.memory_space<vmem_shared>> -> memref<10000x128xf32, #tpu.memory_space<vmem_shared>>
        tpu.wait_indirect_dma semaphore(%run_scoped3A : memref<!tpu.dma_semaphore, #tpu.memory_space<semaphore_mem>>) src(%arg10 : memref<40x128xf32, #tpu.memory_space<vmem>>) dst(%dma_wait3A_79 : memref<10000x128xf32, #tpu.memory_space<vmem_shared>>)
        tpu.yield
      }) : () -> ()
    }
    %scan3A_16 = arith.constant 62 : i32
    %dma_wait3A = arith.constant 0 : i32
    %dma_wait3A_17 = arith.constant 0 : i32
    %dma_wait3A_18 = tpu.memref_slice %arg2[%dma_wait3A, %dma_wait3A_17] : memref<10000x128xf32, #tpu.memory_space<hbm>> -> memref<40x128xf32, #tpu.memory_space<hbm>>
    %dma_wait3A_19 = arith.constant 0 : i32
    %dma_wait3A_20 = arith.constant 0 : i32
    %dma_wait3A_21 = tpu.memref_slice %arg2[%dma_wait3A_19, %dma_wait3A_20] : memref<10000x128xf32, #tpu.memory_space<hbm>> -> memref<40x128xf32, #tpu.memory_space<hbm>>
    tpu.wait_dma2 semaphore(%arg12 : memref<!tpu.dma_semaphore, #tpu.memory_space<semaphore_mem>>) src(%dma_wait3A_21 : memref<40x128xf32, #tpu.memory_space<hbm>>) dst(%arg9 : memref<40x128xf32, #tpu.memory_space<vmem>>)
    %add3A_22 = arith.constant 4960 : i32
    %add3A_23 = arith.addi %add3A, %add3A_22 : i32
    "tpu.region"() ({
      %run_scoped3A = tpu.sem_alloc : memref<!tpu.dma_semaphore, #tpu.memory_space<semaphore_mem>>
      %dma_start3A_35 = tpu.memref_slice %arg4[%add3A_23] : memref<160000xi32, #tpu.memory_space<hbm>> -> memref<40xi32, #tpu.memory_space<hbm>>
      %dma_start3A_36 = tpu.memref_slice %arg4[%add3A_23] : memref<160000xi32, #tpu.memory_space<hbm>> -> memref<40xi32, #tpu.memory_space<hbm>>
      tpu.enqueue_dma source(%dma_start3A_36 : memref<40xi32, #tpu.memory_space<hbm>>) target(%arg8 : memref<40xi32, #tpu.memory_space<vmem>>) target_semaphore(%run_scoped3A : memref<!tpu.dma_semaphore, #tpu.memory_space<semaphore_mem>>)
      %dma_wait3A_37 = tpu.memref_slice %arg4[%add3A_23] : memref<160000xi32, #tpu.memory_space<hbm>> -> memref<40xi32, #tpu.memory_space<hbm>>
      %dma_wait3A_38 = tpu.memref_slice %arg4[%add3A_23] : memref<160000xi32, #tpu.memory_space<hbm>> -> memref<40xi32, #tpu.memory_space<hbm>>
      tpu.wait_dma2 semaphore(%run_scoped3A : memref<!tpu.dma_semaphore, #tpu.memory_space<semaphore_mem>>) src(%dma_wait3A_38 : memref<40xi32, #tpu.memory_space<hbm>>) dst(%arg8 : memref<40xi32, #tpu.memory_space<vmem>>)
      tpu.yield
    }) : () -> ()
    "tpu.region"() ({
      %run_scoped3A = tpu.sem_alloc : memref<!tpu.dma_semaphore, #tpu.memory_space<semaphore_mem>>
      %dma_start3A_35 = arith.constant 0 : i32
      %dma_start3A_36 = arith.constant 0 : i32
      %dma_start3A_37 = tpu.memref_slice %arg11[%dma_start3A_35, %dma_start3A_36] : memref<10000x128xf32, #tpu.memory_space<vmem_shared>> -> memref<10000x128xf32, #tpu.memory_space<vmem_shared>>
      tpu.enqueue_indirect_dma source(%arg9 : memref<40x128xf32, #tpu.memory_space<vmem>>) target(%dma_start3A_37 : memref<10000x128xf32, #tpu.memory_space<vmem_shared>>) offsets(%arg8 : memref<40xi32, #tpu.memory_space<vmem>>) semaphore(%run_scoped3A : memref<!tpu.dma_semaphore, #tpu.memory_space<semaphore_mem>>) {add = true}
      %dma_wait3A_38 = arith.constant 0 : i32
      %dma_wait3A_39 = arith.constant 0 : i32
      %dma_wait3A_40 = tpu.memref_slice %arg11[%dma_wait3A_38, %dma_wait3A_39] : memref<10000x128xf32, #tpu.memory_space<vmem_shared>> -> memref<10000x128xf32, #tpu.memory_space<vmem_shared>>
      tpu.wait_indirect_dma semaphore(%run_scoped3A : memref<!tpu.dma_semaphore, #tpu.memory_space<semaphore_mem>>) src(%arg9 : memref<40x128xf32, #tpu.memory_space<vmem>>) dst(%dma_wait3A_40 : memref<10000x128xf32, #tpu.memory_space<vmem_shared>>)
      tpu.yield
    }) : () -> ()
    %barrier3A_24 = arith.constant 0 : index
    tpu.barrier barrier_id(%barrier3A_24)
    %lt3A_25 = arith.constant 15 : i32
    %lt3A_26 = arith.cmpi slt, %arg1, %lt3A_25 : i32
    %convert_element_type3A_27 = arith.extui %lt3A_26 : i1 to i32
    %cond3A_28 = arith.constant 0 : i32
    %cond3A_29 = arith.cmpi ne, %convert_element_type3A_27, %cond3A_28 : i32
    scf.if %cond3A_29 {
      %mul3A_35 = arith.constant 624 : i32
      %mul3A_36 = arith.muli %arg1, %mul3A_35 : i32
      %mul3A_37 = arith.constant 10000 : i32
      %mul3A_38 = arith.muli %arg0, %mul3A_37 : i32
      %add3A_39 = arith.addi %mul3A_38, %mul3A_36 : i32
      "tpu.region"() ({
        %run_scoped3A = tpu.sem_alloc : memref<!tpu.dma_semaphore, #tpu.memory_space<semaphore_mem>>
        %dma_start3A_40 = arith.constant 0 : i32
        %dma_start3A_41 = tpu.memref_slice %arg6[%add3A_39, %dma_start3A_40] : memref<20000x128xf32, #tpu.memory_space<hbm>> -> memref<624x128xf32, #tpu.memory_space<hbm>>
        %dma_start3A_42 = arith.constant 0 : i32
        %dma_start3A_43 = tpu.memref_slice %arg11[%mul3A_36, %dma_start3A_42] : memref<10000x128xf32, #tpu.memory_space<vmem_shared>> -> memref<624x128xf32, #tpu.memory_space<vmem_shared>>
        tpu.enqueue_dma source(%dma_start3A_43 : memref<624x128xf32, #tpu.memory_space<vmem_shared>>) target(%dma_start3A_41 : memref<624x128xf32, #tpu.memory_space<hbm>>) target_semaphore(%run_scoped3A : memref<!tpu.dma_semaphore, #tpu.memory_space<semaphore_mem>>)
        %dma_wait3A_44 = arith.constant 0 : i32
        %dma_wait3A_45 = tpu.memref_slice %arg6[%add3A_39, %dma_wait3A_44] : memref<20000x128xf32, #tpu.memory_space<hbm>> -> memref<624x128xf32, #tpu.memory_space<hbm>>
        %dma_wait3A_46 = arith.constant 0 : i32
        %dma_wait3A_47 = tpu.memref_slice %arg11[%mul3A_36, %dma_wait3A_46] : memref<10000x128xf32, #tpu.memory_space<vmem_shared>> -> memref<624x128xf32, #tpu.memory_space<vmem_shared>>
        tpu.wait_dma2 semaphore(%run_scoped3A : memref<!tpu.dma_semaphore, #tpu.memory_space<semaphore_mem>>) src(%dma_wait3A_47 : memref<624x128xf32, #tpu.memory_space<vmem_shared>>) dst(%dma_wait3A_45 : memref<624x128xf32, #tpu.memory_space<hbm>>)
        tpu.yield
      }) : () -> ()
    } else {
    }
    %eq3A_30 = arith.constant 15 : i32
    %eq3A_31 = arith.cmpi eq, %arg1, %eq3A_30 : i32
    %convert_element_type3A_32 = arith.extui %eq3A_31 : i1 to i32
    %cond3A_33 = arith.constant 0 : i32
    %cond3A_34 = arith.cmpi ne, %convert_element_type3A_32, %cond3A_33 : i32
    scf.if %cond3A_34 {
      %mul3A_35 = arith.constant 10000 : i32
      %mul3A_36 = arith.muli %arg0, %mul3A_35 : i32
      %add3A_37 = arith.constant 9360 : i32
      %add3A_38 = arith.addi %mul3A_36, %add3A_37 : i32
      "tpu.region"() ({
        %run_scoped3A = tpu.sem_alloc : memref<!tpu.dma_semaphore, #tpu.memory_space<semaphore_mem>>
        %dma_start3A_39 = arith.constant 0 : i32
        %dma_start3A_40 = tpu.memref_slice %arg6[%add3A_38, %dma_start3A_39] : memref<20000x128xf32, #tpu.memory_space<hbm>> -> memref<640x128xf32, #tpu.memory_space<hbm>>
        %dma_start3A_41 = arith.constant 9360 : i32
        %dma_start3A_42 = arith.constant 0 : i32
        %dma_start3A_43 = tpu.memref_slice %arg11[%dma_start3A_41, %dma_start3A_42] : memref<10000x128xf32, #tpu.memory_space<vmem_shared>> -> memref<640x128xf32, #tpu.memory_space<vmem_shared>>
        tpu.enqueue_dma source(%dma_start3A_43 : memref<640x128xf32, #tpu.memory_space<vmem_shared>>) target(%dma_start3A_40 : memref<640x128xf32, #tpu.memory_space<hbm>>) target_semaphore(%run_scoped3A : memref<!tpu.dma_semaphore, #tpu.memory_space<semaphore_mem>>)
        %dma_wait3A_44 = arith.constant 0 : i32
        %dma_wait3A_45 = tpu.memref_slice %arg6[%add3A_38, %dma_wait3A_44] : memref<20000x128xf32, #tpu.memory_space<hbm>> -> memref<640x128xf32, #tpu.memory_space<hbm>>
        %dma_wait3A_46 = arith.constant 9360 : i32
        %dma_wait3A_47 = arith.constant 0 : i32
        %dma_wait3A_48 = tpu.memref_slice %arg11[%dma_wait3A_46, %dma_wait3A_47] : memref<10000x128xf32, #tpu.memory_space<vmem_shared>> -> memref<640x128xf32, #tpu.memory_space<vmem_shared>>
        tpu.wait_dma2 semaphore(%run_scoped3A : memref<!tpu.dma_semaphore, #tpu.memory_space<semaphore_mem>>) src(%dma_wait3A_48 : memref<640x128xf32, #tpu.memory_space<vmem_shared>>) dst(%dma_wait3A_45 : memref<640x128xf32, #tpu.memory_space<hbm>>)
        tpu.yield
      }) : () -> ()
    } else {
    }
    return
  }
}

#map = affine_map<(d0, d1) -> (0, 0)>
#map1 = affine_map<(d0, d1) -> (0)>
module attributes {stable_mosaic.version = 14 : i64} {
  func.func @k(%arg0: i32, %arg1: i32, %arg2: memref<10000x128xf32, #tpu.memory_space<hbm>>, %arg3: memref<160000xi32, #tpu.memory_space<hbm>>, %arg4: memref<160000xi32, #tpu.memory_space<hbm>>, %arg5: memref<160000x128xf32, #tpu.memory_space<hbm>>, %arg6: memref<5000xi32, #tpu.memory_space<vmem>>, %arg7: memref<5000xi32, #tpu.memory_space<vmem>>, %arg8: memref<40x128xf32, #tpu.memory_space<vmem>>, %arg9: memref<40x128xf32, #tpu.memory_space<vmem>>, %arg10: memref<40x128xf32, #tpu.memory_space<vmem>>, %arg11: memref<40x128xf32, #tpu.memory_space<vmem>>, %arg12: memref<!tpu.dma_semaphore, #tpu.memory_space<semaphore_mem>>, %arg13: memref<!tpu.dma_semaphore, #tpu.memory_space<semaphore_mem>>) attributes {dimension_semantics = [#tpu.dimension_semantics<core_parallel>, #tpu.dimension_semantics<subcore_parallel>], iteration_bounds = array<i64: 2, 16>, scalar_prefetch = 0 : i64, scratch_operands = 8 : i64, tpu.core_type = #tpu.core_type<sc_vector_subcore>, window_params = [{transform_indices = #map}, {transform_indices = #map1}, {transform_indices = #map1}, {transform_indices = #map}]} {
    %mul3A = arith.constant 80000 : i32
    %mul3A_0 = arith.muli %arg0, %mul3A : i32
    %mul3A_1 = arith.constant 5000 : i32
    %mul3A_2 = arith.muli %arg1, %mul3A_1 : i32
    %add3A = arith.addi %mul3A_0, %mul3A_2 : i32
    "tpu.region"() ({
      %run_scoped3A = tpu.sem_alloc : memref<!tpu.dma_semaphore, #tpu.memory_space<semaphore_mem>>
      %dma_start3A_34 = tpu.memref_slice %arg3[%add3A] : memref<160000xi32, #tpu.memory_space<hbm>> -> memref<5000xi32, #tpu.memory_space<hbm>>
      %dma_start3A_35 = tpu.memref_slice %arg3[%add3A] : memref<160000xi32, #tpu.memory_space<hbm>> -> memref<5000xi32, #tpu.memory_space<hbm>>
      tpu.enqueue_dma source(%dma_start3A_35 : memref<5000xi32, #tpu.memory_space<hbm>>) target(%arg6 : memref<5000xi32, #tpu.memory_space<vmem>>) target_semaphore(%run_scoped3A : memref<!tpu.dma_semaphore, #tpu.memory_space<semaphore_mem>>)
      %dma_wait3A_36 = tpu.memref_slice %arg3[%add3A] : memref<160000xi32, #tpu.memory_space<hbm>> -> memref<5000xi32, #tpu.memory_space<hbm>>
      %dma_wait3A_37 = tpu.memref_slice %arg3[%add3A] : memref<160000xi32, #tpu.memory_space<hbm>> -> memref<5000xi32, #tpu.memory_space<hbm>>
      tpu.wait_dma2 semaphore(%run_scoped3A : memref<!tpu.dma_semaphore, #tpu.memory_space<semaphore_mem>>) src(%dma_wait3A_37 : memref<5000xi32, #tpu.memory_space<hbm>>) dst(%arg6 : memref<5000xi32, #tpu.memory_space<vmem>>)
      tpu.yield
    }) : () -> ()
    "tpu.region"() ({
      %run_scoped3A = tpu.sem_alloc : memref<!tpu.dma_semaphore, #tpu.memory_space<semaphore_mem>>
      %dma_start3A_34 = tpu.memref_slice %arg4[%add3A] : memref<160000xi32, #tpu.memory_space<hbm>> -> memref<5000xi32, #tpu.memory_space<hbm>>
      %dma_start3A_35 = tpu.memref_slice %arg4[%add3A] : memref<160000xi32, #tpu.memory_space<hbm>> -> memref<5000xi32, #tpu.memory_space<hbm>>
      tpu.enqueue_dma source(%dma_start3A_35 : memref<5000xi32, #tpu.memory_space<hbm>>) target(%arg7 : memref<5000xi32, #tpu.memory_space<vmem>>) target_semaphore(%run_scoped3A : memref<!tpu.dma_semaphore, #tpu.memory_space<semaphore_mem>>)
      %dma_wait3A_36 = tpu.memref_slice %arg4[%add3A] : memref<160000xi32, #tpu.memory_space<hbm>> -> memref<5000xi32, #tpu.memory_space<hbm>>
      %dma_wait3A_37 = tpu.memref_slice %arg4[%add3A] : memref<160000xi32, #tpu.memory_space<hbm>> -> memref<5000xi32, #tpu.memory_space<hbm>>
      tpu.wait_dma2 semaphore(%run_scoped3A : memref<!tpu.dma_semaphore, #tpu.memory_space<semaphore_mem>>) src(%dma_wait3A_37 : memref<5000xi32, #tpu.memory_space<hbm>>) dst(%arg7 : memref<5000xi32, #tpu.memory_space<vmem>>)
      tpu.yield
    }) : () -> ()
    %dma_start3A = arith.constant 0 : i32
    %dma_start3A_3 = tpu.memref_slice %arg6[%dma_start3A] : memref<5000xi32, #tpu.memory_space<vmem>> -> memref<40xi32, #tpu.memory_space<vmem>>
    %dma_start3A_4 = arith.constant 0 : i32
    %dma_start3A_5 = arith.constant 0 : i32
    %dma_start3A_6 = tpu.memref_slice %arg2[%dma_start3A_4, %dma_start3A_5] : memref<10000x128xf32, #tpu.memory_space<hbm>> -> memref<10000x128xf32, #tpu.memory_space<hbm>>
    tpu.enqueue_indirect_dma source(%dma_start3A_6 : memref<10000x128xf32, #tpu.memory_space<hbm>>) target(%arg8 : memref<40x128xf32, #tpu.memory_space<vmem>>) offsets(%dma_start3A_3 : memref<40xi32, #tpu.memory_space<vmem>>) semaphore(%arg12 : memref<!tpu.dma_semaphore, #tpu.memory_space<semaphore_mem>>)
    %dma_start3A_7 = arith.constant 0 : i32
    %dma_start3A_8 = tpu.memref_slice %arg7[%dma_start3A_7] : memref<5000xi32, #tpu.memory_space<vmem>> -> memref<40xi32, #tpu.memory_space<vmem>>
    %dma_start3A_9 = arith.constant 0 : i32
    %dma_start3A_10 = arith.constant 0 : i32
    %dma_start3A_11 = tpu.memref_slice %arg2[%dma_start3A_9, %dma_start3A_10] : memref<10000x128xf32, #tpu.memory_space<hbm>> -> memref<10000x128xf32, #tpu.memory_space<hbm>>
    tpu.enqueue_indirect_dma source(%dma_start3A_11 : memref<10000x128xf32, #tpu.memory_space<hbm>>) target(%arg9 : memref<40x128xf32, #tpu.memory_space<vmem>>) offsets(%dma_start3A_8 : memref<40xi32, #tpu.memory_space<vmem>>) semaphore(%arg12 : memref<!tpu.dma_semaphore, #tpu.memory_space<semaphore_mem>>)
    %scan3A = arith.constant 0 : i32
    %scan3A_12 = arith.constant 62 : i32
    %scan3A_13 = arith.addi %scan3A, %scan3A_12 : i32
    %scan3A_14 = arith.constant 1 : i32
    scf.for %scan3A_34 = %scan3A to %scan3A_13 step %scan3A_14  : i32 {
      %mul3A_35 = arith.constant 2 : i32
      %mul3A_36 = arith.muli %mul3A_35, %scan3A_34 : i32
      %dma_wait3A_37 = arith.constant 0 : i32
      %dma_wait3A_38 = arith.constant 0 : i32
      %dma_wait3A_39 = tpu.memref_slice %arg2[%dma_wait3A_37, %dma_wait3A_38] : memref<10000x128xf32, #tpu.memory_space<hbm>> -> memref<40x128xf32, #tpu.memory_space<hbm>>
      %dma_wait3A_40 = arith.constant 0 : i32
      %dma_wait3A_41 = arith.constant 0 : i32
      %dma_wait3A_42 = tpu.memref_slice %arg2[%dma_wait3A_40, %dma_wait3A_41] : memref<10000x128xf32, #tpu.memory_space<hbm>> -> memref<40x128xf32, #tpu.memory_space<hbm>>
      tpu.wait_dma2 semaphore(%arg12 : memref<!tpu.dma_semaphore, #tpu.memory_space<semaphore_mem>>) src(%dma_wait3A_42 : memref<40x128xf32, #tpu.memory_space<hbm>>) dst(%arg8 : memref<40x128xf32, #tpu.memory_space<vmem>>)
      %dma_wait3A_43 = arith.constant 0 : i32
      %dma_wait3A_44 = arith.constant 0 : i32
      %dma_wait3A_45 = tpu.memref_slice %arg2[%dma_wait3A_43, %dma_wait3A_44] : memref<10000x128xf32, #tpu.memory_space<hbm>> -> memref<40x128xf32, #tpu.memory_space<hbm>>
      %dma_wait3A_46 = arith.constant 0 : i32
      %dma_wait3A_47 = arith.constant 0 : i32
      %dma_wait3A_48 = tpu.memref_slice %arg2[%dma_wait3A_46, %dma_wait3A_47] : memref<10000x128xf32, #tpu.memory_space<hbm>> -> memref<40x128xf32, #tpu.memory_space<hbm>>
      tpu.wait_dma2 semaphore(%arg12 : memref<!tpu.dma_semaphore, #tpu.memory_space<semaphore_mem>>) src(%dma_wait3A_48 : memref<40x128xf32, #tpu.memory_space<hbm>>) dst(%arg9 : memref<40x128xf32, #tpu.memory_space<vmem>>)
      %add3A_49 = arith.constant 1 : i32
      %add3A_50 = arith.addi %mul3A_36, %add3A_49 : i32
      %mul3A_51 = arith.constant 40 : i32
      %mul3A_52 = arith.muli %add3A_50, %mul3A_51 : i32
      %dma_start3A_53 = tpu.memref_slice %arg6[%mul3A_52] : memref<5000xi32, #tpu.memory_space<vmem>> -> memref<40xi32, #tpu.memory_space<vmem>>
      %dma_start3A_54 = arith.constant 0 : i32
      %dma_start3A_55 = arith.constant 0 : i32
      %dma_start3A_56 = tpu.memref_slice %arg2[%dma_start3A_54, %dma_start3A_55] : memref<10000x128xf32, #tpu.memory_space<hbm>> -> memref<10000x128xf32, #tpu.memory_space<hbm>>
      tpu.enqueue_indirect_dma source(%dma_start3A_56 : memref<10000x128xf32, #tpu.memory_space<hbm>>) target(%arg10 : memref<40x128xf32, #tpu.memory_space<vmem>>) offsets(%dma_start3A_53 : memref<40xi32, #tpu.memory_space<vmem>>) semaphore(%arg13 : memref<!tpu.dma_semaphore, #tpu.memory_space<semaphore_mem>>)
      %mul3A_57 = arith.constant 40 : i32
      %mul3A_58 = arith.muli %add3A_50, %mul3A_57 : i32
      %dma_start3A_59 = tpu.memref_slice %arg7[%mul3A_58] : memref<5000xi32, #tpu.memory_space<vmem>> -> memref<40xi32, #tpu.memory_space<vmem>>
      %dma_start3A_60 = arith.constant 0 : i32
      %dma_start3A_61 = arith.constant 0 : i32
      %dma_start3A_62 = tpu.memref_slice %arg2[%dma_start3A_60, %dma_start3A_61] : memref<10000x128xf32, #tpu.memory_space<hbm>> -> memref<10000x128xf32, #tpu.memory_space<hbm>>
      tpu.enqueue_indirect_dma source(%dma_start3A_62 : memref<10000x128xf32, #tpu.memory_space<hbm>>) target(%arg11 : memref<40x128xf32, #tpu.memory_space<vmem>>) offsets(%dma_start3A_59 : memref<40xi32, #tpu.memory_space<vmem>>) semaphore(%arg13 : memref<!tpu.dma_semaphore, #tpu.memory_space<semaphore_mem>>)
      %scan3A_63 = arith.constant 0 : i32
      %scan3A_64 = arith.constant 40 : i32
      %scan3A_65 = arith.addi %scan3A_63, %scan3A_64 : i32
      %scan3A_66 = arith.constant 1 : i32
      scf.for %scan3A_107 = %scan3A_63 to %scan3A_65 step %scan3A_66  : i32 {
        %get3A = arith.index_cast %scan3A_107 : i32 to index
        %get3A_108 = arith.constant 0 : index
        %get3A_109 = tpu.vector_load %arg8[%get3A, %get3A_108] {strides = array<i32>} : memref<40x128xf32, #tpu.memory_space<vmem>>, vector<1x16xf32>,
        %get3A_110 = vector.shape_cast %get3A_109 : vector<1x16xf32> to vector<16xf32>
        %get3A_111 = arith.index_cast %scan3A_107 : i32 to index
        %get3A_112 = arith.constant 0 : index
        %get3A_113 = tpu.vector_load %arg9[%get3A_111, %get3A_112] {strides = array<i32>} : memref<40x128xf32, #tpu.memory_space<vmem>>, vector<1x16xf32>,
        %get3A_114 = vector.shape_cast %get3A_113 : vector<1x16xf32> to vector<16xf32>
        %sub3A = arith.subf %get3A_110, %get3A_114 : vector<16xf32>
        %abs3A = math.absf %sub3A : vector<16xf32>
        %swap3A = arith.index_cast %scan3A_107 : i32 to index
        %swap3A_115 = arith.constant 0 : index
        %swap3A_116 = tpu.vector_load %arg8[%swap3A, %swap3A_115] {strides = array<i32>} : memref<40x128xf32, #tpu.memory_space<vmem>>, vector<1x16xf32>,
        %swap3A_117 = vector.shape_cast %swap3A_116 : vector<1x16xf32> to vector<16xf32>
        %swap3A_118 = vector.shape_cast %abs3A : vector<16xf32> to vector<1x16xf32>
        tpu.vector_store %arg8[%swap3A, %swap3A_115], %swap3A_118 {strides = array<i32>} : memref<40x128xf32, #tpu.memory_space<vmem>>, vector<1x16xf32>,
        %get3A_119 = arith.index_cast %scan3A_107 : i32 to index
        %get3A_120 = arith.constant 16 : index
        %get3A_121 = tpu.vector_load %arg8[%get3A_119, %get3A_120] {strides = array<i32>} : memref<40x128xf32, #tpu.memory_space<vmem>>, vector<1x16xf32>,
        %get3A_122 = vector.shape_cast %get3A_121 : vector<1x16xf32> to vector<16xf32>
        %get3A_123 = arith.index_cast %scan3A_107 : i32 to index
        %get3A_124 = arith.constant 16 : index
        %get3A_125 = tpu.vector_load %arg9[%get3A_123, %get3A_124] {strides = array<i32>} : memref<40x128xf32, #tpu.memory_space<vmem>>, vector<1x16xf32>,
        %get3A_126 = vector.shape_cast %get3A_125 : vector<1x16xf32> to vector<16xf32>
        %sub3A_127 = arith.subf %get3A_122, %get3A_126 : vector<16xf32>
        %abs3A_128 = math.absf %sub3A_127 : vector<16xf32>
        %swap3A_129 = arith.index_cast %scan3A_107 : i32 to index
        %swap3A_130 = arith.constant 16 : index
        %swap3A_131 = tpu.vector_load %arg8[%swap3A_129, %swap3A_130] {strides = array<i32>} : memref<40x128xf32, #tpu.memory_space<vmem>>, vector<1x16xf32>,
        %swap3A_132 = vector.shape_cast %swap3A_131 : vector<1x16xf32> to vector<16xf32>
        %swap3A_133 = vector.shape_cast %abs3A_128 : vector<16xf32> to vector<1x16xf32>
        tpu.vector_store %arg8[%swap3A_129, %swap3A_130], %swap3A_133 {strides = array<i32>} : memref<40x128xf32, #tpu.memory_space<vmem>>, vector<1x16xf32>,
        %get3A_134 = arith.index_cast %scan3A_107 : i32 to index
        %get3A_135 = arith.constant 32 : index
        %get3A_136 = tpu.vector_load %arg8[%get3A_134, %get3A_135] {strides = array<i32>} : memref<40x128xf32, #tpu.memory_space<vmem>>, vector<1x16xf32>,
        %get3A_137 = vector.shape_cast %get3A_136 : vector<1x16xf32> to vector<16xf32>
        %get3A_138 = arith.index_cast %scan3A_107 : i32 to index
        %get3A_139 = arith.constant 32 : index
        %get3A_140 = tpu.vector_load %arg9[%get3A_138, %get3A_139] {strides = array<i32>} : memref<40x128xf32, #tpu.memory_space<vmem>>, vector<1x16xf32>,
        %get3A_141 = vector.shape_cast %get3A_140 : vector<1x16xf32> to vector<16xf32>
        %sub3A_142 = arith.subf %get3A_137, %get3A_141 : vector<16xf32>
        %abs3A_143 = math.absf %sub3A_142 : vector<16xf32>
        %swap3A_144 = arith.index_cast %scan3A_107 : i32 to index
        %swap3A_145 = arith.constant 32 : index
        %swap3A_146 = tpu.vector_load %arg8[%swap3A_144, %swap3A_145] {strides = array<i32>} : memref<40x128xf32, #tpu.memory_space<vmem>>, vector<1x16xf32>,
        %swap3A_147 = vector.shape_cast %swap3A_146 : vector<1x16xf32> to vector<16xf32>
        %swap3A_148 = vector.shape_cast %abs3A_143 : vector<16xf32> to vector<1x16xf32>
        tpu.vector_store %arg8[%swap3A_144, %swap3A_145], %swap3A_148 {strides = array<i32>} : memref<40x128xf32, #tpu.memory_space<vmem>>, vector<1x16xf32>,
        %get3A_149 = arith.index_cast %scan3A_107 : i32 to index
        %get3A_150 = arith.constant 48 : index
        %get3A_151 = tpu.vector_load %arg8[%get3A_149, %get3A_150] {strides = array<i32>} : memref<40x128xf32, #tpu.memory_space<vmem>>, vector<1x16xf32>,
        %get3A_152 = vector.shape_cast %get3A_151 : vector<1x16xf32> to vector<16xf32>
        %get3A_153 = arith.index_cast %scan3A_107 : i32 to index
        %get3A_154 = arith.constant 48 : index
        %get3A_155 = tpu.vector_load %arg9[%get3A_153, %get3A_154] {strides = array<i32>} : memref<40x128xf32, #tpu.memory_space<vmem>>, vector<1x16xf32>,
        %get3A_156 = vector.shape_cast %get3A_155 : vector<1x16xf32> to vector<16xf32>
        %sub3A_157 = arith.subf %get3A_152, %get3A_156 : vector<16xf32>
        %abs3A_158 = math.absf %sub3A_157 : vector<16xf32>
        %swap3A_159 = arith.index_cast %scan3A_107 : i32 to index
        %swap3A_160 = arith.constant 48 : index
        %swap3A_161 = tpu.vector_load %arg8[%swap3A_159, %swap3A_160] {strides = array<i32>} : memref<40x128xf32, #tpu.memory_space<vmem>>, vector<1x16xf32>,
        %swap3A_162 = vector.shape_cast %swap3A_161 : vector<1x16xf32> to vector<16xf32>
        %swap3A_163 = vector.shape_cast %abs3A_158 : vector<16xf32> to vector<1x16xf32>
        tpu.vector_store %arg8[%swap3A_159, %swap3A_160], %swap3A_163 {strides = array<i32>} : memref<40x128xf32, #tpu.memory_space<vmem>>, vector<1x16xf32>,
        %get3A_164 = arith.index_cast %scan3A_107 : i32 to index
        %get3A_165 = arith.constant 64 : index
        %get3A_166 = tpu.vector_load %arg8[%get3A_164, %get3A_165] {strides = array<i32>} : memref<40x128xf32, #tpu.memory_space<vmem>>, vector<1x16xf32>,
        %get3A_167 = vector.shape_cast %get3A_166 : vector<1x16xf32> to vector<16xf32>
        %get3A_168 = arith.index_cast %scan3A_107 : i32 to index
        %get3A_169 = arith.constant 64 : index
        %get3A_170 = tpu.vector_load %arg9[%get3A_168, %get3A_169] {strides = array<i32>} : memref<40x128xf32, #tpu.memory_space<vmem>>, vector<1x16xf32>,
        %get3A_171 = vector.shape_cast %get3A_170 : vector<1x16xf32> to vector<16xf32>
        %sub3A_172 = arith.subf %get3A_167, %get3A_171 : vector<16xf32>
        %abs3A_173 = math.absf %sub3A_172 : vector<16xf32>
        %swap3A_174 = arith.index_cast %scan3A_107 : i32 to index
        %swap3A_175 = arith.constant 64 : index
        %swap3A_176 = tpu.vector_load %arg8[%swap3A_174, %swap3A_175] {strides = array<i32>} : memref<40x128xf32, #tpu.memory_space<vmem>>, vector<1x16xf32>,
        %swap3A_177 = vector.shape_cast %swap3A_176 : vector<1x16xf32> to vector<16xf32>
        %swap3A_178 = vector.shape_cast %abs3A_173 : vector<16xf32> to vector<1x16xf32>
        tpu.vector_store %arg8[%swap3A_174, %swap3A_175], %swap3A_178 {strides = array<i32>} : memref<40x128xf32, #tpu.memory_space<vmem>>, vector<1x16xf32>,
        %get3A_179 = arith.index_cast %scan3A_107 : i32 to index
        %get3A_180 = arith.constant 80 : index
        %get3A_181 = tpu.vector_load %arg8[%get3A_179, %get3A_180] {strides = array<i32>} : memref<40x128xf32, #tpu.memory_space<vmem>>, vector<1x16xf32>,
        %get3A_182 = vector.shape_cast %get3A_181 : vector<1x16xf32> to vector<16xf32>
        %get3A_183 = arith.index_cast %scan3A_107 : i32 to index
        %get3A_184 = arith.constant 80 : index
        %get3A_185 = tpu.vector_load %arg9[%get3A_183, %get3A_184] {strides = array<i32>} : memref<40x128xf32, #tpu.memory_space<vmem>>, vector<1x16xf32>,
        %get3A_186 = vector.shape_cast %get3A_185 : vector<1x16xf32> to vector<16xf32>
        %sub3A_187 = arith.subf %get3A_182, %get3A_186 : vector<16xf32>
        %abs3A_188 = math.absf %sub3A_187 : vector<16xf32>
        %swap3A_189 = arith.index_cast %scan3A_107 : i32 to index
        %swap3A_190 = arith.constant 80 : index
        %swap3A_191 = tpu.vector_load %arg8[%swap3A_189, %swap3A_190] {strides = array<i32>} : memref<40x128xf32, #tpu.memory_space<vmem>>, vector<1x16xf32>,
        %swap3A_192 = vector.shape_cast %swap3A_191 : vector<1x16xf32> to vector<16xf32>
        %swap3A_193 = vector.shape_cast %abs3A_188 : vector<16xf32> to vector<1x16xf32>
        tpu.vector_store %arg8[%swap3A_189, %swap3A_190], %swap3A_193 {strides = array<i32>} : memref<40x128xf32, #tpu.memory_space<vmem>>, vector<1x16xf32>,
        %get3A_194 = arith.index_cast %scan3A_107 : i32 to index
        %get3A_195 = arith.constant 96 : index
        %get3A_196 = tpu.vector_load %arg8[%get3A_194, %get3A_195] {strides = array<i32>} : memref<40x128xf32, #tpu.memory_space<vmem>>, vector<1x16xf32>,
        %get3A_197 = vector.shape_cast %get3A_196 : vector<1x16xf32> to vector<16xf32>
        %get3A_198 = arith.index_cast %scan3A_107 : i32 to index
        %get3A_199 = arith.constant 96 : index
        %get3A_200 = tpu.vector_load %arg9[%get3A_198, %get3A_199] {strides = array<i32>} : memref<40x128xf32, #tpu.memory_space<vmem>>, vector<1x16xf32>,
        %get3A_201 = vector.shape_cast %get3A_200 : vector<1x16xf32> to vector<16xf32>
        %sub3A_202 = arith.subf %get3A_197, %get3A_201 : vector<16xf32>
        %abs3A_203 = math.absf %sub3A_202 : vector<16xf32>
        %swap3A_204 = arith.index_cast %scan3A_107 : i32 to index
        %swap3A_205 = arith.constant 96 : index
        %swap3A_206 = tpu.vector_load %arg8[%swap3A_204, %swap3A_205] {strides = array<i32>} : memref<40x128xf32, #tpu.memory_space<vmem>>, vector<1x16xf32>,
        %swap3A_207 = vector.shape_cast %swap3A_206 : vector<1x16xf32> to vector<16xf32>
        %swap3A_208 = vector.shape_cast %abs3A_203 : vector<16xf32> to vector<1x16xf32>
        tpu.vector_store %arg8[%swap3A_204, %swap3A_205], %swap3A_208 {strides = array<i32>} : memref<40x128xf32, #tpu.memory_space<vmem>>, vector<1x16xf32>,
        %get3A_209 = arith.index_cast %scan3A_107 : i32 to index
        %get3A_210 = arith.constant 112 : index
        %get3A_211 = tpu.vector_load %arg8[%get3A_209, %get3A_210] {strides = array<i32>} : memref<40x128xf32, #tpu.memory_space<vmem>>, vector<1x16xf32>,
        %get3A_212 = vector.shape_cast %get3A_211 : vector<1x16xf32> to vector<16xf32>
        %get3A_213 = arith.index_cast %scan3A_107 : i32 to index
        %get3A_214 = arith.constant 112 : index
        %get3A_215 = tpu.vector_load %arg9[%get3A_213, %get3A_214] {strides = array<i32>} : memref<40x128xf32, #tpu.memory_space<vmem>>, vector<1x16xf32>,
        %get3A_216 = vector.shape_cast %get3A_215 : vector<1x16xf32> to vector<16xf32>
        %sub3A_217 = arith.subf %get3A_212, %get3A_216 : vector<16xf32>
        %abs3A_218 = math.absf %sub3A_217 : vector<16xf32>
        %swap3A_219 = arith.index_cast %scan3A_107 : i32 to index
        %swap3A_220 = arith.constant 112 : index
        %swap3A_221 = tpu.vector_load %arg8[%swap3A_219, %swap3A_220] {strides = array<i32>} : memref<40x128xf32, #tpu.memory_space<vmem>>, vector<1x16xf32>,
        %swap3A_222 = vector.shape_cast %swap3A_221 : vector<1x16xf32> to vector<16xf32>
        %swap3A_223 = vector.shape_cast %abs3A_218 : vector<16xf32> to vector<1x16xf32>
        tpu.vector_store %arg8[%swap3A_219, %swap3A_220], %swap3A_223 {strides = array<i32>} : memref<40x128xf32, #tpu.memory_space<vmem>>, vector<1x16xf32>,
      }
      %scan3A_67 = arith.constant 40 : i32
      %mul3A_68 = arith.constant 40 : i32
      %mul3A_69 = arith.muli %mul3A_36, %mul3A_68 : i32
      %add3A_70 = arith.addi %add3A, %mul3A_69 : i32
      "tpu.region"() ({
        %run_scoped3A = tpu.sem_alloc : memref<!tpu.dma_semaphore, #tpu.memory_space<semaphore_mem>>
        %dma_start3A_107 = arith.constant 0 : i32
        %dma_start3A_108 = tpu.memref_slice %arg5[%add3A_70, %dma_start3A_107] : memref<160000x128xf32, #tpu.memory_space<hbm>> -> memref<40x128xf32, #tpu.memory_space<hbm>>
        %dma_start3A_109 = arith.constant 0 : i32
        %dma_start3A_110 = tpu.memref_slice %arg5[%add3A_70, %dma_start3A_109] : memref<160000x128xf32, #tpu.memory_space<hbm>> -> memref<40x128xf32, #tpu.memory_space<hbm>>
        tpu.enqueue_dma source(%arg8 : memref<40x128xf32, #tpu.memory_space<vmem>>) target(%dma_start3A_110 : memref<40x128xf32, #tpu.memory_space<hbm>>) target_semaphore(%run_scoped3A : memref<!tpu.dma_semaphore, #tpu.memory_space<semaphore_mem>>)
        %dma_wait3A_111 = arith.constant 0 : i32
        %dma_wait3A_112 = tpu.memref_slice %arg5[%add3A_70, %dma_wait3A_111] : memref<160000x128xf32, #tpu.memory_space<hbm>> -> memref<40x128xf32, #tpu.memory_space<hbm>>
        %dma_wait3A_113 = arith.constant 0 : i32
        %dma_wait3A_114 = tpu.memref_slice %arg5[%add3A_70, %dma_wait3A_113] : memref<160000x128xf32, #tpu.memory_space<hbm>> -> memref<40x128xf32, #tpu.memory_space<hbm>>
        tpu.wait_dma2 semaphore(%run_scoped3A : memref<!tpu.dma_semaphore, #tpu.memory_space<semaphore_mem>>) src(%arg8 : memref<40x128xf32, #tpu.memory_space<vmem>>) dst(%dma_wait3A_114 : memref<40x128xf32, #tpu.memory_space<hbm>>)
        tpu.yield
      }) : () -> ()
      %dma_wait3A_71 = arith.constant 0 : i32
      %dma_wait3A_72 = arith.constant 0 : i32
      %dma_wait3A_73 = tpu.memref_slice %arg2[%dma_wait3A_71, %dma_wait3A_72] : memref<10000x128xf32, #tpu.memory_space<hbm>> -> memref<40x128xf32, #tpu.memory_space<hbm>>
      %dma_wait3A_74 = arith.constant 0 : i32
      %dma_wait3A_75 = arith.constant 0 : i32
      %dma_wait3A_76 = tpu.memref_slice %arg2[%dma_wait3A_74, %dma_wait3A_75] : memref<10000x128xf32, #tpu.memory_space<hbm>> -> memref<40x128xf32, #tpu.memory_space<hbm>>
      tpu.wait_dma2 semaphore(%arg13 : memref<!tpu.dma_semaphore, #tpu.memory_space<semaphore_mem>>) src(%dma_wait3A_76 : memref<40x128xf32, #tpu.memory_space<hbm>>) dst(%arg10 : memref<40x128xf32, #tpu.memory_space<vmem>>)
      %dma_wait3A_77 = arith.constant 0 : i32
      %dma_wait3A_78 = arith.constant 0 : i32
      %dma_wait3A_79 = tpu.memref_slice %arg2[%dma_wait3A_77, %dma_wait3A_78] : memref<10000x128xf32, #tpu.memory_space<hbm>> -> memref<40x128xf32, #tpu.memory_space<hbm>>
      %dma_wait3A_80 = arith.constant 0 : i32
      %dma_wait3A_81 = arith.constant 0 : i32
      %dma_wait3A_82 = tpu.memref_slice %arg2[%dma_wait3A_80, %dma_wait3A_81] : memref<10000x128xf32, #tpu.memory_space<hbm>> -> memref<40x128xf32, #tpu.memory_space<hbm>>
      tpu.wait_dma2 semaphore(%arg13 : memref<!tpu.dma_semaphore, #tpu.memory_space<semaphore_mem>>) src(%dma_wait3A_82 : memref<40x128xf32, #tpu.memory_space<hbm>>) dst(%arg11 : memref<40x128xf32, #tpu.memory_space<vmem>>)
      %add3A_83 = arith.constant 2 : i32
      %add3A_84 = arith.addi %mul3A_36, %add3A_83 : i32
      %mul3A_85 = arith.constant 40 : i32
      %mul3A_86 = arith.muli %add3A_84, %mul3A_85 : i32
      %dma_start3A_87 = tpu.memref_slice %arg6[%mul3A_86] : memref<5000xi32, #tpu.memory_space<vmem>> -> memref<40xi32, #tpu.memory_space<vmem>>
      %dma_start3A_88 = arith.constant 0 : i32
      %dma_start3A_89 = arith.constant 0 : i32
      %dma_start3A_90 = tpu.memref_slice %arg2[%dma_start3A_88, %dma_start3A_89] : memref<10000x128xf32, #tpu.memory_space<hbm>> -> memref<10000x128xf32, #tpu.memory_space<hbm>>
      tpu.enqueue_indirect_dma source(%dma_start3A_90 : memref<10000x128xf32, #tpu.memory_space<hbm>>) target(%arg8 : memref<40x128xf32, #tpu.memory_space<vmem>>) offsets(%dma_start3A_87 : memref<40xi32, #tpu.memory_space<vmem>>) semaphore(%arg12 : memref<!tpu.dma_semaphore, #tpu.memory_space<semaphore_mem>>)
      %mul3A_91 = arith.constant 40 : i32
      %mul3A_92 = arith.muli %add3A_84, %mul3A_91 : i32
      %dma_start3A_93 = tpu.memref_slice %arg7[%mul3A_92] : memref<5000xi32, #tpu.memory_space<vmem>> -> memref<40xi32, #tpu.memory_space<vmem>>
      %dma_start3A_94 = arith.constant 0 : i32
      %dma_start3A_95 = arith.constant 0 : i32
      %dma_start3A_96 = tpu.memref_slice %arg2[%dma_start3A_94, %dma_start3A_95] : memref<10000x128xf32, #tpu.memory_space<hbm>> -> memref<10000x128xf32, #tpu.memory_space<hbm>>
      tpu.enqueue_indirect_dma source(%dma_start3A_96 : memref<10000x128xf32, #tpu.memory_space<hbm>>) target(%arg9 : memref<40x128xf32, #tpu.memory_space<vmem>>) offsets(%dma_start3A_93 : memref<40xi32, #tpu.memory_space<vmem>>) semaphore(%arg12 : memref<!tpu.dma_semaphore, #tpu.memory_space<semaphore_mem>>)
      %add3A_97 = arith.constant 1 : i32
      %add3A_98 = arith.addi %mul3A_36, %add3A_97 : i32
      %scan3A_99 = arith.constant 0 : i32
      %scan3A_100 = arith.constant 40 : i32
      %scan3A_101 = arith.addi %scan3A_99, %scan3A_100 : i32
      %scan3A_102 = arith.constant 1 : i32
      scf.for %scan3A_107 = %scan3A_99 to %scan3A_101 step %scan3A_102  : i32 {
        %get3A = arith.index_cast %scan3A_107 : i32 to index
        %get3A_108 = arith.constant 0 : index
        %get3A_109 = tpu.vector_load %arg10[%get3A, %get3A_108] {strides = array<i32>} : memref<40x128xf32, #tpu.memory_space<vmem>>, vector<1x16xf32>,
        %get3A_110 = vector.shape_cast %get3A_109 : vector<1x16xf32> to vector<16xf32>
        %get3A_111 = arith.index_cast %scan3A_107 : i32 to index
        %get3A_112 = arith.constant 0 : index
        %get3A_113 = tpu.vector_load %arg11[%get3A_111, %get3A_112] {strides = array<i32>} : memref<40x128xf32, #tpu.memory_space<vmem>>, vector<1x16xf32>,
        %get3A_114 = vector.shape_cast %get3A_113 : vector<1x16xf32> to vector<16xf32>
        %sub3A = arith.subf %get3A_110, %get3A_114 : vector<16xf32>
        %abs3A = math.absf %sub3A : vector<16xf32>
        %swap3A = arith.index_cast %scan3A_107 : i32 to index
        %swap3A_115 = arith.constant 0 : index
        %swap3A_116 = tpu.vector_load %arg10[%swap3A, %swap3A_115] {strides = array<i32>} : memref<40x128xf32, #tpu.memory_space<vmem>>, vector<1x16xf32>,
        %swap3A_117 = vector.shape_cast %swap3A_116 : vector<1x16xf32> to vector<16xf32>
        %swap3A_118 = vector.shape_cast %abs3A : vector<16xf32> to vector<1x16xf32>
        tpu.vector_store %arg10[%swap3A, %swap3A_115], %swap3A_118 {strides = array<i32>} : memref<40x128xf32, #tpu.memory_space<vmem>>, vector<1x16xf32>,
        %get3A_119 = arith.index_cast %scan3A_107 : i32 to index
        %get3A_120 = arith.constant 16 : index
        %get3A_121 = tpu.vector_load %arg10[%get3A_119, %get3A_120] {strides = array<i32>} : memref<40x128xf32, #tpu.memory_space<vmem>>, vector<1x16xf32>,
        %get3A_122 = vector.shape_cast %get3A_121 : vector<1x16xf32> to vector<16xf32>
        %get3A_123 = arith.index_cast %scan3A_107 : i32 to index
        %get3A_124 = arith.constant 16 : index
        %get3A_125 = tpu.vector_load %arg11[%get3A_123, %get3A_124] {strides = array<i32>} : memref<40x128xf32, #tpu.memory_space<vmem>>, vector<1x16xf32>,
        %get3A_126 = vector.shape_cast %get3A_125 : vector<1x16xf32> to vector<16xf32>
        %sub3A_127 = arith.subf %get3A_122, %get3A_126 : vector<16xf32>
        %abs3A_128 = math.absf %sub3A_127 : vector<16xf32>
        %swap3A_129 = arith.index_cast %scan3A_107 : i32 to index
        %swap3A_130 = arith.constant 16 : index
        %swap3A_131 = tpu.vector_load %arg10[%swap3A_129, %swap3A_130] {strides = array<i32>} : memref<40x128xf32, #tpu.memory_space<vmem>>, vector<1x16xf32>,
        %swap3A_132 = vector.shape_cast %swap3A_131 : vector<1x16xf32> to vector<16xf32>
        %swap3A_133 = vector.shape_cast %abs3A_128 : vector<16xf32> to vector<1x16xf32>
        tpu.vector_store %arg10[%swap3A_129, %swap3A_130], %swap3A_133 {strides = array<i32>} : memref<40x128xf32, #tpu.memory_space<vmem>>, vector<1x16xf32>,
        %get3A_134 = arith.index_cast %scan3A_107 : i32 to index
        %get3A_135 = arith.constant 32 : index
        %get3A_136 = tpu.vector_load %arg10[%get3A_134, %get3A_135] {strides = array<i32>} : memref<40x128xf32, #tpu.memory_space<vmem>>, vector<1x16xf32>,
        %get3A_137 = vector.shape_cast %get3A_136 : vector<1x16xf32> to vector<16xf32>
        %get3A_138 = arith.index_cast %scan3A_107 : i32 to index
        %get3A_139 = arith.constant 32 : index
        %get3A_140 = tpu.vector_load %arg11[%get3A_138, %get3A_139] {strides = array<i32>} : memref<40x128xf32, #tpu.memory_space<vmem>>, vector<1x16xf32>,
        %get3A_141 = vector.shape_cast %get3A_140 : vector<1x16xf32> to vector<16xf32>
        %sub3A_142 = arith.subf %get3A_137, %get3A_141 : vector<16xf32>
        %abs3A_143 = math.absf %sub3A_142 : vector<16xf32>
        %swap3A_144 = arith.index_cast %scan3A_107 : i32 to index
        %swap3A_145 = arith.constant 32 : index
        %swap3A_146 = tpu.vector_load %arg10[%swap3A_144, %swap3A_145] {strides = array<i32>} : memref<40x128xf32, #tpu.memory_space<vmem>>, vector<1x16xf32>,
        %swap3A_147 = vector.shape_cast %swap3A_146 : vector<1x16xf32> to vector<16xf32>
        %swap3A_148 = vector.shape_cast %abs3A_143 : vector<16xf32> to vector<1x16xf32>
        tpu.vector_store %arg10[%swap3A_144, %swap3A_145], %swap3A_148 {strides = array<i32>} : memref<40x128xf32, #tpu.memory_space<vmem>>, vector<1x16xf32>,
        %get3A_149 = arith.index_cast %scan3A_107 : i32 to index
        %get3A_150 = arith.constant 48 : index
        %get3A_151 = tpu.vector_load %arg10[%get3A_149, %get3A_150] {strides = array<i32>} : memref<40x128xf32, #tpu.memory_space<vmem>>, vector<1x16xf32>,
        %get3A_152 = vector.shape_cast %get3A_151 : vector<1x16xf32> to vector<16xf32>
        %get3A_153 = arith.index_cast %scan3A_107 : i32 to index
        %get3A_154 = arith.constant 48 : index
        %get3A_155 = tpu.vector_load %arg11[%get3A_153, %get3A_154] {strides = array<i32>} : memref<40x128xf32, #tpu.memory_space<vmem>>, vector<1x16xf32>,
        %get3A_156 = vector.shape_cast %get3A_155 : vector<1x16xf32> to vector<16xf32>
        %sub3A_157 = arith.subf %get3A_152, %get3A_156 : vector<16xf32>
        %abs3A_158 = math.absf %sub3A_157 : vector<16xf32>
        %swap3A_159 = arith.index_cast %scan3A_107 : i32 to index
        %swap3A_160 = arith.constant 48 : index
        %swap3A_161 = tpu.vector_load %arg10[%swap3A_159, %swap3A_160] {strides = array<i32>} : memref<40x128xf32, #tpu.memory_space<vmem>>, vector<1x16xf32>,
        %swap3A_162 = vector.shape_cast %swap3A_161 : vector<1x16xf32> to vector<16xf32>
        %swap3A_163 = vector.shape_cast %abs3A_158 : vector<16xf32> to vector<1x16xf32>
        tpu.vector_store %arg10[%swap3A_159, %swap3A_160], %swap3A_163 {strides = array<i32>} : memref<40x128xf32, #tpu.memory_space<vmem>>, vector<1x16xf32>,
        %get3A_164 = arith.index_cast %scan3A_107 : i32 to index
        %get3A_165 = arith.constant 64 : index
        %get3A_166 = tpu.vector_load %arg10[%get3A_164, %get3A_165] {strides = array<i32>} : memref<40x128xf32, #tpu.memory_space<vmem>>, vector<1x16xf32>,
        %get3A_167 = vector.shape_cast %get3A_166 : vector<1x16xf32> to vector<16xf32>
        %get3A_168 = arith.index_cast %scan3A_107 : i32 to index
        %get3A_169 = arith.constant 64 : index
        %get3A_170 = tpu.vector_load %arg11[%get3A_168, %get3A_169] {strides = array<i32>} : memref<40x128xf32, #tpu.memory_space<vmem>>, vector<1x16xf32>,
        %get3A_171 = vector.shape_cast %get3A_170 : vector<1x16xf32> to vector<16xf32>
        %sub3A_172 = arith.subf %get3A_167, %get3A_171 : vector<16xf32>
        %abs3A_173 = math.absf %sub3A_172 : vector<16xf32>
        %swap3A_174 = arith.index_cast %scan3A_107 : i32 to index
        %swap3A_175 = arith.constant 64 : index
        %swap3A_176 = tpu.vector_load %arg10[%swap3A_174, %swap3A_175] {strides = array<i32>} : memref<40x128xf32, #tpu.memory_space<vmem>>, vector<1x16xf32>,
        %swap3A_177 = vector.shape_cast %swap3A_176 : vector<1x16xf32> to vector<16xf32>
        %swap3A_178 = vector.shape_cast %abs3A_173 : vector<16xf32> to vector<1x16xf32>
        tpu.vector_store %arg10[%swap3A_174, %swap3A_175], %swap3A_178 {strides = array<i32>} : memref<40x128xf32, #tpu.memory_space<vmem>>, vector<1x16xf32>,
        %get3A_179 = arith.index_cast %scan3A_107 : i32 to index
        %get3A_180 = arith.constant 80 : index
        %get3A_181 = tpu.vector_load %arg10[%get3A_179, %get3A_180] {strides = array<i32>} : memref<40x128xf32, #tpu.memory_space<vmem>>, vector<1x16xf32>,
        %get3A_182 = vector.shape_cast %get3A_181 : vector<1x16xf32> to vector<16xf32>
        %get3A_183 = arith.index_cast %scan3A_107 : i32 to index
        %get3A_184 = arith.constant 80 : index
        %get3A_185 = tpu.vector_load %arg11[%get3A_183, %get3A_184] {strides = array<i32>} : memref<40x128xf32, #tpu.memory_space<vmem>>, vector<1x16xf32>,
        %get3A_186 = vector.shape_cast %get3A_185 : vector<1x16xf32> to vector<16xf32>
        %sub3A_187 = arith.subf %get3A_182, %get3A_186 : vector<16xf32>
        %abs3A_188 = math.absf %sub3A_187 : vector<16xf32>
        %swap3A_189 = arith.index_cast %scan3A_107 : i32 to index
        %swap3A_190 = arith.constant 80 : index
        %swap3A_191 = tpu.vector_load %arg10[%swap3A_189, %swap3A_190] {strides = array<i32>} : memref<40x128xf32, #tpu.memory_space<vmem>>, vector<1x16xf32>,
        %swap3A_192 = vector.shape_cast %swap3A_191 : vector<1x16xf32> to vector<16xf32>
        %swap3A_193 = vector.shape_cast %abs3A_188 : vector<16xf32> to vector<1x16xf32>
        tpu.vector_store %arg10[%swap3A_189, %swap3A_190], %swap3A_193 {strides = array<i32>} : memref<40x128xf32, #tpu.memory_space<vmem>>, vector<1x16xf32>,
        %get3A_194 = arith.index_cast %scan3A_107 : i32 to index
        %get3A_195 = arith.constant 96 : index
        %get3A_196 = tpu.vector_load %arg10[%get3A_194, %get3A_195] {strides = array<i32>} : memref<40x128xf32, #tpu.memory_space<vmem>>, vector<1x16xf32>,
        %get3A_197 = vector.shape_cast %get3A_196 : vector<1x16xf32> to vector<16xf32>
        %get3A_198 = arith.index_cast %scan3A_107 : i32 to index
        %get3A_199 = arith.constant 96 : index
        %get3A_200 = tpu.vector_load %arg11[%get3A_198, %get3A_199] {strides = array<i32>} : memref<40x128xf32, #tpu.memory_space<vmem>>, vector<1x16xf32>,
        %get3A_201 = vector.shape_cast %get3A_200 : vector<1x16xf32> to vector<16xf32>
        %sub3A_202 = arith.subf %get3A_197, %get3A_201 : vector<16xf32>
        %abs3A_203 = math.absf %sub3A_202 : vector<16xf32>
        %swap3A_204 = arith.index_cast %scan3A_107 : i32 to index
        %swap3A_205 = arith.constant 96 : index
        %swap3A_206 = tpu.vector_load %arg10[%swap3A_204, %swap3A_205] {strides = array<i32>} : memref<40x128xf32, #tpu.memory_space<vmem>>, vector<1x16xf32>,
        %swap3A_207 = vector.shape_cast %swap3A_206 : vector<1x16xf32> to vector<16xf32>
        %swap3A_208 = vector.shape_cast %abs3A_203 : vector<16xf32> to vector<1x16xf32>
        tpu.vector_store %arg10[%swap3A_204, %swap3A_205], %swap3A_208 {strides = array<i32>} : memref<40x128xf32, #tpu.memory_space<vmem>>, vector<1x16xf32>,
        %get3A_209 = arith.index_cast %scan3A_107 : i32 to index
        %get3A_210 = arith.constant 112 : index
        %get3A_211 = tpu.vector_load %arg10[%get3A_209, %get3A_210] {strides = array<i32>} : memref<40x128xf32, #tpu.memory_space<vmem>>, vector<1x16xf32>,
        %get3A_212 = vector.shape_cast %get3A_211 : vector<1x16xf32> to vector<16xf32>
        %get3A_213 = arith.index_cast %scan3A_107 : i32 to index
        %get3A_214 = arith.constant 112 : index
        %get3A_215 = tpu.vector_load %arg11[%get3A_213, %get3A_214] {strides = array<i32>} : memref<40x128xf32, #tpu.memory_space<vmem>>, vector<1x16xf32>,
        %get3A_216 = vector.shape_cast %get3A_215 : vector<1x16xf32> to vector<16xf32>
        %sub3A_217 = arith.subf %get3A_212, %get3A_216 : vector<16xf32>
        %abs3A_218 = math.absf %sub3A_217 : vector<16xf32>
        %swap3A_219 = arith.index_cast %scan3A_107 : i32 to index
        %swap3A_220 = arith.constant 112 : index
        %swap3A_221 = tpu.vector_load %arg10[%swap3A_219, %swap3A_220] {strides = array<i32>} : memref<40x128xf32, #tpu.memory_space<vmem>>, vector<1x16xf32>,
        %swap3A_222 = vector.shape_cast %swap3A_221 : vector<1x16xf32> to vector<16xf32>
        %swap3A_223 = vector.shape_cast %abs3A_218 : vector<16xf32> to vector<1x16xf32>
        tpu.vector_store %arg10[%swap3A_219, %swap3A_220], %swap3A_223 {strides = array<i32>} : memref<40x128xf32, #tpu.memory_space<vmem>>, vector<1x16xf32>,
      }
      %scan3A_103 = arith.constant 40 : i32
      %mul3A_104 = arith.constant 40 : i32
      %mul3A_105 = arith.muli %add3A_98, %mul3A_104 : i32
      %add3A_106 = arith.addi %add3A, %mul3A_105 : i32
      "tpu.region"() ({
        %run_scoped3A = tpu.sem_alloc : memref<!tpu.dma_semaphore, #tpu.memory_space<semaphore_mem>>
        %dma_start3A_107 = arith.constant 0 : i32
        %dma_start3A_108 = tpu.memref_slice %arg5[%add3A_106, %dma_start3A_107] : memref<160000x128xf32, #tpu.memory_space<hbm>> -> memref<40x128xf32, #tpu.memory_space<hbm>>
        %dma_start3A_109 = arith.constant 0 : i32
        %dma_start3A_110 = tpu.memref_slice %arg5[%add3A_106, %dma_start3A_109] : memref<160000x128xf32, #tpu.memory_space<hbm>> -> memref<40x128xf32, #tpu.memory_space<hbm>>
        tpu.enqueue_dma source(%arg10 : memref<40x128xf32, #tpu.memory_space<vmem>>) target(%dma_start3A_110 : memref<40x128xf32, #tpu.memory_space<hbm>>) target_semaphore(%run_scoped3A : memref<!tpu.dma_semaphore, #tpu.memory_space<semaphore_mem>>)
        %dma_wait3A_111 = arith.constant 0 : i32
        %dma_wait3A_112 = tpu.memref_slice %arg5[%add3A_106, %dma_wait3A_111] : memref<160000x128xf32, #tpu.memory_space<hbm>> -> memref<40x128xf32, #tpu.memory_space<hbm>>
        %dma_wait3A_113 = arith.constant 0 : i32
        %dma_wait3A_114 = tpu.memref_slice %arg5[%add3A_106, %dma_wait3A_113] : memref<160000x128xf32, #tpu.memory_space<hbm>> -> memref<40x128xf32, #tpu.memory_space<hbm>>
        tpu.wait_dma2 semaphore(%run_scoped3A : memref<!tpu.dma_semaphore, #tpu.memory_space<semaphore_mem>>) src(%arg10 : memref<40x128xf32, #tpu.memory_space<vmem>>) dst(%dma_wait3A_114 : memref<40x128xf32, #tpu.memory_space<hbm>>)
        tpu.yield
      }) : () -> ()
    }
    %scan3A_15 = arith.constant 62 : i32
    %dma_wait3A = arith.constant 0 : i32
    %dma_wait3A_16 = arith.constant 0 : i32
    %dma_wait3A_17 = tpu.memref_slice %arg2[%dma_wait3A, %dma_wait3A_16] : memref<10000x128xf32, #tpu.memory_space<hbm>> -> memref<40x128xf32, #tpu.memory_space<hbm>>
    %dma_wait3A_18 = arith.constant 0 : i32
    %dma_wait3A_19 = arith.constant 0 : i32
    %dma_wait3A_20 = tpu.memref_slice %arg2[%dma_wait3A_18, %dma_wait3A_19] : memref<10000x128xf32, #tpu.memory_space<hbm>> -> memref<40x128xf32, #tpu.memory_space<hbm>>
    tpu.wait_dma2 semaphore(%arg12 : memref<!tpu.dma_semaphore, #tpu.memory_space<semaphore_mem>>) src(%dma_wait3A_20 : memref<40x128xf32, #tpu.memory_space<hbm>>) dst(%arg8 : memref<40x128xf32, #tpu.memory_space<vmem>>)
    %dma_wait3A_21 = arith.constant 0 : i32
    %dma_wait3A_22 = arith.constant 0 : i32
    %dma_wait3A_23 = tpu.memref_slice %arg2[%dma_wait3A_21, %dma_wait3A_22] : memref<10000x128xf32, #tpu.memory_space<hbm>> -> memref<40x128xf32, #tpu.memory_space<hbm>>
    %dma_wait3A_24 = arith.constant 0 : i32
    %dma_wait3A_25 = arith.constant 0 : i32
    %dma_wait3A_26 = tpu.memref_slice %arg2[%dma_wait3A_24, %dma_wait3A_25] : memref<10000x128xf32, #tpu.memory_space<hbm>> -> memref<40x128xf32, #tpu.memory_space<hbm>>
    tpu.wait_dma2 semaphore(%arg12 : memref<!tpu.dma_semaphore, #tpu.memory_space<semaphore_mem>>) src(%dma_wait3A_26 : memref<40x128xf32, #tpu.memory_space<hbm>>) dst(%arg9 : memref<40x128xf32, #tpu.memory_space<vmem>>)
    %scan3A_27 = arith.constant 0 : i32
    %scan3A_28 = arith.constant 40 : i32
    %scan3A_29 = arith.addi %scan3A_27, %scan3A_28 : i32
    %scan3A_30 = arith.constant 1 : i32
    scf.for %scan3A_34 = %scan3A_27 to %scan3A_29 step %scan3A_30  : i32 {
      %get3A = arith.index_cast %scan3A_34 : i32 to index
      %get3A_35 = arith.constant 0 : index
      %get3A_36 = tpu.vector_load %arg8[%get3A, %get3A_35] {strides = array<i32>} : memref<40x128xf32, #tpu.memory_space<vmem>>, vector<1x16xf32>,
      %get3A_37 = vector.shape_cast %get3A_36 : vector<1x16xf32> to vector<16xf32>
      %get3A_38 = arith.index_cast %scan3A_34 : i32 to index
      %get3A_39 = arith.constant 0 : index
      %get3A_40 = tpu.vector_load %arg9[%get3A_38, %get3A_39] {strides = array<i32>} : memref<40x128xf32, #tpu.memory_space<vmem>>, vector<1x16xf32>,
      %get3A_41 = vector.shape_cast %get3A_40 : vector<1x16xf32> to vector<16xf32>
      %sub3A = arith.subf %get3A_37, %get3A_41 : vector<16xf32>
      %abs3A = math.absf %sub3A : vector<16xf32>
      %swap3A = arith.index_cast %scan3A_34 : i32 to index
      %swap3A_42 = arith.constant 0 : index
      %swap3A_43 = tpu.vector_load %arg8[%swap3A, %swap3A_42] {strides = array<i32>} : memref<40x128xf32, #tpu.memory_space<vmem>>, vector<1x16xf32>,
      %swap3A_44 = vector.shape_cast %swap3A_43 : vector<1x16xf32> to vector<16xf32>
      %swap3A_45 = vector.shape_cast %abs3A : vector<16xf32> to vector<1x16xf32>
      tpu.vector_store %arg8[%swap3A, %swap3A_42], %swap3A_45 {strides = array<i32>} : memref<40x128xf32, #tpu.memory_space<vmem>>, vector<1x16xf32>,
      %get3A_46 = arith.index_cast %scan3A_34 : i32 to index
      %get3A_47 = arith.constant 16 : index
      %get3A_48 = tpu.vector_load %arg8[%get3A_46, %get3A_47] {strides = array<i32>} : memref<40x128xf32, #tpu.memory_space<vmem>>, vector<1x16xf32>,
      %get3A_49 = vector.shape_cast %get3A_48 : vector<1x16xf32> to vector<16xf32>
      %get3A_50 = arith.index_cast %scan3A_34 : i32 to index
      %get3A_51 = arith.constant 16 : index
      %get3A_52 = tpu.vector_load %arg9[%get3A_50, %get3A_51] {strides = array<i32>} : memref<40x128xf32, #tpu.memory_space<vmem>>, vector<1x16xf32>,
      %get3A_53 = vector.shape_cast %get3A_52 : vector<1x16xf32> to vector<16xf32>
      %sub3A_54 = arith.subf %get3A_49, %get3A_53 : vector<16xf32>
      %abs3A_55 = math.absf %sub3A_54 : vector<16xf32>
      %swap3A_56 = arith.index_cast %scan3A_34 : i32 to index
      %swap3A_57 = arith.constant 16 : index
      %swap3A_58 = tpu.vector_load %arg8[%swap3A_56, %swap3A_57] {strides = array<i32>} : memref<40x128xf32, #tpu.memory_space<vmem>>, vector<1x16xf32>,
      %swap3A_59 = vector.shape_cast %swap3A_58 : vector<1x16xf32> to vector<16xf32>
      %swap3A_60 = vector.shape_cast %abs3A_55 : vector<16xf32> to vector<1x16xf32>
      tpu.vector_store %arg8[%swap3A_56, %swap3A_57], %swap3A_60 {strides = array<i32>} : memref<40x128xf32, #tpu.memory_space<vmem>>, vector<1x16xf32>,
      %get3A_61 = arith.index_cast %scan3A_34 : i32 to index
      %get3A_62 = arith.constant 32 : index
      %get3A_63 = tpu.vector_load %arg8[%get3A_61, %get3A_62] {strides = array<i32>} : memref<40x128xf32, #tpu.memory_space<vmem>>, vector<1x16xf32>,
      %get3A_64 = vector.shape_cast %get3A_63 : vector<1x16xf32> to vector<16xf32>
      %get3A_65 = arith.index_cast %scan3A_34 : i32 to index
      %get3A_66 = arith.constant 32 : index
      %get3A_67 = tpu.vector_load %arg9[%get3A_65, %get3A_66] {strides = array<i32>} : memref<40x128xf32, #tpu.memory_space<vmem>>, vector<1x16xf32>,
      %get3A_68 = vector.shape_cast %get3A_67 : vector<1x16xf32> to vector<16xf32>
      %sub3A_69 = arith.subf %get3A_64, %get3A_68 : vector<16xf32>
      %abs3A_70 = math.absf %sub3A_69 : vector<16xf32>
      %swap3A_71 = arith.index_cast %scan3A_34 : i32 to index
      %swap3A_72 = arith.constant 32 : index
      %swap3A_73 = tpu.vector_load %arg8[%swap3A_71, %swap3A_72] {strides = array<i32>} : memref<40x128xf32, #tpu.memory_space<vmem>>, vector<1x16xf32>,
      %swap3A_74 = vector.shape_cast %swap3A_73 : vector<1x16xf32> to vector<16xf32>
      %swap3A_75 = vector.shape_cast %abs3A_70 : vector<16xf32> to vector<1x16xf32>
      tpu.vector_store %arg8[%swap3A_71, %swap3A_72], %swap3A_75 {strides = array<i32>} : memref<40x128xf32, #tpu.memory_space<vmem>>, vector<1x16xf32>,
      %get3A_76 = arith.index_cast %scan3A_34 : i32 to index
      %get3A_77 = arith.constant 48 : index
      %get3A_78 = tpu.vector_load %arg8[%get3A_76, %get3A_77] {strides = array<i32>} : memref<40x128xf32, #tpu.memory_space<vmem>>, vector<1x16xf32>,
      %get3A_79 = vector.shape_cast %get3A_78 : vector<1x16xf32> to vector<16xf32>
      %get3A_80 = arith.index_cast %scan3A_34 : i32 to index
      %get3A_81 = arith.constant 48 : index
      %get3A_82 = tpu.vector_load %arg9[%get3A_80, %get3A_81] {strides = array<i32>} : memref<40x128xf32, #tpu.memory_space<vmem>>, vector<1x16xf32>,
      %get3A_83 = vector.shape_cast %get3A_82 : vector<1x16xf32> to vector<16xf32>
      %sub3A_84 = arith.subf %get3A_79, %get3A_83 : vector<16xf32>
      %abs3A_85 = math.absf %sub3A_84 : vector<16xf32>
      %swap3A_86 = arith.index_cast %scan3A_34 : i32 to index
      %swap3A_87 = arith.constant 48 : index
      %swap3A_88 = tpu.vector_load %arg8[%swap3A_86, %swap3A_87] {strides = array<i32>} : memref<40x128xf32, #tpu.memory_space<vmem>>, vector<1x16xf32>,
      %swap3A_89 = vector.shape_cast %swap3A_88 : vector<1x16xf32> to vector<16xf32>
      %swap3A_90 = vector.shape_cast %abs3A_85 : vector<16xf32> to vector<1x16xf32>
      tpu.vector_store %arg8[%swap3A_86, %swap3A_87], %swap3A_90 {strides = array<i32>} : memref<40x128xf32, #tpu.memory_space<vmem>>, vector<1x16xf32>,
      %get3A_91 = arith.index_cast %scan3A_34 : i32 to index
      %get3A_92 = arith.constant 64 : index
      %get3A_93 = tpu.vector_load %arg8[%get3A_91, %get3A_92] {strides = array<i32>} : memref<40x128xf32, #tpu.memory_space<vmem>>, vector<1x16xf32>,
      %get3A_94 = vector.shape_cast %get3A_93 : vector<1x16xf32> to vector<16xf32>
      %get3A_95 = arith.index_cast %scan3A_34 : i32 to index
      %get3A_96 = arith.constant 64 : index
      %get3A_97 = tpu.vector_load %arg9[%get3A_95, %get3A_96] {strides = array<i32>} : memref<40x128xf32, #tpu.memory_space<vmem>>, vector<1x16xf32>,
      %get3A_98 = vector.shape_cast %get3A_97 : vector<1x16xf32> to vector<16xf32>
      %sub3A_99 = arith.subf %get3A_94, %get3A_98 : vector<16xf32>
      %abs3A_100 = math.absf %sub3A_99 : vector<16xf32>
      %swap3A_101 = arith.index_cast %scan3A_34 : i32 to index
      %swap3A_102 = arith.constant 64 : index
      %swap3A_103 = tpu.vector_load %arg8[%swap3A_101, %swap3A_102] {strides = array<i32>} : memref<40x128xf32, #tpu.memory_space<vmem>>, vector<1x16xf32>,
      %swap3A_104 = vector.shape_cast %swap3A_103 : vector<1x16xf32> to vector<16xf32>
      %swap3A_105 = vector.shape_cast %abs3A_100 : vector<16xf32> to vector<1x16xf32>
      tpu.vector_store %arg8[%swap3A_101, %swap3A_102], %swap3A_105 {strides = array<i32>} : memref<40x128xf32, #tpu.memory_space<vmem>>, vector<1x16xf32>,
      %get3A_106 = arith.index_cast %scan3A_34 : i32 to index
      %get3A_107 = arith.constant 80 : index
      %get3A_108 = tpu.vector_load %arg8[%get3A_106, %get3A_107] {strides = array<i32>} : memref<40x128xf32, #tpu.memory_space<vmem>>, vector<1x16xf32>,
      %get3A_109 = vector.shape_cast %get3A_108 : vector<1x16xf32> to vector<16xf32>
      %get3A_110 = arith.index_cast %scan3A_34 : i32 to index
      %get3A_111 = arith.constant 80 : index
      %get3A_112 = tpu.vector_load %arg9[%get3A_110, %get3A_111] {strides = array<i32>} : memref<40x128xf32, #tpu.memory_space<vmem>>, vector<1x16xf32>,
      %get3A_113 = vector.shape_cast %get3A_112 : vector<1x16xf32> to vector<16xf32>
      %sub3A_114 = arith.subf %get3A_109, %get3A_113 : vector<16xf32>
      %abs3A_115 = math.absf %sub3A_114 : vector<16xf32>
      %swap3A_116 = arith.index_cast %scan3A_34 : i32 to index
      %swap3A_117 = arith.constant 80 : index
      %swap3A_118 = tpu.vector_load %arg8[%swap3A_116, %swap3A_117] {strides = array<i32>} : memref<40x128xf32, #tpu.memory_space<vmem>>, vector<1x16xf32>,
      %swap3A_119 = vector.shape_cast %swap3A_118 : vector<1x16xf32> to vector<16xf32>
      %swap3A_120 = vector.shape_cast %abs3A_115 : vector<16xf32> to vector<1x16xf32>
      tpu.vector_store %arg8[%swap3A_116, %swap3A_117], %swap3A_120 {strides = array<i32>} : memref<40x128xf32, #tpu.memory_space<vmem>>, vector<1x16xf32>,
      %get3A_121 = arith.index_cast %scan3A_34 : i32 to index
      %get3A_122 = arith.constant 96 : index
      %get3A_123 = tpu.vector_load %arg8[%get3A_121, %get3A_122] {strides = array<i32>} : memref<40x128xf32, #tpu.memory_space<vmem>>, vector<1x16xf32>,
      %get3A_124 = vector.shape_cast %get3A_123 : vector<1x16xf32> to vector<16xf32>
      %get3A_125 = arith.index_cast %scan3A_34 : i32 to index
      %get3A_126 = arith.constant 96 : index
      %get3A_127 = tpu.vector_load %arg9[%get3A_125, %get3A_126] {strides = array<i32>} : memref<40x128xf32, #tpu.memory_space<vmem>>, vector<1x16xf32>,
      %get3A_128 = vector.shape_cast %get3A_127 : vector<1x16xf32> to vector<16xf32>
      %sub3A_129 = arith.subf %get3A_124, %get3A_128 : vector<16xf32>
      %abs3A_130 = math.absf %sub3A_129 : vector<16xf32>
      %swap3A_131 = arith.index_cast %scan3A_34 : i32 to index
      %swap3A_132 = arith.constant 96 : index
      %swap3A_133 = tpu.vector_load %arg8[%swap3A_131, %swap3A_132] {strides = array<i32>} : memref<40x128xf32, #tpu.memory_space<vmem>>, vector<1x16xf32>,
      %swap3A_134 = vector.shape_cast %swap3A_133 : vector<1x16xf32> to vector<16xf32>
      %swap3A_135 = vector.shape_cast %abs3A_130 : vector<16xf32> to vector<1x16xf32>
      tpu.vector_store %arg8[%swap3A_131, %swap3A_132], %swap3A_135 {strides = array<i32>} : memref<40x128xf32, #tpu.memory_space<vmem>>, vector<1x16xf32>,
      %get3A_136 = arith.index_cast %scan3A_34 : i32 to index
      %get3A_137 = arith.constant 112 : index
      %get3A_138 = tpu.vector_load %arg8[%get3A_136, %get3A_137] {strides = array<i32>} : memref<40x128xf32, #tpu.memory_space<vmem>>, vector<1x16xf32>,
      %get3A_139 = vector.shape_cast %get3A_138 : vector<1x16xf32> to vector<16xf32>
      %get3A_140 = arith.index_cast %scan3A_34 : i32 to index
      %get3A_141 = arith.constant 112 : index
      %get3A_142 = tpu.vector_load %arg9[%get3A_140, %get3A_141] {strides = array<i32>} : memref<40x128xf32, #tpu.memory_space<vmem>>, vector<1x16xf32>,
      %get3A_143 = vector.shape_cast %get3A_142 : vector<1x16xf32> to vector<16xf32>
      %sub3A_144 = arith.subf %get3A_139, %get3A_143 : vector<16xf32>
      %abs3A_145 = math.absf %sub3A_144 : vector<16xf32>
      %swap3A_146 = arith.index_cast %scan3A_34 : i32 to index
      %swap3A_147 = arith.constant 112 : index
      %swap3A_148 = tpu.vector_load %arg8[%swap3A_146, %swap3A_147] {strides = array<i32>} : memref<40x128xf32, #tpu.memory_space<vmem>>, vector<1x16xf32>,
      %swap3A_149 = vector.shape_cast %swap3A_148 : vector<1x16xf32> to vector<16xf32>
      %swap3A_150 = vector.shape_cast %abs3A_145 : vector<16xf32> to vector<1x16xf32>
      tpu.vector_store %arg8[%swap3A_146, %swap3A_147], %swap3A_150 {strides = array<i32>} : memref<40x128xf32, #tpu.memory_space<vmem>>, vector<1x16xf32>,
    }
    %scan3A_31 = arith.constant 40 : i32
    %add3A_32 = arith.constant 4960 : i32
    %add3A_33 = arith.addi %add3A, %add3A_32 : i32
    "tpu.region"() ({
      %run_scoped3A = tpu.sem_alloc : memref<!tpu.dma_semaphore, #tpu.memory_space<semaphore_mem>>
      %dma_start3A_34 = arith.constant 0 : i32
      %dma_start3A_35 = tpu.memref_slice %arg5[%add3A_33, %dma_start3A_34] : memref<160000x128xf32, #tpu.memory_space<hbm>> -> memref<40x128xf32, #tpu.memory_space<hbm>>
      %dma_start3A_36 = arith.constant 0 : i32
      %dma_start3A_37 = tpu.memref_slice %arg5[%add3A_33, %dma_start3A_36] : memref<160000x128xf32, #tpu.memory_space<hbm>> -> memref<40x128xf32, #tpu.memory_space<hbm>>
      tpu.enqueue_dma source(%arg8 : memref<40x128xf32, #tpu.memory_space<vmem>>) target(%dma_start3A_37 : memref<40x128xf32, #tpu.memory_space<hbm>>) target_semaphore(%run_scoped3A : memref<!tpu.dma_semaphore, #tpu.memory_space<semaphore_mem>>)
      %dma_wait3A_38 = arith.constant 0 : i32
      %dma_wait3A_39 = tpu.memref_slice %arg5[%add3A_33, %dma_wait3A_38] : memref<160000x128xf32, #tpu.memory_space<hbm>> -> memref<40x128xf32, #tpu.memory_space<hbm>>
      %dma_wait3A_40 = arith.constant 0 : i32
      %dma_wait3A_41 = tpu.memref_slice %arg5[%add3A_33, %dma_wait3A_40] : memref<160000x128xf32, #tpu.memory_space<hbm>> -> memref<40x128xf32, #tpu.memory_space<hbm>>
      tpu.wait_dma2 semaphore(%run_scoped3A : memref<!tpu.dma_semaphore, #tpu.memory_space<semaphore_mem>>) src(%arg8 : memref<40x128xf32, #tpu.memory_space<vmem>>) dst(%dma_wait3A_41 : memref<40x128xf32, #tpu.memory_space<hbm>>)
      tpu.yield
    }) : () -> ()
    return
  }
}

#map = affine_map<(d0, d1) -> (0, 0)>
#map1 = affine_map<(d0, d1) -> (0)>
module attributes {stable_mosaic.version = 14 : i64} {
  func.func @k(%arg0: i32, %arg1: i32, %arg2: memref<10000x128xf32, #tpu.memory_space<hbm>>, %arg3: memref<160000xi32, #tpu.memory_space<hbm>>, %arg4: memref<160000xi32, #tpu.memory_space<hbm>>, %arg5: memref<160000x128xf32, #tpu.memory_space<hbm>>, %arg6: memref<5000xi32, #tpu.memory_space<vmem>>, %arg7: memref<5000xi32, #tpu.memory_space<vmem>>, %arg8: memref<40x128xf32, #tpu.memory_space<vmem>>, %arg9: memref<40x128xf32, #tpu.memory_space<vmem>>, %arg10: memref<40x128xf32, #tpu.memory_space<vmem>>, %arg11: memref<40x128xf32, #tpu.memory_space<vmem>>, %arg12: memref<!tpu.dma_semaphore, #tpu.memory_space<semaphore_mem>>, %arg13: memref<!tpu.dma_semaphore, #tpu.memory_space<semaphore_mem>>) attributes {dimension_semantics = [#tpu.dimension_semantics<core_parallel>, #tpu.dimension_semantics<subcore_parallel>], iteration_bounds = array<i64: 2, 16>, scalar_prefetch = 0 : i64, scratch_operands = 8 : i64, tpu.core_type = #tpu.core_type<sc_vector_subcore>, window_params = [{transform_indices = #map}, {transform_indices = #map1}, {transform_indices = #map1}, {transform_indices = #map}]} {
    %mul3A = arith.constant 80000 : i32
    %mul3A_0 = arith.muli %arg0, %mul3A : i32
    %mul3A_1 = arith.constant 5000 : i32
    %mul3A_2 = arith.muli %arg1, %mul3A_1 : i32
    %add3A = arith.addi %mul3A_0, %mul3A_2 : i32
    "tpu.region"() ({
      %run_scoped3A = tpu.sem_alloc : memref<!tpu.dma_semaphore, #tpu.memory_space<semaphore_mem>>
      %dma_start3A_34 = tpu.memref_slice %arg3[%add3A] : memref<160000xi32, #tpu.memory_space<hbm>> -> memref<5000xi32, #tpu.memory_space<hbm>>
      %dma_start3A_35 = tpu.memref_slice %arg3[%add3A] : memref<160000xi32, #tpu.memory_space<hbm>> -> memref<5000xi32, #tpu.memory_space<hbm>>
      tpu.enqueue_dma source(%dma_start3A_35 : memref<5000xi32, #tpu.memory_space<hbm>>) target(%arg6 : memref<5000xi32, #tpu.memory_space<vmem>>) target_semaphore(%run_scoped3A : memref<!tpu.dma_semaphore, #tpu.memory_space<semaphore_mem>>)
      %dma_wait3A_36 = tpu.memref_slice %arg3[%add3A] : memref<160000xi32, #tpu.memory_space<hbm>> -> memref<5000xi32, #tpu.memory_space<hbm>>
      %dma_wait3A_37 = tpu.memref_slice %arg3[%add3A] : memref<160000xi32, #tpu.memory_space<hbm>> -> memref<5000xi32, #tpu.memory_space<hbm>>
      tpu.wait_dma2 semaphore(%run_scoped3A : memref<!tpu.dma_semaphore, #tpu.memory_space<semaphore_mem>>) src(%dma_wait3A_37 : memref<5000xi32, #tpu.memory_space<hbm>>) dst(%arg6 : memref<5000xi32, #tpu.memory_space<vmem>>)
      tpu.yield
    }) : () -> ()
    "tpu.region"() ({
      %run_scoped3A = tpu.sem_alloc : memref<!tpu.dma_semaphore, #tpu.memory_space<semaphore_mem>>
      %dma_start3A_34 = tpu.memref_slice %arg4[%add3A] : memref<160000xi32, #tpu.memory_space<hbm>> -> memref<5000xi32, #tpu.memory_space<hbm>>
      %dma_start3A_35 = tpu.memref_slice %arg4[%add3A] : memref<160000xi32, #tpu.memory_space<hbm>> -> memref<5000xi32, #tpu.memory_space<hbm>>
      tpu.enqueue_dma source(%dma_start3A_35 : memref<5000xi32, #tpu.memory_space<hbm>>) target(%arg7 : memref<5000xi32, #tpu.memory_space<vmem>>) target_semaphore(%run_scoped3A : memref<!tpu.dma_semaphore, #tpu.memory_space<semaphore_mem>>)
      %dma_wait3A_36 = tpu.memref_slice %arg4[%add3A] : memref<160000xi32, #tpu.memory_space<hbm>> -> memref<5000xi32, #tpu.memory_space<hbm>>
      %dma_wait3A_37 = tpu.memref_slice %arg4[%add3A] : memref<160000xi32, #tpu.memory_space<hbm>> -> memref<5000xi32, #tpu.memory_space<hbm>>
      tpu.wait_dma2 semaphore(%run_scoped3A : memref<!tpu.dma_semaphore, #tpu.memory_space<semaphore_mem>>) src(%dma_wait3A_37 : memref<5000xi32, #tpu.memory_space<hbm>>) dst(%arg7 : memref<5000xi32, #tpu.memory_space<vmem>>)
      tpu.yield
    }) : () -> ()
    %dma_start3A = arith.constant 0 : i32
    %dma_start3A_3 = tpu.memref_slice %arg6[%dma_start3A] : memref<5000xi32, #tpu.memory_space<vmem>> -> memref<40xi32, #tpu.memory_space<vmem>>
    %dma_start3A_4 = arith.constant 0 : i32
    %dma_start3A_5 = arith.constant 0 : i32
    %dma_start3A_6 = tpu.memref_slice %arg2[%dma_start3A_4, %dma_start3A_5] : memref<10000x128xf32, #tpu.memory_space<hbm>> -> memref<10000x128xf32, #tpu.memory_space<hbm>>
    tpu.enqueue_indirect_dma source(%dma_start3A_6 : memref<10000x128xf32, #tpu.memory_space<hbm>>) target(%arg8 : memref<40x128xf32, #tpu.memory_space<vmem>>) offsets(%dma_start3A_3 : memref<40xi32, #tpu.memory_space<vmem>>) semaphore(%arg12 : memref<!tpu.dma_semaphore, #tpu.memory_space<semaphore_mem>>)
    %dma_start3A_7 = arith.constant 0 : i32
    %dma_start3A_8 = tpu.memref_slice %arg7[%dma_start3A_7] : memref<5000xi32, #tpu.memory_space<vmem>> -> memref<40xi32, #tpu.memory_space<vmem>>
    %dma_start3A_9 = arith.constant 0 : i32
    %dma_start3A_10 = arith.constant 0 : i32
    %dma_start3A_11 = tpu.memref_slice %arg2[%dma_start3A_9, %dma_start3A_10] : memref<10000x128xf32, #tpu.memory_space<hbm>> -> memref<10000x128xf32, #tpu.memory_space<hbm>>
    tpu.enqueue_indirect_dma source(%dma_start3A_11 : memref<10000x128xf32, #tpu.memory_space<hbm>>) target(%arg9 : memref<40x128xf32, #tpu.memory_space<vmem>>) offsets(%dma_start3A_8 : memref<40xi32, #tpu.memory_space<vmem>>) semaphore(%arg12 : memref<!tpu.dma_semaphore, #tpu.memory_space<semaphore_mem>>)
    %scan3A = arith.constant 0 : i32
    %scan3A_12 = arith.constant 62 : i32
    %scan3A_13 = arith.addi %scan3A, %scan3A_12 : i32
    %scan3A_14 = arith.constant 1 : i32
    scf.for %scan3A_34 = %scan3A to %scan3A_13 step %scan3A_14  : i32 {
      %mul3A_35 = arith.constant 2 : i32
      %mul3A_36 = arith.muli %mul3A_35, %scan3A_34 : i32
      %dma_wait3A_37 = arith.constant 0 : i32
      %dma_wait3A_38 = arith.constant 0 : i32
      %dma_wait3A_39 = tpu.memref_slice %arg2[%dma_wait3A_37, %dma_wait3A_38] : memref<10000x128xf32, #tpu.memory_space<hbm>> -> memref<40x128xf32, #tpu.memory_space<hbm>>
      %dma_wait3A_40 = arith.constant 0 : i32
      %dma_wait3A_41 = arith.constant 0 : i32
      %dma_wait3A_42 = tpu.memref_slice %arg2[%dma_wait3A_40, %dma_wait3A_41] : memref<10000x128xf32, #tpu.memory_space<hbm>> -> memref<40x128xf32, #tpu.memory_space<hbm>>
      tpu.wait_dma2 semaphore(%arg12 : memref<!tpu.dma_semaphore, #tpu.memory_space<semaphore_mem>>) src(%dma_wait3A_42 : memref<40x128xf32, #tpu.memory_space<hbm>>) dst(%arg8 : memref<40x128xf32, #tpu.memory_space<vmem>>)
      %dma_wait3A_43 = arith.constant 0 : i32
      %dma_wait3A_44 = arith.constant 0 : i32
      %dma_wait3A_45 = tpu.memref_slice %arg2[%dma_wait3A_43, %dma_wait3A_44] : memref<10000x128xf32, #tpu.memory_space<hbm>> -> memref<40x128xf32, #tpu.memory_space<hbm>>
      %dma_wait3A_46 = arith.constant 0 : i32
      %dma_wait3A_47 = arith.constant 0 : i32
      %dma_wait3A_48 = tpu.memref_slice %arg2[%dma_wait3A_46, %dma_wait3A_47] : memref<10000x128xf32, #tpu.memory_space<hbm>> -> memref<40x128xf32, #tpu.memory_space<hbm>>
      tpu.wait_dma2 semaphore(%arg12 : memref<!tpu.dma_semaphore, #tpu.memory_space<semaphore_mem>>) src(%dma_wait3A_48 : memref<40x128xf32, #tpu.memory_space<hbm>>) dst(%arg9 : memref<40x128xf32, #tpu.memory_space<vmem>>)
      %add3A_49 = arith.constant 1 : i32
      %add3A_50 = arith.addi %mul3A_36, %add3A_49 : i32
      %mul3A_51 = arith.constant 40 : i32
      %mul3A_52 = arith.muli %add3A_50, %mul3A_51 : i32
      %dma_start3A_53 = tpu.memref_slice %arg6[%mul3A_52] : memref<5000xi32, #tpu.memory_space<vmem>> -> memref<40xi32, #tpu.memory_space<vmem>>
      %dma_start3A_54 = arith.constant 0 : i32
      %dma_start3A_55 = arith.constant 0 : i32
      %dma_start3A_56 = tpu.memref_slice %arg2[%dma_start3A_54, %dma_start3A_55] : memref<10000x128xf32, #tpu.memory_space<hbm>> -> memref<10000x128xf32, #tpu.memory_space<hbm>>
      tpu.enqueue_indirect_dma source(%dma_start3A_56 : memref<10000x128xf32, #tpu.memory_space<hbm>>) target(%arg10 : memref<40x128xf32, #tpu.memory_space<vmem>>) offsets(%dma_start3A_53 : memref<40xi32, #tpu.memory_space<vmem>>) semaphore(%arg13 : memref<!tpu.dma_semaphore, #tpu.memory_space<semaphore_mem>>)
      %mul3A_57 = arith.constant 40 : i32
      %mul3A_58 = arith.muli %add3A_50, %mul3A_57 : i32
      %dma_start3A_59 = tpu.memref_slice %arg7[%mul3A_58] : memref<5000xi32, #tpu.memory_space<vmem>> -> memref<40xi32, #tpu.memory_space<vmem>>
      %dma_start3A_60 = arith.constant 0 : i32
      %dma_start3A_61 = arith.constant 0 : i32
      %dma_start3A_62 = tpu.memref_slice %arg2[%dma_start3A_60, %dma_start3A_61] : memref<10000x128xf32, #tpu.memory_space<hbm>> -> memref<10000x128xf32, #tpu.memory_space<hbm>>
      tpu.enqueue_indirect_dma source(%dma_start3A_62 : memref<10000x128xf32, #tpu.memory_space<hbm>>) target(%arg11 : memref<40x128xf32, #tpu.memory_space<vmem>>) offsets(%dma_start3A_59 : memref<40xi32, #tpu.memory_space<vmem>>) semaphore(%arg13 : memref<!tpu.dma_semaphore, #tpu.memory_space<semaphore_mem>>)
      %scan3A_63 = arith.constant 0 : i32
      %scan3A_64 = arith.constant 40 : i32
      %scan3A_65 = arith.addi %scan3A_63, %scan3A_64 : i32
      %scan3A_66 = arith.constant 1 : i32
      scf.for %scan3A_107 = %scan3A_63 to %scan3A_65 step %scan3A_66  : i32 {
        %get3A = arith.index_cast %scan3A_107 : i32 to index
        %get3A_108 = arith.constant 0 : index
        %get3A_109 = tpu.vector_load %arg8[%get3A, %get3A_108] {strides = array<i32>} : memref<40x128xf32, #tpu.memory_space<vmem>>, vector<1x16xf32>,
        %get3A_110 = vector.shape_cast %get3A_109 : vector<1x16xf32> to vector<16xf32>
        %get3A_111 = arith.index_cast %scan3A_107 : i32 to index
        %get3A_112 = arith.constant 0 : index
        %get3A_113 = tpu.vector_load %arg9[%get3A_111, %get3A_112] {strides = array<i32>} : memref<40x128xf32, #tpu.memory_space<vmem>>, vector<1x16xf32>,
        %get3A_114 = vector.shape_cast %get3A_113 : vector<1x16xf32> to vector<16xf32>
        %sub3A = arith.subf %get3A_110, %get3A_114 : vector<16xf32>
        %abs3A = math.absf %sub3A : vector<16xf32>
        %swap3A = arith.index_cast %scan3A_107 : i32 to index
        %swap3A_115 = arith.constant 0 : index
        %swap3A_116 = tpu.vector_load %arg8[%swap3A, %swap3A_115] {strides = array<i32>} : memref<40x128xf32, #tpu.memory_space<vmem>>, vector<1x16xf32>,
        %swap3A_117 = vector.shape_cast %swap3A_116 : vector<1x16xf32> to vector<16xf32>
        %swap3A_118 = vector.shape_cast %abs3A : vector<16xf32> to vector<1x16xf32>
        tpu.vector_store %arg8[%swap3A, %swap3A_115], %swap3A_118 {strides = array<i32>} : memref<40x128xf32, #tpu.memory_space<vmem>>, vector<1x16xf32>,
        %get3A_119 = arith.index_cast %scan3A_107 : i32 to index
        %get3A_120 = arith.constant 16 : index
        %get3A_121 = tpu.vector_load %arg8[%get3A_119, %get3A_120] {strides = array<i32>} : memref<40x128xf32, #tpu.memory_space<vmem>>, vector<1x16xf32>,
        %get3A_122 = vector.shape_cast %get3A_121 : vector<1x16xf32> to vector<16xf32>
        %get3A_123 = arith.index_cast %scan3A_107 : i32 to index
        %get3A_124 = arith.constant 16 : index
        %get3A_125 = tpu.vector_load %arg9[%get3A_123, %get3A_124] {strides = array<i32>} : memref<40x128xf32, #tpu.memory_space<vmem>>, vector<1x16xf32>,
        %get3A_126 = vector.shape_cast %get3A_125 : vector<1x16xf32> to vector<16xf32>
        %sub3A_127 = arith.subf %get3A_122, %get3A_126 : vector<16xf32>
        %abs3A_128 = math.absf %sub3A_127 : vector<16xf32>
        %swap3A_129 = arith.index_cast %scan3A_107 : i32 to index
        %swap3A_130 = arith.constant 16 : index
        %swap3A_131 = tpu.vector_load %arg8[%swap3A_129, %swap3A_130] {strides = array<i32>} : memref<40x128xf32, #tpu.memory_space<vmem>>, vector<1x16xf32>,
        %swap3A_132 = vector.shape_cast %swap3A_131 : vector<1x16xf32> to vector<16xf32>
        %swap3A_133 = vector.shape_cast %abs3A_128 : vector<16xf32> to vector<1x16xf32>
        tpu.vector_store %arg8[%swap3A_129, %swap3A_130], %swap3A_133 {strides = array<i32>} : memref<40x128xf32, #tpu.memory_space<vmem>>, vector<1x16xf32>,
        %get3A_134 = arith.index_cast %scan3A_107 : i32 to index
        %get3A_135 = arith.constant 32 : index
        %get3A_136 = tpu.vector_load %arg8[%get3A_134, %get3A_135] {strides = array<i32>} : memref<40x128xf32, #tpu.memory_space<vmem>>, vector<1x16xf32>,
        %get3A_137 = vector.shape_cast %get3A_136 : vector<1x16xf32> to vector<16xf32>
        %get3A_138 = arith.index_cast %scan3A_107 : i32 to index
        %get3A_139 = arith.constant 32 : index
        %get3A_140 = tpu.vector_load %arg9[%get3A_138, %get3A_139] {strides = array<i32>} : memref<40x128xf32, #tpu.memory_space<vmem>>, vector<1x16xf32>,
        %get3A_141 = vector.shape_cast %get3A_140 : vector<1x16xf32> to vector<16xf32>
        %sub3A_142 = arith.subf %get3A_137, %get3A_141 : vector<16xf32>
        %abs3A_143 = math.absf %sub3A_142 : vector<16xf32>
        %swap3A_144 = arith.index_cast %scan3A_107 : i32 to index
        %swap3A_145 = arith.constant 32 : index
        %swap3A_146 = tpu.vector_load %arg8[%swap3A_144, %swap3A_145] {strides = array<i32>} : memref<40x128xf32, #tpu.memory_space<vmem>>, vector<1x16xf32>,
        %swap3A_147 = vector.shape_cast %swap3A_146 : vector<1x16xf32> to vector<16xf32>
        %swap3A_148 = vector.shape_cast %abs3A_143 : vector<16xf32> to vector<1x16xf32>
        tpu.vector_store %arg8[%swap3A_144, %swap3A_145], %swap3A_148 {strides = array<i32>} : memref<40x128xf32, #tpu.memory_space<vmem>>, vector<1x16xf32>,
        %get3A_149 = arith.index_cast %scan3A_107 : i32 to index
        %get3A_150 = arith.constant 48 : index
        %get3A_151 = tpu.vector_load %arg8[%get3A_149, %get3A_150] {strides = array<i32>} : memref<40x128xf32, #tpu.memory_space<vmem>>, vector<1x16xf32>,
        %get3A_152 = vector.shape_cast %get3A_151 : vector<1x16xf32> to vector<16xf32>
        %get3A_153 = arith.index_cast %scan3A_107 : i32 to index
        %get3A_154 = arith.constant 48 : index
        %get3A_155 = tpu.vector_load %arg9[%get3A_153, %get3A_154] {strides = array<i32>} : memref<40x128xf32, #tpu.memory_space<vmem>>, vector<1x16xf32>,
        %get3A_156 = vector.shape_cast %get3A_155 : vector<1x16xf32> to vector<16xf32>
        %sub3A_157 = arith.subf %get3A_152, %get3A_156 : vector<16xf32>
        %abs3A_158 = math.absf %sub3A_157 : vector<16xf32>
        %swap3A_159 = arith.index_cast %scan3A_107 : i32 to index
        %swap3A_160 = arith.constant 48 : index
        %swap3A_161 = tpu.vector_load %arg8[%swap3A_159, %swap3A_160] {strides = array<i32>} : memref<40x128xf32, #tpu.memory_space<vmem>>, vector<1x16xf32>,
        %swap3A_162 = vector.shape_cast %swap3A_161 : vector<1x16xf32> to vector<16xf32>
        %swap3A_163 = vector.shape_cast %abs3A_158 : vector<16xf32> to vector<1x16xf32>
        tpu.vector_store %arg8[%swap3A_159, %swap3A_160], %swap3A_163 {strides = array<i32>} : memref<40x128xf32, #tpu.memory_space<vmem>>, vector<1x16xf32>,
        %get3A_164 = arith.index_cast %scan3A_107 : i32 to index
        %get3A_165 = arith.constant 64 : index
        %get3A_166 = tpu.vector_load %arg8[%get3A_164, %get3A_165] {strides = array<i32>} : memref<40x128xf32, #tpu.memory_space<vmem>>, vector<1x16xf32>,
        %get3A_167 = vector.shape_cast %get3A_166 : vector<1x16xf32> to vector<16xf32>
        %get3A_168 = arith.index_cast %scan3A_107 : i32 to index
        %get3A_169 = arith.constant 64 : index
        %get3A_170 = tpu.vector_load %arg9[%get3A_168, %get3A_169] {strides = array<i32>} : memref<40x128xf32, #tpu.memory_space<vmem>>, vector<1x16xf32>,
        %get3A_171 = vector.shape_cast %get3A_170 : vector<1x16xf32> to vector<16xf32>
        %sub3A_172 = arith.subf %get3A_167, %get3A_171 : vector<16xf32>
        %abs3A_173 = math.absf %sub3A_172 : vector<16xf32>
        %swap3A_174 = arith.index_cast %scan3A_107 : i32 to index
        %swap3A_175 = arith.constant 64 : index
        %swap3A_176 = tpu.vector_load %arg8[%swap3A_174, %swap3A_175] {strides = array<i32>} : memref<40x128xf32, #tpu.memory_space<vmem>>, vector<1x16xf32>,
        %swap3A_177 = vector.shape_cast %swap3A_176 : vector<1x16xf32> to vector<16xf32>
        %swap3A_178 = vector.shape_cast %abs3A_173 : vector<16xf32> to vector<1x16xf32>
        tpu.vector_store %arg8[%swap3A_174, %swap3A_175], %swap3A_178 {strides = array<i32>} : memref<40x128xf32, #tpu.memory_space<vmem>>, vector<1x16xf32>,
        %get3A_179 = arith.index_cast %scan3A_107 : i32 to index
        %get3A_180 = arith.constant 80 : index
        %get3A_181 = tpu.vector_load %arg8[%get3A_179, %get3A_180] {strides = array<i32>} : memref<40x128xf32, #tpu.memory_space<vmem>>, vector<1x16xf32>,
        %get3A_182 = vector.shape_cast %get3A_181 : vector<1x16xf32> to vector<16xf32>
        %get3A_183 = arith.index_cast %scan3A_107 : i32 to index
        %get3A_184 = arith.constant 80 : index
        %get3A_185 = tpu.vector_load %arg9[%get3A_183, %get3A_184] {strides = array<i32>} : memref<40x128xf32, #tpu.memory_space<vmem>>, vector<1x16xf32>,
        %get3A_186 = vector.shape_cast %get3A_185 : vector<1x16xf32> to vector<16xf32>
        %sub3A_187 = arith.subf %get3A_182, %get3A_186 : vector<16xf32>
        %abs3A_188 = math.absf %sub3A_187 : vector<16xf32>
        %swap3A_189 = arith.index_cast %scan3A_107 : i32 to index
        %swap3A_190 = arith.constant 80 : index
        %swap3A_191 = tpu.vector_load %arg8[%swap3A_189, %swap3A_190] {strides = array<i32>} : memref<40x128xf32, #tpu.memory_space<vmem>>, vector<1x16xf32>,
        %swap3A_192 = vector.shape_cast %swap3A_191 : vector<1x16xf32> to vector<16xf32>
        %swap3A_193 = vector.shape_cast %abs3A_188 : vector<16xf32> to vector<1x16xf32>
        tpu.vector_store %arg8[%swap3A_189, %swap3A_190], %swap3A_193 {strides = array<i32>} : memref<40x128xf32, #tpu.memory_space<vmem>>, vector<1x16xf32>,
        %get3A_194 = arith.index_cast %scan3A_107 : i32 to index
        %get3A_195 = arith.constant 96 : index
        %get3A_196 = tpu.vector_load %arg8[%get3A_194, %get3A_195] {strides = array<i32>} : memref<40x128xf32, #tpu.memory_space<vmem>>, vector<1x16xf32>,
        %get3A_197 = vector.shape_cast %get3A_196 : vector<1x16xf32> to vector<16xf32>
        %get3A_198 = arith.index_cast %scan3A_107 : i32 to index
        %get3A_199 = arith.constant 96 : index
        %get3A_200 = tpu.vector_load %arg9[%get3A_198, %get3A_199] {strides = array<i32>} : memref<40x128xf32, #tpu.memory_space<vmem>>, vector<1x16xf32>,
        %get3A_201 = vector.shape_cast %get3A_200 : vector<1x16xf32> to vector<16xf32>
        %sub3A_202 = arith.subf %get3A_197, %get3A_201 : vector<16xf32>
        %abs3A_203 = math.absf %sub3A_202 : vector<16xf32>
        %swap3A_204 = arith.index_cast %scan3A_107 : i32 to index
        %swap3A_205 = arith.constant 96 : index
        %swap3A_206 = tpu.vector_load %arg8[%swap3A_204, %swap3A_205] {strides = array<i32>} : memref<40x128xf32, #tpu.memory_space<vmem>>, vector<1x16xf32>,
        %swap3A_207 = vector.shape_cast %swap3A_206 : vector<1x16xf32> to vector<16xf32>
        %swap3A_208 = vector.shape_cast %abs3A_203 : vector<16xf32> to vector<1x16xf32>
        tpu.vector_store %arg8[%swap3A_204, %swap3A_205], %swap3A_208 {strides = array<i32>} : memref<40x128xf32, #tpu.memory_space<vmem>>, vector<1x16xf32>,
        %get3A_209 = arith.index_cast %scan3A_107 : i32 to index
        %get3A_210 = arith.constant 112 : index
        %get3A_211 = tpu.vector_load %arg8[%get3A_209, %get3A_210] {strides = array<i32>} : memref<40x128xf32, #tpu.memory_space<vmem>>, vector<1x16xf32>,
        %get3A_212 = vector.shape_cast %get3A_211 : vector<1x16xf32> to vector<16xf32>
        %get3A_213 = arith.index_cast %scan3A_107 : i32 to index
        %get3A_214 = arith.constant 112 : index
        %get3A_215 = tpu.vector_load %arg9[%get3A_213, %get3A_214] {strides = array<i32>} : memref<40x128xf32, #tpu.memory_space<vmem>>, vector<1x16xf32>,
        %get3A_216 = vector.shape_cast %get3A_215 : vector<1x16xf32> to vector<16xf32>
        %sub3A_217 = arith.subf %get3A_212, %get3A_216 : vector<16xf32>
        %abs3A_218 = math.absf %sub3A_217 : vector<16xf32>
        %swap3A_219 = arith.index_cast %scan3A_107 : i32 to index
        %swap3A_220 = arith.constant 112 : index
        %swap3A_221 = tpu.vector_load %arg8[%swap3A_219, %swap3A_220] {strides = array<i32>} : memref<40x128xf32, #tpu.memory_space<vmem>>, vector<1x16xf32>,
        %swap3A_222 = vector.shape_cast %swap3A_221 : vector<1x16xf32> to vector<16xf32>
        %swap3A_223 = vector.shape_cast %abs3A_218 : vector<16xf32> to vector<1x16xf32>
        tpu.vector_store %arg8[%swap3A_219, %swap3A_220], %swap3A_223 {strides = array<i32>} : memref<40x128xf32, #tpu.memory_space<vmem>>, vector<1x16xf32>,
      }
      %scan3A_67 = arith.constant 40 : i32
      %mul3A_68 = arith.constant 40 : i32
      %mul3A_69 = arith.muli %mul3A_36, %mul3A_68 : i32
      %add3A_70 = arith.addi %add3A, %mul3A_69 : i32
      "tpu.region"() ({
        %run_scoped3A = tpu.sem_alloc : memref<!tpu.dma_semaphore, #tpu.memory_space<semaphore_mem>>
        %dma_start3A_107 = arith.constant 0 : i32
        %dma_start3A_108 = tpu.memref_slice %arg5[%add3A_70, %dma_start3A_107] : memref<160000x128xf32, #tpu.memory_space<hbm>> -> memref<40x128xf32, #tpu.memory_space<hbm>>
        %dma_start3A_109 = arith.constant 0 : i32
        %dma_start3A_110 = tpu.memref_slice %arg5[%add3A_70, %dma_start3A_109] : memref<160000x128xf32, #tpu.memory_space<hbm>> -> memref<40x128xf32, #tpu.memory_space<hbm>>
        tpu.enqueue_dma source(%arg8 : memref<40x128xf32, #tpu.memory_space<vmem>>) target(%dma_start3A_110 : memref<40x128xf32, #tpu.memory_space<hbm>>) target_semaphore(%run_scoped3A : memref<!tpu.dma_semaphore, #tpu.memory_space<semaphore_mem>>)
        %dma_wait3A_111 = arith.constant 0 : i32
        %dma_wait3A_112 = tpu.memref_slice %arg5[%add3A_70, %dma_wait3A_111] : memref<160000x128xf32, #tpu.memory_space<hbm>> -> memref<40x128xf32, #tpu.memory_space<hbm>>
        %dma_wait3A_113 = arith.constant 0 : i32
        %dma_wait3A_114 = tpu.memref_slice %arg5[%add3A_70, %dma_wait3A_113] : memref<160000x128xf32, #tpu.memory_space<hbm>> -> memref<40x128xf32, #tpu.memory_space<hbm>>
        tpu.wait_dma2 semaphore(%run_scoped3A : memref<!tpu.dma_semaphore, #tpu.memory_space<semaphore_mem>>) src(%arg8 : memref<40x128xf32, #tpu.memory_space<vmem>>) dst(%dma_wait3A_114 : memref<40x128xf32, #tpu.memory_space<hbm>>)
        tpu.yield
      }) : () -> ()
      %dma_wait3A_71 = arith.constant 0 : i32
      %dma_wait3A_72 = arith.constant 0 : i32
      %dma_wait3A_73 = tpu.memref_slice %arg2[%dma_wait3A_71, %dma_wait3A_72] : memref<10000x128xf32, #tpu.memory_space<hbm>> -> memref<40x128xf32, #tpu.memory_space<hbm>>
      %dma_wait3A_74 = arith.constant 0 : i32
      %dma_wait3A_75 = arith.constant 0 : i32
      %dma_wait3A_76 = tpu.memref_slice %arg2[%dma_wait3A_74, %dma_wait3A_75] : memref<10000x128xf32, #tpu.memory_space<hbm>> -> memref<40x128xf32, #tpu.memory_space<hbm>>
      tpu.wait_dma2 semaphore(%arg13 : memref<!tpu.dma_semaphore, #tpu.memory_space<semaphore_mem>>) src(%dma_wait3A_76 : memref<40x128xf32, #tpu.memory_space<hbm>>) dst(%arg10 : memref<40x128xf32, #tpu.memory_space<vmem>>)
      %dma_wait3A_77 = arith.constant 0 : i32
      %dma_wait3A_78 = arith.constant 0 : i32
      %dma_wait3A_79 = tpu.memref_slice %arg2[%dma_wait3A_77, %dma_wait3A_78] : memref<10000x128xf32, #tpu.memory_space<hbm>> -> memref<40x128xf32, #tpu.memory_space<hbm>>
      %dma_wait3A_80 = arith.constant 0 : i32
      %dma_wait3A_81 = arith.constant 0 : i32
      %dma_wait3A_82 = tpu.memref_slice %arg2[%dma_wait3A_80, %dma_wait3A_81] : memref<10000x128xf32, #tpu.memory_space<hbm>> -> memref<40x128xf32, #tpu.memory_space<hbm>>
      tpu.wait_dma2 semaphore(%arg13 : memref<!tpu.dma_semaphore, #tpu.memory_space<semaphore_mem>>) src(%dma_wait3A_82 : memref<40x128xf32, #tpu.memory_space<hbm>>) dst(%arg11 : memref<40x128xf32, #tpu.memory_space<vmem>>)
      %add3A_83 = arith.constant 2 : i32
      %add3A_84 = arith.addi %mul3A_36, %add3A_83 : i32
      %mul3A_85 = arith.constant 40 : i32
      %mul3A_86 = arith.muli %add3A_84, %mul3A_85 : i32
      %dma_start3A_87 = tpu.memref_slice %arg6[%mul3A_86] : memref<5000xi32, #tpu.memory_space<vmem>> -> memref<40xi32, #tpu.memory_space<vmem>>
      %dma_start3A_88 = arith.constant 0 : i32
      %dma_start3A_89 = arith.constant 0 : i32
      %dma_start3A_90 = tpu.memref_slice %arg2[%dma_start3A_88, %dma_start3A_89] : memref<10000x128xf32, #tpu.memory_space<hbm>> -> memref<10000x128xf32, #tpu.memory_space<hbm>>
      tpu.enqueue_indirect_dma source(%dma_start3A_90 : memref<10000x128xf32, #tpu.memory_space<hbm>>) target(%arg8 : memref<40x128xf32, #tpu.memory_space<vmem>>) offsets(%dma_start3A_87 : memref<40xi32, #tpu.memory_space<vmem>>) semaphore(%arg12 : memref<!tpu.dma_semaphore, #tpu.memory_space<semaphore_mem>>)
      %mul3A_91 = arith.constant 40 : i32
      %mul3A_92 = arith.muli %add3A_84, %mul3A_91 : i32
      %dma_start3A_93 = tpu.memref_slice %arg7[%mul3A_92] : memref<5000xi32, #tpu.memory_space<vmem>> -> memref<40xi32, #tpu.memory_space<vmem>>
      %dma_start3A_94 = arith.constant 0 : i32
      %dma_start3A_95 = arith.constant 0 : i32
      %dma_start3A_96 = tpu.memref_slice %arg2[%dma_start3A_94, %dma_start3A_95] : memref<10000x128xf32, #tpu.memory_space<hbm>> -> memref<10000x128xf32, #tpu.memory_space<hbm>>
      tpu.enqueue_indirect_dma source(%dma_start3A_96 : memref<10000x128xf32, #tpu.memory_space<hbm>>) target(%arg9 : memref<40x128xf32, #tpu.memory_space<vmem>>) offsets(%dma_start3A_93 : memref<40xi32, #tpu.memory_space<vmem>>) semaphore(%arg12 : memref<!tpu.dma_semaphore, #tpu.memory_space<semaphore_mem>>)
      %add3A_97 = arith.constant 1 : i32
      %add3A_98 = arith.addi %mul3A_36, %add3A_97 : i32
      %scan3A_99 = arith.constant 0 : i32
      %scan3A_100 = arith.constant 40 : i32
      %scan3A_101 = arith.addi %scan3A_99, %scan3A_100 : i32
      %scan3A_102 = arith.constant 1 : i32
      scf.for %scan3A_107 = %scan3A_99 to %scan3A_101 step %scan3A_102  : i32 {
        %get3A = arith.index_cast %scan3A_107 : i32 to index
        %get3A_108 = arith.constant 0 : index
        %get3A_109 = tpu.vector_load %arg10[%get3A, %get3A_108] {strides = array<i32>} : memref<40x128xf32, #tpu.memory_space<vmem>>, vector<1x16xf32>,
        %get3A_110 = vector.shape_cast %get3A_109 : vector<1x16xf32> to vector<16xf32>
        %get3A_111 = arith.index_cast %scan3A_107 : i32 to index
        %get3A_112 = arith.constant 0 : index
        %get3A_113 = tpu.vector_load %arg11[%get3A_111, %get3A_112] {strides = array<i32>} : memref<40x128xf32, #tpu.memory_space<vmem>>, vector<1x16xf32>,
        %get3A_114 = vector.shape_cast %get3A_113 : vector<1x16xf32> to vector<16xf32>
        %sub3A = arith.subf %get3A_110, %get3A_114 : vector<16xf32>
        %abs3A = math.absf %sub3A : vector<16xf32>
        %swap3A = arith.index_cast %scan3A_107 : i32 to index
        %swap3A_115 = arith.constant 0 : index
        %swap3A_116 = tpu.vector_load %arg10[%swap3A, %swap3A_115] {strides = array<i32>} : memref<40x128xf32, #tpu.memory_space<vmem>>, vector<1x16xf32>,
        %swap3A_117 = vector.shape_cast %swap3A_116 : vector<1x16xf32> to vector<16xf32>
        %swap3A_118 = vector.shape_cast %abs3A : vector<16xf32> to vector<1x16xf32>
        tpu.vector_store %arg10[%swap3A, %swap3A_115], %swap3A_118 {strides = array<i32>} : memref<40x128xf32, #tpu.memory_space<vmem>>, vector<1x16xf32>,
        %get3A_119 = arith.index_cast %scan3A_107 : i32 to index
        %get3A_120 = arith.constant 16 : index
        %get3A_121 = tpu.vector_load %arg10[%get3A_119, %get3A_120] {strides = array<i32>} : memref<40x128xf32, #tpu.memory_space<vmem>>, vector<1x16xf32>,
        %get3A_122 = vector.shape_cast %get3A_121 : vector<1x16xf32> to vector<16xf32>
        %get3A_123 = arith.index_cast %scan3A_107 : i32 to index
        %get3A_124 = arith.constant 16 : index
        %get3A_125 = tpu.vector_load %arg11[%get3A_123, %get3A_124] {strides = array<i32>} : memref<40x128xf32, #tpu.memory_space<vmem>>, vector<1x16xf32>,
        %get3A_126 = vector.shape_cast %get3A_125 : vector<1x16xf32> to vector<16xf32>
        %sub3A_127 = arith.subf %get3A_122, %get3A_126 : vector<16xf32>
        %abs3A_128 = math.absf %sub3A_127 : vector<16xf32>
        %swap3A_129 = arith.index_cast %scan3A_107 : i32 to index
        %swap3A_130 = arith.constant 16 : index
        %swap3A_131 = tpu.vector_load %arg10[%swap3A_129, %swap3A_130] {strides = array<i32>} : memref<40x128xf32, #tpu.memory_space<vmem>>, vector<1x16xf32>,
        %swap3A_132 = vector.shape_cast %swap3A_131 : vector<1x16xf32> to vector<16xf32>
        %swap3A_133 = vector.shape_cast %abs3A_128 : vector<16xf32> to vector<1x16xf32>
        tpu.vector_store %arg10[%swap3A_129, %swap3A_130], %swap3A_133 {strides = array<i32>} : memref<40x128xf32, #tpu.memory_space<vmem>>, vector<1x16xf32>,
        %get3A_134 = arith.index_cast %scan3A_107 : i32 to index
        %get3A_135 = arith.constant 32 : index
        %get3A_136 = tpu.vector_load %arg10[%get3A_134, %get3A_135] {strides = array<i32>} : memref<40x128xf32, #tpu.memory_space<vmem>>, vector<1x16xf32>,
        %get3A_137 = vector.shape_cast %get3A_136 : vector<1x16xf32> to vector<16xf32>
        %get3A_138 = arith.index_cast %scan3A_107 : i32 to index
        %get3A_139 = arith.constant 32 : index
        %get3A_140 = tpu.vector_load %arg11[%get3A_138, %get3A_139] {strides = array<i32>} : memref<40x128xf32, #tpu.memory_space<vmem>>, vector<1x16xf32>,
        %get3A_141 = vector.shape_cast %get3A_140 : vector<1x16xf32> to vector<16xf32>
        %sub3A_142 = arith.subf %get3A_137, %get3A_141 : vector<16xf32>
        %abs3A_143 = math.absf %sub3A_142 : vector<16xf32>
        %swap3A_144 = arith.index_cast %scan3A_107 : i32 to index
        %swap3A_145 = arith.constant 32 : index
        %swap3A_146 = tpu.vector_load %arg10[%swap3A_144, %swap3A_145] {strides = array<i32>} : memref<40x128xf32, #tpu.memory_space<vmem>>, vector<1x16xf32>,
        %swap3A_147 = vector.shape_cast %swap3A_146 : vector<1x16xf32> to vector<16xf32>
        %swap3A_148 = vector.shape_cast %abs3A_143 : vector<16xf32> to vector<1x16xf32>
        tpu.vector_store %arg10[%swap3A_144, %swap3A_145], %swap3A_148 {strides = array<i32>} : memref<40x128xf32, #tpu.memory_space<vmem>>, vector<1x16xf32>,
        %get3A_149 = arith.index_cast %scan3A_107 : i32 to index
        %get3A_150 = arith.constant 48 : index
        %get3A_151 = tpu.vector_load %arg10[%get3A_149, %get3A_150] {strides = array<i32>} : memref<40x128xf32, #tpu.memory_space<vmem>>, vector<1x16xf32>,
        %get3A_152 = vector.shape_cast %get3A_151 : vector<1x16xf32> to vector<16xf32>
        %get3A_153 = arith.index_cast %scan3A_107 : i32 to index
        %get3A_154 = arith.constant 48 : index
        %get3A_155 = tpu.vector_load %arg11[%get3A_153, %get3A_154] {strides = array<i32>} : memref<40x128xf32, #tpu.memory_space<vmem>>, vector<1x16xf32>,
        %get3A_156 = vector.shape_cast %get3A_155 : vector<1x16xf32> to vector<16xf32>
        %sub3A_157 = arith.subf %get3A_152, %get3A_156 : vector<16xf32>
        %abs3A_158 = math.absf %sub3A_157 : vector<16xf32>
        %swap3A_159 = arith.index_cast %scan3A_107 : i32 to index
        %swap3A_160 = arith.constant 48 : index
        %swap3A_161 = tpu.vector_load %arg10[%swap3A_159, %swap3A_160] {strides = array<i32>} : memref<40x128xf32, #tpu.memory_space<vmem>>, vector<1x16xf32>,
        %swap3A_162 = vector.shape_cast %swap3A_161 : vector<1x16xf32> to vector<16xf32>
        %swap3A_163 = vector.shape_cast %abs3A_158 : vector<16xf32> to vector<1x16xf32>
        tpu.vector_store %arg10[%swap3A_159, %swap3A_160], %swap3A_163 {strides = array<i32>} : memref<40x128xf32, #tpu.memory_space<vmem>>, vector<1x16xf32>,
        %get3A_164 = arith.index_cast %scan3A_107 : i32 to index
        %get3A_165 = arith.constant 64 : index
        %get3A_166 = tpu.vector_load %arg10[%get3A_164, %get3A_165] {strides = array<i32>} : memref<40x128xf32, #tpu.memory_space<vmem>>, vector<1x16xf32>,
        %get3A_167 = vector.shape_cast %get3A_166 : vector<1x16xf32> to vector<16xf32>
        %get3A_168 = arith.index_cast %scan3A_107 : i32 to index
        %get3A_169 = arith.constant 64 : index
        %get3A_170 = tpu.vector_load %arg11[%get3A_168, %get3A_169] {strides = array<i32>} : memref<40x128xf32, #tpu.memory_space<vmem>>, vector<1x16xf32>,
        %get3A_171 = vector.shape_cast %get3A_170 : vector<1x16xf32> to vector<16xf32>
        %sub3A_172 = arith.subf %get3A_167, %get3A_171 : vector<16xf32>
        %abs3A_173 = math.absf %sub3A_172 : vector<16xf32>
        %swap3A_174 = arith.index_cast %scan3A_107 : i32 to index
        %swap3A_175 = arith.constant 64 : index
        %swap3A_176 = tpu.vector_load %arg10[%swap3A_174, %swap3A_175] {strides = array<i32>} : memref<40x128xf32, #tpu.memory_space<vmem>>, vector<1x16xf32>,
        %swap3A_177 = vector.shape_cast %swap3A_176 : vector<1x16xf32> to vector<16xf32>
        %swap3A_178 = vector.shape_cast %abs3A_173 : vector<16xf32> to vector<1x16xf32>
        tpu.vector_store %arg10[%swap3A_174, %swap3A_175], %swap3A_178 {strides = array<i32>} : memref<40x128xf32, #tpu.memory_space<vmem>>, vector<1x16xf32>,
        %get3A_179 = arith.index_cast %scan3A_107 : i32 to index
        %get3A_180 = arith.constant 80 : index
        %get3A_181 = tpu.vector_load %arg10[%get3A_179, %get3A_180] {strides = array<i32>} : memref<40x128xf32, #tpu.memory_space<vmem>>, vector<1x16xf32>,
        %get3A_182 = vector.shape_cast %get3A_181 : vector<1x16xf32> to vector<16xf32>
        %get3A_183 = arith.index_cast %scan3A_107 : i32 to index
        %get3A_184 = arith.constant 80 : index
        %get3A_185 = tpu.vector_load %arg11[%get3A_183, %get3A_184] {strides = array<i32>} : memref<40x128xf32, #tpu.memory_space<vmem>>, vector<1x16xf32>,
        %get3A_186 = vector.shape_cast %get3A_185 : vector<1x16xf32> to vector<16xf32>
        %sub3A_187 = arith.subf %get3A_182, %get3A_186 : vector<16xf32>
        %abs3A_188 = math.absf %sub3A_187 : vector<16xf32>
        %swap3A_189 = arith.index_cast %scan3A_107 : i32 to index
        %swap3A_190 = arith.constant 80 : index
        %swap3A_191 = tpu.vector_load %arg10[%swap3A_189, %swap3A_190] {strides = array<i32>} : memref<40x128xf32, #tpu.memory_space<vmem>>, vector<1x16xf32>,
        %swap3A_192 = vector.shape_cast %swap3A_191 : vector<1x16xf32> to vector<16xf32>
        %swap3A_193 = vector.shape_cast %abs3A_188 : vector<16xf32> to vector<1x16xf32>
        tpu.vector_store %arg10[%swap3A_189, %swap3A_190], %swap3A_193 {strides = array<i32>} : memref<40x128xf32, #tpu.memory_space<vmem>>, vector<1x16xf32>,
        %get3A_194 = arith.index_cast %scan3A_107 : i32 to index
        %get3A_195 = arith.constant 96 : index
        %get3A_196 = tpu.vector_load %arg10[%get3A_194, %get3A_195] {strides = array<i32>} : memref<40x128xf32, #tpu.memory_space<vmem>>, vector<1x16xf32>,
        %get3A_197 = vector.shape_cast %get3A_196 : vector<1x16xf32> to vector<16xf32>
        %get3A_198 = arith.index_cast %scan3A_107 : i32 to index
        %get3A_199 = arith.constant 96 : index
        %get3A_200 = tpu.vector_load %arg11[%get3A_198, %get3A_199] {strides = array<i32>} : memref<40x128xf32, #tpu.memory_space<vmem>>, vector<1x16xf32>,
        %get3A_201 = vector.shape_cast %get3A_200 : vector<1x16xf32> to vector<16xf32>
        %sub3A_202 = arith.subf %get3A_197, %get3A_201 : vector<16xf32>
        %abs3A_203 = math.absf %sub3A_202 : vector<16xf32>
        %swap3A_204 = arith.index_cast %scan3A_107 : i32 to index
        %swap3A_205 = arith.constant 96 : index
        %swap3A_206 = tpu.vector_load %arg10[%swap3A_204, %swap3A_205] {strides = array<i32>} : memref<40x128xf32, #tpu.memory_space<vmem>>, vector<1x16xf32>,
        %swap3A_207 = vector.shape_cast %swap3A_206 : vector<1x16xf32> to vector<16xf32>
        %swap3A_208 = vector.shape_cast %abs3A_203 : vector<16xf32> to vector<1x16xf32>
        tpu.vector_store %arg10[%swap3A_204, %swap3A_205], %swap3A_208 {strides = array<i32>} : memref<40x128xf32, #tpu.memory_space<vmem>>, vector<1x16xf32>,
        %get3A_209 = arith.index_cast %scan3A_107 : i32 to index
        %get3A_210 = arith.constant 112 : index
        %get3A_211 = tpu.vector_load %arg10[%get3A_209, %get3A_210] {strides = array<i32>} : memref<40x128xf32, #tpu.memory_space<vmem>>, vector<1x16xf32>,
        %get3A_212 = vector.shape_cast %get3A_211 : vector<1x16xf32> to vector<16xf32>
        %get3A_213 = arith.index_cast %scan3A_107 : i32 to index
        %get3A_214 = arith.constant 112 : index
        %get3A_215 = tpu.vector_load %arg11[%get3A_213, %get3A_214] {strides = array<i32>} : memref<40x128xf32, #tpu.memory_space<vmem>>, vector<1x16xf32>,
        %get3A_216 = vector.shape_cast %get3A_215 : vector<1x16xf32> to vector<16xf32>
        %sub3A_217 = arith.subf %get3A_212, %get3A_216 : vector<16xf32>
        %abs3A_218 = math.absf %sub3A_217 : vector<16xf32>
        %swap3A_219 = arith.index_cast %scan3A_107 : i32 to index
        %swap3A_220 = arith.constant 112 : index
        %swap3A_221 = tpu.vector_load %arg10[%swap3A_219, %swap3A_220] {strides = array<i32>} : memref<40x128xf32, #tpu.memory_space<vmem>>, vector<1x16xf32>,
        %swap3A_222 = vector.shape_cast %swap3A_221 : vector<1x16xf32> to vector<16xf32>
        %swap3A_223 = vector.shape_cast %abs3A_218 : vector<16xf32> to vector<1x16xf32>
        tpu.vector_store %arg10[%swap3A_219, %swap3A_220], %swap3A_223 {strides = array<i32>} : memref<40x128xf32, #tpu.memory_space<vmem>>, vector<1x16xf32>,
      }
      %scan3A_103 = arith.constant 40 : i32
      %mul3A_104 = arith.constant 40 : i32
      %mul3A_105 = arith.muli %add3A_98, %mul3A_104 : i32
      %add3A_106 = arith.addi %add3A, %mul3A_105 : i32
      "tpu.region"() ({
        %run_scoped3A = tpu.sem_alloc : memref<!tpu.dma_semaphore, #tpu.memory_space<semaphore_mem>>
        %dma_start3A_107 = arith.constant 0 : i32
        %dma_start3A_108 = tpu.memref_slice %arg5[%add3A_106, %dma_start3A_107] : memref<160000x128xf32, #tpu.memory_space<hbm>> -> memref<40x128xf32, #tpu.memory_space<hbm>>
        %dma_start3A_109 = arith.constant 0 : i32
        %dma_start3A_110 = tpu.memref_slice %arg5[%add3A_106, %dma_start3A_109] : memref<160000x128xf32, #tpu.memory_space<hbm>> -> memref<40x128xf32, #tpu.memory_space<hbm>>
        tpu.enqueue_dma source(%arg10 : memref<40x128xf32, #tpu.memory_space<vmem>>) target(%dma_start3A_110 : memref<40x128xf32, #tpu.memory_space<hbm>>) target_semaphore(%run_scoped3A : memref<!tpu.dma_semaphore, #tpu.memory_space<semaphore_mem>>)
        %dma_wait3A_111 = arith.constant 0 : i32
        %dma_wait3A_112 = tpu.memref_slice %arg5[%add3A_106, %dma_wait3A_111] : memref<160000x128xf32, #tpu.memory_space<hbm>> -> memref<40x128xf32, #tpu.memory_space<hbm>>
        %dma_wait3A_113 = arith.constant 0 : i32
        %dma_wait3A_114 = tpu.memref_slice %arg5[%add3A_106, %dma_wait3A_113] : memref<160000x128xf32, #tpu.memory_space<hbm>> -> memref<40x128xf32, #tpu.memory_space<hbm>>
        tpu.wait_dma2 semaphore(%run_scoped3A : memref<!tpu.dma_semaphore, #tpu.memory_space<semaphore_mem>>) src(%arg10 : memref<40x128xf32, #tpu.memory_space<vmem>>) dst(%dma_wait3A_114 : memref<40x128xf32, #tpu.memory_space<hbm>>)
        tpu.yield
      }) : () -> ()
    }
    %scan3A_15 = arith.constant 62 : i32
    %dma_wait3A = arith.constant 0 : i32
    %dma_wait3A_16 = arith.constant 0 : i32
    %dma_wait3A_17 = tpu.memref_slice %arg2[%dma_wait3A, %dma_wait3A_16] : memref<10000x128xf32, #tpu.memory_space<hbm>> -> memref<40x128xf32, #tpu.memory_space<hbm>>
    %dma_wait3A_18 = arith.constant 0 : i32
    %dma_wait3A_19 = arith.constant 0 : i32
    %dma_wait3A_20 = tpu.memref_slice %arg2[%dma_wait3A_18, %dma_wait3A_19] : memref<10000x128xf32, #tpu.memory_space<hbm>> -> memref<40x128xf32, #tpu.memory_space<hbm>>
    tpu.wait_dma2 semaphore(%arg12 : memref<!tpu.dma_semaphore, #tpu.memory_space<semaphore_mem>>) src(%dma_wait3A_20 : memref<40x128xf32, #tpu.memory_space<hbm>>) dst(%arg8 : memref<40x128xf32, #tpu.memory_space<vmem>>)
    %dma_wait3A_21 = arith.constant 0 : i32
    %dma_wait3A_22 = arith.constant 0 : i32
    %dma_wait3A_23 = tpu.memref_slice %arg2[%dma_wait3A_21, %dma_wait3A_22] : memref<10000x128xf32, #tpu.memory_space<hbm>> -> memref<40x128xf32, #tpu.memory_space<hbm>>
    %dma_wait3A_24 = arith.constant 0 : i32
    %dma_wait3A_25 = arith.constant 0 : i32
    %dma_wait3A_26 = tpu.memref_slice %arg2[%dma_wait3A_24, %dma_wait3A_25] : memref<10000x128xf32, #tpu.memory_space<hbm>> -> memref<40x128xf32, #tpu.memory_space<hbm>>
    tpu.wait_dma2 semaphore(%arg12 : memref<!tpu.dma_semaphore, #tpu.memory_space<semaphore_mem>>) src(%dma_wait3A_26 : memref<40x128xf32, #tpu.memory_space<hbm>>) dst(%arg9 : memref<40x128xf32, #tpu.memory_space<vmem>>)
    %scan3A_27 = arith.constant 0 : i32
    %scan3A_28 = arith.constant 40 : i32
    %scan3A_29 = arith.addi %scan3A_27, %scan3A_28 : i32
    %scan3A_30 = arith.constant 1 : i32
    scf.for %scan3A_34 = %scan3A_27 to %scan3A_29 step %scan3A_30  : i32 {
      %get3A = arith.index_cast %scan3A_34 : i32 to index
      %get3A_35 = arith.constant 0 : index
      %get3A_36 = tpu.vector_load %arg8[%get3A, %get3A_35] {strides = array<i32>} : memref<40x128xf32, #tpu.memory_space<vmem>>, vector<1x16xf32>,
      %get3A_37 = vector.shape_cast %get3A_36 : vector<1x16xf32> to vector<16xf32>
      %get3A_38 = arith.index_cast %scan3A_34 : i32 to index
      %get3A_39 = arith.constant 0 : index
      %get3A_40 = tpu.vector_load %arg9[%get3A_38, %get3A_39] {strides = array<i32>} : memref<40x128xf32, #tpu.memory_space<vmem>>, vector<1x16xf32>,
      %get3A_41 = vector.shape_cast %get3A_40 : vector<1x16xf32> to vector<16xf32>
      %sub3A = arith.subf %get3A_37, %get3A_41 : vector<16xf32>
      %abs3A = math.absf %sub3A : vector<16xf32>
      %swap3A = arith.index_cast %scan3A_34 : i32 to index
      %swap3A_42 = arith.constant 0 : index
      %swap3A_43 = tpu.vector_load %arg8[%swap3A, %swap3A_42] {strides = array<i32>} : memref<40x128xf32, #tpu.memory_space<vmem>>, vector<1x16xf32>,
      %swap3A_44 = vector.shape_cast %swap3A_43 : vector<1x16xf32> to vector<16xf32>
      %swap3A_45 = vector.shape_cast %abs3A : vector<16xf32> to vector<1x16xf32>
      tpu.vector_store %arg8[%swap3A, %swap3A_42], %swap3A_45 {strides = array<i32>} : memref<40x128xf32, #tpu.memory_space<vmem>>, vector<1x16xf32>,
      %get3A_46 = arith.index_cast %scan3A_34 : i32 to index
      %get3A_47 = arith.constant 16 : index
      %get3A_48 = tpu.vector_load %arg8[%get3A_46, %get3A_47] {strides = array<i32>} : memref<40x128xf32, #tpu.memory_space<vmem>>, vector<1x16xf32>,
      %get3A_49 = vector.shape_cast %get3A_48 : vector<1x16xf32> to vector<16xf32>
      %get3A_50 = arith.index_cast %scan3A_34 : i32 to index
      %get3A_51 = arith.constant 16 : index
      %get3A_52 = tpu.vector_load %arg9[%get3A_50, %get3A_51] {strides = array<i32>} : memref<40x128xf32, #tpu.memory_space<vmem>>, vector<1x16xf32>,
      %get3A_53 = vector.shape_cast %get3A_52 : vector<1x16xf32> to vector<16xf32>
      %sub3A_54 = arith.subf %get3A_49, %get3A_53 : vector<16xf32>
      %abs3A_55 = math.absf %sub3A_54 : vector<16xf32>
      %swap3A_56 = arith.index_cast %scan3A_34 : i32 to index
      %swap3A_57 = arith.constant 16 : index
      %swap3A_58 = tpu.vector_load %arg8[%swap3A_56, %swap3A_57] {strides = array<i32>} : memref<40x128xf32, #tpu.memory_space<vmem>>, vector<1x16xf32>,
      %swap3A_59 = vector.shape_cast %swap3A_58 : vector<1x16xf32> to vector<16xf32>
      %swap3A_60 = vector.shape_cast %abs3A_55 : vector<16xf32> to vector<1x16xf32>
      tpu.vector_store %arg8[%swap3A_56, %swap3A_57], %swap3A_60 {strides = array<i32>} : memref<40x128xf32, #tpu.memory_space<vmem>>, vector<1x16xf32>,
      %get3A_61 = arith.index_cast %scan3A_34 : i32 to index
      %get3A_62 = arith.constant 32 : index
      %get3A_63 = tpu.vector_load %arg8[%get3A_61, %get3A_62] {strides = array<i32>} : memref<40x128xf32, #tpu.memory_space<vmem>>, vector<1x16xf32>,
      %get3A_64 = vector.shape_cast %get3A_63 : vector<1x16xf32> to vector<16xf32>
      %get3A_65 = arith.index_cast %scan3A_34 : i32 to index
      %get3A_66 = arith.constant 32 : index
      %get3A_67 = tpu.vector_load %arg9[%get3A_65, %get3A_66] {strides = array<i32>} : memref<40x128xf32, #tpu.memory_space<vmem>>, vector<1x16xf32>,
      %get3A_68 = vector.shape_cast %get3A_67 : vector<1x16xf32> to vector<16xf32>
      %sub3A_69 = arith.subf %get3A_64, %get3A_68 : vector<16xf32>
      %abs3A_70 = math.absf %sub3A_69 : vector<16xf32>
      %swap3A_71 = arith.index_cast %scan3A_34 : i32 to index
      %swap3A_72 = arith.constant 32 : index
      %swap3A_73 = tpu.vector_load %arg8[%swap3A_71, %swap3A_72] {strides = array<i32>} : memref<40x128xf32, #tpu.memory_space<vmem>>, vector<1x16xf32>,
      %swap3A_74 = vector.shape_cast %swap3A_73 : vector<1x16xf32> to vector<16xf32>
      %swap3A_75 = vector.shape_cast %abs3A_70 : vector<16xf32> to vector<1x16xf32>
      tpu.vector_store %arg8[%swap3A_71, %swap3A_72], %swap3A_75 {strides = array<i32>} : memref<40x128xf32, #tpu.memory_space<vmem>>, vector<1x16xf32>,
      %get3A_76 = arith.index_cast %scan3A_34 : i32 to index
      %get3A_77 = arith.constant 48 : index
      %get3A_78 = tpu.vector_load %arg8[%get3A_76, %get3A_77] {strides = array<i32>} : memref<40x128xf32, #tpu.memory_space<vmem>>, vector<1x16xf32>,
      %get3A_79 = vector.shape_cast %get3A_78 : vector<1x16xf32> to vector<16xf32>
      %get3A_80 = arith.index_cast %scan3A_34 : i32 to index
      %get3A_81 = arith.constant 48 : index
      %get3A_82 = tpu.vector_load %arg9[%get3A_80, %get3A_81] {strides = array<i32>} : memref<40x128xf32, #tpu.memory_space<vmem>>, vector<1x16xf32>,
      %get3A_83 = vector.shape_cast %get3A_82 : vector<1x16xf32> to vector<16xf32>
      %sub3A_84 = arith.subf %get3A_79, %get3A_83 : vector<16xf32>
      %abs3A_85 = math.absf %sub3A_84 : vector<16xf32>
      %swap3A_86 = arith.index_cast %scan3A_34 : i32 to index
      %swap3A_87 = arith.constant 48 : index
      %swap3A_88 = tpu.vector_load %arg8[%swap3A_86, %swap3A_87] {strides = array<i32>} : memref<40x128xf32, #tpu.memory_space<vmem>>, vector<1x16xf32>,
      %swap3A_89 = vector.shape_cast %swap3A_88 : vector<1x16xf32> to vector<16xf32>
      %swap3A_90 = vector.shape_cast %abs3A_85 : vector<16xf32> to vector<1x16xf32>
      tpu.vector_store %arg8[%swap3A_86, %swap3A_87], %swap3A_90 {strides = array<i32>} : memref<40x128xf32, #tpu.memory_space<vmem>>, vector<1x16xf32>,
      %get3A_91 = arith.index_cast %scan3A_34 : i32 to index
      %get3A_92 = arith.constant 64 : index
      %get3A_93 = tpu.vector_load %arg8[%get3A_91, %get3A_92] {strides = array<i32>} : memref<40x128xf32, #tpu.memory_space<vmem>>, vector<1x16xf32>,
      %get3A_94 = vector.shape_cast %get3A_93 : vector<1x16xf32> to vector<16xf32>
      %get3A_95 = arith.index_cast %scan3A_34 : i32 to index
      %get3A_96 = arith.constant 64 : index
      %get3A_97 = tpu.vector_load %arg9[%get3A_95, %get3A_96] {strides = array<i32>} : memref<40x128xf32, #tpu.memory_space<vmem>>, vector<1x16xf32>,
      %get3A_98 = vector.shape_cast %get3A_97 : vector<1x16xf32> to vector<16xf32>
      %sub3A_99 = arith.subf %get3A_94, %get3A_98 : vector<16xf32>
      %abs3A_100 = math.absf %sub3A_99 : vector<16xf32>
      %swap3A_101 = arith.index_cast %scan3A_34 : i32 to index
      %swap3A_102 = arith.constant 64 : index
      %swap3A_103 = tpu.vector_load %arg8[%swap3A_101, %swap3A_102] {strides = array<i32>} : memref<40x128xf32, #tpu.memory_space<vmem>>, vector<1x16xf32>,
      %swap3A_104 = vector.shape_cast %swap3A_103 : vector<1x16xf32> to vector<16xf32>
      %swap3A_105 = vector.shape_cast %abs3A_100 : vector<16xf32> to vector<1x16xf32>
      tpu.vector_store %arg8[%swap3A_101, %swap3A_102], %swap3A_105 {strides = array<i32>} : memref<40x128xf32, #tpu.memory_space<vmem>>, vector<1x16xf32>,
      %get3A_106 = arith.index_cast %scan3A_34 : i32 to index
      %get3A_107 = arith.constant 80 : index
      %get3A_108 = tpu.vector_load %arg8[%get3A_106, %get3A_107] {strides = array<i32>} : memref<40x128xf32, #tpu.memory_space<vmem>>, vector<1x16xf32>,
      %get3A_109 = vector.shape_cast %get3A_108 : vector<1x16xf32> to vector<16xf32>
      %get3A_110 = arith.index_cast %scan3A_34 : i32 to index
      %get3A_111 = arith.constant 80 : index
      %get3A_112 = tpu.vector_load %arg9[%get3A_110, %get3A_111] {strides = array<i32>} : memref<40x128xf32, #tpu.memory_space<vmem>>, vector<1x16xf32>,
      %get3A_113 = vector.shape_cast %get3A_112 : vector<1x16xf32> to vector<16xf32>
      %sub3A_114 = arith.subf %get3A_109, %get3A_113 : vector<16xf32>
      %abs3A_115 = math.absf %sub3A_114 : vector<16xf32>
      %swap3A_116 = arith.index_cast %scan3A_34 : i32 to index
      %swap3A_117 = arith.constant 80 : index
      %swap3A_118 = tpu.vector_load %arg8[%swap3A_116, %swap3A_117] {strides = array<i32>} : memref<40x128xf32, #tpu.memory_space<vmem>>, vector<1x16xf32>,
      %swap3A_119 = vector.shape_cast %swap3A_118 : vector<1x16xf32> to vector<16xf32>
      %swap3A_120 = vector.shape_cast %abs3A_115 : vector<16xf32> to vector<1x16xf32>
      tpu.vector_store %arg8[%swap3A_116, %swap3A_117], %swap3A_120 {strides = array<i32>} : memref<40x128xf32, #tpu.memory_space<vmem>>, vector<1x16xf32>,
      %get3A_121 = arith.index_cast %scan3A_34 : i32 to index
      %get3A_122 = arith.constant 96 : index
      %get3A_123 = tpu.vector_load %arg8[%get3A_121, %get3A_122] {strides = array<i32>} : memref<40x128xf32, #tpu.memory_space<vmem>>, vector<1x16xf32>,
      %get3A_124 = vector.shape_cast %get3A_123 : vector<1x16xf32> to vector<16xf32>
      %get3A_125 = arith.index_cast %scan3A_34 : i32 to index
      %get3A_126 = arith.constant 96 : index
      %get3A_127 = tpu.vector_load %arg9[%get3A_125, %get3A_126] {strides = array<i32>} : memref<40x128xf32, #tpu.memory_space<vmem>>, vector<1x16xf32>,
      %get3A_128 = vector.shape_cast %get3A_127 : vector<1x16xf32> to vector<16xf32>
      %sub3A_129 = arith.subf %get3A_124, %get3A_128 : vector<16xf32>
      %abs3A_130 = math.absf %sub3A_129 : vector<16xf32>
      %swap3A_131 = arith.index_cast %scan3A_34 : i32 to index
      %swap3A_132 = arith.constant 96 : index
      %swap3A_133 = tpu.vector_load %arg8[%swap3A_131, %swap3A_132] {strides = array<i32>} : memref<40x128xf32, #tpu.memory_space<vmem>>, vector<1x16xf32>,
      %swap3A_134 = vector.shape_cast %swap3A_133 : vector<1x16xf32> to vector<16xf32>
      %swap3A_135 = vector.shape_cast %abs3A_130 : vector<16xf32> to vector<1x16xf32>
      tpu.vector_store %arg8[%swap3A_131, %swap3A_132], %swap3A_135 {strides = array<i32>} : memref<40x128xf32, #tpu.memory_space<vmem>>, vector<1x16xf32>,
      %get3A_136 = arith.index_cast %scan3A_34 : i32 to index
      %get3A_137 = arith.constant 112 : index
      %get3A_138 = tpu.vector_load %arg8[%get3A_136, %get3A_137] {strides = array<i32>} : memref<40x128xf32, #tpu.memory_space<vmem>>, vector<1x16xf32>,
      %get3A_139 = vector.shape_cast %get3A_138 : vector<1x16xf32> to vector<16xf32>
      %get3A_140 = arith.index_cast %scan3A_34 : i32 to index
      %get3A_141 = arith.constant 112 : index
      %get3A_142 = tpu.vector_load %arg9[%get3A_140, %get3A_141] {strides = array<i32>} : memref<40x128xf32, #tpu.memory_space<vmem>>, vector<1x16xf32>,
      %get3A_143 = vector.shape_cast %get3A_142 : vector<1x16xf32> to vector<16xf32>
      %sub3A_144 = arith.subf %get3A_139, %get3A_143 : vector<16xf32>
      %abs3A_145 = math.absf %sub3A_144 : vector<16xf32>
      %swap3A_146 = arith.index_cast %scan3A_34 : i32 to index
      %swap3A_147 = arith.constant 112 : index
      %swap3A_148 = tpu.vector_load %arg8[%swap3A_146, %swap3A_147] {strides = array<i32>} : memref<40x128xf32, #tpu.memory_space<vmem>>, vector<1x16xf32>,
      %swap3A_149 = vector.shape_cast %swap3A_148 : vector<1x16xf32> to vector<16xf32>
      %swap3A_150 = vector.shape_cast %abs3A_145 : vector<16xf32> to vector<1x16xf32>
      tpu.vector_store %arg8[%swap3A_146, %swap3A_147], %swap3A_150 {strides = array<i32>} : memref<40x128xf32, #tpu.memory_space<vmem>>, vector<1x16xf32>,
    }
    %scan3A_31 = arith.constant 40 : i32
    %add3A_32 = arith.constant 4960 : i32
    %add3A_33 = arith.addi %add3A, %add3A_32 : i32
    "tpu.region"() ({
      %run_scoped3A = tpu.sem_alloc : memref<!tpu.dma_semaphore, #tpu.memory_space<semaphore_mem>>
      %dma_start3A_34 = arith.constant 0 : i32
      %dma_start3A_35 = tpu.memref_slice %arg5[%add3A_33, %dma_start3A_34] : memref<160000x128xf32, #tpu.memory_space<hbm>> -> memref<40x128xf32, #tpu.memory_space<hbm>>
      %dma_start3A_36 = arith.constant 0 : i32
      %dma_start3A_37 = tpu.memref_slice %arg5[%add3A_33, %dma_start3A_36] : memref<160000x128xf32, #tpu.memory_space<hbm>> -> memref<40x128xf32, #tpu.memory_space<hbm>>
      tpu.enqueue_dma source(%arg8 : memref<40x128xf32, #tpu.memory_space<vmem>>) target(%dma_start3A_37 : memref<40x128xf32, #tpu.memory_space<hbm>>) target_semaphore(%run_scoped3A : memref<!tpu.dma_semaphore, #tpu.memory_space<semaphore_mem>>)
      %dma_wait3A_38 = arith.constant 0 : i32
      %dma_wait3A_39 = tpu.memref_slice %arg5[%add3A_33, %dma_wait3A_38] : memref<160000x128xf32, #tpu.memory_space<hbm>> -> memref<40x128xf32, #tpu.memory_space<hbm>>
      %dma_wait3A_40 = arith.constant 0 : i32
      %dma_wait3A_41 = tpu.memref_slice %arg5[%add3A_33, %dma_wait3A_40] : memref<160000x128xf32, #tpu.memory_space<hbm>> -> memref<40x128xf32, #tpu.memory_space<hbm>>
      tpu.wait_dma2 semaphore(%run_scoped3A : memref<!tpu.dma_semaphore, #tpu.memory_space<semaphore_mem>>) src(%arg8 : memref<40x128xf32, #tpu.memory_space<vmem>>) dst(%dma_wait3A_41 : memref<40x128xf32, #tpu.memory_space<hbm>>)
      tpu.yield
    }) : () -> ()
    return
  }
}

module attributes {stable_mosaic.version = 14 : i64} {
  func.func @_tc1_body(%arg0: i32, %arg1: memref<1000x128xf32, #tpu.memory_space<vmem>>, %arg2: memref<128x256xf32, #tpu.memory_space<vmem>>, %arg3: memref<1000x1xf32, #tpu.memory_space<vmem>>, %arg4: memref<1000x1xf32, #tpu.memory_space<vmem>>, %arg5: memref<2x1000x128xf32, #tpu.memory_space<vmem>>) attributes {dimension_semantics = [#tpu.dimension_semantics<arbitrary>], iteration_bounds = array<i64: 10>, scalar_prefetch = 0 : i64, scratch_operands = 0 : i64, tpu.core_type = #tpu.core_type<tc>, window_params = [{transform_indices = @transform_0, window_bounds = array<i64: 1000, 128>}, {pipeline_mode = #tpu.pipeline_mode<synchronous>, transform_indices = @transform_1, window_bounds = array<i64: 128, 256>}, {transform_indices = @transform_2, window_bounds = array<i64: 1000, 1>}, {transform_indices = @transform_3, window_bounds = array<i64: 1000, 1>}, {transform_indices = @transform_4, window_bounds = array<i64: 2, 1000, 128>}]} {
    %get3A = arith.constant 0 : index
    %get3A_0 = arith.constant 0 : index
    %get3A_1 = vector.load %arg3[%get3A, %get3A_0] : memref<1000x1xf32, #tpu.memory_space<vmem>>, vector<1000x1xf32>
    %max3A = arith.constant 1.000000e+00 : f32
    %max3A_2 = vector.broadcast %max3A : f32 to vector<1000x1xf32>
    %max3A_3 = arith.maximumf %get3A_1, %max3A_2 : vector<1000x1xf32>
    %rsqrt3A = math.rsqrt %max3A_3 : vector<1000x1xf32>
    %get3A_4 = arith.constant 0 : index
    %get3A_5 = arith.constant 0 : index
    %get3A_6 = vector.load %arg1[%get3A_4, %get3A_5] : memref<1000x128xf32, #tpu.memory_space<vmem>>, vector<1000x128xf32>
    %get3A_7 = arith.constant 0 : index
    %get3A_8 = arith.constant 0 : index
    %get3A_9 = vector.load %arg2[%get3A_7, %get3A_8] : memref<128x256xf32, #tpu.memory_space<vmem>>, vector<128x256xf32>
    %dot_general3A = arith.constant dense<0.000000e+00> : vector<1000x256xf32>
    %dot_general3A_10 = tpu.matmul %get3A_6, %get3A_9, %dot_general3A {dimension_numbers = #tpu.dot_dimension_numbers<[1], [0], [0], [1], [0, 0, 1, 1], [], []>, transpose_lhs_hint = false} : vector<1000x128xf32>, vector<128x256xf32>, vector<1000x256xf32> -> vector<1000x256xf32>
    %get3A_11 = arith.constant 0 : index
    %get3A_12 = arith.constant 0 : index
    %get3A_13 = vector.load %arg4[%get3A_11, %get3A_12] : memref<1000x1xf32, #tpu.memory_space<vmem>>, vector<1000x1xf32>
    %mul3A = arith.mulf %get3A_13, %rsqrt3A : vector<1000x1xf32>
    %mul3A_14 = vector.broadcast %mul3A : vector<1000x1xf32> to vector<1000x256xf32>
    %mul3A_15 = arith.mulf %dot_general3A_10, %mul3A_14 : vector<1000x256xf32>
    %slice3A = vector.extract_strided_slice %mul3A_15 {offsets = [0, 0], sizes = [1000, 128], strides = [1, 1]} : vector<1000x256xf32> to vector<1000x128xf32>
    %swap3A = arith.constant 0 : index
    %swap3A_16 = arith.constant 0 : index
    %swap3A_17 = arith.constant 0 : index
    %swap3A_18 = vector.load %arg5[%swap3A, %swap3A_16, %swap3A_17] : memref<2x1000x128xf32, #tpu.memory_space<vmem>>, vector<1x1000x128xf32>
    %swap3A_19 = vector.shape_cast %swap3A_18 : vector<1x1000x128xf32> to vector<1000x128xf32>
    %swap3A_20 = vector.shape_cast %slice3A : vector<1000x128xf32> to vector<1x1000x128xf32>
    tpu.vector_store %arg5[%swap3A, %swap3A_16, %swap3A_17], %swap3A_20 {strides = array<i32>} : memref<2x1000x128xf32, #tpu.memory_space<vmem>>, vector<1x1000x128xf32>,
    %slice3A_21 = vector.extract_strided_slice %mul3A_15 {offsets = [0, 128], sizes = [1000, 128], strides = [1, 1]} : vector<1000x256xf32> to vector<1000x128xf32>
    %swap3A_22 = arith.constant 1 : index
    %swap3A_23 = arith.constant 0 : index
    %swap3A_24 = arith.constant 0 : index
    %swap3A_25 = vector.load %arg5[%swap3A_22, %swap3A_23, %swap3A_24] : memref<2x1000x128xf32, #tpu.memory_space<vmem>>, vector<1x1000x128xf32>
    %swap3A_26 = vector.shape_cast %swap3A_25 : vector<1x1000x128xf32> to vector<1000x128xf32>
    %swap3A_27 = vector.shape_cast %slice3A_21 : vector<1000x128xf32> to vector<1x1000x128xf32>
    tpu.vector_store %arg5[%swap3A_22, %swap3A_23, %swap3A_24], %swap3A_27 {strides = array<i32>} : memref<2x1000x128xf32, #tpu.memory_space<vmem>>, vector<1x1000x128xf32>,
    return
  }
  func.func @transform_0(%arg0: i32) -> (i32, i32) {
    %c0_i32 = arith.constant 0 : i32
    %c0_i32_0 = arith.constant 0 : i32
    return %arg0, %c0_i32 : i32, i32
  }
  func.func @transform_1(%arg0: i32) -> (i32, i32) {
    %c0_i32 = arith.constant 0 : i32
    %c0_i32_0 = arith.constant 0 : i32
    %c0_i32_1 = arith.constant 0 : i32
    return %c0_i32, %c0_i32_0 : i32, i32
  }
  func.func @transform_2(%arg0: i32) -> (i32, i32) {
    %c0_i32 = arith.constant 0 : i32
    %c0_i32_0 = arith.constant 0 : i32
    return %arg0, %c0_i32 : i32, i32
  }
  func.func @transform_3(%arg0: i32) -> (i32, i32) {
    %c0_i32 = arith.constant 0 : i32
    %c0_i32_0 = arith.constant 0 : i32
    return %arg0, %c0_i32 : i32, i32
  }
  func.func @transform_4(%arg0: i32) -> (i32, i32, i32) {
    %c0_i32 = arith.constant 0 : i32
    %c0_i32_0 = arith.constant 0 : i32
    %c0_i32_1 = arith.constant 0 : i32
    return %c0_i32, %arg0, %c0_i32_0 : i32, i32, i32
  }
}

module attributes {stable_mosaic.version = 14 : i64} {
  func.func @_tc2_body(%arg0: i32, %arg1: memref<1000x128xf32, #tpu.memory_space<vmem>>, %arg2: memref<1000x128xf32, #tpu.memory_space<vmem>>, %arg3: memref<1000x1xf32, #tpu.memory_space<vmem>>, %arg4: memref<1000x1xf32, #tpu.memory_space<vmem>>, %arg5: memref<1x256xf32, #tpu.memory_space<vmem>>, %arg6: memref<1x1xf32, #tpu.memory_space<vmem>>, %arg7: memref<256x256xf32, #tpu.memory_space<vmem>>, %arg8: memref<2x1000x128xf32, #tpu.memory_space<vmem>>) attributes {dimension_semantics = [#tpu.dimension_semantics<arbitrary>], iteration_bounds = array<i64: 10>, scalar_prefetch = 0 : i64, scratch_operands = 0 : i64, tpu.core_type = #tpu.core_type<tc>, window_params = [{transform_indices = @transform_0, window_bounds = array<i64: 1000, 128>}, {transform_indices = @transform_1, window_bounds = array<i64: 1000, 128>}, {transform_indices = @transform_2, window_bounds = array<i64: 1000, 1>}, {transform_indices = @transform_3, window_bounds = array<i64: 1000, 1>}, {pipeline_mode = #tpu.pipeline_mode<synchronous>, transform_indices = @transform_4, window_bounds = array<i64: 1, 256>}, {pipeline_mode = #tpu.pipeline_mode<synchronous>, transform_indices = @transform_5, window_bounds = array<i64: 1, 1>}, {pipeline_mode = #tpu.pipeline_mode<synchronous>, transform_indices = @transform_6, window_bounds = array<i64: 256, 256>}, {transform_indices = @transform_7, window_bounds = array<i64: 2, 1000, 128>}]} {
    %get3A = arith.constant 0 : index
    %get3A_0 = arith.constant 0 : index
    %get3A_1 = vector.load %arg3[%get3A, %get3A_0] : memref<1000x1xf32, #tpu.memory_space<vmem>>, vector<1000x1xf32>
    %max3A = arith.constant 1.000000e+00 : f32
    %max3A_2 = vector.broadcast %max3A : f32 to vector<1000x1xf32>
    %max3A_3 = arith.maximumf %get3A_1, %max3A_2 : vector<1000x1xf32>
    %rsqrt3A = math.rsqrt %max3A_3 : vector<1000x1xf32>
    %get3A_4 = arith.constant 0 : index
    %get3A_5 = arith.constant 0 : index
    %get3A_6 = vector.load %arg4[%get3A_4, %get3A_5] : memref<1000x1xf32, #tpu.memory_space<vmem>>, vector<1000x1xf32>
    %max3A_7 = arith.constant 1.000000e+00 : f32
    %max3A_8 = vector.broadcast %max3A_7 : f32 to vector<1000x1xf32>
    %max3A_9 = arith.maximumf %get3A_6, %max3A_8 : vector<1000x1xf32>
    %rsqrt3A_10 = math.rsqrt %max3A_9 : vector<1000x1xf32>
    %get3A_11 = arith.constant 0 : index
    %get3A_12 = arith.constant 0 : index
    %get3A_13 = vector.load %arg1[%get3A_11, %get3A_12] : memref<1000x128xf32, #tpu.memory_space<vmem>>, vector<1000x128xf32>
    %get3A_14 = arith.constant 0 : index
    %get3A_15 = arith.constant 0 : index
    %get3A_16 = vector.load %arg2[%get3A_14, %get3A_15] : memref<1000x128xf32, #tpu.memory_space<vmem>>, vector<1000x128xf32>
    %concatenate3A = tpu.concatenate %get3A_13, %get3A_16 in 1 : vector<1000x128xf32>, vector<1000x128xf32> -> vector<1000x256xf32>
    %mul3A = vector.broadcast %rsqrt3A : vector<1000x1xf32> to vector<1000x256xf32>
    %mul3A_17 = arith.mulf %concatenate3A, %mul3A : vector<1000x256xf32>
    %get3A_18 = arith.constant 0 : index
    %get3A_19 = arith.constant 0 : index
    %get3A_20 = vector.load %arg5[%get3A_18, %get3A_19] : memref<1x256xf32, #tpu.memory_space<vmem>>, vector<1x256xf32>
    %add3A = vector.broadcast %get3A_20 : vector<1x256xf32> to vector<1000x256xf32>
    %add3A_21 = arith.addf %mul3A_17, %add3A : vector<1000x256xf32>
    %get3A_22 = arith.constant 0 : index
    %get3A_23 = arith.constant 0 : index
    %get3A_24 = vector.load %arg6[%get3A_22, %get3A_23] : memref<1x1xf32, #tpu.memory_space<vmem>>, vector<1x1xf32>
    %get3A_25 = vector.extract %get3A_24[0, 0] : f32 from vector<1x1xf32>
    %gt3A = arith.constant 0.000000e+00 : f32
    %gt3A_26 = vector.broadcast %gt3A : f32 to vector<1000x256xf32>
    %gt3A_27 = arith.cmpf ogt, %add3A_21, %gt3A_26 : vector<1000x256xf32>
    %mul3A_28 = vector.broadcast %get3A_25 : f32 to vector<1000x256xf32>
    %mul3A_29 = arith.mulf %mul3A_28, %add3A_21 : vector<1000x256xf32>
    %select_n3A = arith.select %gt3A_27, %add3A_21, %mul3A_29 : vector<1000x256xi1>, vector<1000x256xf32>
    %get3A_30 = arith.constant 0 : index
    %get3A_31 = arith.constant 0 : index
    %get3A_32 = vector.load %arg7[%get3A_30, %get3A_31] : memref<256x256xf32, #tpu.memory_space<vmem>>, vector<256x256xf32>
    %dot_general3A = arith.constant dense<0.000000e+00> : vector<1000x256xf32>
    %dot_general3A_33 = tpu.matmul %select_n3A, %get3A_32, %dot_general3A {dimension_numbers = #tpu.dot_dimension_numbers<[1], [0], [0], [1], [0, 0, 1, 1], [], []>, transpose_lhs_hint = false} : vector<1000x256xf32>, vector<256x256xf32>, vector<1000x256xf32> -> vector<1000x256xf32>
    %mul3A_34 = vector.broadcast %rsqrt3A_10 : vector<1000x1xf32> to vector<1000x256xf32>
    %mul3A_35 = arith.mulf %dot_general3A_33, %mul3A_34 : vector<1000x256xf32>
    %slice3A = vector.extract_strided_slice %mul3A_35 {offsets = [0, 0], sizes = [1000, 128], strides = [1, 1]} : vector<1000x256xf32> to vector<1000x128xf32>
    %swap3A = arith.constant 0 : index
    %swap3A_36 = arith.constant 0 : index
    %swap3A_37 = arith.constant 0 : index
    %swap3A_38 = vector.load %arg8[%swap3A, %swap3A_36, %swap3A_37] : memref<2x1000x128xf32, #tpu.memory_space<vmem>>, vector<1x1000x128xf32>
    %swap3A_39 = vector.shape_cast %swap3A_38 : vector<1x1000x128xf32> to vector<1000x128xf32>
    %swap3A_40 = vector.shape_cast %slice3A : vector<1000x128xf32> to vector<1x1000x128xf32>
    tpu.vector_store %arg8[%swap3A, %swap3A_36, %swap3A_37], %swap3A_40 {strides = array<i32>} : memref<2x1000x128xf32, #tpu.memory_space<vmem>>, vector<1x1000x128xf32>,
    %slice3A_41 = vector.extract_strided_slice %mul3A_35 {offsets = [0, 128], sizes = [1000, 128], strides = [1, 1]} : vector<1000x256xf32> to vector<1000x128xf32>
    %swap3A_42 = arith.constant 1 : index
    %swap3A_43 = arith.constant 0 : index
    %swap3A_44 = arith.constant 0 : index
    %swap3A_45 = vector.load %arg8[%swap3A_42, %swap3A_43, %swap3A_44] : memref<2x1000x128xf32, #tpu.memory_space<vmem>>, vector<1x1000x128xf32>
    %swap3A_46 = vector.shape_cast %swap3A_45 : vector<1x1000x128xf32> to vector<1000x128xf32>
    %swap3A_47 = vector.shape_cast %slice3A_41 : vector<1000x128xf32> to vector<1x1000x128xf32>
    tpu.vector_store %arg8[%swap3A_42, %swap3A_43, %swap3A_44], %swap3A_47 {strides = array<i32>} : memref<2x1000x128xf32, #tpu.memory_space<vmem>>, vector<1x1000x128xf32>,
    return
  }
  func.func @transform_0(%arg0: i32) -> (i32, i32) {
    %c0_i32 = arith.constant 0 : i32
    %c0_i32_0 = arith.constant 0 : i32
    return %arg0, %c0_i32 : i32, i32
  }
  func.func @transform_1(%arg0: i32) -> (i32, i32) {
    %add3A = arith.constant 10 : i32
    %add3A_0 = arith.addi %arg0, %add3A : i32
    %c0_i32 = arith.constant 0 : i32
    %c0_i32_1 = arith.constant 0 : i32
    return %add3A_0, %c0_i32 : i32, i32
  }
  func.func @transform_2(%arg0: i32) -> (i32, i32) {
    %c0_i32 = arith.constant 0 : i32
    %c0_i32_0 = arith.constant 0 : i32
    return %arg0, %c0_i32 : i32, i32
  }
  func.func @transform_3(%arg0: i32) -> (i32, i32) {
    %c0_i32 = arith.constant 0 : i32
    %c0_i32_0 = arith.constant 0 : i32
    return %arg0, %c0_i32 : i32, i32
  }
  func.func @transform_4(%arg0: i32) -> (i32, i32) {
    %c0_i32 = arith.constant 0 : i32
    %c0_i32_0 = arith.constant 0 : i32
    %c0_i32_1 = arith.constant 0 : i32
    return %c0_i32, %c0_i32_0 : i32, i32
  }
  func.func @transform_5(%arg0: i32) -> (i32, i32) {
    %c0_i32 = arith.constant 0 : i32
    %c0_i32_0 = arith.constant 0 : i32
    %c0_i32_1 = arith.constant 0 : i32
    return %c0_i32, %c0_i32_0 : i32, i32
  }
  func.func @transform_6(%arg0: i32) -> (i32, i32) {
    %c0_i32 = arith.constant 0 : i32
    %c0_i32_0 = arith.constant 0 : i32
    %c0_i32_1 = arith.constant 0 : i32
    return %c0_i32, %c0_i32_0 : i32, i32
  }
  func.func @transform_7(%arg0: i32) -> (i32, i32, i32) {
    %c0_i32 = arith.constant 0 : i32
    %c0_i32_0 = arith.constant 0 : i32
    %c0_i32_1 = arith.constant 0 : i32
    return %c0_i32, %arg0, %c0_i32_0 : i32, i32, i32
  }
}

module attributes {stable_mosaic.version = 14 : i64} {
  func.func @_tc3_body(%arg0: i32, %arg1: memref<1000x128xf32, #tpu.memory_space<vmem>>, %arg2: memref<1000x128xf32, #tpu.memory_space<vmem>>, %arg3: memref<1000x1xf32, #tpu.memory_space<vmem>>, %arg4: memref<1000x1xf32, #tpu.memory_space<vmem>>, %arg5: memref<1x256xf32, #tpu.memory_space<vmem>>, %arg6: memref<1x1xf32, #tpu.memory_space<vmem>>, %arg7: memref<256x256xf32, #tpu.memory_space<vmem>>, %arg8: memref<256x128xf32, #tpu.memory_space<vmem>>, %arg9: memref<1000x1xf32, #tpu.memory_space<vmem>>, %arg10: memref<1000x128xf32, #tpu.memory_space<vmem>>) attributes {dimension_semantics = [#tpu.dimension_semantics<arbitrary>], iteration_bounds = array<i64: 10>, scalar_prefetch = 0 : i64, scratch_operands = 0 : i64, tpu.core_type = #tpu.core_type<tc>, window_params = [{transform_indices = @transform_0, window_bounds = array<i64: 1000, 128>}, {transform_indices = @transform_1, window_bounds = array<i64: 1000, 128>}, {transform_indices = @transform_2, window_bounds = array<i64: 1000, 1>}, {transform_indices = @transform_3, window_bounds = array<i64: 1000, 1>}, {pipeline_mode = #tpu.pipeline_mode<synchronous>, transform_indices = @transform_4, window_bounds = array<i64: 1, 256>}, {pipeline_mode = #tpu.pipeline_mode<synchronous>, transform_indices = @transform_5, window_bounds = array<i64: 1, 1>}, {pipeline_mode = #tpu.pipeline_mode<synchronous>, transform_indices = @transform_6, window_bounds = array<i64: 256, 256>}, {pipeline_mode = #tpu.pipeline_mode<synchronous>, transform_indices = @transform_7, window_bounds = array<i64: 256, 128>}, {transform_indices = @transform_8, window_bounds = array<i64: 1000, 1>}, {transform_indices = @transform_9, window_bounds = array<i64: 1000, 128>}]} {
    %get3A = arith.constant 0 : index
    %get3A_0 = arith.constant 0 : index
    %get3A_1 = vector.load %arg3[%get3A, %get3A_0] : memref<1000x1xf32, #tpu.memory_space<vmem>>, vector<1000x1xf32>
    %max3A = arith.constant 1.000000e+00 : f32
    %max3A_2 = vector.broadcast %max3A : f32 to vector<1000x1xf32>
    %max3A_3 = arith.maximumf %get3A_1, %max3A_2 : vector<1000x1xf32>
    %rsqrt3A = math.rsqrt %max3A_3 : vector<1000x1xf32>
    %get3A_4 = arith.constant 0 : index
    %get3A_5 = arith.constant 0 : index
    %get3A_6 = vector.load %arg4[%get3A_4, %get3A_5] : memref<1000x1xf32, #tpu.memory_space<vmem>>, vector<1000x1xf32>
    %max3A_7 = arith.constant 1.000000e+00 : f32
    %max3A_8 = vector.broadcast %max3A_7 : f32 to vector<1000x1xf32>
    %max3A_9 = arith.maximumf %get3A_6, %max3A_8 : vector<1000x1xf32>
    %rsqrt3A_10 = math.rsqrt %max3A_9 : vector<1000x1xf32>
    %get3A_11 = arith.constant 0 : index
    %get3A_12 = arith.constant 0 : index
    %get3A_13 = vector.load %arg1[%get3A_11, %get3A_12] : memref<1000x128xf32, #tpu.memory_space<vmem>>, vector<1000x128xf32>
    %get3A_14 = arith.constant 0 : index
    %get3A_15 = arith.constant 0 : index
    %get3A_16 = vector.load %arg2[%get3A_14, %get3A_15] : memref<1000x128xf32, #tpu.memory_space<vmem>>, vector<1000x128xf32>
    %concatenate3A = tpu.concatenate %get3A_13, %get3A_16 in 1 : vector<1000x128xf32>, vector<1000x128xf32> -> vector<1000x256xf32>
    %mul3A = vector.broadcast %rsqrt3A : vector<1000x1xf32> to vector<1000x256xf32>
    %mul3A_17 = arith.mulf %concatenate3A, %mul3A : vector<1000x256xf32>
    %get3A_18 = arith.constant 0 : index
    %get3A_19 = arith.constant 0 : index
    %get3A_20 = vector.load %arg5[%get3A_18, %get3A_19] : memref<1x256xf32, #tpu.memory_space<vmem>>, vector<1x256xf32>
    %add3A = vector.broadcast %get3A_20 : vector<1x256xf32> to vector<1000x256xf32>
    %add3A_21 = arith.addf %mul3A_17, %add3A : vector<1000x256xf32>
    %get3A_22 = arith.constant 0 : index
    %get3A_23 = arith.constant 0 : index
    %get3A_24 = vector.load %arg6[%get3A_22, %get3A_23] : memref<1x1xf32, #tpu.memory_space<vmem>>, vector<1x1xf32>
    %get3A_25 = vector.extract %get3A_24[0, 0] : f32 from vector<1x1xf32>
    %gt3A = arith.constant 0.000000e+00 : f32
    %gt3A_26 = vector.broadcast %gt3A : f32 to vector<1000x256xf32>
    %gt3A_27 = arith.cmpf ogt, %add3A_21, %gt3A_26 : vector<1000x256xf32>
    %mul3A_28 = vector.broadcast %get3A_25 : f32 to vector<1000x256xf32>
    %mul3A_29 = arith.mulf %mul3A_28, %add3A_21 : vector<1000x256xf32>
    %select_n3A = arith.select %gt3A_27, %add3A_21, %mul3A_29 : vector<1000x256xi1>, vector<1000x256xf32>
    %get3A_30 = arith.constant 0 : index
    %get3A_31 = arith.constant 0 : index
    %get3A_32 = vector.load %arg7[%get3A_30, %get3A_31] : memref<256x256xf32, #tpu.memory_space<vmem>>, vector<256x256xf32>
    %dot_general3A = arith.constant dense<0.000000e+00> : vector<1000x256xf32>
    %dot_general3A_33 = tpu.matmul %select_n3A, %get3A_32, %dot_general3A {dimension_numbers = #tpu.dot_dimension_numbers<[1], [0], [0], [1], [0, 0, 1, 1], [], []>, transpose_lhs_hint = false} : vector<1000x256xf32>, vector<256x256xf32>, vector<1000x256xf32> -> vector<1000x256xf32>
    %get3A_34 = arith.constant 0 : index
    %get3A_35 = arith.constant 0 : index
    %get3A_36 = vector.load %arg9[%get3A_34, %get3A_35] : memref<1000x1xf32, #tpu.memory_space<vmem>>, vector<1000x1xf32>
    %mul3A_37 = vector.broadcast %get3A_36 : vector<1000x1xf32> to vector<1000x256xf32>
    %mul3A_38 = arith.mulf %dot_general3A_33, %mul3A_37 : vector<1000x256xf32>
    %get3A_39 = arith.constant 0 : index
    %get3A_40 = arith.constant 0 : index
    %get3A_41 = vector.load %arg8[%get3A_39, %get3A_40] : memref<256x128xf32, #tpu.memory_space<vmem>>, vector<256x128xf32>
    %dot_general3A_42 = arith.constant dense<0.000000e+00> : vector<1000x128xf32>
    %dot_general3A_43 = tpu.matmul %mul3A_38, %get3A_41, %dot_general3A_42 {dimension_numbers = #tpu.dot_dimension_numbers<[1], [0], [0], [1], [0, 0, 1, 1], [], []>, transpose_lhs_hint = false} : vector<1000x256xf32>, vector<256x128xf32>, vector<1000x128xf32> -> vector<1000x128xf32>
    %mul3A_44 = vector.broadcast %rsqrt3A_10 : vector<1000x1xf32> to vector<1000x128xf32>
    %mul3A_45 = arith.mulf %dot_general3A_43, %mul3A_44 : vector<1000x128xf32>
    %swap3A = arith.constant 0 : index
    %swap3A_46 = arith.constant 0 : index
    %swap3A_47 = vector.load %arg10[%swap3A, %swap3A_46] : memref<1000x128xf32, #tpu.memory_space<vmem>>, vector<1000x128xf32>
    tpu.vector_store %arg10[%swap3A, %swap3A_46], %mul3A_45 {strides = array<i32>} : memref<1000x128xf32, #tpu.memory_space<vmem>>, vector<1000x128xf32>,
    return
  }
  func.func @transform_0(%arg0: i32) -> (i32, i32) {
    %c0_i32 = arith.constant 0 : i32
    %c0_i32_0 = arith.constant 0 : i32
    return %arg0, %c0_i32 : i32, i32
  }
  func.func @transform_1(%arg0: i32) -> (i32, i32) {
    %add3A = arith.constant 10 : i32
    %add3A_0 = arith.addi %arg0, %add3A : i32
    %c0_i32 = arith.constant 0 : i32
    %c0_i32_1 = arith.constant 0 : i32
    return %add3A_0, %c0_i32 : i32, i32
  }
  func.func @transform_2(%arg0: i32) -> (i32, i32) {
    %c0_i32 = arith.constant 0 : i32
    %c0_i32_0 = arith.constant 0 : i32
    return %arg0, %c0_i32 : i32, i32
  }
  func.func @transform_3(%arg0: i32) -> (i32, i32) {
    %c0_i32 = arith.constant 0 : i32
    %c0_i32_0 = arith.constant 0 : i32
    return %arg0, %c0_i32 : i32, i32
  }
  func.func @transform_4(%arg0: i32) -> (i32, i32) {
    %c0_i32 = arith.constant 0 : i32
    %c0_i32_0 = arith.constant 0 : i32
    %c0_i32_1 = arith.constant 0 : i32
    return %c0_i32, %c0_i32_0 : i32, i32
  }
  func.func @transform_5(%arg0: i32) -> (i32, i32) {
    %c0_i32 = arith.constant 0 : i32
    %c0_i32_0 = arith.constant 0 : i32
    %c0_i32_1 = arith.constant 0 : i32
    return %c0_i32, %c0_i32_0 : i32, i32
  }
  func.func @transform_6(%arg0: i32) -> (i32, i32) {
    %c0_i32 = arith.constant 0 : i32
    %c0_i32_0 = arith.constant 0 : i32
    %c0_i32_1 = arith.constant 0 : i32
    return %c0_i32, %c0_i32_0 : i32, i32
  }
  func.func @transform_7(%arg0: i32) -> (i32, i32) {
    %c0_i32 = arith.constant 0 : i32
    %c0_i32_0 = arith.constant 0 : i32
    %c0_i32_1 = arith.constant 0 : i32
    return %c0_i32, %c0_i32_0 : i32, i32
  }
  func.func @transform_8(%arg0: i32) -> (i32, i32) {
    %c0_i32 = arith.constant 0 : i32
    %c0_i32_0 = arith.constant 0 : i32
    return %arg0, %c0_i32 : i32, i32
  }
  func.func @transform_9(%arg0: i32) -> (i32, i32) {
    %c0_i32 = arith.constant 0 : i32
    %c0_i32_0 = arith.constant 0 : i32
    return %arg0, %c0_i32 : i32, i32
  }
}

module attributes {stable_mosaic.version = 14 : i64} {
  func.func @_tc4a_body(%arg0: i32, %arg1: memref<1000x128xf32, #tpu.memory_space<vmem>>, %arg2: memref<1000x128xf32, #tpu.memory_space<vmem>>, %arg3: memref<1000x1xf32, #tpu.memory_space<vmem>>, %arg4: memref<1x128xf32, #tpu.memory_space<vmem>>, %arg5: memref<1000x128xf32, #tpu.memory_space<vmem>>) attributes {dimension_semantics = [#tpu.dimension_semantics<arbitrary>], iteration_bounds = array<i64: 10>, scalar_prefetch = 0 : i64, scratch_operands = 0 : i64, tpu.core_type = #tpu.core_type<tc>, window_params = [{transform_indices = @transform_0, window_bounds = array<i64: 1000, 128>}, {transform_indices = @transform_1, window_bounds = array<i64: 1000, 128>}, {transform_indices = @transform_2, window_bounds = array<i64: 1000, 1>}, {pipeline_mode = #tpu.pipeline_mode<synchronous>, transform_indices = @transform_3, window_bounds = array<i64: 1, 128>}, {transform_indices = @transform_4, window_bounds = array<i64: 1000, 128>}]} {
    %get3A = arith.constant 0 : index
    %get3A_0 = arith.constant 0 : index
    %get3A_1 = vector.load %arg3[%get3A, %get3A_0] : memref<1000x1xf32, #tpu.memory_space<vmem>>, vector<1000x1xf32>
    %max3A = arith.constant 1.000000e+00 : f32
    %max3A_2 = vector.broadcast %max3A : f32 to vector<1000x1xf32>
    %max3A_3 = arith.maximumf %get3A_1, %max3A_2 : vector<1000x1xf32>
    %rsqrt3A = math.rsqrt %max3A_3 : vector<1000x1xf32>
    %get3A_4 = arith.constant 0 : index
    %get3A_5 = arith.constant 0 : index
    %get3A_6 = vector.load %arg1[%get3A_4, %get3A_5] : memref<1000x128xf32, #tpu.memory_space<vmem>>, vector<1000x128xf32>
    %get3A_7 = arith.constant 0 : index
    %get3A_8 = arith.constant 0 : index
    %get3A_9 = vector.load %arg2[%get3A_7, %get3A_8] : memref<1000x128xf32, #tpu.memory_space<vmem>>, vector<1000x128xf32>
    %add3A = arith.addf %get3A_6, %get3A_9 : vector<1000x128xf32>
    %mul3A = vector.broadcast %rsqrt3A : vector<1000x1xf32> to vector<1000x128xf32>
    %mul3A_10 = arith.mulf %add3A, %mul3A : vector<1000x128xf32>
    %get3A_11 = arith.constant 0 : index
    %get3A_12 = arith.constant 0 : index
    %get3A_13 = vector.load %arg4[%get3A_11, %get3A_12] : memref<1x128xf32, #tpu.memory_space<vmem>>, vector<1x128xf32>
    %add3A_14 = vector.broadcast %get3A_13 : vector<1x128xf32> to vector<1000x128xf32>
    %add3A_15 = arith.addf %mul3A_10, %add3A_14 : vector<1000x128xf32>
    %swap3A = arith.constant 0 : index
    %swap3A_16 = arith.constant 0 : index
    %swap3A_17 = vector.load %arg5[%swap3A, %swap3A_16] : memref<1000x128xf32, #tpu.memory_space<vmem>>, vector<1000x128xf32>
    tpu.vector_store %arg5[%swap3A, %swap3A_16], %add3A_15 {strides = array<i32>} : memref<1000x128xf32, #tpu.memory_space<vmem>>, vector<1000x128xf32>,
    return
  }
  func.func @transform_0(%arg0: i32) -> (i32, i32) {
    %c0_i32 = arith.constant 0 : i32
    %c0_i32_0 = arith.constant 0 : i32
    return %arg0, %c0_i32 : i32, i32
  }
  func.func @transform_1(%arg0: i32) -> (i32, i32) {
    %add3A = arith.constant 10 : i32
    %add3A_0 = arith.addi %arg0, %add3A : i32
    %c0_i32 = arith.constant 0 : i32
    %c0_i32_1 = arith.constant 0 : i32
    return %add3A_0, %c0_i32 : i32, i32
  }
  func.func @transform_2(%arg0: i32) -> (i32, i32) {
    %c0_i32 = arith.constant 0 : i32
    %c0_i32_0 = arith.constant 0 : i32
    return %arg0, %c0_i32 : i32, i32
  }
  func.func @transform_3(%arg0: i32) -> (i32, i32) {
    %c0_i32 = arith.constant 0 : i32
    %c0_i32_0 = arith.constant 0 : i32
    %c0_i32_1 = arith.constant 0 : i32
    return %c0_i32, %c0_i32_0 : i32, i32
  }
  func.func @transform_4(%arg0: i32) -> (i32, i32) {
    %c0_i32 = arith.constant 0 : i32
    %c0_i32_0 = arith.constant 0 : i32
    return %arg0, %c0_i32 : i32, i32
  }
}

module attributes {stable_mosaic.version = 14 : i64} {
  func.func @_tc4b_body(%arg0: i32, %arg1: memref<1000x128xf32, #tpu.memory_space<vmem>>, %arg2: memref<1000x128xf32, #tpu.memory_space<vmem>>, %arg3: memref<1000x1xf32, #tpu.memory_space<vmem>>, %arg4: memref<1x1xf32, #tpu.memory_space<vmem>>) attributes {dimension_semantics = [#tpu.dimension_semantics<arbitrary>], iteration_bounds = array<i64: 10>, scalar_prefetch = 0 : i64, scratch_operands = 0 : i64, tpu.core_type = #tpu.core_type<tc>, window_params = [{transform_indices = @transform_0, window_bounds = array<i64: 1000, 128>}, {transform_indices = @transform_1, window_bounds = array<i64: 1000, 128>}, {transform_indices = @transform_2, window_bounds = array<i64: 1000, 1>}, {pipeline_mode = #tpu.pipeline_mode<synchronous>, transform_indices = @transform_3, window_bounds = array<i64: 1, 1>}]} {
    %get3A = arith.constant 0 : index
    %get3A_0 = arith.constant 0 : index
    %get3A_1 = vector.load %arg1[%get3A, %get3A_0] : memref<1000x128xf32, #tpu.memory_space<vmem>>, vector<1000x128xf32>
    %get3A_2 = arith.constant 0 : index
    %get3A_3 = arith.constant 0 : index
    %get3A_4 = vector.load %arg2[%get3A_2, %get3A_3] : memref<1000x128xf32, #tpu.memory_space<vmem>>, vector<1000x128xf32>
    %mul3A = arith.mulf %get3A_1, %get3A_1 : vector<1000x128xf32>
    %reduce_sum3A = arith.constant dense<0.000000e+00> : vector<1000xf32>
    %reduce_sum3A_5 = vector.multi_reduction <add>, %mul3A, %reduce_sum3A [1] : vector<1000x128xf32> to vector<1000xf32>
    %broadcast_in_dim3A = vector.shape_cast %reduce_sum3A_5 : vector<1000xf32> to vector<1000x1xf32>
    %sqrt3A = math.sqrt %broadcast_in_dim3A : vector<1000x1xf32>
    %add3A = arith.constant 9.99999993E-9 : f32
    %add3A_6 = vector.broadcast %add3A : f32 to vector<1000x1xf32>
    %add3A_7 = arith.addf %sqrt3A, %add3A_6 : vector<1000x1xf32>
    %mul3A_8 = arith.mulf %get3A_4, %get3A_4 : vector<1000x128xf32>
    %reduce_sum3A_9 = arith.constant dense<0.000000e+00> : vector<1000xf32>
    %reduce_sum3A_10 = vector.multi_reduction <add>, %mul3A_8, %reduce_sum3A_9 [1] : vector<1000x128xf32> to vector<1000xf32>
    %broadcast_in_dim3A_11 = vector.shape_cast %reduce_sum3A_10 : vector<1000xf32> to vector<1000x1xf32>
    %sqrt3A_12 = math.sqrt %broadcast_in_dim3A_11 : vector<1000x1xf32>
    %add3A_13 = arith.constant 9.99999993E-9 : f32
    %add3A_14 = vector.broadcast %add3A_13 : f32 to vector<1000x1xf32>
    %add3A_15 = arith.addf %sqrt3A_12, %add3A_14 : vector<1000x1xf32>
    %mul3A_16 = arith.mulf %get3A_1, %get3A_4 : vector<1000x128xf32>
    %reduce_sum3A_17 = arith.constant dense<0.000000e+00> : vector<1000xf32>
    %reduce_sum3A_18 = vector.multi_reduction <add>, %mul3A_16, %reduce_sum3A_17 [1] : vector<1000x128xf32> to vector<1000xf32>
    %broadcast_in_dim3A_19 = vector.shape_cast %reduce_sum3A_18 : vector<1000xf32> to vector<1000x1xf32>
    %mul3A_20 = arith.mulf %add3A_7, %add3A_15 : vector<1000x1xf32>
    %div3A = arith.divf %broadcast_in_dim3A_19, %mul3A_20 : vector<1000x1xf32>
    %sub3A = arith.constant 1.000000e+00 : f32
    %sub3A_21 = vector.broadcast %sub3A : f32 to vector<1000x1xf32>
    %sub3A_22 = arith.subf %sub3A_21, %div3A : vector<1000x1xf32>
    %integer_pow3A = arith.mulf %sub3A_22, %sub3A_22 : vector<1000x1xf32>
    %get3A_23 = arith.constant 0 : index
    %get3A_24 = arith.constant 0 : index
    %get3A_25 = vector.load %arg3[%get3A_23, %get3A_24] : memref<1000x1xf32, #tpu.memory_space<vmem>>, vector<1000x1xf32>
    %mul3A_26 = arith.mulf %integer_pow3A, %get3A_25 : vector<1000x1xf32>
    %reduce_sum3A_27 = vector.shape_cast %mul3A_26 : vector<1000x1xf32> to vector<1x1000x1xf32>
    %reduce_sum3A_28 = arith.constant dense<0.000000e+00> : vector<1xf32>
    %reduce_sum3A_29 = vector.multi_reduction <add>, %reduce_sum3A_27, %reduce_sum3A_28 [1, 2] : vector<1x1000x1xf32> to vector<1xf32>
    %reduce_sum3A_30 = vector.shape_cast %reduce_sum3A_29 : vector<1xf32> to vector<1x1x1xf32>
    %reduce_sum3A_31 = vector.extract %reduce_sum3A_30[0, 0, 0] : f32 from vector<1x1x1xf32>
    %eq3A = arith.constant 0 : i32
    %eq3A_32 = arith.cmpi eq, %arg0, %eq3A : i32
    %convert_element_type3A = arith.extui %eq3A_32 : i1 to i32
    %cond3A = arith.constant 0 : i32
    %cond3A_33 = arith.cmpi ne, %convert_element_type3A, %cond3A : i32
    scf.if %cond3A_33 {
      %broadcast_in_dim3A_41 = arith.constant 0.000000e+00 : f32
      %broadcast_in_dim3A_42 = vector.broadcast %broadcast_in_dim3A_41 : f32 to vector<1x1xf32>
      %swap3A_43 = arith.constant 0 : index
      %swap3A_44 = arith.constant 0 : index
      %swap3A_45 = vector.load %arg4[%swap3A_43, %swap3A_44] : memref<1x1xf32, #tpu.memory_space<vmem>>, vector<1x1xf32>
      tpu.vector_store %arg4[%swap3A_43, %swap3A_44], %broadcast_in_dim3A_42 {strides = array<i32>} : memref<1x1xf32, #tpu.memory_space<vmem>>, vector<1x1xf32>,
    } else {
    }
    %get3A_34 = arith.constant 0 : index
    %get3A_35 = arith.constant 0 : index
    %get3A_36 = vector.load %arg4[%get3A_34, %get3A_35] : memref<1x1xf32, #tpu.memory_space<vmem>>, vector<1x1xf32>
    %add3A_37 = vector.broadcast %reduce_sum3A_31 : f32 to vector<1x1xf32>
    %add3A_38 = arith.addf %get3A_36, %add3A_37 : vector<1x1xf32>
    %swap3A = arith.constant 0 : index
    %swap3A_39 = arith.constant 0 : index
    %swap3A_40 = vector.load %arg4[%swap3A, %swap3A_39] : memref<1x1xf32, #tpu.memory_space<vmem>>, vector<1x1xf32>
    tpu.vector_store %arg4[%swap3A, %swap3A_39], %add3A_38 {strides = array<i32>} : memref<1x1xf32, #tpu.memory_space<vmem>>, vector<1x1xf32>,
    return
  }
  func.func @transform_0(%arg0: i32) -> (i32, i32) {
    %c0_i32 = arith.constant 0 : i32
    %c0_i32_0 = arith.constant 0 : i32
    return %arg0, %c0_i32 : i32, i32
  }
  func.func @transform_1(%arg0: i32) -> (i32, i32) {
    %c0_i32 = arith.constant 0 : i32
    %c0_i32_0 = arith.constant 0 : i32
    return %arg0, %c0_i32 : i32, i32
  }
  func.func @transform_2(%arg0: i32) -> (i32, i32) {
    %c0_i32 = arith.constant 0 : i32
    %c0_i32_0 = arith.constant 0 : i32
    return %arg0, %c0_i32 : i32, i32
  }
  func.func @transform_3(%arg0: i32) -> (i32, i32) {
    %c0_i32 = arith.constant 0 : i32
    %c0_i32_0 = arith.constant 0 : i32
    %c0_i32_1 = arith.constant 0 : i32
    return %c0_i32, %c0_i32_0 : i32, i32
  }
}

module attributes {stable_mosaic.version = 14 : i64} {
  func.func @_tc5_body(%arg0: i32, %arg1: memref<1000x128xf32, #tpu.memory_space<vmem>>, %arg2: memref<1000x128xf32, #tpu.memory_space<vmem>>, %arg3: memref<1x1xf32, #tpu.memory_space<vmem>>) attributes {dimension_semantics = [#tpu.dimension_semantics<arbitrary>], iteration_bounds = array<i64: 160>, scalar_prefetch = 0 : i64, scratch_operands = 0 : i64, tpu.core_type = #tpu.core_type<tc>, window_params = [{transform_indices = @transform_0, window_bounds = array<i64: 1000, 128>}, {transform_indices = @transform_1, window_bounds = array<i64: 1000, 128>}, {pipeline_mode = #tpu.pipeline_mode<synchronous>, transform_indices = @transform_2, window_bounds = array<i64: 1, 1>}]} {
    %get3A = arith.constant 0 : index
    %get3A_0 = arith.constant 0 : index
    %get3A_1 = vector.load %arg1[%get3A, %get3A_0] : memref<1000x128xf32, #tpu.memory_space<vmem>>, vector<1000x128xf32>
    %get3A_2 = arith.constant 0 : index
    %get3A_3 = arith.constant 0 : index
    %get3A_4 = vector.load %arg2[%get3A_2, %get3A_3] : memref<1000x128xf32, #tpu.memory_space<vmem>>, vector<1000x128xf32>
    %reduce_max3A = arith.constant dense<0xFF800000> : vector<1000xf32>
    %reduce_max3A_5 = vector.multi_reduction <maximumf>, %get3A_1, %reduce_max3A [1] : vector<1000x128xf32> to vector<1000xf32>
    %broadcast_in_dim3A = vector.shape_cast %reduce_max3A_5 : vector<1000xf32> to vector<1000x1xf32>
    %reduce_max3A_6 = arith.constant dense<0xFF800000> : vector<1000xf32>
    %reduce_max3A_7 = vector.multi_reduction <maximumf>, %get3A_4, %reduce_max3A_6 [1] : vector<1000x128xf32> to vector<1000xf32>
    %broadcast_in_dim3A_8 = vector.shape_cast %reduce_max3A_7 : vector<1000xf32> to vector<1000x1xf32>
    %sub3A = vector.broadcast %broadcast_in_dim3A : vector<1000x1xf32> to vector<1000x128xf32>
    %sub3A_9 = arith.subf %get3A_1, %sub3A : vector<1000x128xf32>
    %exp3A = math.exp %sub3A_9 : vector<1000x128xf32>
    %reduce_sum3A = arith.constant dense<0.000000e+00> : vector<1000xf32>
    %reduce_sum3A_10 = vector.multi_reduction <add>, %exp3A, %reduce_sum3A [1] : vector<1000x128xf32> to vector<1000xf32>
    %broadcast_in_dim3A_11 = vector.shape_cast %reduce_sum3A_10 : vector<1000xf32> to vector<1000x1xf32>
    %sub3A_12 = vector.broadcast %broadcast_in_dim3A_8 : vector<1000x1xf32> to vector<1000x128xf32>
    %sub3A_13 = arith.subf %get3A_4, %sub3A_12 : vector<1000x128xf32>
    %exp3A_14 = math.exp %sub3A_13 : vector<1000x128xf32>
    %reduce_sum3A_15 = arith.constant dense<0.000000e+00> : vector<1000xf32>
    %reduce_sum3A_16 = vector.multi_reduction <add>, %exp3A_14, %reduce_sum3A_15 [1] : vector<1000x128xf32> to vector<1000xf32>
    %broadcast_in_dim3A_17 = vector.shape_cast %reduce_sum3A_16 : vector<1000xf32> to vector<1000x1xf32>
    %sub3A_18 = arith.subf %get3A_1, %get3A_4 : vector<1000x128xf32>
    %mul3A = arith.mulf %exp3A, %sub3A_18 : vector<1000x128xf32>
    %reduce_sum3A_19 = arith.constant dense<0.000000e+00> : vector<1000xf32>
    %reduce_sum3A_20 = vector.multi_reduction <add>, %mul3A, %reduce_sum3A_19 [1] : vector<1000x128xf32> to vector<1000xf32>
    %broadcast_in_dim3A_21 = vector.shape_cast %reduce_sum3A_20 : vector<1000xf32> to vector<1000x1xf32>
    %div3A = arith.divf %broadcast_in_dim3A_21, %broadcast_in_dim3A_11 : vector<1000x1xf32>
    %sub3A_22 = arith.subf %div3A, %broadcast_in_dim3A : vector<1000x1xf32>
    %log3A = math.log %broadcast_in_dim3A_11 : vector<1000x1xf32>
    %sub3A_23 = arith.subf %sub3A_22, %log3A : vector<1000x1xf32>
    %add3A = arith.addf %sub3A_23, %broadcast_in_dim3A_8 : vector<1000x1xf32>
    %log3A_24 = math.log %broadcast_in_dim3A_17 : vector<1000x1xf32>
    %add3A_25 = arith.addf %add3A, %log3A_24 : vector<1000x1xf32>
    %reduce_sum3A_26 = vector.shape_cast %add3A_25 : vector<1000x1xf32> to vector<1x1000x1xf32>
    %reduce_sum3A_27 = arith.constant dense<0.000000e+00> : vector<1xf32>
    %reduce_sum3A_28 = vector.multi_reduction <add>, %reduce_sum3A_26, %reduce_sum3A_27 [1, 2] : vector<1x1000x1xf32> to vector<1xf32>
    %reduce_sum3A_29 = vector.shape_cast %reduce_sum3A_28 : vector<1xf32> to vector<1x1x1xf32>
    %reduce_sum3A_30 = vector.extract %reduce_sum3A_29[0, 0, 0] : f32 from vector<1x1x1xf32>
    %eq3A = arith.constant 0 : i32
    %eq3A_31 = arith.cmpi eq, %arg0, %eq3A : i32
    %convert_element_type3A = arith.extui %eq3A_31 : i1 to i32
    %cond3A = arith.constant 0 : i32
    %cond3A_32 = arith.cmpi ne, %convert_element_type3A, %cond3A : i32
    scf.if %cond3A_32 {
      %broadcast_in_dim3A_40 = arith.constant 0.000000e+00 : f32
      %broadcast_in_dim3A_41 = vector.broadcast %broadcast_in_dim3A_40 : f32 to vector<1x1xf32>
      %swap3A_42 = arith.constant 0 : index
      %swap3A_43 = arith.constant 0 : index
      %swap3A_44 = vector.load %arg3[%swap3A_42, %swap3A_43] : memref<1x1xf32, #tpu.memory_space<vmem>>, vector<1x1xf32>
      tpu.vector_store %arg3[%swap3A_42, %swap3A_43], %broadcast_in_dim3A_41 {strides = array<i32>} : memref<1x1xf32, #tpu.memory_space<vmem>>, vector<1x1xf32>,
    } else {
    }
    %get3A_33 = arith.constant 0 : index
    %get3A_34 = arith.constant 0 : index
    %get3A_35 = vector.load %arg3[%get3A_33, %get3A_34] : memref<1x1xf32, #tpu.memory_space<vmem>>, vector<1x1xf32>
    %add3A_36 = vector.broadcast %reduce_sum3A_30 : f32 to vector<1x1xf32>
    %add3A_37 = arith.addf %get3A_35, %add3A_36 : vector<1x1xf32>
    %swap3A = arith.constant 0 : index
    %swap3A_38 = arith.constant 0 : index
    %swap3A_39 = vector.load %arg3[%swap3A, %swap3A_38] : memref<1x1xf32, #tpu.memory_space<vmem>>, vector<1x1xf32>
    tpu.vector_store %arg3[%swap3A, %swap3A_38], %add3A_37 {strides = array<i32>} : memref<1x1xf32, #tpu.memory_space<vmem>>, vector<1x1xf32>,
    return
  }
  func.func @transform_0(%arg0: i32) -> (i32, i32) {
    %c0_i32 = arith.constant 0 : i32
    %c0_i32_0 = arith.constant 0 : i32
    return %arg0, %c0_i32 : i32, i32
  }
  func.func @transform_1(%arg0: i32) -> (i32, i32) {
    %c0_i32 = arith.constant 0 : i32
    %c0_i32_0 = arith.constant 0 : i32
    return %arg0, %c0_i32 : i32, i32
  }
  func.func @transform_2(%arg0: i32) -> (i32, i32) {
    %c0_i32 = arith.constant 0 : i32
    %c0_i32_0 = arith.constant 0 : i32
    %c0_i32_1 = arith.constant 0 : i32
    return %c0_i32, %c0_i32_0 : i32, i32
  }
}

</mosaic_0001>

<sc_bundles>
// kernel: kernel.16.cloned.1.call-start
scs
__scs_entry_jumppad:
0x0: {  	(pc) =	sbr.rel $0x88, $3  }
0x1: {  	(tag) =	ssettag $0x0;
	lr =	simm.s32 $0x1  }
0x2: {  	[smem:$0x3F96] =	sst lr;
	_ =	strace $0xD0000000  }
0x3: {  	_ = 	snop  }
0x4: {  	_ = 	snop  }
0x5: {  	_ = 	snop  }
0x6: {  	_ = 	snop  }
0x7: {  	_ = 	snop  }
__scs_overlays_trampoline_lowered:
0x8: {  	[smem:$0x3FA5] =	sst s0  }
0x9: {  	[smem:$0x3FA6] =	sst s1  }
0xa: {  	[smem:$0x3FA7] =	sst s2  }
0xb: {  	[smem:$0x3FA8] =	sst s3  }
0xc: {  	[smem:$0x3FA9] =	sst s4  }
0xd: {  	[smem:$0x3FAA] =	sst s5  }
0xe: {  	[smem:$0x3FAB] =	sst s6  }
0xf: {  	[smem:$0x3FAC] =	sst s7  }
0x10: {  	[smem:$0x3FAD] =	sst s8  }
0x11: {  	[smem:$0x3FAE] =	sst s9;
	s0 =	simm.s32 @!p0 $0x0  }
0x12: {  	s1 =	sld [smem:$0x3F94];
	s0 =	simm.s32 @p0 $0x1  }
0x13: {  	[smem:$0x3FAF] =	sst s0;
	s0 =	simm.s32 @!p1 $0x0  }
0x14: {  	s2 =	sld [smem:$0x3F93];
	s0 =	simm.s32 @p1 $0x1  }
0x15: {  	[smem:$0x3FB0] =	sst s0;
	s0 =	simm.s32 @!p2 $0x0  }
0x16: {  	s3 =	sld [smem:$0x3FDB];
	s0 =	simm.s32 @p2 $0x1  }
0x17: {  	s4 =	simm.s32 $0x1BF5;
	[smem:$0x3FB2] =	sst s0  }
0x18: {  	s0 =	sld [smem:$0x3F95];
	_ =	swait.ge [sflag:s4], $0x0  }
0x19: {  	s7 =	sld [smem:$0x3F96]  }
0x1a: {  	s8 =	sadd.s32 $0xFFFFE003, lr  }
0x1b: {  	s9 =	sadd.s32 $0xFFFFFEF7, lr;
	s5 =	simm.s32 $0xFFFFFFFF;
	p2 =	slt.u32 s8, $0xFFFFF086  }
0x1c: {  	p1 =	slt.u32 s9, $0xF7A;
	s5 =	simm.s32 @!p2 $0x0  }
0x1d: {  	s5 =	simm.s32 @p1 $0x1;
	p0 =	seq.s32 s7, s2  }
0x1e: {  	s7 =	smul.u32 @!p0 $0xF7A, s2;
	p2 =	seq.s32 @!p0 s5, $0x0  }
0x1f: {  	s9 =	smul.u32 $0xF7A, s1;
	s8 =	simm.s32 @!p0 $0x1BF5;
	p2 =	por !p2, p0  }
0x20: {  	[sflag:s8] =	ssyncset.s32 @!p0 $0xFFFFF086;
	s6 =	sadd.s32 @!p0 s3, s7;
	s7 =	simm.s32 @!p0 $0x108  }
0x21: {  	s3 =	sadd.s32 s3, s9;
	s6 =	sadd.s32 @!p0 $0x88, s6;
	s7 =	simm.s32 @p2 $0x1082  }
0x22: {  	[simem:s7], [sflag:s8] =	dma.local @!p0 [hbm:s6], $0xF7A  }
0x23: {  	s9 =	sor.u32 $0xD0000000, s2;
	s6 =	simm.s32 $0x108;
	_ =	swait.ge @!p0 [sflag:s8], $0x0  }
0x24: {  	s3 =	sadd.s32 $0x88, s3;
	s6 =	simm.s32 @!p1 $0x1082;
	[sflag:s4] =	ssyncset.s32 $0xFFFFF086  }
0x25: {  	[simem:s6], [sflag:s4] =	dma.local [hbm:s3], $0xF7A  }
0x26: {  	[smem:$0x3F96] =	sst s1;
	(tag) =	ssettag s2;
	_ =	strace s9  }
0x27: {  	s1 =	sld [smem:$0x3FA6]  }
0x28: {  	s2 =	sld [smem:$0x3FA7]  }
0x29: {  	s4 =	sld [smem:$0x3FA9]  }
0x2a: {  	p0 =	seq.s32 s5, $0x0;
	s5 =	sld [smem:$0x3FAA]  }
0x2b: {  	s6 =	sld [smem:$0x3FAB]  }
0x2c: {  	s7 =	sld [smem:$0x3FAC]  }
0x2d: {  	s3 =	simm.s32 $0x108;
	s8 =	sld [smem:$0x3FAD]  }
0x2e: {  	s3 =	simm.s32 @!p0 $0x1082;
	s9 =	sld [smem:$0x3FAE]  }
0x2f: {  	lr =	sadd.s32 s0, s3;
	s0 =	sld [smem:$0x3FA5]  }
0x30: {  	s3 =	sld [smem:$0x3FA8]  }
0x31: {  	[smem:$0x3FB1] =	sst s10  }
0x32: {  	s10 =	sld [smem:$0x3FAF];
	_ =	sdelay $0x3  }
0x33: {  	p0 =	seq.s32 s10, $0x1;
	s10 =	sld [smem:$0x3FB1];
	_ =	sdelay $0x3  }
0x34: {  	[smem:$0x3FB1] =	sst s10  }
0x35: {  	s10 =	sld [smem:$0x3FB0];
	_ =	sdelay $0x3  }
0x36: {  	p1 =	seq.s32 s10, $0x1;
	s10 =	sld [smem:$0x3FB1];
	_ =	sdelay $0x3  }
0x37: {  	[smem:$0x3FB1] =	sst s10  }
0x38: {  	s10 =	sld [smem:$0x3FB2]  }
0x39: {  	_ = 	snop;
	(pc) =	sbr.ind lr, $3  }
0x3a: {  	_ = 	snop  }
0x3b: {  	_ = 	snop  }
0x3c: {  	p2 =	seq.s32 s10, $0x1;
	s10 =	sld [smem:$0x3FB1]  }
0x3d: {  	_ =	shalt  }
0x3e: {  	_ =	shalt  }
0x3f: {  	_ =	shalt  }
0x40: {  	_ =	shalt  }
0x41: {  	_ =	shalt  }
0x42: {  	_ =	shalt  }
0x43: {  	_ =	shalt  }
0x44: {  	_ =	shalt  }
0x45: {  	_ =	shalt  }
0x46: {  	_ =	shalt  }
0x47: {  	_ =	shalt  }
0x48: {  	_ =	shalt  }
0x49: {  	_ =	shalt  }
0x4a: {  	_ =	shalt  }
0x4b: {  	_ =	shalt  }
0x4c: {  	_ =	shalt  }
0x4d: {  	_ =	shalt  }
0x4e: {  	_ =	shalt  }
0x4f: {  	_ =	shalt  }
0x50: {  	_ =	shalt  }
0x51: {  	_ =	shalt  }
0x52: {  	_ =	shalt  }
0x53: {  	_ =	shalt  }
0x54: {  	_ =	shalt  }
0x55: {  	_ =	shalt  }
0x56: {  	_ =	shalt  }
0x57: {  	_ =	shalt  }
0x58: {  	_ =	shalt  }
0x59: {  	_ =	shalt  }
0x5a: {  	_ =	shalt  }
0x5b: {  	_ =	shalt  }
0x5c: {  	_ =	shalt  }
0x5d: {  	_ =	shalt  }
0x5e: {  	_ =	shalt  }
0x5f: {  	_ =	shalt  }
0x60: {  	_ =	shalt  }
0x61: {  	_ =	shalt  }
0x62: {  	_ =	shalt  }
0x63: {  	_ =	shalt  }
0x64: {  	_ =	shalt  }
0x65: {  	_ =	shalt  }
0x66: {  	_ =	shalt  }
0x67: {  	_ =	shalt  }
0x68: {  	_ =	shalt  }
0x69: {  	_ =	shalt  }
0x6a: {  	_ =	shalt  }
0x6b: {  	_ =	shalt  }
0x6c: {  	_ =	shalt  }
0x6d: {  	_ =	shalt  }
0x6e: {  	_ =	shalt  }
0x6f: {  	_ =	shalt  }
0x70: {  	_ =	shalt  }
0x71: {  	_ =	shalt  }
0x72: {  	_ =	shalt  }
0x73: {  	_ =	shalt  }
0x74: {  	_ =	shalt  }
0x75: {  	_ =	shalt  }
0x76: {  	_ =	shalt  }
0x77: {  	_ =	shalt  }
0x78: {  	_ =	shalt  }
0x79: {  	_ =	shalt  }
0x7a: {  	_ =	shalt  }
0x7b: {  	_ =	shalt  }
0x7c: {  	_ =	shalt  }
0x7d: {  	_ =	shalt  }
0x7e: {  	_ =	shalt  }
0x7f: {  	_ =	shalt  }
0x80: {  	_ =	shalt  }
0x81: {  	_ =	shalt  }
0x82: {  	_ =	shalt  }
0x83: {  	_ =	shalt  }
0x84: {  	_ =	shalt  }
0x85: {  	_ =	shalt  }
0x86: {  	_ =	shalt  }
0x87: {  	_ =	shalt  }
.Lfunc_end0:
.L_simem_size_0:
called_computation_lowered:
.L_overlay_start_0:
0x88: {  	s2 =	sld [smem:$0x3FD9]  }
0x89: {  	s3 =	sld [smem:$0x3FFE];
	_ =	sdelay $0x1  }
0x8a: {  	s1 =	srdreg.scid  }
0x8b: {  	s0 =	sand.u32 $0x1, s1  }
0x8c: {  	s14 =	sshll.u32 s0, $0xA;
	s2 =	sadd.s32 s3, s2  }
0x8d: {  	s2 =	sadd.s32 s2, s14  }
0x8e: {  	[smem:$0x3FBD] =	sst s2  }
0x8f: {  	_ = 	snop  }
0x90: {  	s2 =	sld [smem:$0x3FD0];
	_ =	sdelay $0x2  }
0x91: {  	s15 =	simm.s32 $0xB;
	s4 =	simm.s32 $0x10  }
0x92: {  	[smem:s4], [sflag:s15] =	dma.local [hbm:s2], $0x1  }
0x93: {  	_ =	swait.eq [sflag:s15], $0x1  }
0x94: {  	[sflag:s15] =	ssyncset.done $0x0  }
0x95: {  	[sflag:s15] =	ssyncadd.s32 $0xFFFFFFFF  }
0x96: {  	s16 =	sld [smem:$0x12];
	(tm) =	ssettm $0x1  }
0x97: {  	s17 =	sld [smem:$0x3FFB];
	_ =	sdelay $0x3  }
0x98: {  	_ =	strace s17  }
0x99: {  	s3 =	sld [smem:$0x3FFC];
	_ =	sdelay $0x3  }
0x9a: {  	_ =	strace s3  }
0x9b: {  	s3 =	sld [smem:$0x3FFD];
	_ =	sdelay $0x3  }
0x9c: {  	_ =	strace s3  }
0x9d: {  	_ =	strace $0x8FFFFFFF  }
0x9e: {  	s18 =	sld [smem:$0x3FDB];
	_ =	sdelay $0x1  }
0x9f: {  	s19 =	simm.s32 $_scs_section_size  }
0xa0: {  	s5 =	simm.s32 $_size__tile_overlayer_lowered;
	s6 =	simm.s32 $_tile_overlayer_lowered  }
0xa1: {  	s22 =	simm.s32 $0x1BFF;
	s21 =	sshll.u32 s6, $0x1;
	s3 =	sadd.s32 s19, s18  }
0xa2: {  	s7 =	simm.s32 $0x0;
	s20 =	sshll.u32 s5, $0x1;
	s5 =	sadd.s32 s21, s3  }
0xa3: {  	[timem:s7], [sflag:s22] =	dma.local [hbm:s5], s20  }
0xa4: {  	_ =	swait.ge [sflag:s22], s20  }
0xa5: {  	s4 =	ssub.s32 $0x0, s20;
	[sflag:s22] =	ssyncset.done $0x0  }
0xa6: {  	[sflag:s22] =	ssyncadd.s32 s4;
	_ =	sdelay $0x1  }
0xa7: {  	s23 =	simm.s32 $0x1B8B  }
0xa8: {  	_ =	swait.ge [sflag:s23], $0x1  }
0xa9: {  	[sflag:s23] =	ssyncset.done $0x0  }
0xaa: {  	s25 =	simm.s32 $0x1B8E;
	s24 =	sld [smem:$0x3FFE];
	[sflag:s23] =	ssyncadd.s32 $0xFFFFFFFF  }
0xab: {  	s26 =	simm.s32 $execute0_lowered;
	[smem:$0x3FD2] =	sst s25  }
0xac: {  	s5 =	sshll.u32 s26, $0x1;
	_ =	strace $0x80000046;
	[dreg:$0x1] =	wrdreg $0xFFFFFFFF  }
0xad: {  	s28 =	simm.s32 $_size_execute0_lowered;
	s3 =	sadd.s32 s3, s5;
	[dreg:$0x0] =	wrdreg $0x0  }
0xae: {  	s5 =	sshll.u32 s28, $0x1;
	[dreg:$0x2] =	wrdreg s3  }
0xaf: {  	[dreg:$0x3] =	wrdreg s5  }
0xb0: {  	[dreg:$0x4] =	wrdreg $0xC0  }
0xb1: {  	_ =	task [dreg:s7], $0x5FFFF  }
0xb2: {  	[dreg:$0x1] =	wrdreg $0xFFFFFFFF  }
0xb3: {  	[dreg:$0x0] =	wrdreg $0x60  }
0xb4: {  	[dreg:$0x2] =	wrdreg s24  }
0xb5: {  	[dreg:$0x3] =	wrdreg s16  }
0xb6: {  	[dreg:$0x4] =	wrdreg $0x50000  }
0xb7: {  	[dreg:$0x5] =	wrdreg $0x9  }
0xb8: {  	_ =	task.clear_ibuf [dreg:s7], $0x6FFFF;
	_ =	strace $0x90000046  }
0xb9: {  	s29 =	simm.s32 $0x9;
	_ =	strace $0x80000048  }
0xba: {  	_ =	swait.ge [sflag:s29], $0x1  }
0xbb: {  	[sflag:s29] =	ssyncadd.s32 $0xFFFFFFFF  }
0xbc: {  	_ =	strace $0x90000048  }
0xbd: {  	_ =	sfence  }
0xbe: {  	s30 =	sld [smem:$0x0];
	_ =	sdelay $0x2  }
0xbf: {  	s31 =	sshll.u32 s1, $0xD;
	s1 =	sshrl.u32 s1, $0x2  }
0xc0: {  	s3 =	sand.u32 $0x4000, s31;
	s1 =	sadd.s32 s1, s30  }
0xc1: {  	s0 =	sor.u32 s3, s0;
	s1 =	sshll.u32 s1, $0x11  }
0xc2: {  	s0 =	sor.u32 s1, s0  }
0xc3: {  	s0 =	sadd.s32 $0x8F2B, s0  }
0xc4: {  	[sflag:s0] =	ssyncadd.remote.s32 $0x1  }
0xc5: {  	_ =	sfence.sel $0xFFFF  }
0xc6: {  	[dreg:$0x0] =	wrdreg $0xFFFFFFFF;
	(pc) =	sbr.abs _section_cstart, $3  }
0xc7: {  	[dreg:$0x1] =	wrdreg $0xFFFFFFFF  }
0xc8: {  	_ =	task.clear_ibuf [dreg:s7], $0x2FFFF;
	_ =	strace $0x9FFFFFFF  }
0xc9: {  	(tm) =	ssettm $0x7FFFFFFF  }
tec
execute0_lowered:
.L_overlay_start_1:
0x0: {  	(tag) =	ssettag $0x1  }
0x1: {  	s4 =	rddreg [dreg:$0x0]  }
0x2: {  	s6 =	rddreg [dreg:$0x1]  }
0x3: {  	s1 =	rddreg [dreg:$0x2];
	s2 =	srdreg.scid  }
0x4: {  	s0 =	rddreg [dreg:$0x3];
	s3 =	simm.s32 $0x0;
	s5 =	sand.u32 $0x1, s2  }
0x5: {  	s15 =	simm.s32 $0x2780;
	s2 =	stileid.u32;
	s7 =	smul.u32 $0x27100, s5  }
0x6: {  	s16 =	simm.s32 $0x2800;
	s17 =	simm.s32 $0x0;
	s9 =	smul.u32 $0x2710, s2  }
0x7: {  	[smem:$0x7FF] =	sst s3;
	s10 =	sadd.s32 $0x9E00, s4;
	s12 =	smul.u32 $0x4E000, s2  }
0x8: {  	_ =	strace $0x80000047;
	s8 =	ssub.s32 $0x2, s5;
	s30 =	smul.u32 $0x2700, s2  }
0x9: {  	s13 =	smul.u32 $0x138800, s5;
	p0 =	seq.s32 s2, $0xF;
	s11 =	sshrl.u32 s8, $0x1  }
0xa: {  	s11 =	ssub.s32 s8, s11;
	s29 =	sadd.s32 s9, s7;
	s12 =	sshrl.u32 s12, $0x2  }
0xb: {  	s5 =	sadd.s32 s6, s30;
	s7 =	sadd.s32 s30, s7;
	s31 =	sshrl.u32 s13, $0x3  }
0xc: {  	s6 =	sadd.s32 $0x24900, s6;
	s8 =	sshrl.u32 s29, $0x3;
	s14 =	sadd.s32 s12, s1  }
0xd: {  	s12 =	sadd.s32 $0x124800, s1;
	s7 =	sadd.s32 s10, s7;
	s9 =	smax.u32 s11, $0x1  }
0xe: {  	s4 =	sadd.s32 s4, s8;
	s8 =	sadd.s32 s10, s31;
	s10 =	simm.s32 $0x1  }
0xf: {  	s11 =	sshrl.u32 @p0 s12, $0x3;
	s12 =	sshll.u32 @!p0 s2, $0x6;
	s13 =	sshrl.u32 @!p0 s14, $0x3  }
0x10: {  	v0 =	vimm.f32 $1.000000000e+00;
	s14 =	simm.s32 $0x50;
	s8 =	sadd.s32 $0x24900, s8;
	s12 =	sor.u32 @!p0 $0x1C01, s12  }
.LBB2_1:
0x11: {  	[tilespmem:s3], [sflag:$0x1] =	stream.linear.gather [hbm4b:s4+s3], $0x2710, $0x38;
	[tilespmem:$0x18880] =	vst v63  }
0x12: {  	_ =	swait.ge [sflag:s10], $0x2710  }
0x13: {  	[sflag:s10] =	ssyncset.done $0x0  }
0x14: {  	s18 =	simm.s32 $0x0;
	s19 =	simm.s32 $0x200;
	[sflag:s10] =	ssyncadd.s32 $0xFFFFD8F0  }
.LBB2_2:
0x15: {  	p1 =	sne.s32 s19, $0x9E00;
	[tilespmem:s18+$0x2870] =	vst v0  }
0x16: {  	[tilespmem:s18+$0x2800] =	vst v0  }
0x17: {  	[tilespmem:s18+$0x2810] =	vst v0  }
.Ltmp0:
0x18: {  	[tilespmem:s18+$0x2820] =	vst v0;
	(pc) =	sbr.rel @p1 .LBB2_2-.Ltmp0, $4  }
0x19: {  	[tilespmem:s18+$0x2830] =	vst v0  }
0x1a: {  	[tilespmem:s18+$0x2840] =	vst v0  }
0x1b: {  	[tilespmem:s18+$0x2850] =	vst v0  }
0x1c: {  	[tilespmem:s18+$0x2860] =	vst v0;
	s18 =	sshra.s32 s19, $0x2;
	s19 =	sadd.s32 $0x200, s19  }
0x1d: {  	[tilespmem:s18+$0x2870] =	vst v0  }
0x1e: {  	[tilespmem:s18+$0x2800] =	vst v0  }
0x1f: {  	[tilespmem:s18+$0x2810] =	vst v0  }
0x20: {  	[tilespmem:s18+$0x2820] =	vst v0  }
0x21: {  	[tilespmem:s18+$0x2830] =	vst v0  }
0x22: {  	[tilespmem:s18+$0x2840] =	vst v0  }
0x23: {  	[tilespmem:s18+$0x2850] =	vst v0  }
0x24: {  	[tilespmem:s18+$0x2860] =	vst v0;
	s18 =	simm.s32 @p0 $0x1FC1  }
0x25: {  	[spmem:s11], [sflag:s18] =	dma.local @p0 [hbm:s6], $0x2800  }
0x26: {  	s18 =	simm.s32 @p0 $0x1  }
0x27: {  	_ =	swait.ge @p0 [sflag:s18], $0x2800  }
0x28: {  	[sflag:s18] =	ssyncset.done @p0 $0x0  }
0x29: {  	[sflag:s18] =	ssyncadd.s32 @p0 $0xFFFFD800;
	s18 =	simm.s32 @!p0 $0x1  }
0x2a: {  	[spmem:s13], [sflag:s12] =	dma.local @!p0 [hbm:s5], $0x2700  }
0x2b: {  	_ =	swait.ge @!p0 [sflag:s18], $0x2700  }
0x2c: {  	[sflag:s18] =	ssyncset.done @!p0 $0x0  }
0x2d: {  	[sflag:s18] =	ssyncadd.s32 @!p0 $0xFFFFD900  }
0x2e: {  	s31 =	simm.s32 $0x0;
	[bflag:$0x0] =	sbarrier.arrive $0xFFFF  }
0x2f: {  	v1 =	vld [tilespmem:s31+$0x0];
	_ =	sdelay $0x4  }
0x30: {  	[tilespmem:$0x2780] =	vst v1  }
0x31: {  	v1 =	vld [tilespmem:s31+$0x10];
	_ =	sdelay $0x4  }
0x32: {  	[tilespmem:$0x2790] =	vst v1  }
0x33: {  	v1 =	vld [tilespmem:s31+$0x20];
	_ =	sdelay $0x4  }
0x34: {  	[tilespmem:$0x27A0] =	vst v1  }
0x35: {  	v1 =	vld [tilespmem:s31+$0x30];
	_ =	sdelay $0x4  }
0x36: {  	[tilespmem:$0x27B0] =	vst v1  }
0x37: {  	v1 =	vld [tilespmem:s31+$0x40];
	_ =	sdelay $0x4  }
0x38: {  	[tilespmem:$0x27C0] =	vst v1  }
0x39: {  	[spmem:s1] =	stream.indirect.scatter.add.f32 [tilespmem:s16], [sflag:$0x1], $0x80, s15, s14, $0xb8;
	[tilespmem:$0x18880] =	vst v63  }
0x3a: {  	_ =	swait.ge [sflag:s10], $0x2800  }
0x3b: {  	s19 =	simm.s32 $0x280;
	s18 =	simm.s32 $0x140;
	[sflag:s10] =	ssyncset.done $0x0  }
.LBB2_4:
0x3c: {  	s20 =	sshra.s32 s18, $0x2  }
0x3d: {  	[sflag:s10] =	ssyncadd.s32 $0xFFFFD800;
	s18 =	smov.u32 s19;
	s21 =	sadd.s32 $0x140, s19  }
0x3e: {  	p1 =	sne.s32 s19, $0x9B00;
	v1 =	vld [tilespmem:s20+$0x0];
	_ =	sdelay $0x4  }
0x3f: {  	[tilespmem:$0x2780] =	vst v1  }
0x40: {  	v1 =	vld [tilespmem:s20+$0x10];
	_ =	sdelay $0x4  }
0x41: {  	[tilespmem:$0x2790] =	vst v1  }
0x42: {  	v1 =	vld [tilespmem:s20+$0x20];
	_ =	sdelay $0x4  }
0x43: {  	[tilespmem:$0x27A0] =	vst v1  }
0x44: {  	v1 =	vld [tilespmem:s20+$0x30];
	_ =	sdelay $0x4  }
0x45: {  	[tilespmem:$0x27B0] =	vst v1  }
0x46: {  	v1 =	vld [tilespmem:s20+$0x40];
	_ =	sdelay $0x3  }
.Ltmp1:
0x47: {  	(pc) =	sbr.rel @p1 .LBB2_4-.Ltmp1, $4  }
0x48: {  	[tilespmem:$0x27C0] =	vst v1  }
0x49: {  	[spmem:s1] =	stream.indirect.scatter.add.f32 [tilespmem:s16], [sflag:$0x1], $0x80, s15, s14, $0xb8;
	[tilespmem:$0x18880] =	vst v63  }
0x4a: {  	_ =	swait.ge [sflag:s10], $0x2800  }
0x4b: {  	s19 =	smov.u32 s21;
	[sflag:s10] =	ssyncset.done $0x0  }
0x4c: {  	s18 =	sshra.s32 s18, $0x2;
	[sflag:s10] =	ssyncadd.s32 $0xFFFFD800  }
0x4d: {  	v1 =	vld [tilespmem:s18+$0x0];
	_ =	sdelay $0x4  }
0x4e: {  	[tilespmem:$0x2780] =	vst v1  }
0x4f: {  	v1 =	vld [tilespmem:s18+$0x10];
	_ =	sdelay $0x4  }
0x50: {  	[tilespmem:$0x2790] =	vst v1  }
0x51: {  	v1 =	vld [tilespmem:s18+$0x20];
	_ =	sdelay $0x4  }
0x52: {  	[tilespmem:$0x27A0] =	vst v1  }
0x53: {  	v1 =	vld [tilespmem:s18+$0x30];
	_ =	sdelay $0x4  }
0x54: {  	[tilespmem:$0x27B0] =	vst v1  }
0x55: {  	v1 =	vld [tilespmem:s18+$0x40];
	_ =	sdelay $0x4  }
0x56: {  	[tilespmem:$0x27C0] =	vst v1  }
0x57: {  	[spmem:s1] =	stream.indirect.scatter.add.f32 [tilespmem:s16], [sflag:$0x1], $0x80, s15, s14, $0xb8;
	[tilespmem:$0x18880] =	vst v63  }
0x58: {  	_ =	swait.ge [sflag:s10], $0x2800  }
0x59: {  	[sflag:s10] =	ssyncset.done $0x0  }
0x5a: {  	[sflag:s10] =	ssyncadd.s32 $0xFFFFD800  }
0x5b: {  	s18 =	simm.s32 @p0 $0x1FC1;
	[bflag:$0x0] =	sbarrier.arrive $0xFFFF  }
0x5c: {  	[hbm:s8], [sflag:s18] =	dma.local @p0 [spmem:s11], $0x2800  }
0x5d: {  	s18 =	simm.s32 @p0 $0x1  }
0x5e: {  	s17 =	sadd.s32 $0x1, s17;
	_ =	swait.ge @p0 [sflag:s18], $0x2800  }
0x5f: {  	p1 =	sne.s32 s17, s9;
	[sflag:s18] =	ssyncset.done @p0 $0x0  }
.Ltmp2:
0x60: {  	[sflag:s18] =	ssyncadd.s32 @p0 $0xFFFFD800;
	s18 =	simm.s32 @!p0 $0x1;
	(pc) =	sbr.rel @p1 .LBB2_1-.Ltmp2, $4  }
0x61: {  	[hbm:s7], [sflag:s12] =	dma.local @!p0 [spmem:s13], $0x2700  }
0x62: {  	_ =	swait.ge @!p0 [sflag:s18], $0x2700  }
0x63: {  	[sflag:s18] =	ssyncset.done @!p0 $0x0  }
0x64: {  	[sflag:s18] =	ssyncadd.s32 @!p0 $0xFFFFD900  }
0x65: {  	_ =	sfence.sel $0x180000  }
0x66: {  	[bflag:$0x0] =	sbarrier.arrive $0xFFFF  }
0x67: {  	p0 =	sne.s32 s2, $0x0;
	_ =	strace $0x90000047  }
0x68: {  	s0 =	sadd.s32 @!p0 $0x100000, s0;
	[bflag:$0x2] =	sbarrier.arrive $0xFFFF  }
0x69: {  	[sflag:s0] =	ssyncadd.tile.s32 @!p0 $0x1;
	_ =	shalt  }
.Lfunc_end2:
_tile_overlayer_lowered:
.L_overlay_start_2:
0x6a: {  	(tag) =	ssettag $0x2  }
0x6b: {  	s0 =	rddreg [dreg:$0x0];
	s2 =	stileid.u32  }
0x6c: {  	s1 =	rddreg [dreg:$0x1];
	p0 =	sne.s32 s2, $0x0  }
0x6d: {  	s3 =	rddreg [dreg:$0x2];
	[bflag:$0x3] =	sbarrier.arrive $0xFFFF;
	s2 =	simm.s32 @!p0 $0x1C01  }
0x6e: {  	[timem:s3], [sflag:s2] =	dma.local @!p0 [hbm:s0], s1  }
0x6f: {  	s0 =	simm.s32 @!p0 $0x1  }
0x70: {  	_ =	swait.ge @!p0 [sflag:s0], s1  }
0x71: {  	s1 =	ssub.s32 @!p0 $0x0, s1;
	[sflag:s0] =	ssyncset.done @!p0 $0x0  }
0x72: {  	[sflag:s0] =	ssyncadd.s32 @!p0 s1  }
0x73: {  	[bflag:$0x3] =	sbarrier.arrive $0xFFFF  }
0x74: {  	_ =	shalt  }

// kernel: kernel.19.cloned.1.call-start
scs
__scs_entry_jumppad:
0x0: {  	(pc) =	sbr.rel $0x88, $3  }
0x1: {  	(tag) =	ssettag $0x0;
	lr =	simm.s32 $0x1  }
0x2: {  	[smem:$0x3F96] =	sst lr;
	_ =	strace $0xD0000000  }
0x3: {  	_ = 	snop  }
0x4: {  	_ = 	snop  }
0x5: {  	_ = 	snop  }
0x6: {  	_ = 	snop  }
0x7: {  	_ = 	snop  }
__scs_overlays_trampoline_lowered:
0x8: {  	[smem:$0x3FA5] =	sst s0  }
0x9: {  	[smem:$0x3FA6] =	sst s1  }
0xa: {  	[smem:$0x3FA7] =	sst s2  }
0xb: {  	[smem:$0x3FA8] =	sst s3  }
0xc: {  	[smem:$0x3FA9] =	sst s4  }
0xd: {  	[smem:$0x3FAA] =	sst s5  }
0xe: {  	[smem:$0x3FAB] =	sst s6  }
0xf: {  	[smem:$0x3FAC] =	sst s7  }
0x10: {  	[smem:$0x3FAD] =	sst s8  }
0x11: {  	[smem:$0x3FAE] =	sst s9;
	s0 =	simm.s32 @!p0 $0x0  }
0x12: {  	s1 =	sld [smem:$0x3F94];
	s0 =	simm.s32 @p0 $0x1  }
0x13: {  	[smem:$0x3FAF] =	sst s0;
	s0 =	simm.s32 @!p1 $0x0  }
0x14: {  	s2 =	sld [smem:$0x3F93];
	s0 =	simm.s32 @p1 $0x1  }
0x15: {  	[smem:$0x3FB0] =	sst s0;
	s0 =	simm.s32 @!p2 $0x0  }
0x16: {  	s3 =	sld [smem:$0x3FDB];
	s0 =	simm.s32 @p2 $0x1  }
0x17: {  	s4 =	simm.s32 $0x1BF5;
	[smem:$0x3FB2] =	sst s0  }
0x18: {  	s0 =	sld [smem:$0x3F95];
	_ =	swait.ge [sflag:s4], $0x0  }
0x19: {  	s7 =	sld [smem:$0x3F96]  }
0x1a: {  	s8 =	sadd.s32 $0xFFFFE003, lr  }
0x1b: {  	s9 =	sadd.s32 $0xFFFFFEF7, lr;
	s5 =	simm.s32 $0xFFFFFFFF;
	p2 =	slt.u32 s8, $0xFFFFF086  }
0x1c: {  	p1 =	slt.u32 s9, $0xF7A;
	s5 =	simm.s32 @!p2 $0x0  }
0x1d: {  	s5 =	simm.s32 @p1 $0x1;
	p0 =	seq.s32 s7, s2  }
0x1e: {  	s7 =	smul.u32 @!p0 $0xF7A, s2;
	p2 =	seq.s32 @!p0 s5, $0x0  }
0x1f: {  	s9 =	smul.u32 $0xF7A, s1;
	s8 =	simm.s32 @!p0 $0x1BF5;
	p2 =	por !p2, p0  }
0x20: {  	[sflag:s8] =	ssyncset.s32 @!p0 $0xFFFFF086;
	s6 =	sadd.s32 @!p0 s3, s7;
	s7 =	simm.s32 @!p0 $0x108  }
0x21: {  	s3 =	sadd.s32 s3, s9;
	s6 =	sadd.s32 @!p0 $0x88, s6;
	s7 =	simm.s32 @p2 $0x1082  }
0x22: {  	[simem:s7], [sflag:s8] =	dma.local @!p0 [hbm:s6], $0xF7A  }
0x23: {  	s9 =	sor.u32 $0xD0000000, s2;
	s6 =	simm.s32 $0x108;
	_ =	swait.ge @!p0 [sflag:s8], $0x0  }
0x24: {  	s3 =	sadd.s32 $0x88, s3;
	s6 =	simm.s32 @!p1 $0x1082;
	[sflag:s4] =	ssyncset.s32 $0xFFFFF086  }
0x25: {  	[simem:s6], [sflag:s4] =	dma.local [hbm:s3], $0xF7A  }
0x26: {  	[smem:$0x3F96] =	sst s1;
	(tag) =	ssettag s2;
	_ =	strace s9  }
0x27: {  	s1 =	sld [smem:$0x3FA6]  }
0x28: {  	s2 =	sld [smem:$0x3FA7]  }
0x29: {  	s4 =	sld [smem:$0x3FA9]  }
0x2a: {  	p0 =	seq.s32 s5, $0x0;
	s5 =	sld [smem:$0x3FAA]  }
0x2b: {  	s6 =	sld [smem:$0x3FAB]  }
0x2c: {  	s7 =	sld [smem:$0x3FAC]  }
0x2d: {  	s3 =	simm.s32 $0x108;
	s8 =	sld [smem:$0x3FAD]  }
0x2e: {  	s3 =	simm.s32 @!p0 $0x1082;
	s9 =	sld [smem:$0x3FAE]  }
0x2f: {  	lr =	sadd.s32 s0, s3;
	s0 =	sld [smem:$0x3FA5]  }
0x30: {  	s3 =	sld [smem:$0x3FA8]  }
0x31: {  	[smem:$0x3FB1] =	sst s10  }
0x32: {  	s10 =	sld [smem:$0x3FAF];
	_ =	sdelay $0x3  }
0x33: {  	p0 =	seq.s32 s10, $0x1;
	s10 =	sld [smem:$0x3FB1];
	_ =	sdelay $0x3  }
0x34: {  	[smem:$0x3FB1] =	sst s10  }
0x35: {  	s10 =	sld [smem:$0x3FB0];
	_ =	sdelay $0x3  }
0x36: {  	p1 =	seq.s32 s10, $0x1;
	s10 =	sld [smem:$0x3FB1];
	_ =	sdelay $0x3  }
0x37: {  	[smem:$0x3FB1] =	sst s10  }
0x38: {  	s10 =	sld [smem:$0x3FB2]  }
0x39: {  	_ = 	snop;
	(pc) =	sbr.ind lr, $3  }
0x3a: {  	_ = 	snop  }
0x3b: {  	_ = 	snop  }
0x3c: {  	p2 =	seq.s32 s10, $0x1;
	s10 =	sld [smem:$0x3FB1]  }
0x3d: {  	_ =	shalt  }
0x3e: {  	_ =	shalt  }
0x3f: {  	_ =	shalt  }
0x40: {  	_ =	shalt  }
0x41: {  	_ =	shalt  }
0x42: {  	_ =	shalt  }
0x43: {  	_ =	shalt  }
0x44: {  	_ =	shalt  }
0x45: {  	_ =	shalt  }
0x46: {  	_ =	shalt  }
0x47: {  	_ =	shalt  }
0x48: {  	_ =	shalt  }
0x49: {  	_ =	shalt  }
0x4a: {  	_ =	shalt  }
0x4b: {  	_ =	shalt  }
0x4c: {  	_ =	shalt  }
0x4d: {  	_ =	shalt  }
0x4e: {  	_ =	shalt  }
0x4f: {  	_ =	shalt  }
0x50: {  	_ =	shalt  }
0x51: {  	_ =	shalt  }
0x52: {  	_ =	shalt  }
0x53: {  	_ =	shalt  }
0x54: {  	_ =	shalt  }
0x55: {  	_ =	shalt  }
0x56: {  	_ =	shalt  }
0x57: {  	_ =	shalt  }
0x58: {  	_ =	shalt  }
0x59: {  	_ =	shalt  }
0x5a: {  	_ =	shalt  }
0x5b: {  	_ =	shalt  }
0x5c: {  	_ =	shalt  }
0x5d: {  	_ =	shalt  }
0x5e: {  	_ =	shalt  }
0x5f: {  	_ =	shalt  }
0x60: {  	_ =	shalt  }
0x61: {  	_ =	shalt  }
0x62: {  	_ =	shalt  }
0x63: {  	_ =	shalt  }
0x64: {  	_ =	shalt  }
0x65: {  	_ =	shalt  }
0x66: {  	_ =	shalt  }
0x67: {  	_ =	shalt  }
0x68: {  	_ =	shalt  }
0x69: {  	_ =	shalt  }
0x6a: {  	_ =	shalt  }
0x6b: {  	_ =	shalt  }
0x6c: {  	_ =	shalt  }
0x6d: {  	_ =	shalt  }
0x6e: {  	_ =	shalt  }
0x6f: {  	_ =	shalt  }
0x70: {  	_ =	shalt  }
0x71: {  	_ =	shalt  }
0x72: {  	_ =	shalt  }
0x73: {  	_ =	shalt  }
0x74: {  	_ =	shalt  }
0x75: {  	_ =	shalt  }
0x76: {  	_ =	shalt  }
0x77: {  	_ =	shalt  }
0x78: {  	_ =	shalt  }
0x79: {  	_ =	shalt  }
0x7a: {  	_ =	shalt  }
0x7b: {  	_ =	shalt  }
0x7c: {  	_ =	shalt  }
0x7d: {  	_ =	shalt  }
0x7e: {  	_ =	shalt  }
0x7f: {  	_ =	shalt  }
0x80: {  	_ =	shalt  }
0x81: {  	_ =	shalt  }
0x82: {  	_ =	shalt  }
0x83: {  	_ =	shalt  }
0x84: {  	_ =	shalt  }
0x85: {  	_ =	shalt  }
0x86: {  	_ =	shalt  }
0x87: {  	_ =	shalt  }
.Lfunc_end0:
.L_simem_size_0:
called_computation.1_lowered:
.L_overlay_start_0:
0x88: {  	s2 =	sld [smem:$0x3FD9]  }
0x89: {  	s3 =	sld [smem:$0x3FFE];
	_ =	sdelay $0x1  }
0x8a: {  	s1 =	srdreg.scid  }
0x8b: {  	s0 =	sand.u32 $0x1, s1  }
0x8c: {  	s14 =	sshll.u32 s0, $0xA;
	s2 =	sadd.s32 s3, s2  }
0x8d: {  	s2 =	sadd.s32 s2, s14  }
0x8e: {  	[smem:$0x3FBD] =	sst s2  }
0x8f: {  	_ = 	snop  }
0x90: {  	s2 =	sld [smem:$0x3FD0];
	_ =	sdelay $0x2  }
0x91: {  	s15 =	simm.s32 $0xB;
	s4 =	simm.s32 $0x10  }
0x92: {  	[smem:s4], [sflag:s15] =	dma.local [hbm:s2], $0x1  }
0x93: {  	_ =	swait.eq [sflag:s15], $0x1  }
0x94: {  	[sflag:s15] =	ssyncset.done $0x0  }
0x95: {  	[sflag:s15] =	ssyncadd.s32 $0xFFFFFFFF  }
0x96: {  	s16 =	sld [smem:$0x12];
	(tm) =	ssettm $0x1  }
0x97: {  	s17 =	sld [smem:$0x3FFB];
	_ =	sdelay $0x3  }
0x98: {  	_ =	strace s17  }
0x99: {  	s3 =	sld [smem:$0x3FFC];
	_ =	sdelay $0x3  }
0x9a: {  	_ =	strace s3  }
0x9b: {  	s3 =	sld [smem:$0x3FFD];
	_ =	sdelay $0x3  }
0x9c: {  	_ =	strace s3  }
0x9d: {  	_ =	strace $0x8FFFFFFF  }
0x9e: {  	s18 =	sld [smem:$0x3FDB];
	_ =	sdelay $0x1  }
0x9f: {  	s19 =	simm.s32 $_scs_section_size  }
0xa0: {  	s5 =	simm.s32 $_size__tile_overlayer_lowered;
	s6 =	simm.s32 $_tile_overlayer_lowered  }
0xa1: {  	s22 =	simm.s32 $0x1BFF;
	s21 =	sshll.u32 s6, $0x1;
	s3 =	sadd.s32 s19, s18  }
0xa2: {  	s7 =	simm.s32 $0x0;
	s20 =	sshll.u32 s5, $0x1;
	s5 =	sadd.s32 s21, s3  }
0xa3: {  	[timem:s7], [sflag:s22] =	dma.local [hbm:s5], s20  }
0xa4: {  	_ =	swait.ge [sflag:s22], s20  }
0xa5: {  	s4 =	ssub.s32 $0x0, s20;
	[sflag:s22] =	ssyncset.done $0x0  }
0xa6: {  	[sflag:s22] =	ssyncadd.s32 s4;
	_ =	sdelay $0x1  }
0xa7: {  	s23 =	simm.s32 $0x1B8B  }
0xa8: {  	_ =	swait.ge [sflag:s23], $0x1  }
0xa9: {  	[sflag:s23] =	ssyncset.done $0x0  }
0xaa: {  	s25 =	simm.s32 $0x1B8E;
	s24 =	sld [smem:$0x3FFE];
	[sflag:s23] =	ssyncadd.s32 $0xFFFFFFFF  }
0xab: {  	s26 =	simm.s32 $execute0_lowered;
	[smem:$0x3FD2] =	sst s25  }
0xac: {  	s5 =	sshll.u32 s26, $0x1;
	_ =	strace $0x80000049;
	[dreg:$0x1] =	wrdreg $0xFFFFFFFF  }
0xad: {  	s28 =	simm.s32 $_size_execute0_lowered;
	s3 =	sadd.s32 s3, s5;
	[dreg:$0x0] =	wrdreg $0x0  }
0xae: {  	s5 =	sshll.u32 s28, $0x1;
	[dreg:$0x2] =	wrdreg s3  }
0xaf: {  	[dreg:$0x3] =	wrdreg s5  }
0xb0: {  	[dreg:$0x4] =	wrdreg $0xC0  }
0xb1: {  	_ =	task [dreg:s7], $0x5FFFF  }
0xb2: {  	[dreg:$0x1] =	wrdreg $0xFFFFFFFF  }
0xb3: {  	[dreg:$0x0] =	wrdreg $0x60  }
0xb4: {  	[dreg:$0x2] =	wrdreg s24  }
0xb5: {  	[dreg:$0x3] =	wrdreg s16  }
0xb6: {  	[dreg:$0x4] =	wrdreg $0x9F800  }
0xb7: {  	[dreg:$0x5] =	wrdreg $0x9  }
0xb8: {  	_ =	task.clear_ibuf [dreg:s7], $0x6FFFF;
	_ =	strace $0x90000049  }
0xb9: {  	s29 =	simm.s32 $0x9;
	_ =	strace $0x8000004B  }
0xba: {  	_ =	swait.ge [sflag:s29], $0x1  }
0xbb: {  	[sflag:s29] =	ssyncadd.s32 $0xFFFFFFFF  }
0xbc: {  	_ =	strace $0x9000004B  }
0xbd: {  	_ =	sfence  }
0xbe: {  	s30 =	sld [smem:$0x0];
	_ =	sdelay $0x2  }
0xbf: {  	s31 =	sshll.u32 s1, $0xD;
	s1 =	sshrl.u32 s1, $0x2  }
0xc0: {  	s3 =	sand.u32 $0x4000, s31;
	s1 =	sadd.s32 s1, s30  }
0xc1: {  	s0 =	sor.u32 s3, s0;
	s1 =	sshll.u32 s1, $0x11  }
0xc2: {  	s0 =	sor.u32 s1, s0  }
0xc3: {  	s0 =	sadd.s32 $0x8F2B, s0  }
0xc4: {  	[sflag:s0] =	ssyncadd.remote.s32 $0x1  }
0xc5: {  	_ =	sfence.sel $0xFFFF  }
0xc6: {  	[dreg:$0x0] =	wrdreg $0xFFFFFFFF;
	(pc) =	sbr.abs _section_cstart, $3  }
0xc7: {  	[dreg:$0x1] =	wrdreg $0xFFFFFFFF  }
0xc8: {  	_ =	task.clear_ibuf [dreg:s7], $0x2FFFF;
	_ =	strace $0x9FFFFFFF  }
0xc9: {  	(tm) =	ssettm $0x7FFFFFFF  }
tec
execute0_lowered:
.L_overlay_start_1:
0x0: {  	(tag) =	ssettag $0x1  }
0x1: {  	s1 =	rddreg [dreg:$0x0]  }
0x2: {  	s8 =	rddreg [dreg:$0x1]  }
0x3: {  	s3 =	rddreg [dreg:$0x2]  }
0x4: {  	s0 =	rddreg [dreg:$0x3];
	s4 =	simm.s32 $0x0;
	s2 =	stileid.u32  }
0x5: {  	s5 =	srdreg.scid;
	s18 =	simm.s32 $0x4F80;
	s6 =	smul.u32 $0x4E2, s2  }
0x6: {  	s19 =	simm.s32 $0x1;
	s21 =	simm.s32 $0x4F00;
	s9 =	smul.u32 $0x4E000, s2  }
0x7: {  	s22 =	simm.s32 $0x0;
	[smem:$0x7FF] =	sst s4;
	s12 =	smul.u32 $0x2700, s2  }
0x8: {  	s7 =	sand.u32 $0x1, s5;
	s10 =	sadd.s32 $0x62000, s1;
	s13 =	smul.u32 $0x270, s2  }
0x9: {  	s15 =	sadd.s32 $0x124800, s3;
	p0 =	seq.s32 s2, $0xF;
	s20 =	smul.u32 $0x2710, s7  }
0xa: {  	_ =	strace $0x8000004A;
	s5 =	ssub.s32 $0x2, s7;
	s14 =	smul.u32 $0x138800, s7  }
0xb: {  	s17 =	sshll.u32 @!p0 s2, $0x6;
	s6 =	sadd.s32 s6, s1;
	s11 =	sshrl.u32 s5, $0x1  }
0xc: {  	s9 =	sshrl.u32 s9, $0x2;
	s7 =	sadd.s32 s8, s12;
	s8 =	sadd.s32 $0x24900, s8  }
0xd: {  	s12 =	simm.s32 $0x2;
	s11 =	ssub.s32 s5, s11;
	s5 =	sadd.s32 $0x5D000, s6  }
0xe: {  	s6 =	sadd.s32 $0x58000, s6;
	s16 =	sadd.s32 s9, s3;
	s30 =	sadd.s32 s13, s20  }
0xf: {  	s31 =	sshrl.u32 s14, $0x3;
	s13 =	simm.s32 $0x2780;
	s14 =	sshrl.u32 @p0 s15, $0x3  }
0x10: {  	s15 =	sor.u32 @!p0 $0x1C02, s17;
	s17 =	simm.s32 $0x50;
	s9 =	sshll.u32 s30, $0x4  }
0x11: {  	v0 =	vmov s20;
	s20 =	simm.s32 $0x7780;
	s9 =	sadd.s32 s10, s9;
	s10 =	sadd.s32 s10, s31  }
0x12: {  	s11 =	smax.u32 s11, $0x1;
	s16 =	sshrl.u32 @!p0 s16, $0x3;
	s10 =	sadd.s32 $0x24900, s10  }
.LBB2_1:
0x13: {  	[tilespmem:s4], [sflag:$0x2] =	stream.linear.gather [hbm4b:s5+s4], $0x2710, $0x38;
	[tilespmem:$0x1D800] =	vst v63  }
0x14: {  	_ =	swait.ge [sflag:s12], $0x2710  }
0x15: {  	[sflag:s12] =	ssyncset.done $0x0  }
0x16: {  	[sflag:s12] =	ssyncadd.s32 $0xFFFFD8F0  }
0x17: {  	[tilespmem:s13], [sflag:$0x2] =	stream.linear.gather [hbm4b:s6+s4], $0x2710, $0x38;
	[tilespmem:$0x1D800] =	vst v63  }
0x18: {  	_ =	swait.ge [sflag:s12], $0x2710  }
0x19: {  	[sflag:s12] =	ssyncset.done $0x0  }
0x1a: {  	s23 =	simm.s32 $0x0;
	s24 =	simm.s32 $0x40;
	[sflag:s12] =	ssyncadd.s32 $0xFFFFD8F0  }
.LBB2_2:
0x1b: {  	p1 =	sne.s32 s24, $0x9C00;
	v1 =	vld [tilespmem:s23+$0x0];
	_ =	sdelay $0x1  }
.Ltmp0:
0x1c: {  	(pc) =	sbr.rel @p1 .LBB2_2-.Ltmp0, $3  }
0x1d: {  	_ =	sdelay $0x1  }
0x1e: {  	v1 =	vadd.s32 v0, v1  }
0x1f: {  	[tilespmem:s23+$0x0] =	vst v1;
	s23 =	sshra.s32 s24, $0x2;
	s24 =	sadd.s32 $0x40, s24  }
0x20: {  	v1 =	vld [tilespmem:s23+$0x0];
	_ =	sdelay $0x4  }
0x21: {  	v1 =	vadd.s32 v0, v1  }
0x22: {  	[tilespmem:s23+$0x0] =	vst v1;
	s23 =	simm.s32 @p0 $0x1FC2  }
0x23: {  	[spmem:s14], [sflag:s23] =	dma.local @p0 [hbm:s8], $0x2800  }
0x24: {  	s23 =	simm.s32 @p0 $0x2  }
0x25: {  	_ =	swait.ge @p0 [sflag:s23], $0x2800  }
0x26: {  	[sflag:s23] =	ssyncset.done @p0 $0x0  }
0x27: {  	[sflag:s23] =	ssyncadd.s32 @p0 $0xFFFFD800;
	s23 =	simm.s32 @!p0 $0x2  }
0x28: {  	[spmem:s16], [sflag:s15] =	dma.local @!p0 [hbm:s7], $0x2700  }
0x29: {  	_ =	swait.ge @!p0 [sflag:s23], $0x2700  }
0x2a: {  	[sflag:s23] =	ssyncset.done @!p0 $0x0  }
0x2b: {  	[sflag:s23] =	ssyncadd.s32 @!p0 $0xFFFFD900  }
0x2c: {  	s25 =	simm.s32 $0x0;
	[bflag:$0x0] =	sbarrier.arrive $0xFFFF  }
0x2d: {  	[tilespmem:s18], [sflag:$0x1] =	stream.indirect.gather [hbm4b:s1+s17], $0x80, s25, s17, $0xb8;
	[tilespmem:$0x1D800] =	vst v63  }
0x2e: {  	_ =	swait.ge [sflag:s19], $0x2800  }
0x2f: {  	[sflag:s19] =	ssyncset.done $0x0  }
0x30: {  	s24 =	simm.s32 $0x50;
	s23 =	simm.s32 $0x27D0;
	[sflag:s19] =	ssyncadd.s32 $0xFFFFD800  }
0x31: {  	[tilespmem:s20], [sflag:$0x1] =	stream.indirect.gather [hbm4b:s1+s17], $0x80, s24, s17, $0xb8;
	[tilespmem:$0x1D800] =	vst v63  }
0x32: {  	v1 =	vld [tilespmem:s23+$0xFFFFFFB0];
	_ =	sdelay $0x4  }
0x33: {  	[tilespmem:$0x4F00] =	vst v1  }
0x34: {  	v1 =	vld [tilespmem:s23+$0xFFFFFFC0];
	_ =	sdelay $0x4  }
0x35: {  	[tilespmem:$0x4F10] =	vst v1  }
0x36: {  	v1 =	vld [tilespmem:s23+$0xFFFFFFD0];
	_ =	sdelay $0x4  }
0x37: {  	[tilespmem:$0x4F20] =	vst v1  }
0x38: {  	v1 =	vld [tilespmem:s23+$0xFFFFFFE0];
	_ =	sdelay $0x4  }
0x39: {  	[tilespmem:$0x4F30] =	vst v1  }
0x3a: {  	v1 =	vld [tilespmem:s23+$0xFFFFFFF0];
	_ =	sdelay $0x4  }
0x3b: {  	[tilespmem:$0x4F40] =	vst v1  }
0x3c: {  	[spmem:s3] =	stream.indirect.scatter.add.f32 [tilespmem:s18], [sflag:$0x2], $0x80, s21, s17, $0xb8;
	[tilespmem:$0x1D800] =	vst v63  }
0x3d: {  	_ =	swait.ge [sflag:s12], $0x2800  }
0x3e: {  	[sflag:s12] =	ssyncset.done $0x0  }
0x3f: {  	[sflag:s12] =	ssyncadd.s32 $0xFFFFD800  }
0x40: {  	_ =	swait.ge [sflag:s19], $0x2800  }
0x41: {  	[sflag:s19] =	ssyncset.done $0x0  }
0x42: {  	s24 =	simm.s32 $0xA0;
	[sflag:s19] =	ssyncadd.s32 $0xFFFFD800  }
0x43: {  	[tilespmem:s18], [sflag:$0x1] =	stream.indirect.gather [hbm4b:s1+s17], $0x80, s24, s17, $0xb8;
	[tilespmem:$0x1D800] =	vst v63  }
0x44: {  	v1 =	vld [tilespmem:s23+$0x0];
	_ =	sdelay $0x4  }
0x45: {  	[tilespmem:$0x4F00] =	vst v1  }
0x46: {  	v1 =	vld [tilespmem:s23+$0x10];
	_ =	sdelay $0x4  }
0x47: {  	[tilespmem:$0x4F10] =	vst v1  }
0x48: {  	v1 =	vld [tilespmem:s23+$0x20];
	_ =	sdelay $0x4  }
0x49: {  	s25 =	sand.u32 $0x3FE0, s25;
	[tilespmem:$0x4F20] =	vst v1  }
0x4a: {  	v1 =	vld [tilespmem:s25+$0x2800];
	_ =	sdelay $0x4  }
0x4b: {  	[tilespmem:$0x4F30] =	vst v1  }
0x4c: {  	v1 =	vld [tilespmem:s23+$0x40];
	_ =	sdelay $0x4  }
0x4d: {  	[tilespmem:$0x4F40] =	vst v1  }
0x4e: {  	[spmem:s3] =	stream.indirect.scatter.add.f32 [tilespmem:s20], [sflag:$0x2], $0x80, s21, s17, $0xb8;
	[tilespmem:$0x1D800] =	vst v63  }
0x4f: {  	_ =	swait.ge [sflag:s12], $0x2800  }
0x50: {  	s25 =	simm.s32 $0xA0;
	[sflag:s12] =	ssyncset.done $0x0  }
.LBB2_4:
0x51: {  	[sflag:s12] =	ssyncadd.s32 $0xFFFFD800  }
0x52: {  	s24 =	sadd.s32 $0xA0, s24;
	s23 =	sadd.s32 $0xA0, s23;
	s26 =	smov.u32 s25  }
0x53: {  	p1 =	sne.s32 s25, $0x2620;
	s25 =	sadd.s32 $0xA0, s25;
	_ =	swait.ge [sflag:s19], $0x2800  }
0x54: {  	[sflag:s19] =	ssyncset.done $0x0  }
0x55: {  	s28 =	sadd.s32 $0xFFFFFFB0, s24;
	[sflag:s19] =	ssyncadd.s32 $0xFFFFD800  }
0x56: {  	[tilespmem:s20], [sflag:$0x1] =	stream.indirect.gather [hbm4b:s1+s17], $0x80, s28, s17, $0xb8;
	[tilespmem:$0x1D800] =	vst v63  }
0x57: {  	v1 =	vld [tilespmem:s23+$0xFFFFFFB0];
	_ =	sdelay $0x4  }
0x58: {  	[tilespmem:$0x4F00] =	vst v1  }
0x59: {  	v1 =	vld [tilespmem:s23+$0xFFFFFFC0];
	_ =	sdelay $0x4  }
0x5a: {  	[tilespmem:$0x4F10] =	vst v1  }
0x5b: {  	v1 =	vld [tilespmem:s23+$0xFFFFFFD0];
	_ =	sdelay $0x4  }
0x5c: {  	[tilespmem:$0x4F20] =	vst v1  }
0x5d: {  	v1 =	vld [tilespmem:s23+$0xFFFFFFE0];
	_ =	sdelay $0x4  }
0x5e: {  	[tilespmem:$0x4F30] =	vst v1  }
0x5f: {  	v1 =	vld [tilespmem:s23+$0xFFFFFFF0];
	_ =	sdelay $0x4  }
0x60: {  	[tilespmem:$0x4F40] =	vst v1  }
0x61: {  	[spmem:s3] =	stream.indirect.scatter.add.f32 [tilespmem:s18], [sflag:$0x2], $0x80, s21, s17, $0xb8;
	[tilespmem:$0x1D800] =	vst v63  }
0x62: {  	_ =	swait.ge [sflag:s12], $0x2800  }
0x63: {  	[sflag:s12] =	ssyncset.done $0x0  }
0x64: {  	[sflag:s12] =	ssyncadd.s32 $0xFFFFD800  }
0x65: {  	_ =	swait.ge [sflag:s19], $0x2800  }
0x66: {  	[sflag:s19] =	ssyncset.done $0x0  }
0x67: {  	[sflag:s19] =	ssyncadd.s32 $0xFFFFD800  }
0x68: {  	[tilespmem:s18], [sflag:$0x1] =	stream.indirect.gather [hbm4b:s1+s17], $0x80, s24, s17, $0xb8;
	[tilespmem:$0x1D800] =	vst v63  }
0x69: {  	v1 =	vld [tilespmem:s23+$0x0];
	_ =	sdelay $0x4  }
0x6a: {  	[tilespmem:$0x4F00] =	vst v1  }
0x6b: {  	v1 =	vld [tilespmem:s23+$0x10];
	_ =	sdelay $0x4  }
0x6c: {  	[tilespmem:$0x4F10] =	vst v1  }
0x6d: {  	v1 =	vld [tilespmem:s23+$0x20];
	_ =	sdelay $0x4  }
0x6e: {  	s26 =	sand.u32 $0x3FE0, s26;
	[tilespmem:$0x4F20] =	vst v1  }
0x6f: {  	v1 =	vld [tilespmem:s26+$0x2800];
	_ =	sdelay $0x4  }
0x70: {  	[tilespmem:$0x4F30] =	vst v1  }
0x71: {  	v1 =	vld [tilespmem:s23+$0x40];
	_ =	sdelay $0x3  }
.Ltmp1:
0x72: {  	(pc) =	sbr.rel @p1 .LBB2_4-.Ltmp1, $4  }
0x73: {  	[tilespmem:$0x4F40] =	vst v1  }
0x74: {  	[spmem:s3] =	stream.indirect.scatter.add.f32 [tilespmem:s20], [sflag:$0x2], $0x80, s21, s17, $0xb8;
	[tilespmem:$0x1D800] =	vst v63  }
0x75: {  	_ =	swait.ge [sflag:s12], $0x2800  }
0x76: {  	[sflag:s12] =	ssyncset.done $0x0  }
0x77: {  	[sflag:s12] =	ssyncadd.s32 $0xFFFFD800  }
0x78: {  	_ =	swait.ge [sflag:s19], $0x2800  }
0x79: {  	[sflag:s19] =	ssyncset.done $0x0  }
0x7a: {  	[sflag:s19] =	ssyncadd.s32 $0xFFFFD800  }
0x7b: {  	v1 =	vld [tilespmem:$0x4E40]  }
0x7c: {  	v2 =	vld [tilespmem:$0x4E50]  }
0x7d: {  	v3 =	vld [tilespmem:$0x4E60]  }
0x7e: {  	v4 =	vld [tilespmem:$0x4E70]  }
0x7f: {  	v5 =	vld [tilespmem:$0x4E80]  }
0x80: {  	[tilespmem:$0x4F00] =	vst v1  }
0x81: {  	[tilespmem:$0x4F10] =	vst v2  }
0x82: {  	[tilespmem:$0x4F20] =	vst v3  }
0x83: {  	[tilespmem:$0x4F30] =	vst v4  }
0x84: {  	[tilespmem:$0x4F40] =	vst v5  }
0x85: {  	[spmem:s3] =	stream.indirect.scatter.add.f32 [tilespmem:s18], [sflag:$0x2], $0x80, s21, s17, $0xb8;
	[tilespmem:$0x1D800] =	vst v63  }
0x86: {  	_ =	swait.ge [sflag:s12], $0x2800  }
0x87: {  	[sflag:s12] =	ssyncset.done $0x0  }
0x88: {  	[sflag:s12] =	ssyncadd.s32 $0xFFFFD800  }
0x89: {  	s23 =	simm.s32 @p0 $0x1FC2;
	[bflag:$0x0] =	sbarrier.arrive $0xFFFF  }
0x8a: {  	[hbm:s10], [sflag:s23] =	dma.local @p0 [spmem:s14], $0x2800  }
0x8b: {  	s23 =	simm.s32 @p0 $0x2  }
0x8c: {  	s22 =	sadd.s32 $0x1, s22;
	_ =	swait.ge @p0 [sflag:s23], $0x2800  }
0x8d: {  	p1 =	sne.s32 s22, s11;
	[sflag:s23] =	ssyncset.done @p0 $0x0  }
.Ltmp2:
0x8e: {  	[sflag:s23] =	ssyncadd.s32 @p0 $0xFFFFD800;
	s23 =	simm.s32 @!p0 $0x2;
	(pc) =	sbr.rel @p1 .LBB2_1-.Ltmp2, $4  }
0x8f: {  	[hbm:s9], [sflag:s15] =	dma.local @!p0 [spmem:s16], $0x2700  }
0x90: {  	_ =	swait.ge @!p0 [sflag:s23], $0x2700  }
0x91: {  	[sflag:s23] =	ssyncset.done @!p0 $0x0  }
0x92: {  	[sflag:s23] =	ssyncadd.s32 @!p0 $0xFFFFD900  }
0x93: {  	_ =	sfence.sel $0x180000  }
0x94: {  	[bflag:$0x0] =	sbarrier.arrive $0xFFFF  }
0x95: {  	p0 =	sne.s32 s2, $0x0;
	_ =	strace $0x9000004A  }
0x96: {  	s0 =	sadd.s32 @!p0 $0x100000, s0;
	[bflag:$0x2] =	sbarrier.arrive $0xFFFF  }
0x97: {  	[sflag:s0] =	ssyncadd.tile.s32 @!p0 $0x1;
	_ =	shalt  }
.Lfunc_end2:
_tile_overlayer_lowered:
.L_overlay_start_2:
0x98: {  	(tag) =	ssettag $0x2  }
0x99: {  	s0 =	rddreg [dreg:$0x0];
	s2 =	stileid.u32  }
0x9a: {  	s1 =	rddreg [dreg:$0x1];
	p0 =	sne.s32 s2, $0x0  }
0x9b: {  	s3 =	rddreg [dreg:$0x2];
	[bflag:$0x3] =	sbarrier.arrive $0xFFFF;
	s2 =	simm.s32 @!p0 $0x1C02  }
0x9c: {  	[timem:s3], [sflag:s2] =	dma.local @!p0 [hbm:s0], s1  }
0x9d: {  	s0 =	simm.s32 @!p0 $0x2  }
0x9e: {  	_ =	swait.ge @!p0 [sflag:s0], s1  }
0x9f: {  	s1 =	ssub.s32 @!p0 $0x0, s1;
	[sflag:s0] =	ssyncset.done @!p0 $0x0  }
0xa0: {  	[sflag:s0] =	ssyncadd.s32 @!p0 s1  }
0xa1: {  	[bflag:$0x3] =	sbarrier.arrive $0xFFFF  }
0xa2: {  	_ =	shalt  }

// kernel: kernel.22.cloned.1.call-start
scs
__scs_entry_jumppad:
0x0: {  	(pc) =	sbr.rel $0x88, $3  }
0x1: {  	(tag) =	ssettag $0x0;
	lr =	simm.s32 $0x1  }
0x2: {  	[smem:$0x3F96] =	sst lr;
	_ =	strace $0xD0000000  }
0x3: {  	_ = 	snop  }
0x4: {  	_ = 	snop  }
0x5: {  	_ = 	snop  }
0x6: {  	_ = 	snop  }
0x7: {  	_ = 	snop  }
__scs_overlays_trampoline_lowered:
0x8: {  	[smem:$0x3FA5] =	sst s0  }
0x9: {  	[smem:$0x3FA6] =	sst s1  }
0xa: {  	[smem:$0x3FA7] =	sst s2  }
0xb: {  	[smem:$0x3FA8] =	sst s3  }
0xc: {  	[smem:$0x3FA9] =	sst s4  }
0xd: {  	[smem:$0x3FAA] =	sst s5  }
0xe: {  	[smem:$0x3FAB] =	sst s6  }
0xf: {  	[smem:$0x3FAC] =	sst s7  }
0x10: {  	[smem:$0x3FAD] =	sst s8  }
0x11: {  	[smem:$0x3FAE] =	sst s9;
	s0 =	simm.s32 @!p0 $0x0  }
0x12: {  	s1 =	sld [smem:$0x3F94];
	s0 =	simm.s32 @p0 $0x1  }
0x13: {  	[smem:$0x3FAF] =	sst s0;
	s0 =	simm.s32 @!p1 $0x0  }
0x14: {  	s2 =	sld [smem:$0x3F93];
	s0 =	simm.s32 @p1 $0x1  }
0x15: {  	[smem:$0x3FB0] =	sst s0;
	s0 =	simm.s32 @!p2 $0x0  }
0x16: {  	s3 =	sld [smem:$0x3FDB];
	s0 =	simm.s32 @p2 $0x1  }
0x17: {  	s4 =	simm.s32 $0x1BF5;
	[smem:$0x3FB2] =	sst s0  }
0x18: {  	s0 =	sld [smem:$0x3F95];
	_ =	swait.ge [sflag:s4], $0x0  }
0x19: {  	s7 =	sld [smem:$0x3F96]  }
0x1a: {  	s8 =	sadd.s32 $0xFFFFE003, lr  }
0x1b: {  	s9 =	sadd.s32 $0xFFFFFEF7, lr;
	s5 =	simm.s32 $0xFFFFFFFF;
	p2 =	slt.u32 s8, $0xFFFFF086  }
0x1c: {  	p1 =	slt.u32 s9, $0xF7A;
	s5 =	simm.s32 @!p2 $0x0  }
0x1d: {  	s5 =	simm.s32 @p1 $0x1;
	p0 =	seq.s32 s7, s2  }
0x1e: {  	s7 =	smul.u32 @!p0 $0xF7A, s2;
	p2 =	seq.s32 @!p0 s5, $0x0  }
0x1f: {  	s9 =	smul.u32 $0xF7A, s1;
	s8 =	simm.s32 @!p0 $0x1BF5;
	p2 =	por !p2, p0  }
0x20: {  	[sflag:s8] =	ssyncset.s32 @!p0 $0xFFFFF086;
	s6 =	sadd.s32 @!p0 s3, s7;
	s7 =	simm.s32 @!p0 $0x108  }
0x21: {  	s3 =	sadd.s32 s3, s9;
	s6 =	sadd.s32 @!p0 $0x88, s6;
	s7 =	simm.s32 @p2 $0x1082  }
0x22: {  	[simem:s7], [sflag:s8] =	dma.local @!p0 [hbm:s6], $0xF7A  }
0x23: {  	s9 =	sor.u32 $0xD0000000, s2;
	s6 =	simm.s32 $0x108;
	_ =	swait.ge @!p0 [sflag:s8], $0x0  }
0x24: {  	s3 =	sadd.s32 $0x88, s3;
	s6 =	simm.s32 @!p1 $0x1082;
	[sflag:s4] =	ssyncset.s32 $0xFFFFF086  }
0x25: {  	[simem:s6], [sflag:s4] =	dma.local [hbm:s3], $0xF7A  }
0x26: {  	[smem:$0x3F96] =	sst s1;
	(tag) =	ssettag s2;
	_ =	strace s9  }
0x27: {  	s1 =	sld [smem:$0x3FA6]  }
0x28: {  	s2 =	sld [smem:$0x3FA7]  }
0x29: {  	s4 =	sld [smem:$0x3FA9]  }
0x2a: {  	p0 =	seq.s32 s5, $0x0;
	s5 =	sld [smem:$0x3FAA]  }
0x2b: {  	s6 =	sld [smem:$0x3FAB]  }
0x2c: {  	s7 =	sld [smem:$0x3FAC]  }
0x2d: {  	s3 =	simm.s32 $0x108;
	s8 =	sld [smem:$0x3FAD]  }
0x2e: {  	s3 =	simm.s32 @!p0 $0x1082;
	s9 =	sld [smem:$0x3FAE]  }
0x2f: {  	lr =	sadd.s32 s0, s3;
	s0 =	sld [smem:$0x3FA5]  }
0x30: {  	s3 =	sld [smem:$0x3FA8]  }
0x31: {  	[smem:$0x3FB1] =	sst s10  }
0x32: {  	s10 =	sld [smem:$0x3FAF];
	_ =	sdelay $0x3  }
0x33: {  	p0 =	seq.s32 s10, $0x1;
	s10 =	sld [smem:$0x3FB1];
	_ =	sdelay $0x3  }
0x34: {  	[smem:$0x3FB1] =	sst s10  }
0x35: {  	s10 =	sld [smem:$0x3FB0];
	_ =	sdelay $0x3  }
0x36: {  	p1 =	seq.s32 s10, $0x1;
	s10 =	sld [smem:$0x3FB1];
	_ =	sdelay $0x3  }
0x37: {  	[smem:$0x3FB1] =	sst s10  }
0x38: {  	s10 =	sld [smem:$0x3FB2]  }
0x39: {  	_ = 	snop;
	(pc) =	sbr.ind lr, $3  }
0x3a: {  	_ = 	snop  }
0x3b: {  	_ = 	snop  }
0x3c: {  	p2 =	seq.s32 s10, $0x1;
	s10 =	sld [smem:$0x3FB1]  }
0x3d: {  	_ =	shalt  }
0x3e: {  	_ =	shalt  }
0x3f: {  	_ =	shalt  }
0x40: {  	_ =	shalt  }
0x41: {  	_ =	shalt  }
0x42: {  	_ =	shalt  }
0x43: {  	_ =	shalt  }
0x44: {  	_ =	shalt  }
0x45: {  	_ =	shalt  }
0x46: {  	_ =	shalt  }
0x47: {  	_ =	shalt  }
0x48: {  	_ =	shalt  }
0x49: {  	_ =	shalt  }
0x4a: {  	_ =	shalt  }
0x4b: {  	_ =	shalt  }
0x4c: {  	_ =	shalt  }
0x4d: {  	_ =	shalt  }
0x4e: {  	_ =	shalt  }
0x4f: {  	_ =	shalt  }
0x50: {  	_ =	shalt  }
0x51: {  	_ =	shalt  }
0x52: {  	_ =	shalt  }
0x53: {  	_ =	shalt  }
0x54: {  	_ =	shalt  }
0x55: {  	_ =	shalt  }
0x56: {  	_ =	shalt  }
0x57: {  	_ =	shalt  }
0x58: {  	_ =	shalt  }
0x59: {  	_ =	shalt  }
0x5a: {  	_ =	shalt  }
0x5b: {  	_ =	shalt  }
0x5c: {  	_ =	shalt  }
0x5d: {  	_ =	shalt  }
0x5e: {  	_ =	shalt  }
0x5f: {  	_ =	shalt  }
0x60: {  	_ =	shalt  }
0x61: {  	_ =	shalt  }
0x62: {  	_ =	shalt  }
0x63: {  	_ =	shalt  }
0x64: {  	_ =	shalt  }
0x65: {  	_ =	shalt  }
0x66: {  	_ =	shalt  }
0x67: {  	_ =	shalt  }
0x68: {  	_ =	shalt  }
0x69: {  	_ =	shalt  }
0x6a: {  	_ =	shalt  }
0x6b: {  	_ =	shalt  }
0x6c: {  	_ =	shalt  }
0x6d: {  	_ =	shalt  }
0x6e: {  	_ =	shalt  }
0x6f: {  	_ =	shalt  }
0x70: {  	_ =	shalt  }
0x71: {  	_ =	shalt  }
0x72: {  	_ =	shalt  }
0x73: {  	_ =	shalt  }
0x74: {  	_ =	shalt  }
0x75: {  	_ =	shalt  }
0x76: {  	_ =	shalt  }
0x77: {  	_ =	shalt  }
0x78: {  	_ =	shalt  }
0x79: {  	_ =	shalt  }
0x7a: {  	_ =	shalt  }
0x7b: {  	_ =	shalt  }
0x7c: {  	_ =	shalt  }
0x7d: {  	_ =	shalt  }
0x7e: {  	_ =	shalt  }
0x7f: {  	_ =	shalt  }
0x80: {  	_ =	shalt  }
0x81: {  	_ =	shalt  }
0x82: {  	_ =	shalt  }
0x83: {  	_ =	shalt  }
0x84: {  	_ =	shalt  }
0x85: {  	_ =	shalt  }
0x86: {  	_ =	shalt  }
0x87: {  	_ =	shalt  }
.Lfunc_end0:
.L_simem_size_0:
called_computation.2_lowered:
.L_overlay_start_0:
0x88: {  	s2 =	sld [smem:$0x3FD9]  }
0x89: {  	s3 =	sld [smem:$0x3FFE];
	_ =	sdelay $0x1  }
0x8a: {  	s1 =	srdreg.scid  }
0x8b: {  	s0 =	sand.u32 $0x1, s1  }
0x8c: {  	s14 =	sshll.u32 s0, $0xA;
	s2 =	sadd.s32 s3, s2  }
0x8d: {  	s2 =	sadd.s32 s2, s14  }
0x8e: {  	[smem:$0x3FBD] =	sst s2  }
0x8f: {  	_ = 	snop  }
0x90: {  	s2 =	sld [smem:$0x3FD0];
	_ =	sdelay $0x2  }
0x91: {  	s15 =	simm.s32 $0xB;
	s4 =	simm.s32 $0x10  }
0x92: {  	[smem:s4], [sflag:s15] =	dma.local [hbm:s2], $0x1  }
0x93: {  	_ =	swait.eq [sflag:s15], $0x1  }
0x94: {  	[sflag:s15] =	ssyncset.done $0x0  }
0x95: {  	[sflag:s15] =	ssyncadd.s32 $0xFFFFFFFF  }
0x96: {  	s16 =	sld [smem:$0x12];
	(tm) =	ssettm $0x1  }
0x97: {  	s17 =	sld [smem:$0x3FFB];
	_ =	sdelay $0x3  }
0x98: {  	_ =	strace s17  }
0x99: {  	s3 =	sld [smem:$0x3FFC];
	_ =	sdelay $0x3  }
0x9a: {  	_ =	strace s3  }
0x9b: {  	s3 =	sld [smem:$0x3FFD];
	_ =	sdelay $0x3  }
0x9c: {  	_ =	strace s3  }
0x9d: {  	_ =	strace $0x8FFFFFFF  }
0x9e: {  	s18 =	sld [smem:$0x3FDB];
	_ =	sdelay $0x1  }
0x9f: {  	s19 =	simm.s32 $_scs_section_size  }
0xa0: {  	s5 =	simm.s32 $_size__tile_overlayer_lowered;
	s6 =	simm.s32 $_tile_overlayer_lowered  }
0xa1: {  	s22 =	simm.s32 $0x1BFF;
	s21 =	sshll.u32 s6, $0x1;
	s3 =	sadd.s32 s19, s18  }
0xa2: {  	s7 =	simm.s32 $0x0;
	s20 =	sshll.u32 s5, $0x1;
	s5 =	sadd.s32 s21, s3  }
0xa3: {  	[timem:s7], [sflag:s22] =	dma.local [hbm:s5], s20  }
0xa4: {  	_ =	swait.ge [sflag:s22], s20  }
0xa5: {  	s4 =	ssub.s32 $0x0, s20;
	[sflag:s22] =	ssyncset.done $0x0  }
0xa6: {  	[sflag:s22] =	ssyncadd.s32 s4;
	_ =	sdelay $0x1  }
0xa7: {  	s23 =	simm.s32 $0x1B8B  }
0xa8: {  	_ =	swait.ge [sflag:s23], $0x1  }
0xa9: {  	[sflag:s23] =	ssyncset.done $0x0  }
0xaa: {  	s25 =	simm.s32 $0x1B8E;
	s24 =	sld [smem:$0x3FFE];
	[sflag:s23] =	ssyncadd.s32 $0xFFFFFFFF  }
0xab: {  	s26 =	simm.s32 $execute0_lowered;
	[smem:$0x3FD2] =	sst s25  }
0xac: {  	s5 =	sshll.u32 s26, $0x1;
	_ =	strace $0x8000004C;
	[dreg:$0x1] =	wrdreg $0xFFFFFFFF  }
0xad: {  	s28 =	simm.s32 $_size_execute0_lowered;
	s3 =	sadd.s32 s3, s5;
	[dreg:$0x0] =	wrdreg $0x0  }
0xae: {  	s5 =	sshll.u32 s28, $0x1;
	[dreg:$0x2] =	wrdreg s3  }
0xaf: {  	[dreg:$0x3] =	wrdreg s5  }
0xb0: {  	[dreg:$0x4] =	wrdreg $0xC0  }
0xb1: {  	_ =	task [dreg:s7], $0x5FFFF  }
0xb2: {  	[dreg:$0x1] =	wrdreg $0xFFFFFFFF  }
0xb3: {  	[dreg:$0x0] =	wrdreg $0x60  }
0xb4: {  	[dreg:$0x2] =	wrdreg s24  }
0xb5: {  	[dreg:$0x3] =	wrdreg s16  }
0xb6: {  	[dreg:$0x4] =	wrdreg $0x9F800  }
0xb7: {  	[dreg:$0x5] =	wrdreg $0x9  }
0xb8: {  	_ =	task.clear_ibuf [dreg:s7], $0x6FFFF;
	_ =	strace $0x9000004C  }
0xb9: {  	s29 =	simm.s32 $0x9;
	_ =	strace $0x8000004E  }
0xba: {  	_ =	swait.ge [sflag:s29], $0x1  }
0xbb: {  	[sflag:s29] =	ssyncadd.s32 $0xFFFFFFFF  }
0xbc: {  	_ =	strace $0x9000004E  }
0xbd: {  	_ =	sfence  }
0xbe: {  	s30 =	sld [smem:$0x0];
	_ =	sdelay $0x2  }
0xbf: {  	s31 =	sshll.u32 s1, $0xD;
	s1 =	sshrl.u32 s1, $0x2  }
0xc0: {  	s3 =	sand.u32 $0x4000, s31;
	s1 =	sadd.s32 s1, s30  }
0xc1: {  	s0 =	sor.u32 s3, s0;
	s1 =	sshll.u32 s1, $0x11  }
0xc2: {  	s0 =	sor.u32 s1, s0  }
0xc3: {  	s0 =	sadd.s32 $0x8F2B, s0  }
0xc4: {  	[sflag:s0] =	ssyncadd.remote.s32 $0x1  }
0xc5: {  	_ =	sfence.sel $0xFFFF  }
0xc6: {  	[dreg:$0x0] =	wrdreg $0xFFFFFFFF;
	(pc) =	sbr.abs _section_cstart, $3  }
0xc7: {  	[dreg:$0x1] =	wrdreg $0xFFFFFFFF  }
0xc8: {  	_ =	task.clear_ibuf [dreg:s7], $0x2FFFF;
	_ =	strace $0x9FFFFFFF  }
0xc9: {  	(tm) =	ssettm $0x7FFFFFFF  }
tec
execute0_lowered:
.L_overlay_start_1:
0x0: {  	(tag) =	ssettag $0x1  }
0x1: {  	s1 =	rddreg [dreg:$0x0]  }
0x2: {  	s8 =	rddreg [dreg:$0x1]  }
0x3: {  	s3 =	rddreg [dreg:$0x2]  }
0x4: {  	s0 =	rddreg [dreg:$0x3];
	s4 =	simm.s32 $0x0;
	s2 =	stileid.u32  }
0x5: {  	s5 =	srdreg.scid;
	s18 =	simm.s32 $0x4F80;
	s6 =	smul.u32 $0x4E2, s2  }
0x6: {  	s19 =	simm.s32 $0x1;
	s21 =	simm.s32 $0x4F00;
	s9 =	smul.u32 $0x4E000, s2  }
0x7: {  	s22 =	simm.s32 $0x0;
	[smem:$0x7FF] =	sst s4;
	s12 =	smul.u32 $0x2700, s2  }
0x8: {  	s7 =	sand.u32 $0x1, s5;
	s10 =	sadd.s32 $0x62000, s1;
	s13 =	smul.u32 $0x270, s2  }
0x9: {  	s15 =	sadd.s32 $0x124800, s3;
	p0 =	seq.s32 s2, $0xF;
	s20 =	smul.u32 $0x2710, s7  }
0xa: {  	_ =	strace $0x8000004D;
	s5 =	ssub.s32 $0x2, s7;
	s14 =	smul.u32 $0x138800, s7  }
0xb: {  	s17 =	sshll.u32 @!p0 s2, $0x6;
	s6 =	sadd.s32 s6, s1;
	s11 =	sshrl.u32 s5, $0x1  }
0xc: {  	s9 =	sshrl.u32 s9, $0x2;
	s7 =	sadd.s32 s8, s12;
	s8 =	sadd.s32 $0x24900, s8  }
0xd: {  	s12 =	simm.s32 $0x2;
	s11 =	ssub.s32 s5, s11;
	s5 =	sadd.s32 $0x5D000, s6  }
0xe: {  	s6 =	sadd.s32 $0x58000, s6;
	s16 =	sadd.s32 s9, s3;
	s30 =	sadd.s32 s13, s20  }
0xf: {  	s31 =	sshrl.u32 s14, $0x3;
	s13 =	simm.s32 $0x2780;
	s14 =	sshrl.u32 @p0 s15, $0x3  }
0x10: {  	s15 =	sor.u32 @!p0 $0x1C02, s17;
	s17 =	simm.s32 $0x50;
	s9 =	sshll.u32 s30, $0x4  }
0x11: {  	v0 =	vmov s20;
	s20 =	simm.s32 $0x7780;
	s9 =	sadd.s32 s10, s9;
	s10 =	sadd.s32 s10, s31  }
0x12: {  	s11 =	smax.u32 s11, $0x1;
	s16 =	sshrl.u32 @!p0 s16, $0x3;
	s10 =	sadd.s32 $0x24900, s10  }
.LBB2_1:
0x13: {  	[tilespmem:s4], [sflag:$0x2] =	stream.linear.gather [hbm4b:s5+s4], $0x2710, $0x38;
	[tilespmem:$0x1D800] =	vst v63  }
0x14: {  	_ =	swait.ge [sflag:s12], $0x2710  }
0x15: {  	[sflag:s12] =	ssyncset.done $0x0  }
0x16: {  	[sflag:s12] =	ssyncadd.s32 $0xFFFFD8F0  }
0x17: {  	[tilespmem:s13], [sflag:$0x2] =	stream.linear.gather [hbm4b:s6+s4], $0x2710, $0x38;
	[tilespmem:$0x1D800] =	vst v63  }
0x18: {  	_ =	swait.ge [sflag:s12], $0x2710  }
0x19: {  	[sflag:s12] =	ssyncset.done $0x0  }
0x1a: {  	s23 =	simm.s32 $0x0;
	s24 =	simm.s32 $0x40;
	[sflag:s12] =	ssyncadd.s32 $0xFFFFD8F0  }
.LBB2_2:
0x1b: {  	p1 =	sne.s32 s24, $0x9C00;
	v1 =	vld [tilespmem:s23+$0x0];
	_ =	sdelay $0x1  }
.Ltmp0:
0x1c: {  	(pc) =	sbr.rel @p1 .LBB2_2-.Ltmp0, $3  }
0x1d: {  	_ =	sdelay $0x1  }
0x1e: {  	v1 =	vadd.s32 v0, v1  }
0x1f: {  	[tilespmem:s23+$0x0] =	vst v1;
	s23 =	sshra.s32 s24, $0x2;
	s24 =	sadd.s32 $0x40, s24  }
0x20: {  	v1 =	vld [tilespmem:s23+$0x0];
	_ =	sdelay $0x4  }
0x21: {  	v1 =	vadd.s32 v0, v1  }
0x22: {  	[tilespmem:s23+$0x0] =	vst v1;
	s23 =	simm.s32 @p0 $0x1FC2  }
0x23: {  	[spmem:s14], [sflag:s23] =	dma.local @p0 [hbm:s8], $0x2800  }
0x24: {  	s23 =	simm.s32 @p0 $0x2  }
0x25: {  	_ =	swait.ge @p0 [sflag:s23], $0x2800  }
0x26: {  	[sflag:s23] =	ssyncset.done @p0 $0x0  }
0x27: {  	[sflag:s23] =	ssyncadd.s32 @p0 $0xFFFFD800;
	s23 =	simm.s32 @!p0 $0x2  }
0x28: {  	[spmem:s16], [sflag:s15] =	dma.local @!p0 [hbm:s7], $0x2700  }
0x29: {  	_ =	swait.ge @!p0 [sflag:s23], $0x2700  }
0x2a: {  	[sflag:s23] =	ssyncset.done @!p0 $0x0  }
0x2b: {  	[sflag:s23] =	ssyncadd.s32 @!p0 $0xFFFFD900  }
0x2c: {  	s25 =	simm.s32 $0x0;
	[bflag:$0x0] =	sbarrier.arrive $0xFFFF  }
0x2d: {  	[tilespmem:s18], [sflag:$0x1] =	stream.indirect.gather [hbm4b:s1+s17], $0x80, s25, s17, $0xb8;
	[tilespmem:$0x1D800] =	vst v63  }
0x2e: {  	_ =	swait.ge [sflag:s19], $0x2800  }
0x2f: {  	[sflag:s19] =	ssyncset.done $0x0  }
0x30: {  	s24 =	simm.s32 $0x50;
	s23 =	simm.s32 $0x27D0;
	[sflag:s19] =	ssyncadd.s32 $0xFFFFD800  }
0x31: {  	[tilespmem:s20], [sflag:$0x1] =	stream.indirect.gather [hbm4b:s1+s17], $0x80, s24, s17, $0xb8;
	[tilespmem:$0x1D800] =	vst v63  }
0x32: {  	v1 =	vld [tilespmem:s23+$0xFFFFFFB0];
	_ =	sdelay $0x4  }
0x33: {  	[tilespmem:$0x4F00] =	vst v1  }
0x34: {  	v1 =	vld [tilespmem:s23+$0xFFFFFFC0];
	_ =	sdelay $0x4  }
0x35: {  	[tilespmem:$0x4F10] =	vst v1  }
0x36: {  	v1 =	vld [tilespmem:s23+$0xFFFFFFD0];
	_ =	sdelay $0x4  }
0x37: {  	[tilespmem:$0x4F20] =	vst v1  }
0x38: {  	v1 =	vld [tilespmem:s23+$0xFFFFFFE0];
	_ =	sdelay $0x4  }
0x39: {  	[tilespmem:$0x4F30] =	vst v1  }
0x3a: {  	v1 =	vld [tilespmem:s23+$0xFFFFFFF0];
	_ =	sdelay $0x4  }
0x3b: {  	[tilespmem:$0x4F40] =	vst v1  }
0x3c: {  	[spmem:s3] =	stream.indirect.scatter.add.f32 [tilespmem:s18], [sflag:$0x2], $0x80, s21, s17, $0xb8;
	[tilespmem:$0x1D800] =	vst v63  }
0x3d: {  	_ =	swait.ge [sflag:s12], $0x2800  }
0x3e: {  	[sflag:s12] =	ssyncset.done $0x0  }
0x3f: {  	[sflag:s12] =	ssyncadd.s32 $0xFFFFD800  }
0x40: {  	_ =	swait.ge [sflag:s19], $0x2800  }
0x41: {  	[sflag:s19] =	ssyncset.done $0x0  }
0x42: {  	s24 =	simm.s32 $0xA0;
	[sflag:s19] =	ssyncadd.s32 $0xFFFFD800  }
0x43: {  	[tilespmem:s18], [sflag:$0x1] =	stream.indirect.gather [hbm4b:s1+s17], $0x80, s24, s17, $0xb8;
	[tilespmem:$0x1D800] =	vst v63  }
0x44: {  	v1 =	vld [tilespmem:s23+$0x0];
	_ =	sdelay $0x4  }
0x45: {  	[tilespmem:$0x4F00] =	vst v1  }
0x46: {  	v1 =	vld [tilespmem:s23+$0x10];
	_ =	sdelay $0x4  }
0x47: {  	[tilespmem:$0x4F10] =	vst v1  }
0x48: {  	v1 =	vld [tilespmem:s23+$0x20];
	_ =	sdelay $0x4  }
0x49: {  	s25 =	sand.u32 $0x3FE0, s25;
	[tilespmem:$0x4F20] =	vst v1  }
0x4a: {  	v1 =	vld [tilespmem:s25+$0x2800];
	_ =	sdelay $0x4  }
0x4b: {  	[tilespmem:$0x4F30] =	vst v1  }
0x4c: {  	v1 =	vld [tilespmem:s23+$0x40];
	_ =	sdelay $0x4  }
0x4d: {  	[tilespmem:$0x4F40] =	vst v1  }
0x4e: {  	[spmem:s3] =	stream.indirect.scatter.add.f32 [tilespmem:s20], [sflag:$0x2], $0x80, s21, s17, $0xb8;
	[tilespmem:$0x1D800] =	vst v63  }
0x4f: {  	_ =	swait.ge [sflag:s12], $0x2800  }
0x50: {  	s25 =	simm.s32 $0xA0;
	[sflag:s12] =	ssyncset.done $0x0  }
.LBB2_4:
0x51: {  	[sflag:s12] =	ssyncadd.s32 $0xFFFFD800  }
0x52: {  	s24 =	sadd.s32 $0xA0, s24;
	s23 =	sadd.s32 $0xA0, s23;
	s26 =	smov.u32 s25  }
0x53: {  	p1 =	sne.s32 s25, $0x2620;
	s25 =	sadd.s32 $0xA0, s25;
	_ =	swait.ge [sflag:s19], $0x2800  }
0x54: {  	[sflag:s19] =	ssyncset.done $0x0  }
0x55: {  	s28 =	sadd.s32 $0xFFFFFFB0, s24;
	[sflag:s19] =	ssyncadd.s32 $0xFFFFD800  }
0x56: {  	[tilespmem:s20], [sflag:$0x1] =	stream.indirect.gather [hbm4b:s1+s17], $0x80, s28, s17, $0xb8;
	[tilespmem:$0x1D800] =	vst v63  }
0x57: {  	v1 =	vld [tilespmem:s23+$0xFFFFFFB0];
	_ =	sdelay $0x4  }
0x58: {  	[tilespmem:$0x4F00] =	vst v1  }
0x59: {  	v1 =	vld [tilespmem:s23+$0xFFFFFFC0];
	_ =	sdelay $0x4  }
0x5a: {  	[tilespmem:$0x4F10] =	vst v1  }
0x5b: {  	v1 =	vld [tilespmem:s23+$0xFFFFFFD0];
	_ =	sdelay $0x4  }
0x5c: {  	[tilespmem:$0x4F20] =	vst v1  }
0x5d: {  	v1 =	vld [tilespmem:s23+$0xFFFFFFE0];
	_ =	sdelay $0x4  }
0x5e: {  	[tilespmem:$0x4F30] =	vst v1  }
0x5f: {  	v1 =	vld [tilespmem:s23+$0xFFFFFFF0];
	_ =	sdelay $0x4  }
0x60: {  	[tilespmem:$0x4F40] =	vst v1  }
0x61: {  	[spmem:s3] =	stream.indirect.scatter.add.f32 [tilespmem:s18], [sflag:$0x2], $0x80, s21, s17, $0xb8;
	[tilespmem:$0x1D800] =	vst v63  }
0x62: {  	_ =	swait.ge [sflag:s12], $0x2800  }
0x63: {  	[sflag:s12] =	ssyncset.done $0x0  }
0x64: {  	[sflag:s12] =	ssyncadd.s32 $0xFFFFD800  }
0x65: {  	_ =	swait.ge [sflag:s19], $0x2800  }
0x66: {  	[sflag:s19] =	ssyncset.done $0x0  }
0x67: {  	[sflag:s19] =	ssyncadd.s32 $0xFFFFD800  }
0x68: {  	[tilespmem:s18], [sflag:$0x1] =	stream.indirect.gather [hbm4b:s1+s17], $0x80, s24, s17, $0xb8;
	[tilespmem:$0x1D800] =	vst v63  }
0x69: {  	v1 =	vld [tilespmem:s23+$0x0];
	_ =	sdelay $0x4  }
0x6a: {  	[tilespmem:$0x4F00] =	vst v1  }
0x6b: {  	v1 =	vld [tilespmem:s23+$0x10];
	_ =	sdelay $0x4  }
0x6c: {  	[tilespmem:$0x4F10] =	vst v1  }
0x6d: {  	v1 =	vld [tilespmem:s23+$0x20];
	_ =	sdelay $0x4  }
0x6e: {  	s26 =	sand.u32 $0x3FE0, s26;
	[tilespmem:$0x4F20] =	vst v1  }
0x6f: {  	v1 =	vld [tilespmem:s26+$0x2800];
	_ =	sdelay $0x4  }
0x70: {  	[tilespmem:$0x4F30] =	vst v1  }
0x71: {  	v1 =	vld [tilespmem:s23+$0x40];
	_ =	sdelay $0x3  }
.Ltmp1:
0x72: {  	(pc) =	sbr.rel @p1 .LBB2_4-.Ltmp1, $4  }
0x73: {  	[tilespmem:$0x4F40] =	vst v1  }
0x74: {  	[spmem:s3] =	stream.indirect.scatter.add.f32 [tilespmem:s20], [sflag:$0x2], $0x80, s21, s17, $0xb8;
	[tilespmem:$0x1D800] =	vst v63  }
0x75: {  	_ =	swait.ge [sflag:s12], $0x2800  }
0x76: {  	[sflag:s12] =	ssyncset.done $0x0  }
0x77: {  	[sflag:s12] =	ssyncadd.s32 $0xFFFFD800  }
0x78: {  	_ =	swait.ge [sflag:s19], $0x2800  }
0x79: {  	[sflag:s19] =	ssyncset.done $0x0  }
0x7a: {  	[sflag:s19] =	ssyncadd.s32 $0xFFFFD800  }
0x7b: {  	v1 =	vld [tilespmem:$0x4E40]  }
0x7c: {  	v2 =	vld [tilespmem:$0x4E50]  }
0x7d: {  	v3 =	vld [tilespmem:$0x4E60]  }
0x7e: {  	v4 =	vld [tilespmem:$0x4E70]  }
0x7f: {  	v5 =	vld [tilespmem:$0x4E80]  }
0x80: {  	[tilespmem:$0x4F00] =	vst v1  }
0x81: {  	[tilespmem:$0x4F10] =	vst v2  }
0x82: {  	[tilespmem:$0x4F20] =	vst v3  }
0x83: {  	[tilespmem:$0x4F30] =	vst v4  }
0x84: {  	[tilespmem:$0x4F40] =	vst v5  }
0x85: {  	[spmem:s3] =	stream.indirect.scatter.add.f32 [tilespmem:s18], [sflag:$0x2], $0x80, s21, s17, $0xb8;
	[tilespmem:$0x1D800] =	vst v63  }
0x86: {  	_ =	swait.ge [sflag:s12], $0x2800  }
0x87: {  	[sflag:s12] =	ssyncset.done $0x0  }
0x88: {  	[sflag:s12] =	ssyncadd.s32 $0xFFFFD800  }
0x89: {  	s23 =	simm.s32 @p0 $0x1FC2;
	[bflag:$0x0] =	sbarrier.arrive $0xFFFF  }
0x8a: {  	[hbm:s10], [sflag:s23] =	dma.local @p0 [spmem:s14], $0x2800  }
0x8b: {  	s23 =	simm.s32 @p0 $0x2  }
0x8c: {  	s22 =	sadd.s32 $0x1, s22;
	_ =	swait.ge @p0 [sflag:s23], $0x2800  }
0x8d: {  	p1 =	sne.s32 s22, s11;
	[sflag:s23] =	ssyncset.done @p0 $0x0  }
.Ltmp2:
0x8e: {  	[sflag:s23] =	ssyncadd.s32 @p0 $0xFFFFD800;
	s23 =	simm.s32 @!p0 $0x2;
	(pc) =	sbr.rel @p1 .LBB2_1-.Ltmp2, $4  }
0x8f: {  	[hbm:s9], [sflag:s15] =	dma.local @!p0 [spmem:s16], $0x2700  }
0x90: {  	_ =	swait.ge @!p0 [sflag:s23], $0x2700  }
0x91: {  	[sflag:s23] =	ssyncset.done @!p0 $0x0  }
0x92: {  	[sflag:s23] =	ssyncadd.s32 @!p0 $0xFFFFD900  }
0x93: {  	_ =	sfence.sel $0x180000  }
0x94: {  	[bflag:$0x0] =	sbarrier.arrive $0xFFFF  }
0x95: {  	p0 =	sne.s32 s2, $0x0;
	_ =	strace $0x9000004D  }
0x96: {  	s0 =	sadd.s32 @!p0 $0x100000, s0;
	[bflag:$0x2] =	sbarrier.arrive $0xFFFF  }
0x97: {  	[sflag:s0] =	ssyncadd.tile.s32 @!p0 $0x1;
	_ =	shalt  }
.Lfunc_end2:
_tile_overlayer_lowered:
.L_overlay_start_2:
0x98: {  	(tag) =	ssettag $0x2  }
0x99: {  	s0 =	rddreg [dreg:$0x0];
	s2 =	stileid.u32  }
0x9a: {  	s1 =	rddreg [dreg:$0x1];
	p0 =	sne.s32 s2, $0x0  }
0x9b: {  	s3 =	rddreg [dreg:$0x2];
	[bflag:$0x3] =	sbarrier.arrive $0xFFFF;
	s2 =	simm.s32 @!p0 $0x1C02  }
0x9c: {  	[timem:s3], [sflag:s2] =	dma.local @!p0 [hbm:s0], s1  }
0x9d: {  	s0 =	simm.s32 @!p0 $0x2  }
0x9e: {  	_ =	swait.ge @!p0 [sflag:s0], s1  }
0x9f: {  	s1 =	ssub.s32 @!p0 $0x0, s1;
	[sflag:s0] =	ssyncset.done @!p0 $0x0  }
0xa0: {  	[sflag:s0] =	ssyncadd.s32 @!p0 s1  }
0xa1: {  	[bflag:$0x3] =	sbarrier.arrive $0xFFFF  }
0xa2: {  	_ =	shalt  }

// kernel: kernel.25.cloned.1.call-start
scs
__scs_entry_jumppad:
0x0: {  	(pc) =	sbr.rel $0x88, $3  }
0x1: {  	(tag) =	ssettag $0x0;
	lr =	simm.s32 $0x1  }
0x2: {  	[smem:$0x3F96] =	sst lr;
	_ =	strace $0xD0000000  }
0x3: {  	_ = 	snop  }
0x4: {  	_ = 	snop  }
0x5: {  	_ = 	snop  }
0x6: {  	_ = 	snop  }
0x7: {  	_ = 	snop  }
__scs_overlays_trampoline_lowered:
0x8: {  	[smem:$0x3FA5] =	sst s0  }
0x9: {  	[smem:$0x3FA6] =	sst s1  }
0xa: {  	[smem:$0x3FA7] =	sst s2  }
0xb: {  	[smem:$0x3FA8] =	sst s3  }
0xc: {  	[smem:$0x3FA9] =	sst s4  }
0xd: {  	[smem:$0x3FAA] =	sst s5  }
0xe: {  	[smem:$0x3FAB] =	sst s6  }
0xf: {  	[smem:$0x3FAC] =	sst s7  }
0x10: {  	[smem:$0x3FAD] =	sst s8  }
0x11: {  	[smem:$0x3FAE] =	sst s9;
	s0 =	simm.s32 @!p0 $0x0  }
0x12: {  	s1 =	sld [smem:$0x3F94];
	s0 =	simm.s32 @p0 $0x1  }
0x13: {  	[smem:$0x3FAF] =	sst s0;
	s0 =	simm.s32 @!p1 $0x0  }
0x14: {  	s2 =	sld [smem:$0x3F93];
	s0 =	simm.s32 @p1 $0x1  }
0x15: {  	[smem:$0x3FB0] =	sst s0;
	s0 =	simm.s32 @!p2 $0x0  }
0x16: {  	s3 =	sld [smem:$0x3FDB];
	s0 =	simm.s32 @p2 $0x1  }
0x17: {  	s4 =	simm.s32 $0x1BF5;
	[smem:$0x3FB2] =	sst s0  }
0x18: {  	s0 =	sld [smem:$0x3F95];
	_ =	swait.ge [sflag:s4], $0x0  }
0x19: {  	s7 =	sld [smem:$0x3F96]  }
0x1a: {  	s8 =	sadd.s32 $0xFFFFE003, lr  }
0x1b: {  	s9 =	sadd.s32 $0xFFFFFEF7, lr;
	s5 =	simm.s32 $0xFFFFFFFF;
	p2 =	slt.u32 s8, $0xFFFFF086  }
0x1c: {  	p1 =	slt.u32 s9, $0xF7A;
	s5 =	simm.s32 @!p2 $0x0  }
0x1d: {  	s5 =	simm.s32 @p1 $0x1;
	p0 =	seq.s32 s7, s2  }
0x1e: {  	s7 =	smul.u32 @!p0 $0xF7A, s2;
	p2 =	seq.s32 @!p0 s5, $0x0  }
0x1f: {  	s9 =	smul.u32 $0xF7A, s1;
	s8 =	simm.s32 @!p0 $0x1BF5;
	p2 =	por !p2, p0  }
0x20: {  	[sflag:s8] =	ssyncset.s32 @!p0 $0xFFFFF086;
	s6 =	sadd.s32 @!p0 s3, s7;
	s7 =	simm.s32 @!p0 $0x108  }
0x21: {  	s3 =	sadd.s32 s3, s9;
	s6 =	sadd.s32 @!p0 $0x88, s6;
	s7 =	simm.s32 @p2 $0x1082  }
0x22: {  	[simem:s7], [sflag:s8] =	dma.local @!p0 [hbm:s6], $0xF7A  }
0x23: {  	s9 =	sor.u32 $0xD0000000, s2;
	s6 =	simm.s32 $0x108;
	_ =	swait.ge @!p0 [sflag:s8], $0x0  }
0x24: {  	s3 =	sadd.s32 $0x88, s3;
	s6 =	simm.s32 @!p1 $0x1082;
	[sflag:s4] =	ssyncset.s32 $0xFFFFF086  }
0x25: {  	[simem:s6], [sflag:s4] =	dma.local [hbm:s3], $0xF7A  }
0x26: {  	[smem:$0x3F96] =	sst s1;
	(tag) =	ssettag s2;
	_ =	strace s9  }
0x27: {  	s1 =	sld [smem:$0x3FA6]  }
0x28: {  	s2 =	sld [smem:$0x3FA7]  }
0x29: {  	s4 =	sld [smem:$0x3FA9]  }
0x2a: {  	p0 =	seq.s32 s5, $0x0;
	s5 =	sld [smem:$0x3FAA]  }
0x2b: {  	s6 =	sld [smem:$0x3FAB]  }
0x2c: {  	s7 =	sld [smem:$0x3FAC]  }
0x2d: {  	s3 =	simm.s32 $0x108;
	s8 =	sld [smem:$0x3FAD]  }
0x2e: {  	s3 =	simm.s32 @!p0 $0x1082;
	s9 =	sld [smem:$0x3FAE]  }
0x2f: {  	lr =	sadd.s32 s0, s3;
	s0 =	sld [smem:$0x3FA5]  }
0x30: {  	s3 =	sld [smem:$0x3FA8]  }
0x31: {  	[smem:$0x3FB1] =	sst s10  }
0x32: {  	s10 =	sld [smem:$0x3FAF];
	_ =	sdelay $0x3  }
0x33: {  	p0 =	seq.s32 s10, $0x1;
	s10 =	sld [smem:$0x3FB1];
	_ =	sdelay $0x3  }
0x34: {  	[smem:$0x3FB1] =	sst s10  }
0x35: {  	s10 =	sld [smem:$0x3FB0];
	_ =	sdelay $0x3  }
0x36: {  	p1 =	seq.s32 s10, $0x1;
	s10 =	sld [smem:$0x3FB1];
	_ =	sdelay $0x3  }
0x37: {  	[smem:$0x3FB1] =	sst s10  }
0x38: {  	s10 =	sld [smem:$0x3FB2]  }
0x39: {  	_ = 	snop;
	(pc) =	sbr.ind lr, $3  }
0x3a: {  	_ = 	snop  }
0x3b: {  	_ = 	snop  }
0x3c: {  	p2 =	seq.s32 s10, $0x1;
	s10 =	sld [smem:$0x3FB1]  }
0x3d: {  	_ =	shalt  }
0x3e: {  	_ =	shalt  }
0x3f: {  	_ =	shalt  }
0x40: {  	_ =	shalt  }
0x41: {  	_ =	shalt  }
0x42: {  	_ =	shalt  }
0x43: {  	_ =	shalt  }
0x44: {  	_ =	shalt  }
0x45: {  	_ =	shalt  }
0x46: {  	_ =	shalt  }
0x47: {  	_ =	shalt  }
0x48: {  	_ =	shalt  }
0x49: {  	_ =	shalt  }
0x4a: {  	_ =	shalt  }
0x4b: {  	_ =	shalt  }
0x4c: {  	_ =	shalt  }
0x4d: {  	_ =	shalt  }
0x4e: {  	_ =	shalt  }
0x4f: {  	_ =	shalt  }
0x50: {  	_ =	shalt  }
0x51: {  	_ =	shalt  }
0x52: {  	_ =	shalt  }
0x53: {  	_ =	shalt  }
0x54: {  	_ =	shalt  }
0x55: {  	_ =	shalt  }
0x56: {  	_ =	shalt  }
0x57: {  	_ =	shalt  }
0x58: {  	_ =	shalt  }
0x59: {  	_ =	shalt  }
0x5a: {  	_ =	shalt  }
0x5b: {  	_ =	shalt  }
0x5c: {  	_ =	shalt  }
0x5d: {  	_ =	shalt  }
0x5e: {  	_ =	shalt  }
0x5f: {  	_ =	shalt  }
0x60: {  	_ =	shalt  }
0x61: {  	_ =	shalt  }
0x62: {  	_ =	shalt  }
0x63: {  	_ =	shalt  }
0x64: {  	_ =	shalt  }
0x65: {  	_ =	shalt  }
0x66: {  	_ =	shalt  }
0x67: {  	_ =	shalt  }
0x68: {  	_ =	shalt  }
0x69: {  	_ =	shalt  }
0x6a: {  	_ =	shalt  }
0x6b: {  	_ =	shalt  }
0x6c: {  	_ =	shalt  }
0x6d: {  	_ =	shalt  }
0x6e: {  	_ =	shalt  }
0x6f: {  	_ =	shalt  }
0x70: {  	_ =	shalt  }
0x71: {  	_ =	shalt  }
0x72: {  	_ =	shalt  }
0x73: {  	_ =	shalt  }
0x74: {  	_ =	shalt  }
0x75: {  	_ =	shalt  }
0x76: {  	_ =	shalt  }
0x77: {  	_ =	shalt  }
0x78: {  	_ =	shalt  }
0x79: {  	_ =	shalt  }
0x7a: {  	_ =	shalt  }
0x7b: {  	_ =	shalt  }
0x7c: {  	_ =	shalt  }
0x7d: {  	_ =	shalt  }
0x7e: {  	_ =	shalt  }
0x7f: {  	_ =	shalt  }
0x80: {  	_ =	shalt  }
0x81: {  	_ =	shalt  }
0x82: {  	_ =	shalt  }
0x83: {  	_ =	shalt  }
0x84: {  	_ =	shalt  }
0x85: {  	_ =	shalt  }
0x86: {  	_ =	shalt  }
0x87: {  	_ =	shalt  }
.Lfunc_end0:
.L_simem_size_0:
called_computation.3_lowered:
.L_overlay_start_0:
0x88: {  	s2 =	sld [smem:$0x3FD9]  }
0x89: {  	s3 =	sld [smem:$0x3FFE];
	_ =	sdelay $0x1  }
0x8a: {  	s1 =	srdreg.scid  }
0x8b: {  	s0 =	sand.u32 $0x1, s1  }
0x8c: {  	s14 =	sshll.u32 s0, $0xA;
	s2 =	sadd.s32 s3, s2  }
0x8d: {  	s2 =	sadd.s32 s2, s14  }
0x8e: {  	[smem:$0x3FBD] =	sst s2  }
0x8f: {  	_ = 	snop  }
0x90: {  	s2 =	sld [smem:$0x3FD0];
	_ =	sdelay $0x2  }
0x91: {  	s15 =	simm.s32 $0xB;
	s4 =	simm.s32 $0x10  }
0x92: {  	[smem:s4], [sflag:s15] =	dma.local [hbm:s2], $0x1  }
0x93: {  	_ =	swait.eq [sflag:s15], $0x1  }
0x94: {  	[sflag:s15] =	ssyncset.done $0x0  }
0x95: {  	[sflag:s15] =	ssyncadd.s32 $0xFFFFFFFF  }
0x96: {  	s16 =	sld [smem:$0x12];
	(tm) =	ssettm $0x1  }
0x97: {  	s17 =	sld [smem:$0x3FFB];
	_ =	sdelay $0x3  }
0x98: {  	_ =	strace s17  }
0x99: {  	s3 =	sld [smem:$0x3FFC];
	_ =	sdelay $0x3  }
0x9a: {  	_ =	strace s3  }
0x9b: {  	s3 =	sld [smem:$0x3FFD];
	_ =	sdelay $0x3  }
0x9c: {  	_ =	strace s3  }
0x9d: {  	_ =	strace $0x8FFFFFFF  }
0x9e: {  	s18 =	sld [smem:$0x3FDB];
	_ =	sdelay $0x1  }
0x9f: {  	s19 =	simm.s32 $_scs_section_size  }
0xa0: {  	s5 =	simm.s32 $_size__tile_overlayer_lowered;
	s6 =	simm.s32 $_tile_overlayer_lowered  }
0xa1: {  	s22 =	simm.s32 $0x1BFF;
	s21 =	sshll.u32 s6, $0x1;
	s3 =	sadd.s32 s19, s18  }
0xa2: {  	s7 =	simm.s32 $0x0;
	s20 =	sshll.u32 s5, $0x1;
	s5 =	sadd.s32 s21, s3  }
0xa3: {  	[timem:s7], [sflag:s22] =	dma.local [hbm:s5], s20  }
0xa4: {  	_ =	swait.ge [sflag:s22], s20  }
0xa5: {  	s4 =	ssub.s32 $0x0, s20;
	[sflag:s22] =	ssyncset.done $0x0  }
0xa6: {  	[sflag:s22] =	ssyncadd.s32 s4;
	_ =	sdelay $0x1  }
0xa7: {  	s23 =	simm.s32 $0x1B8B  }
0xa8: {  	_ =	swait.ge [sflag:s23], $0x1  }
0xa9: {  	[sflag:s23] =	ssyncset.done $0x0  }
0xaa: {  	s25 =	simm.s32 $0x1B8E;
	s24 =	sld [smem:$0x3FFE];
	[sflag:s23] =	ssyncadd.s32 $0xFFFFFFFF  }
0xab: {  	s26 =	simm.s32 $execute0_lowered;
	[smem:$0x3FD2] =	sst s25  }
0xac: {  	s5 =	sshll.u32 s26, $0x1;
	_ =	strace $0x8000004F;
	[dreg:$0x1] =	wrdreg $0xFFFFFFFF  }
0xad: {  	s28 =	simm.s32 $_size_execute0_lowered;
	s3 =	sadd.s32 s3, s5;
	[dreg:$0x0] =	wrdreg $0x0  }
0xae: {  	s5 =	sshll.u32 s28, $0x1;
	[dreg:$0x2] =	wrdreg s3  }
0xaf: {  	[dreg:$0x3] =	wrdreg s5  }
0xb0: {  	[dreg:$0x4] =	wrdreg $0xC0  }
0xb1: {  	_ =	task [dreg:s7], $0x5FFFF  }
0xb2: {  	[dreg:$0x1] =	wrdreg $0xFFFFFFFF  }
0xb3: {  	[dreg:$0x0] =	wrdreg $0x60  }
0xb4: {  	[dreg:$0x2] =	wrdreg s24  }
0xb5: {  	[dreg:$0x3] =	wrdreg s16  }
0xb6: {  	[dreg:$0x4] =	wrdreg $0x3C800  }
0xb7: {  	[dreg:$0x5] =	wrdreg $0xA  }
0xb8: {  	_ =	task.clear_ibuf [dreg:s7], $0x6FFFF;
	_ =	strace $0x9000004F  }
0xb9: {  	s29 =	simm.s32 $0xA;
	_ =	strace $0x80000051  }
0xba: {  	_ =	swait.ge [sflag:s29], $0x1  }
0xbb: {  	[sflag:s29] =	ssyncadd.s32 $0xFFFFFFFF  }
0xbc: {  	_ =	strace $0x90000051  }
0xbd: {  	_ =	sfence  }
0xbe: {  	s30 =	sld [smem:$0x0];
	_ =	sdelay $0x2  }
0xbf: {  	s31 =	sshll.u32 s1, $0xD;
	s1 =	sshrl.u32 s1, $0x2  }
0xc0: {  	s3 =	sand.u32 $0x4000, s31;
	s1 =	sadd.s32 s1, s30  }
0xc1: {  	s0 =	sor.u32 s3, s0;
	s1 =	sshll.u32 s1, $0x11  }
0xc2: {  	s0 =	sor.u32 s1, s0  }
0xc3: {  	s0 =	sadd.s32 $0x8F2B, s0  }
0xc4: {  	[sflag:s0] =	ssyncadd.remote.s32 $0x1  }
0xc5: {  	_ =	sfence.sel $0xFFFF  }
0xc6: {  	[dreg:$0x0] =	wrdreg $0xFFFFFFFF;
	(pc) =	sbr.abs _section_cstart, $3  }
0xc7: {  	[dreg:$0x1] =	wrdreg $0xFFFFFFFF  }
0xc8: {  	_ =	task.clear_ibuf [dreg:s7], $0x2FFFF;
	_ =	strace $0x9FFFFFFF  }
0xc9: {  	(tm) =	ssettm $0x7FFFFFFF  }
tec
execute0_lowered:
.L_overlay_start_1:
0x0: {  	(tag) =	ssettag $0x1  }
0x1: {  	s1 =	rddreg [dreg:$0x0]  }
0x2: {  	s7 =	rddreg [dreg:$0x1]  }
0x3: {  	s3 =	rddreg [dreg:$0x2]  }
0x4: {  	s0 =	srdreg.scid;
	s2 =	rddreg [dreg:$0x3]  }
0x5: {  	s4 =	simm.s32 $0x0;
	s19 =	simm.s32 $0x1480;
	s8 =	sand.u32 $0x1, s0  }
0x6: {  	s20 =	simm.s32 $0x1;
	s0 =	stileid.u32;
	s5 =	smul.u32 $0x13880, s8  }
0x7: {  	s21 =	simm.s32 $0x2880;
	s22 =	simm.s32 $0x1400;
	s6 =	smul.u32 $0x1388, s0  }
0x8: {  	s23 =	simm.s32 $0x0;
	[smem:$0x7FF] =	sst s4;
	s10 =	smul.u32 $0x4E000, s0  }
0x9: {  	s13 =	sadd.s32 $0x58000, s1;
	s11 =	sadd.s32 $0x62000, s1;
	s29 =	smul.u32 $0x2700, s0  }
0xa: {  	s16 =	sadd.s32 $0x124800, s3;
	s26 =	ssub.s32 $0x2, s8;
	s15 =	smul.u32 $0x138800, s8  }
0xb: {  	_ =	strace $0x80000050;
	s18 =	smul.u32 $0x27100, s8;
	s14 =	sshrl.u32 s26, $0x1  }
0xc: {  	p0 =	seq.s32 s0, $0xF;
	s12 =	sadd.s32 s6, s5;
	s14 =	ssub.s32 s26, s14  }
0xd: {  	s28 =	sshrl.u32 s10, $0x2;
	s6 =	sadd.s32 s7, s29;
	s7 =	sadd.s32 $0x24900, s7  }
0xe: {  	s15 =	sshrl.u32 s15, $0x3;
	s10 =	sadd.s32 s29, s18;
	s18 =	sshll.u32 @!p0 s0, $0x6  }
0xf: {  	s9 =	sshrl.u32 s12, $0x3;
	s17 =	sadd.s32 s28, s3;
	s15 =	sadd.s32 s11, s15  }
0x10: {  	s10 =	sadd.s32 s11, s10;
	s30 =	sadd.s32 $0x28, s12;
	s12 =	smax.u32 s14, $0x1  }
0x11: {  	s14 =	simm.s32 $0x2;
	s25 =	sadd.s32 s9, s1;
	s8 =	sadd.s32 s9, s13  }
0x12: {  	s11 =	sadd.s32 $0x24900, s15;
	s31 =	sshrl.u32 s30, $0x3;
	s15 =	sshrl.u32 @p0 s16, $0x3  }
0x13: {  	s16 =	sor.u32 @!p0 $0x1C02, s18;
	s17 =	sshrl.u32 @!p0 s17, $0x3;
	s18 =	simm.s32 $0x28  }
0x14: {  	s5 =	sadd.s32 $0x5D000, s25;
	s9 =	sadd.s32 $0x26C, s8;
	s13 =	sadd.s32 s31, s13  }
.LBB2_1:
0x15: {  	[tilespmem:s4], [sflag:$0x2] =	stream.linear.gather [hbm4b:s5+s4], $0x1388, $0x38;
	[tilespmem:$0x17500] =	vst v63  }
0x16: {  	_ =	swait.ge [sflag:s14], $0x1388  }
0x17: {  	[sflag:s14] =	ssyncset.done $0x0  }
0x18: {  	s24 =	simm.s32 @p0 $0x1FC2;
	[sflag:s14] =	ssyncadd.s32 $0xFFFFEC78  }
0x19: {  	[spmem:s15], [sflag:s24] =	dma.local @p0 [hbm:s7], $0x2800  }
0x1a: {  	s24 =	simm.s32 @p0 $0x2  }
0x1b: {  	_ =	swait.ge @p0 [sflag:s24], $0x2800  }
0x1c: {  	[sflag:s24] =	ssyncset.done @p0 $0x0  }
0x1d: {  	[sflag:s24] =	ssyncadd.s32 @p0 $0xFFFFD800;
	s24 =	simm.s32 @!p0 $0x2  }
0x1e: {  	[spmem:s17], [sflag:s16] =	dma.local @!p0 [hbm:s6], $0x2700  }
0x1f: {  	_ =	swait.ge @!p0 [sflag:s24], $0x2700  }
0x20: {  	[sflag:s24] =	ssyncset.done @!p0 $0x0  }
0x21: {  	[sflag:s24] =	ssyncadd.s32 @!p0 $0xFFFFD900  }
0x22: {  	[bflag:$0x0] =	sbarrier.arrive $0xFFFF  }
0x23: {  	[tilespmem:s19], [sflag:$0x1] =	stream.indirect.gather [hbm4b:s1+s18], $0x80, s4, s18, $0xb8;
	[tilespmem:$0x17500] =	vst v63  }
0x24: {  	_ =	swait.ge [sflag:s20], $0x1400  }
0x25: {  	[sflag:s20] =	ssyncset.done $0x0  }
0x26: {  	s30 =	simm.s32 $0x28;
	[sflag:s20] =	ssyncadd.s32 $0xFFFFEC00  }
0x27: {  	[tilespmem:s21], [sflag:$0x1] =	stream.indirect.gather [hbm4b:s1+s18], $0x80, s30, s18, $0xb8;
	[tilespmem:$0x17500] =	vst v63  }
0x28: {  	s31 =	sadd.s32 $0x0, s8  }
0x29: {  	[tilespmem:s22], [sflag:$0x2] =	stream.linear.gather [hbm4b:s31+s4], $0x28, $0x38;
	[tilespmem:$0x17500] =	vst v63  }
0x2a: {  	_ =	swait.ge [sflag:s14], $0x28  }
0x2b: {  	[sflag:s14] =	ssyncset.done $0x0  }
0x2c: {  	[sflag:s14] =	ssyncadd.s32 $0xFFFFFFD8  }
0x2d: {  	[spmem:s3] =	stream.indirect.scatter.add.f32 [tilespmem:s19], [sflag:$0x2], $0x80, s22, s18, $0xb8;
	[tilespmem:$0x17500] =	vst v63  }
0x2e: {  	_ =	swait.ge [sflag:s14], $0x1400  }
0x2f: {  	[sflag:s14] =	ssyncset.done $0x0  }
0x30: {  	[sflag:s14] =	ssyncadd.s32 $0xFFFFEC00  }
0x31: {  	_ =	swait.ge [sflag:s20], $0x1400  }
0x32: {  	[sflag:s20] =	ssyncset.done $0x0  }
0x33: {  	s24 =	simm.s32 $0x50;
	[sflag:s20] =	ssyncadd.s32 $0xFFFFEC00  }
0x34: {  	[tilespmem:s19], [sflag:$0x1] =	stream.indirect.gather [hbm4b:s1+s18], $0x80, s24, s18, $0xb8;
	[tilespmem:$0x17500] =	vst v63  }
0x35: {  	s25 =	sadd.s32 $0x0, s13  }
0x36: {  	[tilespmem:s22], [sflag:$0x2] =	stream.linear.gather [hbm4b:s25+s4], $0x28, $0x38;
	[tilespmem:$0x17500] =	vst v63  }
0x37: {  	_ =	swait.ge [sflag:s14], $0x28  }
0x38: {  	[sflag:s14] =	ssyncset.done $0x0  }
0x39: {  	[sflag:s14] =	ssyncadd.s32 $0xFFFFFFD8  }
0x3a: {  	[spmem:s3] =	stream.indirect.scatter.add.f32 [tilespmem:s21], [sflag:$0x2], $0x80, s22, s18, $0xb8;
	[tilespmem:$0x17500] =	vst v63  }
0x3b: {  	_ =	swait.ge [sflag:s14], $0x1400  }
0x3c: {  	s25 =	simm.s32 $0xA;
	[sflag:s14] =	ssyncset.done $0x0  }
.LBB2_2:
0x3d: {  	p1 =	sne.s32 s25, $0x262;
	[sflag:s14] =	ssyncadd.s32 $0xFFFFEC00;
	s24 =	sadd.s32 $0x50, s24  }
0x3e: {  	s26 =	smov.u32 s25;
	s25 =	sadd.s32 $0xA, s25;
	_ =	swait.ge [sflag:s20], $0x1400  }
0x3f: {  	[sflag:s20] =	ssyncset.done $0x0  }
0x40: {  	s28 =	sadd.s32 $0xFFFFFFD8, s24;
	[sflag:s20] =	ssyncadd.s32 $0xFFFFEC00  }
0x41: {  	[tilespmem:s21], [sflag:$0x1] =	stream.indirect.gather [hbm4b:s1+s18], $0x80, s28, s18, $0xb8;
	[tilespmem:$0x17500] =	vst v63  }
0x42: {  	s28 =	sadd.s32 s26, s8  }
0x43: {  	[tilespmem:s22], [sflag:$0x2] =	stream.linear.gather [hbm4b:s28+s4], $0x28, $0x38;
	[tilespmem:$0x17500] =	vst v63  }
0x44: {  	_ =	swait.ge [sflag:s14], $0x28  }
0x45: {  	[sflag:s14] =	ssyncset.done $0x0  }
0x46: {  	[sflag:s14] =	ssyncadd.s32 $0xFFFFFFD8  }
0x47: {  	[spmem:s3] =	stream.indirect.scatter.add.f32 [tilespmem:s19], [sflag:$0x2], $0x80, s22, s18, $0xb8;
	[tilespmem:$0x17500] =	vst v63  }
0x48: {  	_ =	swait.ge [sflag:s14], $0x1400  }
0x49: {  	[sflag:s14] =	ssyncset.done $0x0  }
0x4a: {  	[sflag:s14] =	ssyncadd.s32 $0xFFFFEC00  }
0x4b: {  	_ =	swait.ge [sflag:s20], $0x1400  }
0x4c: {  	[sflag:s20] =	ssyncset.done $0x0  }
0x4d: {  	[sflag:s20] =	ssyncadd.s32 $0xFFFFEC00  }
0x4e: {  	[tilespmem:s19], [sflag:$0x1] =	stream.indirect.gather [hbm4b:s1+s18], $0x80, s24, s18, $0xb8;
	[tilespmem:$0x17500] =	vst v63  }
0x4f: {  	s26 =	sadd.s32 s26, s13  }
0x50: {  	[tilespmem:s22], [sflag:$0x2] =	stream.linear.gather [hbm4b:s26+s4], $0x28, $0x38;
	[tilespmem:$0x17500] =	vst v63  }
0x51: {  	_ =	swait.ge [sflag:s14], $0x28  }
.Ltmp0:
0x52: {  	[sflag:s14] =	ssyncset.done $0x0;
	(pc) =	sbr.rel @p1 .LBB2_2-.Ltmp0, $4  }
0x53: {  	[sflag:s14] =	ssyncadd.s32 $0xFFFFFFD8  }
0x54: {  	[spmem:s3] =	stream.indirect.scatter.add.f32 [tilespmem:s21], [sflag:$0x2], $0x80, s22, s18, $0xb8;
	[tilespmem:$0x17500] =	vst v63  }
0x55: {  	_ =	swait.ge [sflag:s14], $0x1400  }
0x56: {  	[sflag:s14] =	ssyncset.done $0x0  }
0x57: {  	[sflag:s14] =	ssyncadd.s32 $0xFFFFEC00  }
0x58: {  	_ =	swait.ge [sflag:s20], $0x1400  }
0x59: {  	[sflag:s20] =	ssyncset.done $0x0  }
0x5a: {  	[sflag:s20] =	ssyncadd.s32 $0xFFFFEC00  }
0x5b: {  	[tilespmem:s22], [sflag:$0x2] =	stream.linear.gather [hbm4b:s9+s4], $0x28, $0x38;
	[tilespmem:$0x17500] =	vst v63  }
0x5c: {  	_ =	swait.ge [sflag:s14], $0x28  }
0x5d: {  	[sflag:s14] =	ssyncset.done $0x0  }
0x5e: {  	[sflag:s14] =	ssyncadd.s32 $0xFFFFFFD8  }
0x5f: {  	[spmem:s3] =	stream.indirect.scatter.add.f32 [tilespmem:s19], [sflag:$0x2], $0x80, s22, s18, $0xb8;
	[tilespmem:$0x17500] =	vst v63  }
0x60: {  	_ =	swait.ge [sflag:s14], $0x1400  }
0x61: {  	[sflag:s14] =	ssyncset.done $0x0  }
0x62: {  	[sflag:s14] =	ssyncadd.s32 $0xFFFFEC00  }
0x63: {  	s24 =	simm.s32 @p0 $0x1FC2;
	[bflag:$0x0] =	sbarrier.arrive $0xFFFF  }
0x64: {  	[hbm:s11], [sflag:s24] =	dma.local @p0 [spmem:s15], $0x2800  }
0x65: {  	s24 =	simm.s32 @p0 $0x2  }
0x66: {  	s23 =	sadd.s32 $0x1, s23;
	_ =	swait.ge @p0 [sflag:s24], $0x2800  }
0x67: {  	p1 =	sne.s32 s23, s12;
	[sflag:s24] =	ssyncset.done @p0 $0x0  }
.Ltmp1:
0x68: {  	[sflag:s24] =	ssyncadd.s32 @p0 $0xFFFFD800;
	s24 =	simm.s32 @!p0 $0x2;
	(pc) =	sbr.rel @p1 .LBB2_1-.Ltmp1, $4  }
0x69: {  	[hbm:s10], [sflag:s16] =	dma.local @!p0 [spmem:s17], $0x2700  }
0x6a: {  	_ =	swait.ge @!p0 [sflag:s24], $0x2700  }
0x6b: {  	[sflag:s24] =	ssyncset.done @!p0 $0x0  }
0x6c: {  	[sflag:s24] =	ssyncadd.s32 @!p0 $0xFFFFD900  }
0x6d: {  	_ =	sfence.sel $0x180000  }
0x6e: {  	[bflag:$0x0] =	sbarrier.arrive $0xFFFF  }
0x6f: {  	p0 =	sne.s32 s0, $0x0;
	_ =	strace $0x90000050  }
0x70: {  	s0 =	sadd.s32 @!p0 $0x100000, s2;
	[bflag:$0x2] =	sbarrier.arrive $0xFFFF  }
0x71: {  	[sflag:s0] =	ssyncadd.tile.s32 @!p0 $0x1;
	_ =	shalt  }
.Lfunc_end2:
_tile_overlayer_lowered:
.L_overlay_start_2:
0x72: {  	(tag) =	ssettag $0x2  }
0x73: {  	s0 =	rddreg [dreg:$0x0];
	s2 =	stileid.u32  }
0x74: {  	s1 =	rddreg [dreg:$0x1];
	p0 =	sne.s32 s2, $0x0  }
0x75: {  	s3 =	rddreg [dreg:$0x2];
	[bflag:$0x3] =	sbarrier.arrive $0xFFFF;
	s2 =	simm.s32 @!p0 $0x1C02  }
0x76: {  	[timem:s3], [sflag:s2] =	dma.local @!p0 [hbm:s0], s1  }
0x77: {  	s0 =	simm.s32 @!p0 $0x2  }
0x78: {  	_ =	swait.ge @!p0 [sflag:s0], s1  }
0x79: {  	s1 =	ssub.s32 @!p0 $0x0, s1;
	[sflag:s0] =	ssyncset.done @!p0 $0x0  }
0x7a: {  	[sflag:s0] =	ssyncadd.s32 @!p0 s1  }
0x7b: {  	[bflag:$0x3] =	sbarrier.arrive $0xFFFF  }
0x7c: {  	_ =	shalt  }

// kernel: kernel.28.cloned.1.call-start
scs
__scs_entry_jumppad:
0x0: {  	(pc) =	sbr.rel $0x88, $3  }
0x1: {  	(tag) =	ssettag $0x0;
	lr =	simm.s32 $0x1  }
0x2: {  	[smem:$0x3F96] =	sst lr;
	_ =	strace $0xD0000000  }
0x3: {  	_ = 	snop  }
0x4: {  	_ = 	snop  }
0x5: {  	_ = 	snop  }
0x6: {  	_ = 	snop  }
0x7: {  	_ = 	snop  }
__scs_overlays_trampoline_lowered:
0x8: {  	[smem:$0x3FA5] =	sst s0  }
0x9: {  	[smem:$0x3FA6] =	sst s1  }
0xa: {  	[smem:$0x3FA7] =	sst s2  }
0xb: {  	[smem:$0x3FA8] =	sst s3  }
0xc: {  	[smem:$0x3FA9] =	sst s4  }
0xd: {  	[smem:$0x3FAA] =	sst s5  }
0xe: {  	[smem:$0x3FAB] =	sst s6  }
0xf: {  	[smem:$0x3FAC] =	sst s7  }
0x10: {  	[smem:$0x3FAD] =	sst s8  }
0x11: {  	[smem:$0x3FAE] =	sst s9;
	s0 =	simm.s32 @!p0 $0x0  }
0x12: {  	s1 =	sld [smem:$0x3F94];
	s0 =	simm.s32 @p0 $0x1  }
0x13: {  	[smem:$0x3FAF] =	sst s0;
	s0 =	simm.s32 @!p1 $0x0  }
0x14: {  	s2 =	sld [smem:$0x3F93];
	s0 =	simm.s32 @p1 $0x1  }
0x15: {  	[smem:$0x3FB0] =	sst s0;
	s0 =	simm.s32 @!p2 $0x0  }
0x16: {  	s3 =	sld [smem:$0x3FDB];
	s0 =	simm.s32 @p2 $0x1  }
0x17: {  	s4 =	simm.s32 $0x1BF5;
	[smem:$0x3FB2] =	sst s0  }
0x18: {  	s0 =	sld [smem:$0x3F95];
	_ =	swait.ge [sflag:s4], $0x0  }
0x19: {  	s7 =	sld [smem:$0x3F96]  }
0x1a: {  	s8 =	sadd.s32 $0xFFFFE003, lr  }
0x1b: {  	s9 =	sadd.s32 $0xFFFFFEF7, lr;
	s5 =	simm.s32 $0xFFFFFFFF;
	p2 =	slt.u32 s8, $0xFFFFF086  }
0x1c: {  	p1 =	slt.u32 s9, $0xF7A;
	s5 =	simm.s32 @!p2 $0x0  }
0x1d: {  	s5 =	simm.s32 @p1 $0x1;
	p0 =	seq.s32 s7, s2  }
0x1e: {  	s7 =	smul.u32 @!p0 $0xF7A, s2;
	p2 =	seq.s32 @!p0 s5, $0x0  }
0x1f: {  	s9 =	smul.u32 $0xF7A, s1;
	s8 =	simm.s32 @!p0 $0x1BF5;
	p2 =	por !p2, p0  }
0x20: {  	[sflag:s8] =	ssyncset.s32 @!p0 $0xFFFFF086;
	s6 =	sadd.s32 @!p0 s3, s7;
	s7 =	simm.s32 @!p0 $0x108  }
0x21: {  	s3 =	sadd.s32 s3, s9;
	s6 =	sadd.s32 @!p0 $0x88, s6;
	s7 =	simm.s32 @p2 $0x1082  }
0x22: {  	[simem:s7], [sflag:s8] =	dma.local @!p0 [hbm:s6], $0xF7A  }
0x23: {  	s9 =	sor.u32 $0xD0000000, s2;
	s6 =	simm.s32 $0x108;
	_ =	swait.ge @!p0 [sflag:s8], $0x0  }
0x24: {  	s3 =	sadd.s32 $0x88, s3;
	s6 =	simm.s32 @!p1 $0x1082;
	[sflag:s4] =	ssyncset.s32 $0xFFFFF086  }
0x25: {  	[simem:s6], [sflag:s4] =	dma.local [hbm:s3], $0xF7A  }
0x26: {  	[smem:$0x3F96] =	sst s1;
	(tag) =	ssettag s2;
	_ =	strace s9  }
0x27: {  	s1 =	sld [smem:$0x3FA6]  }
0x28: {  	s2 =	sld [smem:$0x3FA7]  }
0x29: {  	s4 =	sld [smem:$0x3FA9]  }
0x2a: {  	p0 =	seq.s32 s5, $0x0;
	s5 =	sld [smem:$0x3FAA]  }
0x2b: {  	s6 =	sld [smem:$0x3FAB]  }
0x2c: {  	s7 =	sld [smem:$0x3FAC]  }
0x2d: {  	s3 =	simm.s32 $0x108;
	s8 =	sld [smem:$0x3FAD]  }
0x2e: {  	s3 =	simm.s32 @!p0 $0x1082;
	s9 =	sld [smem:$0x3FAE]  }
0x2f: {  	lr =	sadd.s32 s0, s3;
	s0 =	sld [smem:$0x3FA5]  }
0x30: {  	s3 =	sld [smem:$0x3FA8]  }
0x31: {  	[smem:$0x3FB1] =	sst s10  }
0x32: {  	s10 =	sld [smem:$0x3FAF];
	_ =	sdelay $0x3  }
0x33: {  	p0 =	seq.s32 s10, $0x1;
	s10 =	sld [smem:$0x3FB1];
	_ =	sdelay $0x3  }
0x34: {  	[smem:$0x3FB1] =	sst s10  }
0x35: {  	s10 =	sld [smem:$0x3FB0];
	_ =	sdelay $0x3  }
0x36: {  	p1 =	seq.s32 s10, $0x1;
	s10 =	sld [smem:$0x3FB1];
	_ =	sdelay $0x3  }
0x37: {  	[smem:$0x3FB1] =	sst s10  }
0x38: {  	s10 =	sld [smem:$0x3FB2]  }
0x39: {  	_ = 	snop;
	(pc) =	sbr.ind lr, $3  }
0x3a: {  	_ = 	snop  }
0x3b: {  	_ = 	snop  }
0x3c: {  	p2 =	seq.s32 s10, $0x1;
	s10 =	sld [smem:$0x3FB1]  }
0x3d: {  	_ =	shalt  }
0x3e: {  	_ =	shalt  }
0x3f: {  	_ =	shalt  }
0x40: {  	_ =	shalt  }
0x41: {  	_ =	shalt  }
0x42: {  	_ =	shalt  }
0x43: {  	_ =	shalt  }
0x44: {  	_ =	shalt  }
0x45: {  	_ =	shalt  }
0x46: {  	_ =	shalt  }
0x47: {  	_ =	shalt  }
0x48: {  	_ =	shalt  }
0x49: {  	_ =	shalt  }
0x4a: {  	_ =	shalt  }
0x4b: {  	_ =	shalt  }
0x4c: {  	_ =	shalt  }
0x4d: {  	_ =	shalt  }
0x4e: {  	_ =	shalt  }
0x4f: {  	_ =	shalt  }
0x50: {  	_ =	shalt  }
0x51: {  	_ =	shalt  }
0x52: {  	_ =	shalt  }
0x53: {  	_ =	shalt  }
0x54: {  	_ =	shalt  }
0x55: {  	_ =	shalt  }
0x56: {  	_ =	shalt  }
0x57: {  	_ =	shalt  }
0x58: {  	_ =	shalt  }
0x59: {  	_ =	shalt  }
0x5a: {  	_ =	shalt  }
0x5b: {  	_ =	shalt  }
0x5c: {  	_ =	shalt  }
0x5d: {  	_ =	shalt  }
0x5e: {  	_ =	shalt  }
0x5f: {  	_ =	shalt  }
0x60: {  	_ =	shalt  }
0x61: {  	_ =	shalt  }
0x62: {  	_ =	shalt  }
0x63: {  	_ =	shalt  }
0x64: {  	_ =	shalt  }
0x65: {  	_ =	shalt  }
0x66: {  	_ =	shalt  }
0x67: {  	_ =	shalt  }
0x68: {  	_ =	shalt  }
0x69: {  	_ =	shalt  }
0x6a: {  	_ =	shalt  }
0x6b: {  	_ =	shalt  }
0x6c: {  	_ =	shalt  }
0x6d: {  	_ =	shalt  }
0x6e: {  	_ =	shalt  }
0x6f: {  	_ =	shalt  }
0x70: {  	_ =	shalt  }
0x71: {  	_ =	shalt  }
0x72: {  	_ =	shalt  }
0x73: {  	_ =	shalt  }
0x74: {  	_ =	shalt  }
0x75: {  	_ =	shalt  }
0x76: {  	_ =	shalt  }
0x77: {  	_ =	shalt  }
0x78: {  	_ =	shalt  }
0x79: {  	_ =	shalt  }
0x7a: {  	_ =	shalt  }
0x7b: {  	_ =	shalt  }
0x7c: {  	_ =	shalt  }
0x7d: {  	_ =	shalt  }
0x7e: {  	_ =	shalt  }
0x7f: {  	_ =	shalt  }
0x80: {  	_ =	shalt  }
0x81: {  	_ =	shalt  }
0x82: {  	_ =	shalt  }
0x83: {  	_ =	shalt  }
0x84: {  	_ =	shalt  }
0x85: {  	_ =	shalt  }
0x86: {  	_ =	shalt  }
0x87: {  	_ =	shalt  }
.Lfunc_end0:
.L_simem_size_0:
called_computation.4_lowered:
.L_overlay_start_0:
0x88: {  	s2 =	sld [smem:$0x3FD9]  }
0x89: {  	s3 =	sld [smem:$0x3FFE];
	_ =	sdelay $0x1  }
0x8a: {  	s1 =	srdreg.scid  }
0x8b: {  	s0 =	sand.u32 $0x1, s1  }
0x8c: {  	s17 =	sshll.u32 s0, $0xA;
	s2 =	sadd.s32 s3, s2  }
0x8d: {  	s2 =	sadd.s32 s2, s17  }
0x8e: {  	[smem:$0x3FBD] =	sst s2  }
0x8f: {  	_ = 	snop  }
0x90: {  	s18 =	sld [smem:$0x3FC9];
	(tm) =	ssettm $0x1  }
0x91: {  	s19 =	sld [smem:$0x3FFB];
	_ =	sdelay $0x3  }
0x92: {  	_ =	strace s19  }
0x93: {  	s2 =	sld [smem:$0x3FFC];
	_ =	sdelay $0x3  }
0x94: {  	_ =	strace s2  }
0x95: {  	s2 =	sld [smem:$0x3FFD];
	_ =	sdelay $0x3  }
0x96: {  	_ =	strace s2  }
0x97: {  	_ =	strace $0x8FFFFFFF  }
0x98: {  	s20 =	sld [smem:$0x3FDB];
	_ =	sdelay $0x1  }
0x99: {  	s4 =	simm.s32 $_scs_section_size  }
0x9a: {  	s5 =	simm.s32 $_size__tile_overlayer_lowered;
	s6 =	simm.s32 $_tile_overlayer_lowered  }
0x9b: {  	s7 =	simm.s32 $0x1BFF;
	s21 =	sshll.u32 s6, $0x1;
	s4 =	sadd.s32 s4, s20  }
0x9c: {  	s22 =	simm.s32 $0x0;
	s5 =	sshll.u32 s5, $0x1;
	s6 =	sadd.s32 s21, s4  }
0x9d: {  	[timem:s22], [sflag:s7] =	dma.local [hbm:s6], s5  }
0x9e: {  	_ =	swait.ge [sflag:s7], s5  }
0x9f: {  	s5 =	ssub.s32 $0x0, s5;
	[sflag:s7] =	ssyncset.done $0x0  }
0xa0: {  	[sflag:s7] =	ssyncadd.s32 s5;
	_ =	sdelay $0x1  }
0xa1: {  	s23 =	simm.s32 $0x1B8B  }
0xa2: {  	_ =	swait.ge [sflag:s23], $0x1  }
0xa3: {  	[sflag:s23] =	ssyncset.done $0x0  }
0xa4: {  	[sflag:s23] =	ssyncadd.s32 $0xFFFFFFFF  }
0xa5: {  	s5 =	sld [smem:$0x0]  }
0xa6: {  	s6 =	sand.u32 $0xFFFFFFFE, s1  }
0xa7: {  	p0 =	sne.s32 s1, s6  }
0xa8: {  	s6 =	sshll.u32 @p0 s6, $0xE  }
0xa9: {  	s6 =	sadd.s32 @p0 $0x11B8D, s6;
	s7 =	sshll.u32 @p0 s5, $0x11  }
0xaa: {  	s6 =	sor.u32 @p0 s7, s6  }
0xab: {  	[sflag:s6] =	ssyncadd.remote.s32 @p0 $0x1;
	_ =	sdelay $0x1  }
0xac: {  	s6 =	simm.s32 @p0 $0x1B8D  }
0xad: {  	_ =	swait.eq @p0 [sflag:s6], $0x1  }
0xae: {  	[sflag:s6] =	ssyncadd.s32 @p0 $0xFFFFFFFF  }
0xaf: {  	s7 =	sshll.u32 @!p0 s1, $0xE  }
0xb0: {  	s7 =	sor.u32 @!p0 $0x4000, s7;
	s6 =	simm.s32 @!p0 $0x1B8D  }
0xb1: {  	s5 =	sshll.u32 @!p0 s5, $0x11;
	s7 =	sadd.s32 @!p0 $0x11B8D, s7;
	_ =	swait.eq @!p0 [sflag:s6], $0x1  }
0xb2: {  	s5 =	sor.u32 @!p0 s5, s7;
	[sflag:s6] =	ssyncadd.s32 @!p0 $0xFFFFFFFF  }
0xb3: {  	s25 =	simm.s32 $0x1B8E;
	s24 =	sld [smem:$0x3FFE];
	[sflag:s5] =	ssyncadd.remote.s32 @!p0 $0x1  }
0xb4: {  	s26 =	simm.s32 $execute0_lowered;
	[smem:$0x3FD2] =	sst s25  }
0xb5: {  	s6 =	sshll.u32 s26, $0x1;
	_ =	strace $0x80000052;
	[dreg:$0x1] =	wrdreg $0xFFFFFFFF  }
0xb6: {  	s28 =	simm.s32 $_size_execute0_lowered;
	s4 =	sadd.s32 s4, s6;
	[dreg:$0x0] =	wrdreg $0x0  }
0xb7: {  	s6 =	sshll.u32 s28, $0x1;
	[dreg:$0x2] =	wrdreg s4  }
0xb8: {  	[dreg:$0x3] =	wrdreg s6  }
0xb9: {  	[dreg:$0x4] =	wrdreg $0xC0  }
0xba: {  	_ =	task [dreg:s22], $0x5FFFF  }
0xbb: {  	[dreg:$0x1] =	wrdreg $0xFFFFFFFF  }
0xbc: {  	[dreg:$0x0] =	wrdreg $0x60  }
0xbd: {  	[dreg:$0x2] =	wrdreg s18  }
0xbe: {  	[dreg:$0x3] =	wrdreg s24  }
0xbf: {  	[dreg:$0x4] =	wrdreg $0x9  }
0xc0: {  	_ =	task.clear_ibuf [dreg:s22], $0x5FFFF;
	_ =	strace $0x90000052  }
0xc1: {  	s29 =	simm.s32 $0x9;
	_ =	strace $0x80000054  }
0xc2: {  	_ =	swait.ge [sflag:s29], $0x1  }
0xc3: {  	[sflag:s29] =	ssyncadd.s32 $0xFFFFFFFF  }
0xc4: {  	_ =	strace $0x90000054  }
0xc5: {  	_ =	sfence  }
0xc6: {  	s30 =	sld [smem:$0x0];
	_ =	sdelay $0x2  }
0xc7: {  	s31 =	sshll.u32 s1, $0xD;
	s1 =	sshrl.u32 s1, $0x2  }
0xc8: {  	s4 =	sand.u32 $0x4000, s31;
	s1 =	sadd.s32 s1, s30  }
0xc9: {  	s0 =	sor.u32 s4, s0;
	s1 =	sshll.u32 s1, $0x11  }
0xca: {  	s0 =	sor.u32 s1, s0  }
0xcb: {  	s0 =	sadd.s32 $0x8F2B, s0  }
0xcc: {  	[sflag:s0] =	ssyncadd.remote.s32 $0x1  }
0xcd: {  	_ =	sfence.sel $0xFFFF  }
0xce: {  	[dreg:$0x0] =	wrdreg $0xFFFFFFFF;
	(pc) =	sbr.abs _section_cstart, $3  }
0xcf: {  	[dreg:$0x1] =	wrdreg $0xFFFFFFFF  }
0xd0: {  	_ =	task.clear_ibuf [dreg:s22], $0x2FFFF;
	_ =	strace $0x9FFFFFFF  }
0xd1: {  	(tm) =	ssettm $0x7FFFFFFF  }
tec
execute0_lowered:
.L_overlay_start_1:
0x0: {  	(tag) =	ssettag $0x1  }
0x1: {  	s2 =	rddreg [dreg:$0x0]  }
0x2: {  	s7 =	rddreg [dreg:$0x1]  }
0x3: {  	s0 =	srdreg.scid;
	s1 =	rddreg [dreg:$0x2]  }
0x4: {  	s3 =	simm.s32 $0x0;
	s11 =	simm.s32 $0x1400;
	s12 =	simm.s32 $0x28  }
0x5: {  	s13 =	simm.s32 $0x2800;
	s14 =	simm.s32 $0x3C00;
	s5 =	sand.u32 $0x1, s0  }
0x6: {  	s15 =	simm.s32 $0x1;
	s0 =	stileid.u32;
	s4 =	smul.u32 $0x13880, s5  }
0x7: {  	s16 =	simm.s32 $0x5000;
	s17 =	simm.s32 $0x6400;
	s6 =	smul.u32 $0x1388, s0  }
0x8: {  	s18 =	simm.s32 $0x2;
	s19 =	simm.s32 $0x0;
	[smem:$0x7FF] =	sst s3  }
0x9: {  	s8 =	ssub.s32 $0x2, s5;
	_ =	strace $0x80000053;
	s4 =	sadd.s32 s6, s4  }
0xa: {  	s5 =	sadd.s32 $0xB0200, s7;
	s30 =	sshrl.u32 s8, $0x1;
	s6 =	sshrl.u32 s4, $0x3  }
0xb: {  	s10 =	ssub.s32 s8, s30;
	s31 =	sshll.u32 s4, $0x4;
	s9 =	sadd.s32 s6, s7  }
0xc: {  	s8 =	sadd.s32 s31, s5;
	s6 =	sadd.s32 $0x5D000, s9;
	s7 =	sadd.s32 $0x58000, s9  }
0xd: {  	s8 =	sadd.s32 $0x13600, s8;
	s9 =	smax.u32 s10, $0x1;
	s10 =	simm.s32 $0x3  }
.LBB2_1:
0xe: {  	[tilespmem:s3], [sflag:$0x3] =	stream.linear.gather [hbm4b:s6+s3], $0x1388, $0x38;
	[tilespmem:$0x7800] =	vst v63  }
0xf: {  	_ =	swait.ge [sflag:s10], $0x1388  }
0x10: {  	[sflag:s10] =	ssyncset.done $0x0  }
0x11: {  	[sflag:s10] =	ssyncadd.s32 $0xFFFFEC78  }
0x12: {  	[tilespmem:s11], [sflag:$0x3] =	stream.linear.gather [hbm4b:s7+s3], $0x1388, $0x38;
	[tilespmem:$0x7800] =	vst v63  }
0x13: {  	_ =	swait.ge [sflag:s10], $0x1388  }
0x14: {  	[sflag:s10] =	ssyncset.done $0x0  }
0x15: {  	[sflag:s10] =	ssyncadd.s32 $0xFFFFEC78  }
0x16: {  	[tilespmem:s13], [sflag:$0x1] =	stream.indirect.gather [hbm4b:s2+s12], $0x80, s3, s12, $0xb8;
	[tilespmem:$0x7800] =	vst v63  }
0x17: {  	s20 =	simm.s32 $0x0  }
0x18: {  	[tilespmem:s14], [sflag:$0x1] =	stream.indirect.gather [hbm4b:s2+s12], $0x80, s11, s12, $0xb8;
	[tilespmem:$0x7800] =	vst v63  }
.LBB2_2:
0x19: {  	_ =	swait.ge [sflag:s15], $0x1400  }
0x1a: {  	[sflag:s15] =	ssyncset.done $0x0  }
0x1b: {  	[sflag:s15] =	ssyncadd.s32 $0xFFFFEC00  }
0x1c: {  	s22 =	smul.u32 $0x50, s20;
	_ =	swait.ge [sflag:s15], $0x1400  }
0x1d: {  	[sflag:s15] =	ssyncset.done $0x0  }
0x1e: {  	s21 =	sadd.s32 $0x28, s22;
	[sflag:s15] =	ssyncadd.s32 $0xFFFFEC00  }
0x1f: {  	[tilespmem:s16], [sflag:$0x2] =	stream.indirect.gather [hbm4b:s2+s12], $0x80, s21, s12, $0xb8;
	[tilespmem:$0x7800] =	vst v63  }
0x20: {  	s23 =	sadd.s32 $0x1428, s22  }
0x21: {  	[tilespmem:s17], [sflag:$0x2] =	stream.indirect.gather [hbm4b:s2+s12], $0x80, s23, s12, $0xb8;
	[tilespmem:$0x7800] =	vst v63  }
0x22: {  	s23 =	simm.s32 $0x0  }
0x23: {  	v6 =	vld [tilespmem:s23+$0x3C00]  }
0x24: {  	v11 =	vld [tilespmem:s23+$0x3C10]  }
0x25: {  	v5 =	vld [tilespmem:s23+$0x3C20]  }
0x26: {  	v4 =	vld [tilespmem:s23+$0x3C30]  }
0x27: {  	v3 =	vld [tilespmem:s23+$0x3C40]  }
0x28: {  	v2 =	vld [tilespmem:s23+$0x3C50]  }
0x29: {  	v1 =	vld [tilespmem:s23+$0x3C60]  }
0x2a: {  	v0 =	vld [tilespmem:s23+$0x3C70]  }
0x2b: {  	v12 =	vld [tilespmem:s23+$0x2800]  }
0x2c: {  	v13 =	vld [tilespmem:s23+$0x2810]  }
0x2d: {  	v10 =	vld [tilespmem:s23+$0x2820]  }
0x2e: {  	v9 =	vld [tilespmem:s23+$0x2830]  }
0x2f: {  	v8 =	vld [tilespmem:s23+$0x2840]  }
0x30: {  	v7 =	vld [tilespmem:s23+$0x2850];
	v12 =	vsub.f32 v12, v6  }
0x31: {  	s24 =	simm.s32 $0x200;
	v11 =	vsub.f32 v13, v11;
	v6 =	vld [tilespmem:s23+$0x2860]  }
.LBB2_3:
0x32: {  	s25 =	sshra.s32 s24, $0x2;
	p0 =	sne.s32 s24, $0x4E00;
	v12 =	vand.u32 $0x7FFFFFFF, v12;
	v5 =	vsub.f32 v10, v5;
	v10 =	vld [tilespmem:s23+$0x2870]  }
0x33: {  	v13 =	vld [tilespmem:s25+$0x3C00];
	[tilespmem:s23+$0x2800] =	vst v12;
	v11 =	vand.u32 $0x7FFFFFFF, v11;
	v4 =	vsub.f32 v9, v4  }
0x34: {  	v14 =	vld [tilespmem:s25+$0x3C10];
	[tilespmem:s23+$0x2810] =	vst v11;
	v9 =	vand.u32 $0x7FFFFFFF, v5;
	v3 =	vsub.f32 v8, v3  }
0x35: {  	v5 =	vld [tilespmem:s25+$0x3C20];
	[tilespmem:s23+$0x2820] =	vst v9;
	v8 =	vand.u32 $0x7FFFFFFF, v4;
	v2 =	vsub.f32 v7, v2  }
0x36: {  	v4 =	vld [tilespmem:s25+$0x3C30];
	[tilespmem:s23+$0x2830] =	vst v8;
	v7 =	vand.u32 $0x7FFFFFFF, v3;
	v1 =	vsub.f32 v6, v1  }
0x37: {  	v3 =	vld [tilespmem:s25+$0x3C40];
	[tilespmem:s23+$0x2840] =	vst v7;
	v6 =	vand.u32 $0x7FFFFFFF, v2;
	v0 =	vsub.f32 v10, v0  }
0x38: {  	v2 =	vld [tilespmem:s25+$0x3C50];
	[tilespmem:s23+$0x2850] =	vst v6;
	v6 =	vand.u32 $0x7FFFFFFF, v1  }
0x39: {  	v1 =	vld [tilespmem:s25+$0x3C60];
	[tilespmem:s23+$0x2860] =	vst v6;
	v6 =	vand.u32 $0x7FFFFFFF, v0  }
0x3a: {  	v0 =	vld [tilespmem:s25+$0x3C70];
	[tilespmem:s23+$0x2870] =	vst v6;
	s23 =	smov.u32 s25  }
0x3b: {  	v6 =	vld [tilespmem:s23+$0x2800]  }
0x3c: {  	v11 =	vld [tilespmem:s23+$0x2810]  }
.Ltmp0:
0x3d: {  	v10 =	vld [tilespmem:s23+$0x2820];
	(pc) =	sbr.rel @p0 .LBB2_3-.Ltmp0, $4  }
0x3e: {  	v9 =	vld [tilespmem:s23+$0x2830]  }
0x3f: {  	v8 =	vld [tilespmem:s23+$0x2840]  }
0x40: {  	v12 =	vsub.f32 v6, v13;
	v7 =	vld [tilespmem:s23+$0x2850]  }
0x41: {  	s24 =	sadd.s32 $0x200, s24;
	v11 =	vsub.f32 v11, v14;
	v6 =	vld [tilespmem:s23+$0x2860]  }
0x42: {  	v12 =	vand.u32 $0x7FFFFFFF, v12;
	v5 =	vsub.f32 v10, v5;
	v10 =	vld [tilespmem:s23+$0x2870]  }
0x43: {  	[tilespmem:s23+$0x2800] =	vst v12;
	v11 =	vand.u32 $0x7FFFFFFF, v11;
	v4 =	vsub.f32 v9, v4  }
0x44: {  	[tilespmem:s23+$0x2810] =	vst v11;
	v5 =	vand.u32 $0x7FFFFFFF, v5;
	v3 =	vsub.f32 v8, v3  }
0x45: {  	[tilespmem:s23+$0x2820] =	vst v5;
	v4 =	vand.u32 $0x7FFFFFFF, v4;
	v2 =	vsub.f32 v7, v2  }
0x46: {  	[tilespmem:s23+$0x2830] =	vst v4;
	v3 =	vand.u32 $0x7FFFFFFF, v3;
	v1 =	vsub.f32 v6, v1  }
0x47: {  	[tilespmem:s23+$0x2840] =	vst v3;
	v2 =	vand.u32 $0x7FFFFFFF, v2;
	v0 =	vsub.f32 v10, v0  }
0x48: {  	s24 =	sadd.s32 s4, s22;
	[tilespmem:s23+$0x2850] =	vst v2;
	v1 =	vand.u32 $0x7FFFFFFF, v1  }
0x49: {  	s24 =	sshll.u32 s24, $0x4;
	[tilespmem:s23+$0x2860] =	vst v1;
	v0 =	vand.u32 $0x7FFFFFFF, v0  }
0x4a: {  	s29 =	simm.s32 $0x0;
	s28 =	sadd.s32 s5, s24;
	[tilespmem:s23+$0x2870] =	vst v0  }
0x4b: {  	[hbm4b:s28+s29] =	stream.linear.scatter [tilespmem:s13], [sflag:$0x3], $0x1400, $0x38;
	[tilespmem:$0x7800] =	vst v63  }
0x4c: {  	_ =	swait.ge [sflag:s10], $0x1400  }
0x4d: {  	[sflag:s10] =	ssyncset.done $0x0  }
0x4e: {  	[sflag:s10] =	ssyncadd.s32 $0xFFFFEC00  }
0x4f: {  	_ =	swait.ge [sflag:s18], $0x1400  }
0x50: {  	[sflag:s18] =	ssyncset.done $0x0  }
0x51: {  	[sflag:s18] =	ssyncadd.s32 $0xFFFFEC00  }
0x52: {  	_ =	swait.ge [sflag:s18], $0x1400  }
0x53: {  	[sflag:s18] =	ssyncset.done $0x0  }
0x54: {  	s30 =	sadd.s32 $0x50, s22;
	[sflag:s18] =	ssyncadd.s32 $0xFFFFEC00  }
0x55: {  	[tilespmem:s13], [sflag:$0x1] =	stream.indirect.gather [hbm4b:s2+s12], $0x80, s30, s12, $0xb8;
	[tilespmem:$0x7800] =	vst v63  }
0x56: {  	s31 =	sadd.s32 $0x1450, s22;
	s22 =	simm.s32 $0x0  }
0x57: {  	[tilespmem:s14], [sflag:$0x1] =	stream.indirect.gather [hbm4b:s2+s12], $0x80, s31, s12, $0xb8;
	[tilespmem:$0x7800] =	vst v63  }
0x58: {  	v6 =	vld [tilespmem:s22+$0x6400]  }
0x59: {  	v11 =	vld [tilespmem:s22+$0x6410]  }
0x5a: {  	v5 =	vld [tilespmem:s22+$0x6420]  }
0x5b: {  	v4 =	vld [tilespmem:s22+$0x6430]  }
0x5c: {  	v3 =	vld [tilespmem:s22+$0x6440]  }
0x5d: {  	v2 =	vld [tilespmem:s22+$0x6450]  }
0x5e: {  	v1 =	vld [tilespmem:s22+$0x6460]  }
0x5f: {  	v0 =	vld [tilespmem:s22+$0x6470]  }
0x60: {  	v12 =	vld [tilespmem:s22+$0x5000]  }
0x61: {  	v13 =	vld [tilespmem:s22+$0x5010]  }
0x62: {  	v10 =	vld [tilespmem:s22+$0x5020]  }
0x63: {  	v9 =	vld [tilespmem:s22+$0x5030]  }
0x64: {  	v8 =	vld [tilespmem:s22+$0x5040]  }
0x65: {  	v7 =	vld [tilespmem:s22+$0x5050];
	v12 =	vsub.f32 v12, v6  }
0x66: {  	s23 =	simm.s32 $0x200;
	v11 =	vsub.f32 v13, v11;
	v6 =	vld [tilespmem:s22+$0x5060]  }
.LBB2_5:
0x67: {  	s24 =	sshra.s32 s23, $0x2;
	p0 =	sne.s32 s23, $0x4E00;
	v12 =	vand.u32 $0x7FFFFFFF, v12;
	v5 =	vsub.f32 v10, v5;
	v10 =	vld [tilespmem:s22+$0x5070]  }
0x68: {  	v13 =	vld [tilespmem:s24+$0x6400];
	[tilespmem:s22+$0x5000] =	vst v12;
	v11 =	vand.u32 $0x7FFFFFFF, v11;
	v4 =	vsub.f32 v9, v4  }
0x69: {  	v14 =	vld [tilespmem:s24+$0x6410];
	[tilespmem:s22+$0x5010] =	vst v11;
	v9 =	vand.u32 $0x7FFFFFFF, v5;
	v3 =	vsub.f32 v8, v3  }
0x6a: {  	v5 =	vld [tilespmem:s24+$0x6420];
	[tilespmem:s22+$0x5020] =	vst v9;
	v8 =	vand.u32 $0x7FFFFFFF, v4;
	v2 =	vsub.f32 v7, v2  }
0x6b: {  	v4 =	vld [tilespmem:s24+$0x6430];
	[tilespmem:s22+$0x5030] =	vst v8;
	v7 =	vand.u32 $0x7FFFFFFF, v3;
	v1 =	vsub.f32 v6, v1  }
0x6c: {  	v3 =	vld [tilespmem:s24+$0x6440];
	[tilespmem:s22+$0x5040] =	vst v7;
	v6 =	vand.u32 $0x7FFFFFFF, v2;
	v0 =	vsub.f32 v10, v0  }
0x6d: {  	v2 =	vld [tilespmem:s24+$0x6450];
	[tilespmem:s22+$0x5050] =	vst v6;
	v6 =	vand.u32 $0x7FFFFFFF, v1  }
0x6e: {  	v1 =	vld [tilespmem:s24+$0x6460];
	[tilespmem:s22+$0x5060] =	vst v6;
	v6 =	vand.u32 $0x7FFFFFFF, v0  }
0x6f: {  	v0 =	vld [tilespmem:s24+$0x6470];
	[tilespmem:s22+$0x5070] =	vst v6;
	s22 =	smov.u32 s24  }
0x70: {  	v6 =	vld [tilespmem:s22+$0x5000]  }
0x71: {  	v11 =	vld [tilespmem:s22+$0x5010]  }
.Ltmp1:
0x72: {  	v10 =	vld [tilespmem:s22+$0x5020];
	(pc) =	sbr.rel @p0 .LBB2_5-.Ltmp1, $4  }
0x73: {  	v9 =	vld [tilespmem:s22+$0x5030]  }
0x74: {  	v8 =	vld [tilespmem:s22+$0x5040]  }
0x75: {  	v12 =	vsub.f32 v6, v13;
	v7 =	vld [tilespmem:s22+$0x5050]  }
0x76: {  	s23 =	sadd.s32 $0x200, s23;
	v11 =	vsub.f32 v11, v14;
	v6 =	vld [tilespmem:s22+$0x5060]  }
0x77: {  	v12 =	vand.u32 $0x7FFFFFFF, v12;
	v5 =	vsub.f32 v10, v5;
	v63 =	vld [tilespmem:s22+$0x5070]  }
0x78: {  	[tilespmem:s22+$0x5000] =	vst v12;
	v11 =	vand.u32 $0x7FFFFFFF, v11;
	v4 =	vsub.f32 v9, v4  }
0x79: {  	[tilespmem:s22+$0x5010] =	vst v11;
	v5 =	vand.u32 $0x7FFFFFFF, v5;
	v3 =	vsub.f32 v8, v3  }
0x7a: {  	[tilespmem:s22+$0x5020] =	vst v5;
	v4 =	vand.u32 $0x7FFFFFFF, v4;
	v2 =	vsub.f32 v7, v2  }
0x7b: {  	[tilespmem:s22+$0x5030] =	vst v4;
	v3 =	vand.u32 $0x7FFFFFFF, v3;
	v1 =	vsub.f32 v6, v1  }
0x7c: {  	[tilespmem:s22+$0x5040] =	vst v3;
	v2 =	vand.u32 $0x7FFFFFFF, v2;
	v0 =	vsub.f32 v63, v0  }
0x7d: {  	s21 =	sadd.s32 s4, s21;
	s20 =	sadd.s32 $0x1, s20;
	[tilespmem:s22+$0x5050] =	vst v2;
	v1 =	vand.u32 $0x7FFFFFFF, v1  }
0x7e: {  	s21 =	sshll.u32 s21, $0x4;
	p0 =	sne.s32 s20, $0x3E;
	[tilespmem:s22+$0x5060] =	vst v1;
	v0 =	vand.u32 $0x7FFFFFFF, v0  }
.Ltmp2:
0x7f: {  	s21 =	sadd.s32 s5, s21;
	[tilespmem:s22+$0x5070] =	vst v0;
	(pc) =	sbr.rel @p0 .LBB2_2-.Ltmp2, $4  }
0x80: {  	[hbm4b:s21+s3] =	stream.linear.scatter [tilespmem:s16], [sflag:$0x3], $0x1400, $0x38;
	[tilespmem:$0x7800] =	vst v63  }
0x81: {  	_ =	swait.ge [sflag:s10], $0x1400  }
0x82: {  	[sflag:s10] =	ssyncset.done $0x0  }
0x83: {  	[sflag:s10] =	ssyncadd.s32 $0xFFFFEC00  }
0x84: {  	_ =	swait.ge [sflag:s15], $0x1400  }
0x85: {  	[sflag:s15] =	ssyncset.done $0x0  }
0x86: {  	[sflag:s15] =	ssyncadd.s32 $0xFFFFEC00  }
0x87: {  	_ =	swait.ge [sflag:s15], $0x1400  }
0x88: {  	[sflag:s15] =	ssyncset.done $0x0  }
0x89: {  	s20 =	simm.s32 $0x0;
	[sflag:s15] =	ssyncadd.s32 $0xFFFFEC00  }
0x8a: {  	v6 =	vld [tilespmem:s20+$0x3C00]  }
0x8b: {  	v11 =	vld [tilespmem:s20+$0x3C10]  }
0x8c: {  	v5 =	vld [tilespmem:s20+$0x3C20]  }
0x8d: {  	v4 =	vld [tilespmem:s20+$0x3C30]  }
0x8e: {  	v3 =	vld [tilespmem:s20+$0x3C40]  }
0x8f: {  	v2 =	vld [tilespmem:s20+$0x3C50]  }
0x90: {  	v1 =	vld [tilespmem:s20+$0x3C60]  }
0x91: {  	v0 =	vld [tilespmem:s20+$0x3C70]  }
0x92: {  	v12 =	vld [tilespmem:s20+$0x2800]  }
0x93: {  	v13 =	vld [tilespmem:s20+$0x2810]  }
0x94: {  	v10 =	vld [tilespmem:s20+$0x2820]  }
0x95: {  	v9 =	vld [tilespmem:s20+$0x2830]  }
0x96: {  	v8 =	vld [tilespmem:s20+$0x2840]  }
0x97: {  	v7 =	vld [tilespmem:s20+$0x2850];
	v12 =	vsub.f32 v12, v6  }
0x98: {  	s21 =	simm.s32 $0x200;
	v11 =	vsub.f32 v13, v11;
	v6 =	vld [tilespmem:s20+$0x2860]  }
.LBB2_8:
0x99: {  	s22 =	sshra.s32 s21, $0x2;
	p0 =	sne.s32 s21, $0x4E00;
	v12 =	vand.u32 $0x7FFFFFFF, v12;
	v5 =	vsub.f32 v10, v5;
	v10 =	vld [tilespmem:s20+$0x2870]  }
0x9a: {  	v13 =	vld [tilespmem:s22+$0x3C00];
	[tilespmem:s20+$0x2800] =	vst v12;
	v11 =	vand.u32 $0x7FFFFFFF, v11;
	v4 =	vsub.f32 v9, v4  }
0x9b: {  	v14 =	vld [tilespmem:s22+$0x3C10];
	[tilespmem:s20+$0x2810] =	vst v11;
	v9 =	vand.u32 $0x7FFFFFFF, v5;
	v3 =	vsub.f32 v8, v3  }
0x9c: {  	v5 =	vld [tilespmem:s22+$0x3C20];
	[tilespmem:s20+$0x2820] =	vst v9;
	v8 =	vand.u32 $0x7FFFFFFF, v4;
	v2 =	vsub.f32 v7, v2  }
0x9d: {  	v4 =	vld [tilespmem:s22+$0x3C30];
	[tilespmem:s20+$0x2830] =	vst v8;
	v7 =	vand.u32 $0x7FFFFFFF, v3;
	v1 =	vsub.f32 v6, v1  }
0x9e: {  	v3 =	vld [tilespmem:s22+$0x3C40];
	[tilespmem:s20+$0x2840] =	vst v7;
	v6 =	vand.u32 $0x7FFFFFFF, v2;
	v0 =	vsub.f32 v10, v0  }
0x9f: {  	v2 =	vld [tilespmem:s22+$0x3C50];
	[tilespmem:s20+$0x2850] =	vst v6;
	v6 =	vand.u32 $0x7FFFFFFF, v1  }
0xa0: {  	v1 =	vld [tilespmem:s22+$0x3C60];
	[tilespmem:s20+$0x2860] =	vst v6;
	v6 =	vand.u32 $0x7FFFFFFF, v0  }
0xa1: {  	v0 =	vld [tilespmem:s22+$0x3C70];
	[tilespmem:s20+$0x2870] =	vst v6;
	s20 =	smov.u32 s22  }
0xa2: {  	v6 =	vld [tilespmem:s20+$0x2800]  }
0xa3: {  	v11 =	vld [tilespmem:s20+$0x2810]  }
.Ltmp3:
0xa4: {  	v10 =	vld [tilespmem:s20+$0x2820];
	(pc) =	sbr.rel @p0 .LBB2_8-.Ltmp3, $4  }
0xa5: {  	v9 =	vld [tilespmem:s20+$0x2830]  }
0xa6: {  	v8 =	vld [tilespmem:s20+$0x2840]  }
0xa7: {  	v12 =	vsub.f32 v6, v13;
	v7 =	vld [tilespmem:s20+$0x2850]  }
0xa8: {  	s21 =	sadd.s32 $0x200, s21;
	v11 =	vsub.f32 v11, v14;
	v6 =	vld [tilespmem:s20+$0x2860]  }
0xa9: {  	v12 =	vand.u32 $0x7FFFFFFF, v12;
	v5 =	vsub.f32 v10, v5;
	v63 =	vld [tilespmem:s20+$0x2870]  }
0xaa: {  	[tilespmem:s20+$0x2800] =	vst v12;
	v11 =	vand.u32 $0x7FFFFFFF, v11;
	v4 =	vsub.f32 v9, v4  }
0xab: {  	[tilespmem:s20+$0x2810] =	vst v11;
	v5 =	vand.u32 $0x7FFFFFFF, v5;
	v3 =	vsub.f32 v8, v3  }
0xac: {  	[tilespmem:s20+$0x2820] =	vst v5;
	v4 =	vand.u32 $0x7FFFFFFF, v4;
	v2 =	vsub.f32 v7, v2  }
0xad: {  	[tilespmem:s20+$0x2830] =	vst v4;
	v3 =	vand.u32 $0x7FFFFFFF, v3;
	v1 =	vsub.f32 v6, v1  }
0xae: {  	[tilespmem:s20+$0x2840] =	vst v3;
	v2 =	vand.u32 $0x7FFFFFFF, v2;
	v0 =	vsub.f32 v63, v0  }
0xaf: {  	s19 =	sadd.s32 $0x1, s19;
	[tilespmem:s20+$0x2850] =	vst v2;
	v1 =	vand.u32 $0x7FFFFFFF, v1  }
0xb0: {  	p0 =	sne.s32 s19, s9;
	[tilespmem:s20+$0x2860] =	vst v1;
	v0 =	vand.u32 $0x7FFFFFFF, v0  }
.Ltmp4:
0xb1: {  	[tilespmem:s20+$0x2870] =	vst v0;
	(pc) =	sbr.rel @p0 .LBB2_1-.Ltmp4, $4  }
0xb2: {  	[hbm4b:s8+s3] =	stream.linear.scatter [tilespmem:s13], [sflag:$0x3], $0x1400, $0x38;
	[tilespmem:$0x7800] =	vst v63  }
0xb3: {  	_ =	swait.ge [sflag:s10], $0x1400  }
0xb4: {  	[sflag:s10] =	ssyncset.done $0x0  }
0xb5: {  	[sflag:s10] =	ssyncadd.s32 $0xFFFFEC00  }
0xb6: {  	_ =	sfence.sel $0x180000  }
0xb7: {  	[bflag:$0x0] =	sbarrier.arrive $0xFFFF  }
0xb8: {  	p0 =	sne.s32 s0, $0x0;
	_ =	strace $0x90000053  }
0xb9: {  	s0 =	sadd.s32 @!p0 $0x100000, s1;
	[bflag:$0x2] =	sbarrier.arrive $0xFFFF  }
0xba: {  	[sflag:s0] =	ssyncadd.tile.s32 @!p0 $0x1;
	_ =	shalt  }
.Lfunc_end2:
_tile_overlayer_lowered:
.L_overlay_start_2:
0xbb: {  	(tag) =	ssettag $0x2  }
0xbc: {  	s0 =	rddreg [dreg:$0x0];
	s2 =	stileid.u32  }
0xbd: {  	s1 =	rddreg [dreg:$0x1];
	p0 =	sne.s32 s2, $0x0  }
0xbe: {  	s3 =	rddreg [dreg:$0x2];
	[bflag:$0x3] =	sbarrier.arrive $0xFFFF;
	s2 =	simm.s32 @!p0 $0x1C03  }
0xbf: {  	[timem:s3], [sflag:s2] =	dma.local @!p0 [hbm:s0], s1  }
0xc0: {  	s0 =	simm.s32 @!p0 $0x3  }
0xc1: {  	_ =	swait.ge @!p0 [sflag:s0], s1  }
0xc2: {  	s1 =	ssub.s32 @!p0 $0x0, s1;
	[sflag:s0] =	ssyncset.done @!p0 $0x0  }
0xc3: {  	[sflag:s0] =	ssyncadd.s32 @!p0 s1  }
0xc4: {  	[bflag:$0x3] =	sbarrier.arrive $0xFFFF  }
0xc5: {  	_ =	shalt  }

// kernel: kernel.31.cloned.1.call-start
scs
__scs_entry_jumppad:
0x0: {  	(pc) =	sbr.rel $0x88, $3  }
0x1: {  	(tag) =	ssettag $0x0;
	lr =	simm.s32 $0x1  }
0x2: {  	[smem:$0x3F96] =	sst lr;
	_ =	strace $0xD0000000  }
0x3: {  	_ = 	snop  }
0x4: {  	_ = 	snop  }
0x5: {  	_ = 	snop  }
0x6: {  	_ = 	snop  }
0x7: {  	_ = 	snop  }
__scs_overlays_trampoline_lowered:
0x8: {  	[smem:$0x3FA5] =	sst s0  }
0x9: {  	[smem:$0x3FA6] =	sst s1  }
0xa: {  	[smem:$0x3FA7] =	sst s2  }
0xb: {  	[smem:$0x3FA8] =	sst s3  }
0xc: {  	[smem:$0x3FA9] =	sst s4  }
0xd: {  	[smem:$0x3FAA] =	sst s5  }
0xe: {  	[smem:$0x3FAB] =	sst s6  }
0xf: {  	[smem:$0x3FAC] =	sst s7  }
0x10: {  	[smem:$0x3FAD] =	sst s8  }
0x11: {  	[smem:$0x3FAE] =	sst s9;
	s0 =	simm.s32 @!p0 $0x0  }
0x12: {  	s1 =	sld [smem:$0x3F94];
	s0 =	simm.s32 @p0 $0x1  }
0x13: {  	[smem:$0x3FAF] =	sst s0;
	s0 =	simm.s32 @!p1 $0x0  }
0x14: {  	s2 =	sld [smem:$0x3F93];
	s0 =	simm.s32 @p1 $0x1  }
0x15: {  	[smem:$0x3FB0] =	sst s0;
	s0 =	simm.s32 @!p2 $0x0  }
0x16: {  	s3 =	sld [smem:$0x3FDB];
	s0 =	simm.s32 @p2 $0x1  }
0x17: {  	s4 =	simm.s32 $0x1BF5;
	[smem:$0x3FB2] =	sst s0  }
0x18: {  	s0 =	sld [smem:$0x3F95];
	_ =	swait.ge [sflag:s4], $0x0  }
0x19: {  	s7 =	sld [smem:$0x3F96]  }
0x1a: {  	s8 =	sadd.s32 $0xFFFFE003, lr  }
0x1b: {  	s9 =	sadd.s32 $0xFFFFFEF7, lr;
	s5 =	simm.s32 $0xFFFFFFFF;
	p2 =	slt.u32 s8, $0xFFFFF086  }
0x1c: {  	p1 =	slt.u32 s9, $0xF7A;
	s5 =	simm.s32 @!p2 $0x0  }
0x1d: {  	s5 =	simm.s32 @p1 $0x1;
	p0 =	seq.s32 s7, s2  }
0x1e: {  	s7 =	smul.u32 @!p0 $0xF7A, s2;
	p2 =	seq.s32 @!p0 s5, $0x0  }
0x1f: {  	s9 =	smul.u32 $0xF7A, s1;
	s8 =	simm.s32 @!p0 $0x1BF5;
	p2 =	por !p2, p0  }
0x20: {  	[sflag:s8] =	ssyncset.s32 @!p0 $0xFFFFF086;
	s6 =	sadd.s32 @!p0 s3, s7;
	s7 =	simm.s32 @!p0 $0x108  }
0x21: {  	s3 =	sadd.s32 s3, s9;
	s6 =	sadd.s32 @!p0 $0x88, s6;
	s7 =	simm.s32 @p2 $0x1082  }
0x22: {  	[simem:s7], [sflag:s8] =	dma.local @!p0 [hbm:s6], $0xF7A  }
0x23: {  	s9 =	sor.u32 $0xD0000000, s2;
	s6 =	simm.s32 $0x108;
	_ =	swait.ge @!p0 [sflag:s8], $0x0  }
0x24: {  	s3 =	sadd.s32 $0x88, s3;
	s6 =	simm.s32 @!p1 $0x1082;
	[sflag:s4] =	ssyncset.s32 $0xFFFFF086  }
0x25: {  	[simem:s6], [sflag:s4] =	dma.local [hbm:s3], $0xF7A  }
0x26: {  	[smem:$0x3F96] =	sst s1;
	(tag) =	ssettag s2;
	_ =	strace s9  }
0x27: {  	s1 =	sld [smem:$0x3FA6]  }
0x28: {  	s2 =	sld [smem:$0x3FA7]  }
0x29: {  	s4 =	sld [smem:$0x3FA9]  }
0x2a: {  	p0 =	seq.s32 s5, $0x0;
	s5 =	sld [smem:$0x3FAA]  }
0x2b: {  	s6 =	sld [smem:$0x3FAB]  }
0x2c: {  	s7 =	sld [smem:$0x3FAC]  }
0x2d: {  	s3 =	simm.s32 $0x108;
	s8 =	sld [smem:$0x3FAD]  }
0x2e: {  	s3 =	simm.s32 @!p0 $0x1082;
	s9 =	sld [smem:$0x3FAE]  }
0x2f: {  	lr =	sadd.s32 s0, s3;
	s0 =	sld [smem:$0x3FA5]  }
0x30: {  	s3 =	sld [smem:$0x3FA8]  }
0x31: {  	[smem:$0x3FB1] =	sst s10  }
0x32: {  	s10 =	sld [smem:$0x3FAF];
	_ =	sdelay $0x3  }
0x33: {  	p0 =	seq.s32 s10, $0x1;
	s10 =	sld [smem:$0x3FB1];
	_ =	sdelay $0x3  }
0x34: {  	[smem:$0x3FB1] =	sst s10  }
0x35: {  	s10 =	sld [smem:$0x3FB0];
	_ =	sdelay $0x3  }
0x36: {  	p1 =	seq.s32 s10, $0x1;
	s10 =	sld [smem:$0x3FB1];
	_ =	sdelay $0x3  }
0x37: {  	[smem:$0x3FB1] =	sst s10  }
0x38: {  	s10 =	sld [smem:$0x3FB2]  }
0x39: {  	_ = 	snop;
	(pc) =	sbr.ind lr, $3  }
0x3a: {  	_ = 	snop  }
0x3b: {  	_ = 	snop  }
0x3c: {  	p2 =	seq.s32 s10, $0x1;
	s10 =	sld [smem:$0x3FB1]  }
0x3d: {  	_ =	shalt  }
0x3e: {  	_ =	shalt  }
0x3f: {  	_ =	shalt  }
0x40: {  	_ =	shalt  }
0x41: {  	_ =	shalt  }
0x42: {  	_ =	shalt  }
0x43: {  	_ =	shalt  }
0x44: {  	_ =	shalt  }
0x45: {  	_ =	shalt  }
0x46: {  	_ =	shalt  }
0x47: {  	_ =	shalt  }
0x48: {  	_ =	shalt  }
0x49: {  	_ =	shalt  }
0x4a: {  	_ =	shalt  }
0x4b: {  	_ =	shalt  }
0x4c: {  	_ =	shalt  }
0x4d: {  	_ =	shalt  }
0x4e: {  	_ =	shalt  }
0x4f: {  	_ =	shalt  }
0x50: {  	_ =	shalt  }
0x51: {  	_ =	shalt  }
0x52: {  	_ =	shalt  }
0x53: {  	_ =	shalt  }
0x54: {  	_ =	shalt  }
0x55: {  	_ =	shalt  }
0x56: {  	_ =	shalt  }
0x57: {  	_ =	shalt  }
0x58: {  	_ =	shalt  }
0x59: {  	_ =	shalt  }
0x5a: {  	_ =	shalt  }
0x5b: {  	_ =	shalt  }
0x5c: {  	_ =	shalt  }
0x5d: {  	_ =	shalt  }
0x5e: {  	_ =	shalt  }
0x5f: {  	_ =	shalt  }
0x60: {  	_ =	shalt  }
0x61: {  	_ =	shalt  }
0x62: {  	_ =	shalt  }
0x63: {  	_ =	shalt  }
0x64: {  	_ =	shalt  }
0x65: {  	_ =	shalt  }
0x66: {  	_ =	shalt  }
0x67: {  	_ =	shalt  }
0x68: {  	_ =	shalt  }
0x69: {  	_ =	shalt  }
0x6a: {  	_ =	shalt  }
0x6b: {  	_ =	shalt  }
0x6c: {  	_ =	shalt  }
0x6d: {  	_ =	shalt  }
0x6e: {  	_ =	shalt  }
0x6f: {  	_ =	shalt  }
0x70: {  	_ =	shalt  }
0x71: {  	_ =	shalt  }
0x72: {  	_ =	shalt  }
0x73: {  	_ =	shalt  }
0x74: {  	_ =	shalt  }
0x75: {  	_ =	shalt  }
0x76: {  	_ =	shalt  }
0x77: {  	_ =	shalt  }
0x78: {  	_ =	shalt  }
0x79: {  	_ =	shalt  }
0x7a: {  	_ =	shalt  }
0x7b: {  	_ =	shalt  }
0x7c: {  	_ =	shalt  }
0x7d: {  	_ =	shalt  }
0x7e: {  	_ =	shalt  }
0x7f: {  	_ =	shalt  }
0x80: {  	_ =	shalt  }
0x81: {  	_ =	shalt  }
0x82: {  	_ =	shalt  }
0x83: {  	_ =	shalt  }
0x84: {  	_ =	shalt  }
0x85: {  	_ =	shalt  }
0x86: {  	_ =	shalt  }
0x87: {  	_ =	shalt  }
.Lfunc_end0:
.L_simem_size_0:
called_computation.5_lowered:
.L_overlay_start_0:
0x88: {  	s2 =	sld [smem:$0x3FD9]  }
0x89: {  	s3 =	sld [smem:$0x3FFE];
	_ =	sdelay $0x1  }
0x8a: {  	s1 =	srdreg.scid  }
0x8b: {  	s0 =	sand.u32 $0x1, s1  }
0x8c: {  	s15 =	sshll.u32 s0, $0xA;
	s2 =	sadd.s32 s3, s2  }
0x8d: {  	s2 =	sadd.s32 s2, s15  }
0x8e: {  	[smem:$0x3FBD] =	sst s2  }
0x8f: {  	_ = 	snop  }
0x90: {  	s2 =	sld [smem:$0x3FD0];
	_ =	sdelay $0x2  }
0x91: {  	s16 =	simm.s32 $0xB;
	s4 =	simm.s32 $0x10  }
0x92: {  	[smem:s4], [sflag:s16] =	dma.local [hbm:s2], $0x1  }
0x93: {  	_ =	swait.eq [sflag:s16], $0x1  }
0x94: {  	[sflag:s16] =	ssyncset.done $0x0  }
0x95: {  	[sflag:s16] =	ssyncadd.s32 $0xFFFFFFFF  }
0x96: {  	s17 =	sld [smem:$0x12];
	(tm) =	ssettm $0x1  }
0x97: {  	s18 =	sld [smem:$0x3FFB];
	_ =	sdelay $0x3  }
0x98: {  	_ =	strace s18  }
0x99: {  	s2 =	sld [smem:$0x3FFC];
	_ =	sdelay $0x3  }
0x9a: {  	_ =	strace s2  }
0x9b: {  	s2 =	sld [smem:$0x3FFD];
	_ =	sdelay $0x3  }
0x9c: {  	_ =	strace s2  }
0x9d: {  	_ =	strace $0x8FFFFFFF  }
0x9e: {  	s19 =	sld [smem:$0x3FDB];
	_ =	sdelay $0x1  }
0x9f: {  	s20 =	simm.s32 $_scs_section_size  }
0xa0: {  	s5 =	simm.s32 $_size__tile_overlayer_lowered;
	s6 =	simm.s32 $_tile_overlayer_lowered  }
0xa1: {  	s7 =	simm.s32 $0x1BFF;
	s21 =	sshll.u32 s6, $0x1;
	s4 =	sadd.s32 s20, s19  }
0xa2: {  	s22 =	simm.s32 $0x0;
	s5 =	sshll.u32 s5, $0x1;
	s6 =	sadd.s32 s21, s4  }
0xa3: {  	[timem:s22], [sflag:s7] =	dma.local [hbm:s6], s5  }
0xa4: {  	_ =	swait.ge [sflag:s7], s5  }
0xa5: {  	s5 =	ssub.s32 $0x0, s5;
	[sflag:s7] =	ssyncset.done $0x0  }
0xa6: {  	[sflag:s7] =	ssyncadd.s32 s5;
	_ =	sdelay $0x1  }
0xa7: {  	s23 =	simm.s32 $0x1B8B  }
0xa8: {  	_ =	swait.ge [sflag:s23], $0x1  }
0xa9: {  	[sflag:s23] =	ssyncset.done $0x0  }
0xaa: {  	[sflag:s23] =	ssyncadd.s32 $0xFFFFFFFF  }
0xab: {  	s5 =	sld [smem:$0x0]  }
0xac: {  	s6 =	sand.u32 $0xFFFFFFFE, s1  }
0xad: {  	p0 =	sne.s32 s1, s6  }
0xae: {  	s6 =	sshll.u32 @p0 s6, $0xE  }
0xaf: {  	s6 =	sadd.s32 @p0 $0x11B8D, s6;
	s7 =	sshll.u32 @p0 s5, $0x11  }
0xb0: {  	s6 =	sor.u32 @p0 s7, s6  }
0xb1: {  	[sflag:s6] =	ssyncadd.remote.s32 @p0 $0x1;
	_ =	sdelay $0x1  }
0xb2: {  	s6 =	simm.s32 @p0 $0x1B8D  }
0xb3: {  	_ =	swait.eq @p0 [sflag:s6], $0x1  }
0xb4: {  	[sflag:s6] =	ssyncadd.s32 @p0 $0xFFFFFFFF  }
0xb5: {  	s7 =	sshll.u32 @!p0 s1, $0xE  }
0xb6: {  	s7 =	sor.u32 @!p0 $0x4000, s7;
	s6 =	simm.s32 @!p0 $0x1B8D  }
0xb7: {  	s5 =	sshll.u32 @!p0 s5, $0x11;
	s7 =	sadd.s32 @!p0 $0x11B8D, s7;
	_ =	swait.eq @!p0 [sflag:s6], $0x1  }
0xb8: {  	s5 =	sor.u32 @!p0 s5, s7;
	[sflag:s6] =	ssyncadd.s32 @!p0 $0xFFFFFFFF  }
0xb9: {  	s25 =	simm.s32 $0x1B8E;
	s24 =	sld [smem:$0x3FFE];
	[sflag:s5] =	ssyncadd.remote.s32 @!p0 $0x1  }
0xba: {  	s26 =	simm.s32 $execute0_lowered;
	[smem:$0x3FD2] =	sst s25  }
0xbb: {  	s6 =	sshll.u32 s26, $0x1;
	_ =	strace $0x80000055;
	[dreg:$0x1] =	wrdreg $0xFFFFFFFF  }
0xbc: {  	s28 =	simm.s32 $_size_execute0_lowered;
	s4 =	sadd.s32 s4, s6;
	[dreg:$0x0] =	wrdreg $0x0  }
0xbd: {  	s6 =	sshll.u32 s28, $0x1;
	[dreg:$0x2] =	wrdreg s4  }
0xbe: {  	[dreg:$0x3] =	wrdreg s6  }
0xbf: {  	[dreg:$0x4] =	wrdreg $0xC0  }
0xc0: {  	_ =	task [dreg:s22], $0x5FFFF  }
0xc1: {  	[dreg:$0x1] =	wrdreg $0xFFFFFFFF  }
0xc2: {  	[dreg:$0x0] =	wrdreg $0x60  }
0xc3: {  	[dreg:$0x2] =	wrdreg s17  }
0xc4: {  	[dreg:$0x3] =	wrdreg s24  }
0xc5: {  	[dreg:$0x4] =	wrdreg $0xA  }
0xc6: {  	_ =	task.clear_ibuf [dreg:s22], $0x5FFFF;
	_ =	strace $0x90000055  }
0xc7: {  	s29 =	simm.s32 $0xA;
	_ =	strace $0x80000057  }
0xc8: {  	_ =	swait.ge [sflag:s29], $0x1  }
0xc9: {  	[sflag:s29] =	ssyncadd.s32 $0xFFFFFFFF  }
0xca: {  	_ =	strace $0x90000057  }
0xcb: {  	_ =	sfence  }
0xcc: {  	s30 =	sld [smem:$0x0];
	_ =	sdelay $0x2  }
0xcd: {  	s31 =	sshll.u32 s1, $0xD;
	s1 =	sshrl.u32 s1, $0x2  }
0xce: {  	s4 =	sand.u32 $0x4000, s31;
	s1 =	sadd.s32 s1, s30  }
0xcf: {  	s0 =	sor.u32 s4, s0;
	s1 =	sshll.u32 s1, $0x11  }
0xd0: {  	s0 =	sor.u32 s1, s0  }
0xd1: {  	s0 =	sadd.s32 $0x8F2B, s0  }
0xd2: {  	[sflag:s0] =	ssyncadd.remote.s32 $0x1  }
0xd3: {  	_ =	sfence.sel $0xFFFF  }
0xd4: {  	[dreg:$0x0] =	wrdreg $0xFFFFFFFF;
	(pc) =	sbr.abs _section_cstart, $3  }
0xd5: {  	[dreg:$0x1] =	wrdreg $0xFFFFFFFF  }
0xd6: {  	_ =	task.clear_ibuf [dreg:s22], $0x2FFFF;
	_ =	strace $0x9FFFFFFF  }
0xd7: {  	(tm) =	ssettm $0x7FFFFFFF  }
tec
execute0_lowered:
.L_overlay_start_1:
0x0: {  	(tag) =	ssettag $0x1  }
0x1: {  	s2 =	rddreg [dreg:$0x0]  }
0x2: {  	s7 =	rddreg [dreg:$0x1]  }
0x3: {  	s0 =	srdreg.scid;
	s1 =	rddreg [dreg:$0x2]  }
0x4: {  	s3 =	simm.s32 $0x0;
	s11 =	simm.s32 $0x1400;
	s12 =	simm.s32 $0x28  }
0x5: {  	s13 =	simm.s32 $0x2800;
	s14 =	simm.s32 $0x3C00;
	s5 =	sand.u32 $0x1, s0  }
0x6: {  	s15 =	simm.s32 $0x1;
	s0 =	stileid.u32;
	s4 =	smul.u32 $0x13880, s5  }
0x7: {  	s16 =	simm.s32 $0x5000;
	s17 =	simm.s32 $0x6400;
	s6 =	smul.u32 $0x1388, s0  }
0x8: {  	s18 =	simm.s32 $0x2;
	s19 =	simm.s32 $0x0;
	[smem:$0x7FF] =	sst s3  }
0x9: {  	s8 =	ssub.s32 $0x2, s5;
	_ =	strace $0x80000056;
	s4 =	sadd.s32 s6, s4  }
0xa: {  	s5 =	sadd.s32 $0x321200, s7;
	s30 =	sshrl.u32 s8, $0x1;
	s6 =	sshrl.u32 s4, $0x3  }
0xb: {  	s10 =	ssub.s32 s8, s30;
	s31 =	sshll.u32 s4, $0x4;
	s9 =	sadd.s32 s6, s7  }
0xc: {  	s8 =	sadd.s32 s31, s5;
	s6 =	sadd.s32 $0x5D000, s9;
	s7 =	sadd.s32 $0x58000, s9  }
0xd: {  	s8 =	sadd.s32 $0x13600, s8;
	s9 =	smax.u32 s10, $0x1;
	s10 =	simm.s32 $0x3  }
.LBB2_1:
0xe: {  	[tilespmem:s3], [sflag:$0x3] =	stream.linear.gather [hbm4b:s6+s3], $0x1388, $0x38;
	[tilespmem:$0x7800] =	vst v63  }
0xf: {  	_ =	swait.ge [sflag:s10], $0x1388  }
0x10: {  	[sflag:s10] =	ssyncset.done $0x0  }
0x11: {  	[sflag:s10] =	ssyncadd.s32 $0xFFFFEC78  }
0x12: {  	[tilespmem:s11], [sflag:$0x3] =	stream.linear.gather [hbm4b:s7+s3], $0x1388, $0x38;
	[tilespmem:$0x7800] =	vst v63  }
0x13: {  	_ =	swait.ge [sflag:s10], $0x1388  }
0x14: {  	[sflag:s10] =	ssyncset.done $0x0  }
0x15: {  	[sflag:s10] =	ssyncadd.s32 $0xFFFFEC78  }
0x16: {  	[tilespmem:s13], [sflag:$0x1] =	stream.indirect.gather [hbm4b:s2+s12], $0x80, s3, s12, $0xb8;
	[tilespmem:$0x7800] =	vst v63  }
0x17: {  	s20 =	simm.s32 $0x0  }
0x18: {  	[tilespmem:s14], [sflag:$0x1] =	stream.indirect.gather [hbm4b:s2+s12], $0x80, s11, s12, $0xb8;
	[tilespmem:$0x7800] =	vst v63  }
.LBB2_2:
0x19: {  	_ =	swait.ge [sflag:s15], $0x1400  }
0x1a: {  	[sflag:s15] =	ssyncset.done $0x0  }
0x1b: {  	[sflag:s15] =	ssyncadd.s32 $0xFFFFEC00  }
0x1c: {  	s22 =	smul.u32 $0x50, s20;
	_ =	swait.ge [sflag:s15], $0x1400  }
0x1d: {  	[sflag:s15] =	ssyncset.done $0x0  }
0x1e: {  	s21 =	sadd.s32 $0x28, s22;
	[sflag:s15] =	ssyncadd.s32 $0xFFFFEC00  }
0x1f: {  	[tilespmem:s16], [sflag:$0x2] =	stream.indirect.gather [hbm4b:s2+s12], $0x80, s21, s12, $0xb8;
	[tilespmem:$0x7800] =	vst v63  }
0x20: {  	s23 =	sadd.s32 $0x1428, s22  }
0x21: {  	[tilespmem:s17], [sflag:$0x2] =	stream.indirect.gather [hbm4b:s2+s12], $0x80, s23, s12, $0xb8;
	[tilespmem:$0x7800] =	vst v63  }
0x22: {  	s23 =	simm.s32 $0x0  }
0x23: {  	v6 =	vld [tilespmem:s23+$0x3C00]  }
0x24: {  	v11 =	vld [tilespmem:s23+$0x3C10]  }
0x25: {  	v5 =	vld [tilespmem:s23+$0x3C20]  }
0x26: {  	v4 =	vld [tilespmem:s23+$0x3C30]  }
0x27: {  	v3 =	vld [tilespmem:s23+$0x3C40]  }
0x28: {  	v2 =	vld [tilespmem:s23+$0x3C50]  }
0x29: {  	v1 =	vld [tilespmem:s23+$0x3C60]  }
0x2a: {  	v0 =	vld [tilespmem:s23+$0x3C70]  }
0x2b: {  	v12 =	vld [tilespmem:s23+$0x2800]  }
0x2c: {  	v13 =	vld [tilespmem:s23+$0x2810]  }
0x2d: {  	v10 =	vld [tilespmem:s23+$0x2820]  }
0x2e: {  	v9 =	vld [tilespmem:s23+$0x2830]  }
0x2f: {  	v8 =	vld [tilespmem:s23+$0x2840]  }
0x30: {  	v7 =	vld [tilespmem:s23+$0x2850];
	v12 =	vsub.f32 v12, v6  }
0x31: {  	s24 =	simm.s32 $0x200;
	v11 =	vsub.f32 v13, v11;
	v6 =	vld [tilespmem:s23+$0x2860]  }
.LBB2_3:
0x32: {  	s25 =	sshra.s32 s24, $0x2;
	p0 =	sne.s32 s24, $0x4E00;
	v12 =	vand.u32 $0x7FFFFFFF, v12;
	v5 =	vsub.f32 v10, v5;
	v10 =	vld [tilespmem:s23+$0x2870]  }
0x33: {  	v13 =	vld [tilespmem:s25+$0x3C00];
	[tilespmem:s23+$0x2800] =	vst v12;
	v11 =	vand.u32 $0x7FFFFFFF, v11;
	v4 =	vsub.f32 v9, v4  }
0x34: {  	v14 =	vld [tilespmem:s25+$0x3C10];
	[tilespmem:s23+$0x2810] =	vst v11;
	v9 =	vand.u32 $0x7FFFFFFF, v5;
	v3 =	vsub.f32 v8, v3  }
0x35: {  	v5 =	vld [tilespmem:s25+$0x3C20];
	[tilespmem:s23+$0x2820] =	vst v9;
	v8 =	vand.u32 $0x7FFFFFFF, v4;
	v2 =	vsub.f32 v7, v2  }
0x36: {  	v4 =	vld [tilespmem:s25+$0x3C30];
	[tilespmem:s23+$0x2830] =	vst v8;
	v7 =	vand.u32 $0x7FFFFFFF, v3;
	v1 =	vsub.f32 v6, v1  }
0x37: {  	v3 =	vld [tilespmem:s25+$0x3C40];
	[tilespmem:s23+$0x2840] =	vst v7;
	v6 =	vand.u32 $0x7FFFFFFF, v2;
	v0 =	vsub.f32 v10, v0  }
0x38: {  	v2 =	vld [tilespmem:s25+$0x3C50];
	[tilespmem:s23+$0x2850] =	vst v6;
	v6 =	vand.u32 $0x7FFFFFFF, v1  }
0x39: {  	v1 =	vld [tilespmem:s25+$0x3C60];
	[tilespmem:s23+$0x2860] =	vst v6;
	v6 =	vand.u32 $0x7FFFFFFF, v0  }
0x3a: {  	v0 =	vld [tilespmem:s25+$0x3C70];
	[tilespmem:s23+$0x2870] =	vst v6;
	s23 =	smov.u32 s25  }
0x3b: {  	v6 =	vld [tilespmem:s23+$0x2800]  }
0x3c: {  	v11 =	vld [tilespmem:s23+$0x2810]  }
.Ltmp0:
0x3d: {  	v10 =	vld [tilespmem:s23+$0x2820];
	(pc) =	sbr.rel @p0 .LBB2_3-.Ltmp0, $4  }
0x3e: {  	v9 =	vld [tilespmem:s23+$0x2830]  }
0x3f: {  	v8 =	vld [tilespmem:s23+$0x2840]  }
0x40: {  	v12 =	vsub.f32 v6, v13;
	v7 =	vld [tilespmem:s23+$0x2850]  }
0x41: {  	s24 =	sadd.s32 $0x200, s24;
	v11 =	vsub.f32 v11, v14;
	v6 =	vld [tilespmem:s23+$0x2860]  }
0x42: {  	v12 =	vand.u32 $0x7FFFFFFF, v12;
	v5 =	vsub.f32 v10, v5;
	v10 =	vld [tilespmem:s23+$0x2870]  }
0x43: {  	[tilespmem:s23+$0x2800] =	vst v12;
	v11 =	vand.u32 $0x7FFFFFFF, v11;
	v4 =	vsub.f32 v9, v4  }
0x44: {  	[tilespmem:s23+$0x2810] =	vst v11;
	v5 =	vand.u32 $0x7FFFFFFF, v5;
	v3 =	vsub.f32 v8, v3  }
0x45: {  	[tilespmem:s23+$0x2820] =	vst v5;
	v4 =	vand.u32 $0x7FFFFFFF, v4;
	v2 =	vsub.f32 v7, v2  }
0x46: {  	[tilespmem:s23+$0x2830] =	vst v4;
	v3 =	vand.u32 $0x7FFFFFFF, v3;
	v1 =	vsub.f32 v6, v1  }
0x47: {  	[tilespmem:s23+$0x2840] =	vst v3;
	v2 =	vand.u32 $0x7FFFFFFF, v2;
	v0 =	vsub.f32 v10, v0  }
0x48: {  	s24 =	sadd.s32 s4, s22;
	[tilespmem:s23+$0x2850] =	vst v2;
	v1 =	vand.u32 $0x7FFFFFFF, v1  }
0x49: {  	s24 =	sshll.u32 s24, $0x4;
	[tilespmem:s23+$0x2860] =	vst v1;
	v0 =	vand.u32 $0x7FFFFFFF, v0  }
0x4a: {  	s29 =	simm.s32 $0x0;
	s28 =	sadd.s32 s5, s24;
	[tilespmem:s23+$0x2870] =	vst v0  }
0x4b: {  	[hbm4b:s28+s29] =	stream.linear.scatter [tilespmem:s13], [sflag:$0x3], $0x1400, $0x38;
	[tilespmem:$0x7800] =	vst v63  }
0x4c: {  	_ =	swait.ge [sflag:s10], $0x1400  }
0x4d: {  	[sflag:s10] =	ssyncset.done $0x0  }
0x4e: {  	[sflag:s10] =	ssyncadd.s32 $0xFFFFEC00  }
0x4f: {  	_ =	swait.ge [sflag:s18], $0x1400  }
0x50: {  	[sflag:s18] =	ssyncset.done $0x0  }
0x51: {  	[sflag:s18] =	ssyncadd.s32 $0xFFFFEC00  }
0x52: {  	_ =	swait.ge [sflag:s18], $0x1400  }
0x53: {  	[sflag:s18] =	ssyncset.done $0x0  }
0x54: {  	s30 =	sadd.s32 $0x50, s22;
	[sflag:s18] =	ssyncadd.s32 $0xFFFFEC00  }
0x55: {  	[tilespmem:s13], [sflag:$0x1] =	stream.indirect.gather [hbm4b:s2+s12], $0x80, s30, s12, $0xb8;
	[tilespmem:$0x7800] =	vst v63  }
0x56: {  	s31 =	sadd.s32 $0x1450, s22;
	s22 =	simm.s32 $0x0  }
0x57: {  	[tilespmem:s14], [sflag:$0x1] =	stream.indirect.gather [hbm4b:s2+s12], $0x80, s31, s12, $0xb8;
	[tilespmem:$0x7800] =	vst v63  }
0x58: {  	v6 =	vld [tilespmem:s22+$0x6400]  }
0x59: {  	v11 =	vld [tilespmem:s22+$0x6410]  }
0x5a: {  	v5 =	vld [tilespmem:s22+$0x6420]  }
0x5b: {  	v4 =	vld [tilespmem:s22+$0x6430]  }
0x5c: {  	v3 =	vld [tilespmem:s22+$0x6440]  }
0x5d: {  	v2 =	vld [tilespmem:s22+$0x6450]  }
0x5e: {  	v1 =	vld [tilespmem:s22+$0x6460]  }
0x5f: {  	v0 =	vld [tilespmem:s22+$0x6470]  }
0x60: {  	v12 =	vld [tilespmem:s22+$0x5000]  }
0x61: {  	v13 =	vld [tilespmem:s22+$0x5010]  }
0x62: {  	v10 =	vld [tilespmem:s22+$0x5020]  }
0x63: {  	v9 =	vld [tilespmem:s22+$0x5030]  }
0x64: {  	v8 =	vld [tilespmem:s22+$0x5040]  }
0x65: {  	v7 =	vld [tilespmem:s22+$0x5050];
	v12 =	vsub.f32 v12, v6  }
0x66: {  	s23 =	simm.s32 $0x200;
	v11 =	vsub.f32 v13, v11;
	v6 =	vld [tilespmem:s22+$0x5060]  }
.LBB2_5:
0x67: {  	s24 =	sshra.s32 s23, $0x2;
	p0 =	sne.s32 s23, $0x4E00;
	v12 =	vand.u32 $0x7FFFFFFF, v12;
	v5 =	vsub.f32 v10, v5;
	v10 =	vld [tilespmem:s22+$0x5070]  }
0x68: {  	v13 =	vld [tilespmem:s24+$0x6400];
	[tilespmem:s22+$0x5000] =	vst v12;
	v11 =	vand.u32 $0x7FFFFFFF, v11;
	v4 =	vsub.f32 v9, v4  }
0x69: {  	v14 =	vld [tilespmem:s24+$0x6410];
	[tilespmem:s22+$0x5010] =	vst v11;
	v9 =	vand.u32 $0x7FFFFFFF, v5;
	v3 =	vsub.f32 v8, v3  }
0x6a: {  	v5 =	vld [tilespmem:s24+$0x6420];
	[tilespmem:s22+$0x5020] =	vst v9;
	v8 =	vand.u32 $0x7FFFFFFF, v4;
	v2 =	vsub.f32 v7, v2  }
0x6b: {  	v4 =	vld [tilespmem:s24+$0x6430];
	[tilespmem:s22+$0x5030] =	vst v8;
	v7 =	vand.u32 $0x7FFFFFFF, v3;
	v1 =	vsub.f32 v6, v1  }
0x6c: {  	v3 =	vld [tilespmem:s24+$0x6440];
	[tilespmem:s22+$0x5040] =	vst v7;
	v6 =	vand.u32 $0x7FFFFFFF, v2;
	v0 =	vsub.f32 v10, v0  }
0x6d: {  	v2 =	vld [tilespmem:s24+$0x6450];
	[tilespmem:s22+$0x5050] =	vst v6;
	v6 =	vand.u32 $0x7FFFFFFF, v1  }
0x6e: {  	v1 =	vld [tilespmem:s24+$0x6460];
	[tilespmem:s22+$0x5060] =	vst v6;
	v6 =	vand.u32 $0x7FFFFFFF, v0  }
0x6f: {  	v0 =	vld [tilespmem:s24+$0x6470];
	[tilespmem:s22+$0x5070] =	vst v6;
	s22 =	smov.u32 s24  }
0x70: {  	v6 =	vld [tilespmem:s22+$0x5000]  }
0x71: {  	v11 =	vld [tilespmem:s22+$0x5010]  }
.Ltmp1:
0x72: {  	v10 =	vld [tilespmem:s22+$0x5020];
	(pc) =	sbr.rel @p0 .LBB2_5-.Ltmp1, $4  }
0x73: {  	v9 =	vld [tilespmem:s22+$0x5030]  }
0x74: {  	v8 =	vld [tilespmem:s22+$0x5040]  }
0x75: {  	v12 =	vsub.f32 v6, v13;
	v7 =	vld [tilespmem:s22+$0x5050]  }
0x76: {  	s23 =	sadd.s32 $0x200, s23;
	v11 =	vsub.f32 v11, v14;
	v6 =	vld [tilespmem:s22+$0x5060]  }
0x77: {  	v12 =	vand.u32 $0x7FFFFFFF, v12;
	v5 =	vsub.f32 v10, v5;
	v63 =	vld [tilespmem:s22+$0x5070]  }
0x78: {  	[tilespmem:s22+$0x5000] =	vst v12;
	v11 =	vand.u32 $0x7FFFFFFF, v11;
	v4 =	vsub.f32 v9, v4  }
0x79: {  	[tilespmem:s22+$0x5010] =	vst v11;
	v5 =	vand.u32 $0x7FFFFFFF, v5;
	v3 =	vsub.f32 v8, v3  }
0x7a: {  	[tilespmem:s22+$0x5020] =	vst v5;
	v4 =	vand.u32 $0x7FFFFFFF, v4;
	v2 =	vsub.f32 v7, v2  }
0x7b: {  	[tilespmem:s22+$0x5030] =	vst v4;
	v3 =	vand.u32 $0x7FFFFFFF, v3;
	v1 =	vsub.f32 v6, v1  }
0x7c: {  	[tilespmem:s22+$0x5040] =	vst v3;
	v2 =	vand.u32 $0x7FFFFFFF, v2;
	v0 =	vsub.f32 v63, v0  }
0x7d: {  	s21 =	sadd.s32 s4, s21;
	s20 =	sadd.s32 $0x1, s20;
	[tilespmem:s22+$0x5050] =	vst v2;
	v1 =	vand.u32 $0x7FFFFFFF, v1  }
0x7e: {  	s21 =	sshll.u32 s21, $0x4;
	p0 =	sne.s32 s20, $0x3E;
	[tilespmem:s22+$0x5060] =	vst v1;
	v0 =	vand.u32 $0x7FFFFFFF, v0  }
.Ltmp2:
0x7f: {  	s21 =	sadd.s32 s5, s21;
	[tilespmem:s22+$0x5070] =	vst v0;
	(pc) =	sbr.rel @p0 .LBB2_2-.Ltmp2, $4  }
0x80: {  	[hbm4b:s21+s3] =	stream.linear.scatter [tilespmem:s16], [sflag:$0x3], $0x1400, $0x38;
	[tilespmem:$0x7800] =	vst v63  }
0x81: {  	_ =	swait.ge [sflag:s10], $0x1400  }
0x82: {  	[sflag:s10] =	ssyncset.done $0x0  }
0x83: {  	[sflag:s10] =	ssyncadd.s32 $0xFFFFEC00  }
0x84: {  	_ =	swait.ge [sflag:s15], $0x1400  }
0x85: {  	[sflag:s15] =	ssyncset.done $0x0  }
0x86: {  	[sflag:s15] =	ssyncadd.s32 $0xFFFFEC00  }
0x87: {  	_ =	swait.ge [sflag:s15], $0x1400  }
0x88: {  	[sflag:s15] =	ssyncset.done $0x0  }
0x89: {  	s20 =	simm.s32 $0x0;
	[sflag:s15] =	ssyncadd.s32 $0xFFFFEC00  }
0x8a: {  	v6 =	vld [tilespmem:s20+$0x3C00]  }
0x8b: {  	v11 =	vld [tilespmem:s20+$0x3C10]  }
0x8c: {  	v5 =	vld [tilespmem:s20+$0x3C20]  }
0x8d: {  	v4 =	vld [tilespmem:s20+$0x3C30]  }
0x8e: {  	v3 =	vld [tilespmem:s20+$0x3C40]  }
0x8f: {  	v2 =	vld [tilespmem:s20+$0x3C50]  }
0x90: {  	v1 =	vld [tilespmem:s20+$0x3C60]  }
0x91: {  	v0 =	vld [tilespmem:s20+$0x3C70]  }
0x92: {  	v12 =	vld [tilespmem:s20+$0x2800]  }
0x93: {  	v13 =	vld [tilespmem:s20+$0x2810]  }
0x94: {  	v10 =	vld [tilespmem:s20+$0x2820]  }
0x95: {  	v9 =	vld [tilespmem:s20+$0x2830]  }
0x96: {  	v8 =	vld [tilespmem:s20+$0x2840]  }
0x97: {  	v7 =	vld [tilespmem:s20+$0x2850];
	v12 =	vsub.f32 v12, v6  }
0x98: {  	s21 =	simm.s32 $0x200;
	v11 =	vsub.f32 v13, v11;
	v6 =	vld [tilespmem:s20+$0x2860]  }
.LBB2_8:
0x99: {  	s22 =	sshra.s32 s21, $0x2;
	p0 =	sne.s32 s21, $0x4E00;
	v12 =	vand.u32 $0x7FFFFFFF, v12;
	v5 =	vsub.f32 v10, v5;
	v10 =	vld [tilespmem:s20+$0x2870]  }
0x9a: {  	v13 =	vld [tilespmem:s22+$0x3C00];
	[tilespmem:s20+$0x2800] =	vst v12;
	v11 =	vand.u32 $0x7FFFFFFF, v11;
	v4 =	vsub.f32 v9, v4  }
0x9b: {  	v14 =	vld [tilespmem:s22+$0x3C10];
	[tilespmem:s20+$0x2810] =	vst v11;
	v9 =	vand.u32 $0x7FFFFFFF, v5;
	v3 =	vsub.f32 v8, v3  }
0x9c: {  	v5 =	vld [tilespmem:s22+$0x3C20];
	[tilespmem:s20+$0x2820] =	vst v9;
	v8 =	vand.u32 $0x7FFFFFFF, v4;
	v2 =	vsub.f32 v7, v2  }
0x9d: {  	v4 =	vld [tilespmem:s22+$0x3C30];
	[tilespmem:s20+$0x2830] =	vst v8;
	v7 =	vand.u32 $0x7FFFFFFF, v3;
	v1 =	vsub.f32 v6, v1  }
0x9e: {  	v3 =	vld [tilespmem:s22+$0x3C40];
	[tilespmem:s20+$0x2840] =	vst v7;
	v6 =	vand.u32 $0x7FFFFFFF, v2;
	v0 =	vsub.f32 v10, v0  }
0x9f: {  	v2 =	vld [tilespmem:s22+$0x3C50];
	[tilespmem:s20+$0x2850] =	vst v6;
	v6 =	vand.u32 $0x7FFFFFFF, v1  }
0xa0: {  	v1 =	vld [tilespmem:s22+$0x3C60];
	[tilespmem:s20+$0x2860] =	vst v6;
	v6 =	vand.u32 $0x7FFFFFFF, v0  }
0xa1: {  	v0 =	vld [tilespmem:s22+$0x3C70];
	[tilespmem:s20+$0x2870] =	vst v6;
	s20 =	smov.u32 s22  }
0xa2: {  	v6 =	vld [tilespmem:s20+$0x2800]  }
0xa3: {  	v11 =	vld [tilespmem:s20+$0x2810]  }
.Ltmp3:
0xa4: {  	v10 =	vld [tilespmem:s20+$0x2820];
	(pc) =	sbr.rel @p0 .LBB2_8-.Ltmp3, $4  }
0xa5: {  	v9 =	vld [tilespmem:s20+$0x2830]  }
0xa6: {  	v8 =	vld [tilespmem:s20+$0x2840]  }
0xa7: {  	v12 =	vsub.f32 v6, v13;
	v7 =	vld [tilespmem:s20+$0x2850]  }
0xa8: {  	s21 =	sadd.s32 $0x200, s21;
	v11 =	vsub.f32 v11, v14;
	v6 =	vld [tilespmem:s20+$0x2860]  }
0xa9: {  	v12 =	vand.u32 $0x7FFFFFFF, v12;
	v5 =	vsub.f32 v10, v5;
	v63 =	vld [tilespmem:s20+$0x2870]  }
0xaa: {  	[tilespmem:s20+$0x2800] =	vst v12;
	v11 =	vand.u32 $0x7FFFFFFF, v11;
	v4 =	vsub.f32 v9, v4  }
0xab: {  	[tilespmem:s20+$0x2810] =	vst v11;
	v5 =	vand.u32 $0x7FFFFFFF, v5;
	v3 =	vsub.f32 v8, v3  }
0xac: {  	[tilespmem:s20+$0x2820] =	vst v5;
	v4 =	vand.u32 $0x7FFFFFFF, v4;
	v2 =	vsub.f32 v7, v2  }
0xad: {  	[tilespmem:s20+$0x2830] =	vst v4;
	v3 =	vand.u32 $0x7FFFFFFF, v3;
	v1 =	vsub.f32 v6, v1  }
0xae: {  	[tilespmem:s20+$0x2840] =	vst v3;
	v2 =	vand.u32 $0x7FFFFFFF, v2;
	v0 =	vsub.f32 v63, v0  }
0xaf: {  	s19 =	sadd.s32 $0x1, s19;
	[tilespmem:s20+$0x2850] =	vst v2;
	v1 =	vand.u32 $0x7FFFFFFF, v1  }
0xb0: {  	p0 =	sne.s32 s19, s9;
	[tilespmem:s20+$0x2860] =	vst v1;
	v0 =	vand.u32 $0x7FFFFFFF, v0  }
.Ltmp4:
0xb1: {  	[tilespmem:s20+$0x2870] =	vst v0;
	(pc) =	sbr.rel @p0 .LBB2_1-.Ltmp4, $4  }
0xb2: {  	[hbm4b:s8+s3] =	stream.linear.scatter [tilespmem:s13], [sflag:$0x3], $0x1400, $0x38;
	[tilespmem:$0x7800] =	vst v63  }
0xb3: {  	_ =	swait.ge [sflag:s10], $0x1400  }
0xb4: {  	[sflag:s10] =	ssyncset.done $0x0  }
0xb5: {  	[sflag:s10] =	ssyncadd.s32 $0xFFFFEC00  }
0xb6: {  	_ =	sfence.sel $0x180000  }
0xb7: {  	[bflag:$0x0] =	sbarrier.arrive $0xFFFF  }
0xb8: {  	p0 =	sne.s32 s0, $0x0;
	_ =	strace $0x90000056  }
0xb9: {  	s0 =	sadd.s32 @!p0 $0x100000, s1;
	[bflag:$0x2] =	sbarrier.arrive $0xFFFF  }
0xba: {  	[sflag:s0] =	ssyncadd.tile.s32 @!p0 $0x1;
	_ =	shalt  }
.Lfunc_end2:
_tile_overlayer_lowered:
.L_overlay_start_2:
0xbb: {  	(tag) =	ssettag $0x2  }
0xbc: {  	s0 =	rddreg [dreg:$0x0];
	s2 =	stileid.u32  }
0xbd: {  	s1 =	rddreg [dreg:$0x1];
	p0 =	sne.s32 s2, $0x0  }
0xbe: {  	s3 =	rddreg [dreg:$0x2];
	[bflag:$0x3] =	sbarrier.arrive $0xFFFF;
	s2 =	simm.s32 @!p0 $0x1C03  }
0xbf: {  	[timem:s3], [sflag:s2] =	dma.local @!p0 [hbm:s0], s1  }
0xc0: {  	s0 =	simm.s32 @!p0 $0x3  }
0xc1: {  	_ =	swait.ge @!p0 [sflag:s0], s1  }
0xc2: {  	s1 =	ssub.s32 @!p0 $0x0, s1;
	[sflag:s0] =	ssyncset.done @!p0 $0x0  }
0xc3: {  	[sflag:s0] =	ssyncadd.s32 @!p0 s1  }
0xc4: {  	[bflag:$0x3] =	sbarrier.arrive $0xFFFF  }
0xc5: {  	_ =	shalt  }

</sc_bundles>
